<compile_context>
chip_gen: v7x
topology: tpu7x:2x2x1
jax: 0.10.2.dev20260603
libtpu: 0.0.44.dev20260713+nightly
codegen_flags: <defaults>
</compile_context>

<pallas_src>
import functools

import jax
import jax.numpy as jnp
from jax import lax
from jax.experimental import pallas as pl
from jax.experimental.pallas import tpu as pltpu
from jax.experimental.pallas import tpu_sc as plsc

N = 10000
E = 320000
F_IN = 128
OUT = 128

NC = 2
NS = 16
L = 16
FW = 8

K = 80
EDGES_PER_TILE = E // (NC * NS)
CHUNKS = EDGES_PER_TILE // K
TRIPLES = (CHUNKS - 2) // 3
CBE = 2000
CBC = CBE // K
NPAD = 10240
ROWS_PT = NPAD // NS
NRB = ROWS_PT // K

NBLK = 1000
GRID = N // NBLK


def _dense_body(x_ref, w_ref, a_ref, b_ref, seq_ref, f_ref):
    s = jnp.dot(x_ref[...], w_ref[...], preferred_element_type=jnp.float32)
    seq_ref[...] = s
    f_ref[...] = jnp.dot(s, a_ref[...],
                         preferred_element_type=jnp.float32) + b_ref[...]


def _combine_body(acc_ref, den_ref, b_ref, o_ref):
    num = acc_ref[0] + acc_ref[1]
    den = den_ref[0, :, 0:1] + den_ref[1, :, 0:1]
    v = num / (den + 1e-16) + b_ref[...]
    o_ref[...] = jnp.where(v > 0, v, jnp.exp(jnp.minimum(v, 0.0)) - 1.0)


def _sc_body(seq_hbm, f1_hbm, f2_hbm, ei_hbm, acc_out, den_out,
             row_ib, col_ib, rows0, rows1, rows2,
             ri0, ri1, ri2, ci0, ci1, ci2, fg0, fg1, fg2,
             f2g0, f2g1, f2g2, exr0, exr1, exr2,
             acc_sh, den_sh, g0, g1, g2, s0, s1, s2):
    cid = lax.axis_index("c")
    sid = lax.axis_index("s")
    rows = (rows0, rows1, rows2)
    ris = (ri0, ri1, ri2)
    cis = (ci0, ci1, ci2)
    fgs = (fg0, fg1, fg2)
    f2gs = (f2g0, f2g1, f2g2)
    exrs = (exr0, exr1, exr2)
    gsems = (g0, g1, g2)
    ssems = (s0, s1, s2)

    zeros16 = jnp.zeros((L,), jnp.float32)
    zero16i = jnp.zeros((L,), jnp.int32)
    one16i = jnp.full((L,), 1, jnp.int32)
    lane = lax.iota(jnp.int32, L)

    def zero_body(i, _):
        for c in range(OUT // L):
            rows0[i, pl.ds(c * L, L)] = zeros16
        return 0
    lax.fori_loop(0, K, zero_body, 0)
    zr16 = lax.shift_right_logical(lane, 3)
    zc16 = lax.bitwise_and(lane, 7)
    for b in range(3):
        def zero_exr(i, _):
            plsc.store_scatter(exrs[b], [zr16 + 2 * i, zc16], zeros16)
            return 0
        lax.fori_loop(0, K // 2, zero_exr, 0)
    for b in range(NRB):
        r0 = sid * ROWS_PT + b * K
        pltpu.sync_copy(rows0, acc_sh.at[pl.ds(r0, K)])
        pltpu.sync_copy(exr0, den_sh.at[pl.ds(r0, K)])
    plsc.subcore_barrier()

    base_e = (cid * NS + sid) * EDGES_PER_TILE

    def issue_gathers(c, b):
        @pl.when(lax.rem(c, CBC) == 0)
        def _():
            off = base_e + (c // CBC) * CBE
            pltpu.sync_copy(ei_hbm.at[0, pl.ds(off, CBE)], row_ib)
            pltpu.sync_copy(ei_hbm.at[1, pl.ds(off, CBE)], col_ib)
        base = lax.rem(c, CBC) * K
        for i in range(K // L):
            ris[b][pl.ds(i * L, L)] = row_ib[pl.ds(base + i * L, L)]
            cis[b][pl.ds(i * L, L)] = col_ib[pl.ds(base + i * L, L)]
        pltpu.async_copy(seq_hbm.at[cis[b]], rows[b], gsems[b])
        pltpu.async_copy(f1_hbm.at[ris[b]], fgs[b], gsems[b])
        pltpu.async_copy(f2_hbm.at[cis[b]], f2gs[b], gsems[b])

    def wait_gathers(b):
        pltpu.make_async_copy(seq_hbm.at[cis[b]], rows[b], gsems[b]).wait()
        pltpu.make_async_copy(f1_hbm.at[ris[b]], fgs[b], gsems[b]).wait()
        pltpu.make_async_copy(f2_hbm.at[cis[b]], f2gs[b], gsems[b]).wait()

    def process(b):
        rows_v = rows[b]
        fg_v = fgs[b]
        exr_v = exrs[b]
        for i in range(K // L):
            e16 = lane + (i * L)
            f1g = fg_v[pl.ds(i * L, L)]
            f2g = f2gs[b][pl.ds(i * L, L)]
            lg = f1g + f2g
            lr = jnp.where(lg > 0, lg, 0.2 * lg)
            plsc.store_scatter(exr_v, [e16, zero16i], jnp.exp(lr))

        @plsc.parallel_loop(0, K, 1, unroll=4)
        def _scale(e):
            exb = plsc.load_gather(exr_v, [jnp.full((L,), e, jnp.int32),
                                           zero16i])
            for g in range(OUT // L):
                rows_v[e, pl.ds(g * L, L)] = rows_v[e, pl.ds(g * L, L)] * exb

    def issue_scatters(b):
        pltpu.async_copy(rows[b], acc_sh.at[ris[b]], ssems[b], add=True)
        pltpu.async_copy(exrs[b], den_sh.at[ris[b]], ssems[b], add=True)

    def wait_scatters(b):
        pltpu.make_async_copy(rows[b], acc_sh.at[ris[b]], ssems[b]).wait()
        pltpu.make_async_copy(exrs[b], den_sh.at[ris[b]], ssems[b]).wait()

    for b in range(3):
        issue_gathers(b, b)

    def triple_body(t, _):
        c0 = 3 * t
        for b in range(3):
            wait_gathers(b)
            process(b)
            issue_scatters(b)
        for b in range(3):
            wait_scatters(b)
        for b in range(3):
            cn = c0 + 3 + b
            @pl.when(cn < CHUNKS)
            def _():
                issue_gathers(cn, b)
        return 0

    lax.fori_loop(0, TRIPLES, triple_body, 0)

    for b in range(CHUNKS - 3 * TRIPLES):
        wait_gathers(b)
        process(b)
        issue_scatters(b)
    for b in range(CHUNKS - 3 * TRIPLES):
        wait_scatters(b)

    plsc.subcore_barrier()

    for b in range(NRB):
        r0 = sid * ROWS_PT + b * K
        pltpu.sync_copy(acc_sh.at[pl.ds(r0, K)], rows0)
        pltpu.sync_copy(rows0, acc_out.at[cid, pl.ds(r0, K)])
        pltpu.sync_copy(den_sh.at[pl.ds(r0, K)], exr0)
        pltpu.sync_copy(exr0, den_out.at[cid, pl.ds(r0, K)])


_sc_edge_kernel = functools.partial(
    pl.kernel,
    out_type=(jax.ShapeDtypeStruct((NC, NPAD, OUT), jnp.float32),
              jax.ShapeDtypeStruct((NC, NPAD, FW), jnp.float32)),
    mesh=plsc.VectorSubcoreMesh(core_axis_name="c", subcore_axis_name="s"),
    compiler_params=pltpu.CompilerParams(
        use_tc_tiling_on_sc=False, needs_layout_passes=False),
    scratch_types=[
        pltpu.VMEM((CBE,), jnp.int32),
        pltpu.VMEM((CBE,), jnp.int32),
        pltpu.VMEM((K, OUT), jnp.float32),
        pltpu.VMEM((K, OUT), jnp.float32),
        pltpu.VMEM((K, OUT), jnp.float32),
        pltpu.VMEM((K,), jnp.int32),
        pltpu.VMEM((K,), jnp.int32),
        pltpu.VMEM((K,), jnp.int32),
        pltpu.VMEM((K,), jnp.int32),
        pltpu.VMEM((K,), jnp.int32),
        pltpu.VMEM((K,), jnp.int32),
        pltpu.VMEM((K,), jnp.float32),
        pltpu.VMEM((K,), jnp.float32),
        pltpu.VMEM((K,), jnp.float32),
        pltpu.VMEM((K,), jnp.float32),
        pltpu.VMEM((K,), jnp.float32),
        pltpu.VMEM((K,), jnp.float32),
        pltpu.VMEM((K, FW), jnp.float32),
        pltpu.VMEM((K, FW), jnp.float32),
        pltpu.VMEM((K, FW), jnp.float32),
        pltpu.VMEM_SHARED((NPAD, OUT), jnp.float32),
        pltpu.VMEM_SHARED((NPAD, FW), jnp.float32),
        pltpu.SemaphoreType.DMA,
        pltpu.SemaphoreType.DMA,
        pltpu.SemaphoreType.DMA,
        pltpu.SemaphoreType.DMA,
        pltpu.SemaphoreType.DMA,
        pltpu.SemaphoreType.DMA,
    ],
)(_sc_body)


def kernel(x, edge_index, W, a1, b1, a2, b2, bias_out):
    xs = jnp.squeeze(x, 0)
    A = jnp.zeros((OUT, FW), jnp.float32).at[:, 0].set(a1[:, 0]).at[:, 1].set(a2[:, 0])
    bvec = jnp.zeros((1, FW), jnp.float32).at[0, 0].set(b1[0] + b2[0])

    seq, ft = pl.pallas_call(
        _dense_body,
        grid=(GRID,),
        in_specs=[
            pl.BlockSpec((NBLK, F_IN), lambda i: (i, 0)),
            pl.BlockSpec((F_IN, OUT), lambda i: (0, 0)),
            pl.BlockSpec((OUT, FW), lambda i: (0, 0)),
            pl.BlockSpec((1, FW), lambda i: (0, 0)),
        ],
        out_specs=[
            pl.BlockSpec((NBLK, OUT), lambda i: (i, 0)),
            pl.BlockSpec((NBLK, FW), lambda i: (i, 0)),
        ],
        out_shape=[
            jax.ShapeDtypeStruct((N, OUT), jnp.float32),
            jax.ShapeDtypeStruct((N, FW), jnp.float32),
        ],
    )(xs, W, A, bvec)

    f1 = ft[:, 0]
    f2 = ft[:, 1]
    acc, den = _sc_edge_kernel(seq, f1, f2, edge_index)

    out = pl.pallas_call(
        _combine_body,
        grid=(GRID,),
        in_specs=[
            pl.BlockSpec((NC, NBLK, OUT), lambda i: (0, i, 0)),
            pl.BlockSpec((NC, NBLK, FW), lambda i: (0, i, 0)),
            pl.BlockSpec((1, OUT), lambda i: (0, 0)),
        ],
        out_specs=pl.BlockSpec((NBLK, OUT), lambda i: (i, 0)),
        out_shape=jax.ShapeDtypeStruct((N, OUT), jnp.float32),
    )(acc, den, bias_out.reshape(1, OUT))
    return out[None, :, :]

# --- scband reference (transcript-rebuilt; emitter-appended) ---
"""Pipeline reference for scband-node-attention-sp-35055523070518 (READ-ONLY COPY).

The authoritative reference and input builder live on the scoring server;
editing this copy changes nothing except your own understanding.
"""

import jax, jax.numpy as jnp
import numpy as np

N = 10000
E = 320000
F_IN = 128
OUT = 128


def setup_inputs(seed: int = 0) -> dict:
    key = jax.random.key(seed)
    ks = jax.random.split(key, 8)
    x = jax.random.normal(ks[0], (1, N, F_IN), dtype=jnp.float32)
    edge_index = jax.random.randint(ks[1], (2, E), 0, N, dtype=jnp.int32)
    # Learned params: conv1d(out_sz, k=1, no bias) -> W; f_1/f_2 conv1d(1, k=1, with bias); output bias_add
    W = jax.random.normal(ks[2], (F_IN, OUT), dtype=jnp.float32) * (1.0 / np.sqrt(F_IN))
    a1 = jax.random.normal(ks[3], (OUT, 1), dtype=jnp.float32) * (1.0 / np.sqrt(OUT))
    b1 = jnp.zeros((1,), dtype=jnp.float32)
    a2 = jax.random.normal(ks[4], (OUT, 1), dtype=jnp.float32) * (1.0 / np.sqrt(OUT))
    b2 = jnp.zeros((1,), dtype=jnp.float32)
    bias_out = jnp.zeros((OUT,), dtype=jnp.float32)
    return {"x": x, "edge_index": edge_index, "W": W, "a1": a1, "b1": b1, "a2": a2, "b2": b2, "bias_out": bias_out}


def reference(x, edge_index, W, a1, b1, a2, b2, bias_out):
    # seq_fts = conv1d(x, out_sz, 1, use_bias=False) == x @ W
    seq = jnp.squeeze(x, 0) @ W                      # [N, OUT]
    f1 = (seq @ a1 + b1)[:, 0]                        # [N]
    f2 = (seq @ a2 + b2)[:, 0]                        # [N]
    row = edge_index[0]
    col = edge_index[1]
    # sparse bias_mat (values==1 at edges): logits_e = f1[row] + f2[col]
    logits = f1[row] + f2[col]                        # [E]
    lrelu = jnp.where(logits > 0, logits, 0.2 * logits)  # tf.nn.leaky_relu alpha=0.2
    # sparse row-wise softmax over edges
    seg_max = jax.ops.segment_max(lrelu, row, num_segments=N)
    seg_max = jnp.where(jnp.isfinite(seg_max), seg_max, 0.0)
    ex = jnp.exp(lrelu - seg_max[row])
    denom = jax.ops.segment_sum(ex, row, num_segments=N)
    coefs = ex / (denom[row] + 1e-16)                 # [E]
    # vals = sparse_tensor_dense_matmul(coefs, seq_fts): scatter-add over dst rows
    out = jnp.zeros((N, OUT), dtype=seq.dtype).at[row].add(coefs[:, None] * seq[col])
    out = out + bias_out
    ret = jax.nn.elu(out)
    return ret[None, :, :]

if __name__ == "__main__":
    import jax
    _d = setup_inputs()
    print(jax.jit(kernel)(*tuple(_d.values())))

</pallas_src>

<mosaic_0001>
#map = affine_map<(d0, d1) -> (0, 0)>
#map1 = affine_map<(d0, d1) -> (0)>
#map2 = affine_map<(d0, d1) -> (0, 0, 0)>
module attributes {stable_mosaic.version = 14 : i64} {
  func.func @_sc_body(%arg0: i32, %arg1: i32, %arg2: memref<10000x128xf32, #tpu.memory_space<hbm>>, %arg3: memref<10000xf32, #tpu.memory_space<hbm>>, %arg4: memref<10000xf32, #tpu.memory_space<hbm>>, %arg5: memref<2x320000xi32, #tpu.memory_space<hbm>>, %arg6: memref<2x10240x128xf32, #tpu.memory_space<hbm>>, %arg7: memref<2x10240x8xf32, #tpu.memory_space<hbm>>, %arg8: memref<2000xi32, #tpu.memory_space<vmem>>, %arg9: memref<2000xi32, #tpu.memory_space<vmem>>, %arg10: memref<80x128xf32, #tpu.memory_space<vmem>>, %arg11: memref<80x128xf32, #tpu.memory_space<vmem>>, %arg12: memref<80x128xf32, #tpu.memory_space<vmem>>, %arg13: memref<80xi32, #tpu.memory_space<vmem>>, %arg14: memref<80xi32, #tpu.memory_space<vmem>>, %arg15: memref<80xi32, #tpu.memory_space<vmem>>, %arg16: memref<80xi32, #tpu.memory_space<vmem>>, %arg17: memref<80xi32, #tpu.memory_space<vmem>>, %arg18: memref<80xi32, #tpu.memory_space<vmem>>, %arg19: memref<80xf32, #tpu.memory_space<vmem>>, %arg20: memref<80xf32, #tpu.memory_space<vmem>>, %arg21: memref<80xf32, #tpu.memory_space<vmem>>, %arg22: memref<80xf32, #tpu.memory_space<vmem>>, %arg23: memref<80xf32, #tpu.memory_space<vmem>>, %arg24: memref<80xf32, #tpu.memory_space<vmem>>, %arg25: memref<80x8xf32, #tpu.memory_space<vmem>>, %arg26: memref<80x8xf32, #tpu.memory_space<vmem>>, %arg27: memref<80x8xf32, #tpu.memory_space<vmem>>, %arg28: memref<10240x128xf32, #tpu.memory_space<vmem_shared>>, %arg29: memref<10240x8xf32, #tpu.memory_space<vmem_shared>>, %arg30: memref<!tpu.dma_semaphore, #tpu.memory_space<semaphore_mem>>, %arg31: memref<!tpu.dma_semaphore, #tpu.memory_space<semaphore_mem>>, %arg32: memref<!tpu.dma_semaphore, #tpu.memory_space<semaphore_mem>>, %arg33: memref<!tpu.dma_semaphore, #tpu.memory_space<semaphore_mem>>, %arg34: memref<!tpu.dma_semaphore, #tpu.memory_space<semaphore_mem>>, %arg35: memref<!tpu.dma_semaphore, #tpu.memory_space<semaphore_mem>>) attributes {dimension_semantics = [#tpu.dimension_semantics<core_parallel>, #tpu.dimension_semantics<subcore_parallel>], iteration_bounds = array<i64: 2, 16>, scalar_prefetch = 0 : i64, scratch_operands = 28 : i64, tpu.core_type = #tpu.core_type<sc_vector_subcore>, window_params = [{transform_indices = #map}, {transform_indices = #map1}, {transform_indices = #map1}, {transform_indices = #map}, {transform_indices = #map2}, {transform_indices = #map2}]} {
    %broadcast_in_dim3A = arith.constant 0.000000e+00 : f32
    %broadcast_in_dim3A_0 = vector.broadcast %broadcast_in_dim3A : f32 to vector<16xf32>
    %broadcast_in_dim3A_1 = arith.constant 0 : i32
    %broadcast_in_dim3A_2 = vector.broadcast %broadcast_in_dim3A_1 : i32 to vector<16xi32>
    %broadcast_in_dim3A_3 = arith.constant 1 : i32
    %broadcast_in_dim3A_4 = vector.broadcast %broadcast_in_dim3A_3 : i32 to vector<16xi32>
    %iota3A = tpu.iota {dimensions = array<i32: 0>} : vector<16xi32>
    %scan3A = arith.constant 0 : i32
    %scan3A_5 = arith.constant 0 : i32
    %scan3A_6 = arith.constant 80 : i32
    %scan3A_7 = arith.addi %scan3A_5, %scan3A_6 : i32
    %scan3A_8 = arith.constant 1 : i32
    %scan3A_9 = scf.for %scan3A_543 = %scan3A_5 to %scan3A_7 step %scan3A_8 iter_args(%scan3A_544 = %scan3A) -> (i32)  : i32 {
      %swap3A_545 = arith.index_cast %scan3A_543 : i32 to index
      %swap3A_546 = arith.constant 0 : index
      %swap3A_547 = tpu.vector_load %arg10[%swap3A_545, %swap3A_546] {strides = array<i32>} : memref<80x128xf32, #tpu.memory_space<vmem>>, vector<16xf32>,
      tpu.vector_store %arg10[%swap3A_545, %swap3A_546], %broadcast_in_dim3A_0 {strides = array<i32>} : memref<80x128xf32, #tpu.memory_space<vmem>>, vector<16xf32>,
      %swap3A_548 = arith.index_cast %scan3A_543 : i32 to index
      %swap3A_549 = arith.constant 16 : index
      %swap3A_550 = tpu.vector_load %arg10[%swap3A_548, %swap3A_549] {strides = array<i32>} : memref<80x128xf32, #tpu.memory_space<vmem>>, vector<16xf32>,
      tpu.vector_store %arg10[%swap3A_548, %swap3A_549], %broadcast_in_dim3A_0 {strides = array<i32>} : memref<80x128xf32, #tpu.memory_space<vmem>>, vector<16xf32>,
      %swap3A_551 = arith.index_cast %scan3A_543 : i32 to index
      %swap3A_552 = arith.constant 32 : index
      %swap3A_553 = tpu.vector_load %arg10[%swap3A_551, %swap3A_552] {strides = array<i32>} : memref<80x128xf32, #tpu.memory_space<vmem>>, vector<16xf32>,
      tpu.vector_store %arg10[%swap3A_551, %swap3A_552], %broadcast_in_dim3A_0 {strides = array<i32>} : memref<80x128xf32, #tpu.memory_space<vmem>>, vector<16xf32>,
      %swap3A_554 = arith.index_cast %scan3A_543 : i32 to index
      %swap3A_555 = arith.constant 48 : index
      %swap3A_556 = tpu.vector_load %arg10[%swap3A_554, %swap3A_555] {strides = array<i32>} : memref<80x128xf32, #tpu.memory_space<vmem>>, vector<16xf32>,
      tpu.vector_store %arg10[%swap3A_554, %swap3A_555], %broadcast_in_dim3A_0 {strides = array<i32>} : memref<80x128xf32, #tpu.memory_space<vmem>>, vector<16xf32>,
      %swap3A_557 = arith.index_cast %scan3A_543 : i32 to index
      %swap3A_558 = arith.constant 64 : index
      %swap3A_559 = tpu.vector_load %arg10[%swap3A_557, %swap3A_558] {strides = array<i32>} : memref<80x128xf32, #tpu.memory_space<vmem>>, vector<16xf32>,
      tpu.vector_store %arg10[%swap3A_557, %swap3A_558], %broadcast_in_dim3A_0 {strides = array<i32>} : memref<80x128xf32, #tpu.memory_space<vmem>>, vector<16xf32>,
      %swap3A_560 = arith.index_cast %scan3A_543 : i32 to index
      %swap3A_561 = arith.constant 80 : index
      %swap3A_562 = tpu.vector_load %arg10[%swap3A_560, %swap3A_561] {strides = array<i32>} : memref<80x128xf32, #tpu.memory_space<vmem>>, vector<16xf32>,
      tpu.vector_store %arg10[%swap3A_560, %swap3A_561], %broadcast_in_dim3A_0 {strides = array<i32>} : memref<80x128xf32, #tpu.memory_space<vmem>>, vector<16xf32>,
      %swap3A_563 = arith.index_cast %scan3A_543 : i32 to index
      %swap3A_564 = arith.constant 96 : index
      %swap3A_565 = tpu.vector_load %arg10[%swap3A_563, %swap3A_564] {strides = array<i32>} : memref<80x128xf32, #tpu.memory_space<vmem>>, vector<16xf32>,
      tpu.vector_store %arg10[%swap3A_563, %swap3A_564], %broadcast_in_dim3A_0 {strides = array<i32>} : memref<80x128xf32, #tpu.memory_space<vmem>>, vector<16xf32>,
      %swap3A_566 = arith.index_cast %scan3A_543 : i32 to index
      %swap3A_567 = arith.constant 112 : index
      %swap3A_568 = tpu.vector_load %arg10[%swap3A_566, %swap3A_567] {strides = array<i32>} : memref<80x128xf32, #tpu.memory_space<vmem>>, vector<16xf32>,
      tpu.vector_store %arg10[%swap3A_566, %swap3A_567], %broadcast_in_dim3A_0 {strides = array<i32>} : memref<80x128xf32, #tpu.memory_space<vmem>>, vector<16xf32>,
      %scan3A_569 = arith.constant 0 : i32
      scf.yield %scan3A_569 : i32
    }
    %scan3A_10 = arith.constant 80 : i32
    %shift_right_logical3A = arith.constant 3 : i32
    %shift_right_logical3A_11 = vector.broadcast %shift_right_logical3A : i32 to vector<16xi32>
    %shift_right_logical3A_12 = arith.shrui %iota3A, %shift_right_logical3A_11 : vector<16xi32>
    %and3A = arith.constant 7 : i32
    %and3A_13 = vector.broadcast %and3A : i32 to vector<16xi32>
    %and3A_14 = arith.andi %iota3A, %and3A_13 : vector<16xi32>
    %scan3A_15 = arith.constant 0 : i32
    %scan3A_16 = arith.constant 0 : i32
    %scan3A_17 = arith.constant 40 : i32
    %scan3A_18 = arith.addi %scan3A_16, %scan3A_17 : i32
    %scan3A_19 = arith.constant 1 : i32
    %scan3A_20 = scf.for %scan3A_543 = %scan3A_16 to %scan3A_18 step %scan3A_19 iter_args(%scan3A_544 = %scan3A_15) -> (i32)  : i32 {
      %mul3A_545 = arith.constant 2 : i32
      %mul3A_546 = arith.muli %mul3A_545, %scan3A_543 : i32
      %add3A_547 = vector.broadcast %mul3A_546 : i32 to vector<16xi32>
      %add3A_548 = arith.addi %shift_right_logical3A_12, %add3A_547 : vector<16xi32>
      tpu.vector_store_idx %arg25[%add3A_548, %and3A_14], %broadcast_in_dim3A_0 : memref<80x8xf32, #tpu.memory_space<vmem>>[vector<16xi32>, vector<16xi32>], vector<16xf32>,
      %scan3A_549 = arith.constant 0 : i32
      scf.yield %scan3A_549 : i32
    }
    %scan3A_21 = arith.constant 40 : i32
    %scan3A_22 = arith.constant 0 : i32
    %scan3A_23 = arith.constant 0 : i32
    %scan3A_24 = arith.constant 40 : i32
    %scan3A_25 = arith.addi %scan3A_23, %scan3A_24 : i32
    %scan3A_26 = arith.constant 1 : i32
    %scan3A_27 = scf.for %scan3A_543 = %scan3A_23 to %scan3A_25 step %scan3A_26 iter_args(%scan3A_544 = %scan3A_22) -> (i32)  : i32 {
      %mul3A_545 = arith.constant 2 : i32
      %mul3A_546 = arith.muli %mul3A_545, %scan3A_543 : i32
      %add3A_547 = vector.broadcast %mul3A_546 : i32 to vector<16xi32>
      %add3A_548 = arith.addi %shift_right_logical3A_12, %add3A_547 : vector<16xi32>
      tpu.vector_store_idx %arg26[%add3A_548, %and3A_14], %broadcast_in_dim3A_0 : memref<80x8xf32, #tpu.memory_space<vmem>>[vector<16xi32>, vector<16xi32>], vector<16xf32>,
      %scan3A_549 = arith.constant 0 : i32
      scf.yield %scan3A_549 : i32
    }
    %scan3A_28 = arith.constant 40 : i32
    %scan3A_29 = arith.constant 0 : i32
    %scan3A_30 = arith.constant 0 : i32
    %scan3A_31 = arith.constant 40 : i32
    %scan3A_32 = arith.addi %scan3A_30, %scan3A_31 : i32
    %scan3A_33 = arith.constant 1 : i32
    %scan3A_34 = scf.for %scan3A_543 = %scan3A_30 to %scan3A_32 step %scan3A_33 iter_args(%scan3A_544 = %scan3A_29) -> (i32)  : i32 {
      %mul3A_545 = arith.constant 2 : i32
      %mul3A_546 = arith.muli %mul3A_545, %scan3A_543 : i32
      %add3A_547 = vector.broadcast %mul3A_546 : i32 to vector<16xi32>
      %add3A_548 = arith.addi %shift_right_logical3A_12, %add3A_547 : vector<16xi32>
      tpu.vector_store_idx %arg27[%add3A_548, %and3A_14], %broadcast_in_dim3A_0 : memref<80x8xf32, #tpu.memory_space<vmem>>[vector<16xi32>, vector<16xi32>], vector<16xf32>,
      %scan3A_549 = arith.constant 0 : i32
      scf.yield %scan3A_549 : i32
    }
    %scan3A_35 = arith.constant 40 : i32
    %mul3A = arith.constant 640 : i32
    %mul3A_36 = arith.muli %arg1, %mul3A : i32
    %add3A = arith.constant 0 : i32
    %add3A_37 = arith.addi %mul3A_36, %add3A : i32
    "tpu.region"() ({
      %run_scoped3A = tpu.sem_alloc : memref<!tpu.dma_semaphore, #tpu.memory_space<semaphore_mem>>
      %dma_start3A_543 = arith.constant 0 : i32
      %dma_start3A_544 = tpu.memref_slice %arg28[%add3A_37, %dma_start3A_543] : memref<10240x128xf32, #tpu.memory_space<vmem_shared>> -> memref<80x128xf32, #tpu.memory_space<vmem_shared>>
      %dma_start3A_545 = arith.constant 0 : i32
      %dma_start3A_546 = tpu.memref_slice %arg28[%add3A_37, %dma_start3A_545] : memref<10240x128xf32, #tpu.memory_space<vmem_shared>> -> memref<80x128xf32, #tpu.memory_space<vmem_shared>>
      tpu.enqueue_dma source(%arg10 : memref<80x128xf32, #tpu.memory_space<vmem>>) target(%dma_start3A_546 : memref<80x128xf32, #tpu.memory_space<vmem_shared>>) target_semaphore(%run_scoped3A : memref<!tpu.dma_semaphore, #tpu.memory_space<semaphore_mem>>)
      %dma_wait3A_547 = arith.constant 0 : i32
      %dma_wait3A_548 = tpu.memref_slice %arg28[%add3A_37, %dma_wait3A_547] : memref<10240x128xf32, #tpu.memory_space<vmem_shared>> -> memref<80x128xf32, #tpu.memory_space<vmem_shared>>
      %dma_wait3A_549 = arith.constant 0 : i32
      %dma_wait3A_550 = tpu.memref_slice %arg28[%add3A_37, %dma_wait3A_549] : memref<10240x128xf32, #tpu.memory_space<vmem_shared>> -> memref<80x128xf32, #tpu.memory_space<vmem_shared>>
      tpu.wait_dma2 semaphore(%run_scoped3A : memref<!tpu.dma_semaphore, #tpu.memory_space<semaphore_mem>>) src(%arg10 : memref<80x128xf32, #tpu.memory_space<vmem>>) dst(%dma_wait3A_550 : memref<80x128xf32, #tpu.memory_space<vmem_shared>>)
      tpu.yield
    }) : () -> ()
    "tpu.region"() ({
      %run_scoped3A = tpu.sem_alloc : memref<!tpu.dma_semaphore, #tpu.memory_space<semaphore_mem>>
      %dma_start3A_543 = arith.constant 0 : i32
      %dma_start3A_544 = tpu.memref_slice %arg29[%add3A_37, %dma_start3A_543] : memref<10240x8xf32, #tpu.memory_space<vmem_shared>> -> memref<80x8xf32, #tpu.memory_space<vmem_shared>>
      %dma_start3A_545 = arith.constant 0 : i32
      %dma_start3A_546 = tpu.memref_slice %arg29[%add3A_37, %dma_start3A_545] : memref<10240x8xf32, #tpu.memory_space<vmem_shared>> -> memref<80x8xf32, #tpu.memory_space<vmem_shared>>
      tpu.enqueue_dma source(%arg25 : memref<80x8xf32, #tpu.memory_space<vmem>>) target(%dma_start3A_546 : memref<80x8xf32, #tpu.memory_space<vmem_shared>>) target_semaphore(%run_scoped3A : memref<!tpu.dma_semaphore, #tpu.memory_space<semaphore_mem>>)
      %dma_wait3A_547 = arith.constant 0 : i32
      %dma_wait3A_548 = tpu.memref_slice %arg29[%add3A_37, %dma_wait3A_547] : memref<10240x8xf32, #tpu.memory_space<vmem_shared>> -> memref<80x8xf32, #tpu.memory_space<vmem_shared>>
      %dma_wait3A_549 = arith.constant 0 : i32
      %dma_wait3A_550 = tpu.memref_slice %arg29[%add3A_37, %dma_wait3A_549] : memref<10240x8xf32, #tpu.memory_space<vmem_shared>> -> memref<80x8xf32, #tpu.memory_space<vmem_shared>>
      tpu.wait_dma2 semaphore(%run_scoped3A : memref<!tpu.dma_semaphore, #tpu.memory_space<semaphore_mem>>) src(%arg25 : memref<80x8xf32, #tpu.memory_space<vmem>>) dst(%dma_wait3A_550 : memref<80x8xf32, #tpu.memory_space<vmem_shared>>)
      tpu.yield
    }) : () -> ()
    %mul3A_38 = arith.constant 640 : i32
    %mul3A_39 = arith.muli %arg1, %mul3A_38 : i32
    %add3A_40 = arith.constant 80 : i32
    %add3A_41 = arith.addi %mul3A_39, %add3A_40 : i32
    "tpu.region"() ({
      %run_scoped3A = tpu.sem_alloc : memref<!tpu.dma_semaphore, #tpu.memory_space<semaphore_mem>>
      %dma_start3A_543 = arith.constant 0 : i32
      %dma_start3A_544 = tpu.memref_slice %arg28[%add3A_41, %dma_start3A_543] : memref<10240x128xf32, #tpu.memory_space<vmem_shared>> -> memref<80x128xf32, #tpu.memory_space<vmem_shared>>
      %dma_start3A_545 = arith.constant 0 : i32
      %dma_start3A_546 = tpu.memref_slice %arg28[%add3A_41, %dma_start3A_545] : memref<10240x128xf32, #tpu.memory_space<vmem_shared>> -> memref<80x128xf32, #tpu.memory_space<vmem_shared>>
      tpu.enqueue_dma source(%arg10 : memref<80x128xf32, #tpu.memory_space<vmem>>) target(%dma_start3A_546 : memref<80x128xf32, #tpu.memory_space<vmem_shared>>) target_semaphore(%run_scoped3A : memref<!tpu.dma_semaphore, #tpu.memory_space<semaphore_mem>>)
      %dma_wait3A_547 = arith.constant 0 : i32
      %dma_wait3A_548 = tpu.memref_slice %arg28[%add3A_41, %dma_wait3A_547] : memref<10240x128xf32, #tpu.memory_space<vmem_shared>> -> memref<80x128xf32, #tpu.memory_space<vmem_shared>>
      %dma_wait3A_549 = arith.constant 0 : i32
      %dma_wait3A_550 = tpu.memref_slice %arg28[%add3A_41, %dma_wait3A_549] : memref<10240x128xf32, #tpu.memory_space<vmem_shared>> -> memref<80x128xf32, #tpu.memory_space<vmem_shared>>
      tpu.wait_dma2 semaphore(%run_scoped3A : memref<!tpu.dma_semaphore, #tpu.memory_space<semaphore_mem>>) src(%arg10 : memref<80x128xf32, #tpu.memory_space<vmem>>) dst(%dma_wait3A_550 : memref<80x128xf32, #tpu.memory_space<vmem_shared>>)
      tpu.yield
    }) : () -> ()
    "tpu.region"() ({
      %run_scoped3A = tpu.sem_alloc : memref<!tpu.dma_semaphore, #tpu.memory_space<semaphore_mem>>
      %dma_start3A_543 = arith.constant 0 : i32
      %dma_start3A_544 = tpu.memref_slice %arg29[%add3A_41, %dma_start3A_543] : memref<10240x8xf32, #tpu.memory_space<vmem_shared>> -> memref<80x8xf32, #tpu.memory_space<vmem_shared>>
      %dma_start3A_545 = arith.constant 0 : i32
      %dma_start3A_546 = tpu.memref_slice %arg29[%add3A_41, %dma_start3A_545] : memref<10240x8xf32, #tpu.memory_space<vmem_shared>> -> memref<80x8xf32, #tpu.memory_space<vmem_shared>>
      tpu.enqueue_dma source(%arg25 : memref<80x8xf32, #tpu.memory_space<vmem>>) target(%dma_start3A_546 : memref<80x8xf32, #tpu.memory_space<vmem_shared>>) target_semaphore(%run_scoped3A : memref<!tpu.dma_semaphore, #tpu.memory_space<semaphore_mem>>)
      %dma_wait3A_547 = arith.constant 0 : i32
      %dma_wait3A_548 = tpu.memref_slice %arg29[%add3A_41, %dma_wait3A_547] : memref<10240x8xf32, #tpu.memory_space<vmem_shared>> -> memref<80x8xf32, #tpu.memory_space<vmem_shared>>
      %dma_wait3A_549 = arith.constant 0 : i32
      %dma_wait3A_550 = tpu.memref_slice %arg29[%add3A_41, %dma_wait3A_549] : memref<10240x8xf32, #tpu.memory_space<vmem_shared>> -> memref<80x8xf32, #tpu.memory_space<vmem_shared>>
      tpu.wait_dma2 semaphore(%run_scoped3A : memref<!tpu.dma_semaphore, #tpu.memory_space<semaphore_mem>>) src(%arg25 : memref<80x8xf32, #tpu.memory_space<vmem>>) dst(%dma_wait3A_550 : memref<80x8xf32, #tpu.memory_space<vmem_shared>>)
      tpu.yield
    }) : () -> ()
    %mul3A_42 = arith.constant 640 : i32
    %mul3A_43 = arith.muli %arg1, %mul3A_42 : i32
    %add3A_44 = arith.constant 160 : i32
    %add3A_45 = arith.addi %mul3A_43, %add3A_44 : i32
    "tpu.region"() ({
      %run_scoped3A = tpu.sem_alloc : memref<!tpu.dma_semaphore, #tpu.memory_space<semaphore_mem>>
      %dma_start3A_543 = arith.constant 0 : i32
      %dma_start3A_544 = tpu.memref_slice %arg28[%add3A_45, %dma_start3A_543] : memref<10240x128xf32, #tpu.memory_space<vmem_shared>> -> memref<80x128xf32, #tpu.memory_space<vmem_shared>>
      %dma_start3A_545 = arith.constant 0 : i32
      %dma_start3A_546 = tpu.memref_slice %arg28[%add3A_45, %dma_start3A_545] : memref<10240x128xf32, #tpu.memory_space<vmem_shared>> -> memref<80x128xf32, #tpu.memory_space<vmem_shared>>
      tpu.enqueue_dma source(%arg10 : memref<80x128xf32, #tpu.memory_space<vmem>>) target(%dma_start3A_546 : memref<80x128xf32, #tpu.memory_space<vmem_shared>>) target_semaphore(%run_scoped3A : memref<!tpu.dma_semaphore, #tpu.memory_space<semaphore_mem>>)
      %dma_wait3A_547 = arith.constant 0 : i32
      %dma_wait3A_548 = tpu.memref_slice %arg28[%add3A_45, %dma_wait3A_547] : memref<10240x128xf32, #tpu.memory_space<vmem_shared>> -> memref<80x128xf32, #tpu.memory_space<vmem_shared>>
      %dma_wait3A_549 = arith.constant 0 : i32
      %dma_wait3A_550 = tpu.memref_slice %arg28[%add3A_45, %dma_wait3A_549] : memref<10240x128xf32, #tpu.memory_space<vmem_shared>> -> memref<80x128xf32, #tpu.memory_space<vmem_shared>>
      tpu.wait_dma2 semaphore(%run_scoped3A : memref<!tpu.dma_semaphore, #tpu.memory_space<semaphore_mem>>) src(%arg10 : memref<80x128xf32, #tpu.memory_space<vmem>>) dst(%dma_wait3A_550 : memref<80x128xf32, #tpu.memory_space<vmem_shared>>)
      tpu.yield
    }) : () -> ()
    "tpu.region"() ({
      %run_scoped3A = tpu.sem_alloc : memref<!tpu.dma_semaphore, #tpu.memory_space<semaphore_mem>>
      %dma_start3A_543 = arith.constant 0 : i32
      %dma_start3A_544 = tpu.memref_slice %arg29[%add3A_45, %dma_start3A_543] : memref<10240x8xf32, #tpu.memory_space<vmem_shared>> -> memref<80x8xf32, #tpu.memory_space<vmem_shared>>
      %dma_start3A_545 = arith.constant 0 : i32
      %dma_start3A_546 = tpu.memref_slice %arg29[%add3A_45, %dma_start3A_545] : memref<10240x8xf32, #tpu.memory_space<vmem_shared>> -> memref<80x8xf32, #tpu.memory_space<vmem_shared>>
      tpu.enqueue_dma source(%arg25 : memref<80x8xf32, #tpu.memory_space<vmem>>) target(%dma_start3A_546 : memref<80x8xf32, #tpu.memory_space<vmem_shared>>) target_semaphore(%run_scoped3A : memref<!tpu.dma_semaphore, #tpu.memory_space<semaphore_mem>>)
      %dma_wait3A_547 = arith.constant 0 : i32
      %dma_wait3A_548 = tpu.memref_slice %arg29[%add3A_45, %dma_wait3A_547] : memref<10240x8xf32, #tpu.memory_space<vmem_shared>> -> memref<80x8xf32, #tpu.memory_space<vmem_shared>>
      %dma_wait3A_549 = arith.constant 0 : i32
      %dma_wait3A_550 = tpu.memref_slice %arg29[%add3A_45, %dma_wait3A_549] : memref<10240x8xf32, #tpu.memory_space<vmem_shared>> -> memref<80x8xf32, #tpu.memory_space<vmem_shared>>
      tpu.wait_dma2 semaphore(%run_scoped3A : memref<!tpu.dma_semaphore, #tpu.memory_space<semaphore_mem>>) src(%arg25 : memref<80x8xf32, #tpu.memory_space<vmem>>) dst(%dma_wait3A_550 : memref<80x8xf32, #tpu.memory_space<vmem_shared>>)
      tpu.yield
    }) : () -> ()
    %mul3A_46 = arith.constant 640 : i32
    %mul3A_47 = arith.muli %arg1, %mul3A_46 : i32
    %add3A_48 = arith.constant 240 : i32
    %add3A_49 = arith.addi %mul3A_47, %add3A_48 : i32
    "tpu.region"() ({
      %run_scoped3A = tpu.sem_alloc : memref<!tpu.dma_semaphore, #tpu.memory_space<semaphore_mem>>
      %dma_start3A_543 = arith.constant 0 : i32
      %dma_start3A_544 = tpu.memref_slice %arg28[%add3A_49, %dma_start3A_543] : memref<10240x128xf32, #tpu.memory_space<vmem_shared>> -> memref<80x128xf32, #tpu.memory_space<vmem_shared>>
      %dma_start3A_545 = arith.constant 0 : i32
      %dma_start3A_546 = tpu.memref_slice %arg28[%add3A_49, %dma_start3A_545] : memref<10240x128xf32, #tpu.memory_space<vmem_shared>> -> memref<80x128xf32, #tpu.memory_space<vmem_shared>>
      tpu.enqueue_dma source(%arg10 : memref<80x128xf32, #tpu.memory_space<vmem>>) target(%dma_start3A_546 : memref<80x128xf32, #tpu.memory_space<vmem_shared>>) target_semaphore(%run_scoped3A : memref<!tpu.dma_semaphore, #tpu.memory_space<semaphore_mem>>)
      %dma_wait3A_547 = arith.constant 0 : i32
      %dma_wait3A_548 = tpu.memref_slice %arg28[%add3A_49, %dma_wait3A_547] : memref<10240x128xf32, #tpu.memory_space<vmem_shared>> -> memref<80x128xf32, #tpu.memory_space<vmem_shared>>
      %dma_wait3A_549 = arith.constant 0 : i32
      %dma_wait3A_550 = tpu.memref_slice %arg28[%add3A_49, %dma_wait3A_549] : memref<10240x128xf32, #tpu.memory_space<vmem_shared>> -> memref<80x128xf32, #tpu.memory_space<vmem_shared>>
      tpu.wait_dma2 semaphore(%run_scoped3A : memref<!tpu.dma_semaphore, #tpu.memory_space<semaphore_mem>>) src(%arg10 : memref<80x128xf32, #tpu.memory_space<vmem>>) dst(%dma_wait3A_550 : memref<80x128xf32, #tpu.memory_space<vmem_shared>>)
      tpu.yield
    }) : () -> ()
    "tpu.region"() ({
      %run_scoped3A = tpu.sem_alloc : memref<!tpu.dma_semaphore, #tpu.memory_space<semaphore_mem>>
      %dma_start3A_543 = arith.constant 0 : i32
      %dma_start3A_544 = tpu.memref_slice %arg29[%add3A_49, %dma_start3A_543] : memref<10240x8xf32, #tpu.memory_space<vmem_shared>> -> memref<80x8xf32, #tpu.memory_space<vmem_shared>>
      %dma_start3A_545 = arith.constant 0 : i32
      %dma_start3A_546 = tpu.memref_slice %arg29[%add3A_49, %dma_start3A_545] : memref<10240x8xf32, #tpu.memory_space<vmem_shared>> -> memref<80x8xf32, #tpu.memory_space<vmem_shared>>
      tpu.enqueue_dma source(%arg25 : memref<80x8xf32, #tpu.memory_space<vmem>>) target(%dma_start3A_546 : memref<80x8xf32, #tpu.memory_space<vmem_shared>>) target_semaphore(%run_scoped3A : memref<!tpu.dma_semaphore, #tpu.memory_space<semaphore_mem>>)
      %dma_wait3A_547 = arith.constant 0 : i32
      %dma_wait3A_548 = tpu.memref_slice %arg29[%add3A_49, %dma_wait3A_547] : memref<10240x8xf32, #tpu.memory_space<vmem_shared>> -> memref<80x8xf32, #tpu.memory_space<vmem_shared>>
      %dma_wait3A_549 = arith.constant 0 : i32
      %dma_wait3A_550 = tpu.memref_slice %arg29[%add3A_49, %dma_wait3A_549] : memref<10240x8xf32, #tpu.memory_space<vmem_shared>> -> memref<80x8xf32, #tpu.memory_space<vmem_shared>>
      tpu.wait_dma2 semaphore(%run_scoped3A : memref<!tpu.dma_semaphore, #tpu.memory_space<semaphore_mem>>) src(%arg25 : memref<80x8xf32, #tpu.memory_space<vmem>>) dst(%dma_wait3A_550 : memref<80x8xf32, #tpu.memory_space<vmem_shared>>)
      tpu.yield
    }) : () -> ()
    %mul3A_50 = arith.constant 640 : i32
    %mul3A_51 = arith.muli %arg1, %mul3A_50 : i32
    %add3A_52 = arith.constant 320 : i32
    %add3A_53 = arith.addi %mul3A_51, %add3A_52 : i32
    "tpu.region"() ({
      %run_scoped3A = tpu.sem_alloc : memref<!tpu.dma_semaphore, #tpu.memory_space<semaphore_mem>>
      %dma_start3A_543 = arith.constant 0 : i32
      %dma_start3A_544 = tpu.memref_slice %arg28[%add3A_53, %dma_start3A_543] : memref<10240x128xf32, #tpu.memory_space<vmem_shared>> -> memref<80x128xf32, #tpu.memory_space<vmem_shared>>
      %dma_start3A_545 = arith.constant 0 : i32
      %dma_start3A_546 = tpu.memref_slice %arg28[%add3A_53, %dma_start3A_545] : memref<10240x128xf32, #tpu.memory_space<vmem_shared>> -> memref<80x128xf32, #tpu.memory_space<vmem_shared>>
      tpu.enqueue_dma source(%arg10 : memref<80x128xf32, #tpu.memory_space<vmem>>) target(%dma_start3A_546 : memref<80x128xf32, #tpu.memory_space<vmem_shared>>) target_semaphore(%run_scoped3A : memref<!tpu.dma_semaphore, #tpu.memory_space<semaphore_mem>>)
      %dma_wait3A_547 = arith.constant 0 : i32
      %dma_wait3A_548 = tpu.memref_slice %arg28[%add3A_53, %dma_wait3A_547] : memref<10240x128xf32, #tpu.memory_space<vmem_shared>> -> memref<80x128xf32, #tpu.memory_space<vmem_shared>>
      %dma_wait3A_549 = arith.constant 0 : i32
      %dma_wait3A_550 = tpu.memref_slice %arg28[%add3A_53, %dma_wait3A_549] : memref<10240x128xf32, #tpu.memory_space<vmem_shared>> -> memref<80x128xf32, #tpu.memory_space<vmem_shared>>
      tpu.wait_dma2 semaphore(%run_scoped3A : memref<!tpu.dma_semaphore, #tpu.memory_space<semaphore_mem>>) src(%arg10 : memref<80x128xf32, #tpu.memory_space<vmem>>) dst(%dma_wait3A_550 : memref<80x128xf32, #tpu.memory_space<vmem_shared>>)
      tpu.yield
    }) : () -> ()
    "tpu.region"() ({
      %run_scoped3A = tpu.sem_alloc : memref<!tpu.dma_semaphore, #tpu.memory_space<semaphore_mem>>
      %dma_start3A_543 = arith.constant 0 : i32
      %dma_start3A_544 = tpu.memref_slice %arg29[%add3A_53, %dma_start3A_543] : memref<10240x8xf32, #tpu.memory_space<vmem_shared>> -> memref<80x8xf32, #tpu.memory_space<vmem_shared>>
      %dma_start3A_545 = arith.constant 0 : i32
      %dma_start3A_546 = tpu.memref_slice %arg29[%add3A_53, %dma_start3A_545] : memref<10240x8xf32, #tpu.memory_space<vmem_shared>> -> memref<80x8xf32, #tpu.memory_space<vmem_shared>>
      tpu.enqueue_dma source(%arg25 : memref<80x8xf32, #tpu.memory_space<vmem>>) target(%dma_start3A_546 : memref<80x8xf32, #tpu.memory_space<vmem_shared>>) target_semaphore(%run_scoped3A : memref<!tpu.dma_semaphore, #tpu.memory_space<semaphore_mem>>)
      %dma_wait3A_547 = arith.constant 0 : i32
      %dma_wait3A_548 = tpu.memref_slice %arg29[%add3A_53, %dma_wait3A_547] : memref<10240x8xf32, #tpu.memory_space<vmem_shared>> -> memref<80x8xf32, #tpu.memory_space<vmem_shared>>
      %dma_wait3A_549 = arith.constant 0 : i32
      %dma_wait3A_550 = tpu.memref_slice %arg29[%add3A_53, %dma_wait3A_549] : memref<10240x8xf32, #tpu.memory_space<vmem_shared>> -> memref<80x8xf32, #tpu.memory_space<vmem_shared>>
      tpu.wait_dma2 semaphore(%run_scoped3A : memref<!tpu.dma_semaphore, #tpu.memory_space<semaphore_mem>>) src(%arg25 : memref<80x8xf32, #tpu.memory_space<vmem>>) dst(%dma_wait3A_550 : memref<80x8xf32, #tpu.memory_space<vmem_shared>>)
      tpu.yield
    }) : () -> ()
    %mul3A_54 = arith.constant 640 : i32
    %mul3A_55 = arith.muli %arg1, %mul3A_54 : i32
    %add3A_56 = arith.constant 400 : i32
    %add3A_57 = arith.addi %mul3A_55, %add3A_56 : i32
    "tpu.region"() ({
      %run_scoped3A = tpu.sem_alloc : memref<!tpu.dma_semaphore, #tpu.memory_space<semaphore_mem>>
      %dma_start3A_543 = arith.constant 0 : i32
      %dma_start3A_544 = tpu.memref_slice %arg28[%add3A_57, %dma_start3A_543] : memref<10240x128xf32, #tpu.memory_space<vmem_shared>> -> memref<80x128xf32, #tpu.memory_space<vmem_shared>>
      %dma_start3A_545 = arith.constant 0 : i32
      %dma_start3A_546 = tpu.memref_slice %arg28[%add3A_57, %dma_start3A_545] : memref<10240x128xf32, #tpu.memory_space<vmem_shared>> -> memref<80x128xf32, #tpu.memory_space<vmem_shared>>
      tpu.enqueue_dma source(%arg10 : memref<80x128xf32, #tpu.memory_space<vmem>>) target(%dma_start3A_546 : memref<80x128xf32, #tpu.memory_space<vmem_shared>>) target_semaphore(%run_scoped3A : memref<!tpu.dma_semaphore, #tpu.memory_space<semaphore_mem>>)
      %dma_wait3A_547 = arith.constant 0 : i32
      %dma_wait3A_548 = tpu.memref_slice %arg28[%add3A_57, %dma_wait3A_547] : memref<10240x128xf32, #tpu.memory_space<vmem_shared>> -> memref<80x128xf32, #tpu.memory_space<vmem_shared>>
      %dma_wait3A_549 = arith.constant 0 : i32
      %dma_wait3A_550 = tpu.memref_slice %arg28[%add3A_57, %dma_wait3A_549] : memref<10240x128xf32, #tpu.memory_space<vmem_shared>> -> memref<80x128xf32, #tpu.memory_space<vmem_shared>>
      tpu.wait_dma2 semaphore(%run_scoped3A : memref<!tpu.dma_semaphore, #tpu.memory_space<semaphore_mem>>) src(%arg10 : memref<80x128xf32, #tpu.memory_space<vmem>>) dst(%dma_wait3A_550 : memref<80x128xf32, #tpu.memory_space<vmem_shared>>)
      tpu.yield
    }) : () -> ()
    "tpu.region"() ({
      %run_scoped3A = tpu.sem_alloc : memref<!tpu.dma_semaphore, #tpu.memory_space<semaphore_mem>>
      %dma_start3A_543 = arith.constant 0 : i32
      %dma_start3A_544 = tpu.memref_slice %arg29[%add3A_57, %dma_start3A_543] : memref<10240x8xf32, #tpu.memory_space<vmem_shared>> -> memref<80x8xf32, #tpu.memory_space<vmem_shared>>
      %dma_start3A_545 = arith.constant 0 : i32
      %dma_start3A_546 = tpu.memref_slice %arg29[%add3A_57, %dma_start3A_545] : memref<10240x8xf32, #tpu.memory_space<vmem_shared>> -> memref<80x8xf32, #tpu.memory_space<vmem_shared>>
      tpu.enqueue_dma source(%arg25 : memref<80x8xf32, #tpu.memory_space<vmem>>) target(%dma_start3A_546 : memref<80x8xf32, #tpu.memory_space<vmem_shared>>) target_semaphore(%run_scoped3A : memref<!tpu.dma_semaphore, #tpu.memory_space<semaphore_mem>>)
      %dma_wait3A_547 = arith.constant 0 : i32
      %dma_wait3A_548 = tpu.memref_slice %arg29[%add3A_57, %dma_wait3A_547] : memref<10240x8xf32, #tpu.memory_space<vmem_shared>> -> memref<80x8xf32, #tpu.memory_space<vmem_shared>>
      %dma_wait3A_549 = arith.constant 0 : i32
      %dma_wait3A_550 = tpu.memref_slice %arg29[%add3A_57, %dma_wait3A_549] : memref<10240x8xf32, #tpu.memory_space<vmem_shared>> -> memref<80x8xf32, #tpu.memory_space<vmem_shared>>
      tpu.wait_dma2 semaphore(%run_scoped3A : memref<!tpu.dma_semaphore, #tpu.memory_space<semaphore_mem>>) src(%arg25 : memref<80x8xf32, #tpu.memory_space<vmem>>) dst(%dma_wait3A_550 : memref<80x8xf32, #tpu.memory_space<vmem_shared>>)
      tpu.yield
    }) : () -> ()
    %mul3A_58 = arith.constant 640 : i32
    %mul3A_59 = arith.muli %arg1, %mul3A_58 : i32
    %add3A_60 = arith.constant 480 : i32
    %add3A_61 = arith.addi %mul3A_59, %add3A_60 : i32
    "tpu.region"() ({
      %run_scoped3A = tpu.sem_alloc : memref<!tpu.dma_semaphore, #tpu.memory_space<semaphore_mem>>
      %dma_start3A_543 = arith.constant 0 : i32
      %dma_start3A_544 = tpu.memref_slice %arg28[%add3A_61, %dma_start3A_543] : memref<10240x128xf32, #tpu.memory_space<vmem_shared>> -> memref<80x128xf32, #tpu.memory_space<vmem_shared>>
      %dma_start3A_545 = arith.constant 0 : i32
      %dma_start3A_546 = tpu.memref_slice %arg28[%add3A_61, %dma_start3A_545] : memref<10240x128xf32, #tpu.memory_space<vmem_shared>> -> memref<80x128xf32, #tpu.memory_space<vmem_shared>>
      tpu.enqueue_dma source(%arg10 : memref<80x128xf32, #tpu.memory_space<vmem>>) target(%dma_start3A_546 : memref<80x128xf32, #tpu.memory_space<vmem_shared>>) target_semaphore(%run_scoped3A : memref<!tpu.dma_semaphore, #tpu.memory_space<semaphore_mem>>)
      %dma_wait3A_547 = arith.constant 0 : i32
      %dma_wait3A_548 = tpu.memref_slice %arg28[%add3A_61, %dma_wait3A_547] : memref<10240x128xf32, #tpu.memory_space<vmem_shared>> -> memref<80x128xf32, #tpu.memory_space<vmem_shared>>
      %dma_wait3A_549 = arith.constant 0 : i32
      %dma_wait3A_550 = tpu.memref_slice %arg28[%add3A_61, %dma_wait3A_549] : memref<10240x128xf32, #tpu.memory_space<vmem_shared>> -> memref<80x128xf32, #tpu.memory_space<vmem_shared>>
      tpu.wait_dma2 semaphore(%run_scoped3A : memref<!tpu.dma_semaphore, #tpu.memory_space<semaphore_mem>>) src(%arg10 : memref<80x128xf32, #tpu.memory_space<vmem>>) dst(%dma_wait3A_550 : memref<80x128xf32, #tpu.memory_space<vmem_shared>>)
      tpu.yield
    }) : () -> ()
    "tpu.region"() ({
      %run_scoped3A = tpu.sem_alloc : memref<!tpu.dma_semaphore, #tpu.memory_space<semaphore_mem>>
      %dma_start3A_543 = arith.constant 0 : i32
      %dma_start3A_544 = tpu.memref_slice %arg29[%add3A_61, %dma_start3A_543] : memref<10240x8xf32, #tpu.memory_space<vmem_shared>> -> memref<80x8xf32, #tpu.memory_space<vmem_shared>>
      %dma_start3A_545 = arith.constant 0 : i32
      %dma_start3A_546 = tpu.memref_slice %arg29[%add3A_61, %dma_start3A_545] : memref<10240x8xf32, #tpu.memory_space<vmem_shared>> -> memref<80x8xf32, #tpu.memory_space<vmem_shared>>
      tpu.enqueue_dma source(%arg25 : memref<80x8xf32, #tpu.memory_space<vmem>>) target(%dma_start3A_546 : memref<80x8xf32, #tpu.memory_space<vmem_shared>>) target_semaphore(%run_scoped3A : memref<!tpu.dma_semaphore, #tpu.memory_space<semaphore_mem>>)
      %dma_wait3A_547 = arith.constant 0 : i32
      %dma_wait3A_548 = tpu.memref_slice %arg29[%add3A_61, %dma_wait3A_547] : memref<10240x8xf32, #tpu.memory_space<vmem_shared>> -> memref<80x8xf32, #tpu.memory_space<vmem_shared>>
      %dma_wait3A_549 = arith.constant 0 : i32
      %dma_wait3A_550 = tpu.memref_slice %arg29[%add3A_61, %dma_wait3A_549] : memref<10240x8xf32, #tpu.memory_space<vmem_shared>> -> memref<80x8xf32, #tpu.memory_space<vmem_shared>>
      tpu.wait_dma2 semaphore(%run_scoped3A : memref<!tpu.dma_semaphore, #tpu.memory_space<semaphore_mem>>) src(%arg25 : memref<80x8xf32, #tpu.memory_space<vmem>>) dst(%dma_wait3A_550 : memref<80x8xf32, #tpu.memory_space<vmem_shared>>)
      tpu.yield
    }) : () -> ()
    %mul3A_62 = arith.constant 640 : i32
    %mul3A_63 = arith.muli %arg1, %mul3A_62 : i32
    %add3A_64 = arith.constant 560 : i32
    %add3A_65 = arith.addi %mul3A_63, %add3A_64 : i32
    "tpu.region"() ({
      %run_scoped3A = tpu.sem_alloc : memref<!tpu.dma_semaphore, #tpu.memory_space<semaphore_mem>>
      %dma_start3A_543 = arith.constant 0 : i32
      %dma_start3A_544 = tpu.memref_slice %arg28[%add3A_65, %dma_start3A_543] : memref<10240x128xf32, #tpu.memory_space<vmem_shared>> -> memref<80x128xf32, #tpu.memory_space<vmem_shared>>
      %dma_start3A_545 = arith.constant 0 : i32
      %dma_start3A_546 = tpu.memref_slice %arg28[%add3A_65, %dma_start3A_545] : memref<10240x128xf32, #tpu.memory_space<vmem_shared>> -> memref<80x128xf32, #tpu.memory_space<vmem_shared>>
      tpu.enqueue_dma source(%arg10 : memref<80x128xf32, #tpu.memory_space<vmem>>) target(%dma_start3A_546 : memref<80x128xf32, #tpu.memory_space<vmem_shared>>) target_semaphore(%run_scoped3A : memref<!tpu.dma_semaphore, #tpu.memory_space<semaphore_mem>>)
      %dma_wait3A_547 = arith.constant 0 : i32
      %dma_wait3A_548 = tpu.memref_slice %arg28[%add3A_65, %dma_wait3A_547] : memref<10240x128xf32, #tpu.memory_space<vmem_shared>> -> memref<80x128xf32, #tpu.memory_space<vmem_shared>>
      %dma_wait3A_549 = arith.constant 0 : i32
      %dma_wait3A_550 = tpu.memref_slice %arg28[%add3A_65, %dma_wait3A_549] : memref<10240x128xf32, #tpu.memory_space<vmem_shared>> -> memref<80x128xf32, #tpu.memory_space<vmem_shared>>
      tpu.wait_dma2 semaphore(%run_scoped3A : memref<!tpu.dma_semaphore, #tpu.memory_space<semaphore_mem>>) src(%arg10 : memref<80x128xf32, #tpu.memory_space<vmem>>) dst(%dma_wait3A_550 : memref<80x128xf32, #tpu.memory_space<vmem_shared>>)
      tpu.yield
    }) : () -> ()
    "tpu.region"() ({
      %run_scoped3A = tpu.sem_alloc : memref<!tpu.dma_semaphore, #tpu.memory_space<semaphore_mem>>
      %dma_start3A_543 = arith.constant 0 : i32
      %dma_start3A_544 = tpu.memref_slice %arg29[%add3A_65, %dma_start3A_543] : memref<10240x8xf32, #tpu.memory_space<vmem_shared>> -> memref<80x8xf32, #tpu.memory_space<vmem_shared>>
      %dma_start3A_545 = arith.constant 0 : i32
      %dma_start3A_546 = tpu.memref_slice %arg29[%add3A_65, %dma_start3A_545] : memref<10240x8xf32, #tpu.memory_space<vmem_shared>> -> memref<80x8xf32, #tpu.memory_space<vmem_shared>>
      tpu.enqueue_dma source(%arg25 : memref<80x8xf32, #tpu.memory_space<vmem>>) target(%dma_start3A_546 : memref<80x8xf32, #tpu.memory_space<vmem_shared>>) target_semaphore(%run_scoped3A : memref<!tpu.dma_semaphore, #tpu.memory_space<semaphore_mem>>)
      %dma_wait3A_547 = arith.constant 0 : i32
      %dma_wait3A_548 = tpu.memref_slice %arg29[%add3A_65, %dma_wait3A_547] : memref<10240x8xf32, #tpu.memory_space<vmem_shared>> -> memref<80x8xf32, #tpu.memory_space<vmem_shared>>
      %dma_wait3A_549 = arith.constant 0 : i32
      %dma_wait3A_550 = tpu.memref_slice %arg29[%add3A_65, %dma_wait3A_549] : memref<10240x8xf32, #tpu.memory_space<vmem_shared>> -> memref<80x8xf32, #tpu.memory_space<vmem_shared>>
      tpu.wait_dma2 semaphore(%run_scoped3A : memref<!tpu.dma_semaphore, #tpu.memory_space<semaphore_mem>>) src(%arg25 : memref<80x8xf32, #tpu.memory_space<vmem>>) dst(%dma_wait3A_550 : memref<80x8xf32, #tpu.memory_space<vmem_shared>>)
      tpu.yield
    }) : () -> ()
    %barrier3A = arith.constant 0 : index
    tpu.barrier barrier_id(%barrier3A)
    %mul3A_66 = arith.constant 16 : i32
    %mul3A_67 = arith.muli %arg0, %mul3A_66 : i32
    %add3A_68 = arith.addi %mul3A_67, %arg1 : i32
    %mul3A_69 = arith.constant 10000 : i32
    %mul3A_70 = arith.muli %add3A_68, %mul3A_69 : i32
    %rem3A = arith.constant 0 : i32
    %rem3A_71 = arith.constant 25 : i32
    %rem3A_72 = arith.remsi %rem3A, %rem3A_71 : i32
    %eq3A = arith.constant 0 : i32
    %eq3A_73 = arith.cmpi eq, %rem3A_72, %eq3A : i32
    %convert_element_type3A = arith.extui %eq3A_73 : i1 to i32
    %cond3A = arith.constant 0 : i32
    %cond3A_74 = arith.cmpi ne, %convert_element_type3A, %cond3A : i32
    scf.if %cond3A_74 {
      %add3A_543 = arith.constant 0 : i32
      %add3A_544 = arith.addi %mul3A_70, %add3A_543 : i32
      %run_scoped3A = arith.constant 0 : i32
      "tpu.region"() ({
        %run_scoped3A_546 = tpu.sem_alloc : memref<!tpu.dma_semaphore, #tpu.memory_space<semaphore_mem>>
        %dma_start3A_547 = tpu.memref_slice %arg5[%run_scoped3A, %add3A_544] : memref<2x320000xi32, #tpu.memory_space<hbm>> -> memref<1x2000xi32, #tpu.memory_space<hbm>>
        %dma_start3A_548 = tpu.memref_squeeze %dma_start3A_547 : memref<1x2000xi32, #tpu.memory_space<hbm>> -> memref<2000xi32, #tpu.memory_space<hbm>>
        %dma_start3A_549 = tpu.memref_slice %arg5[%run_scoped3A, %add3A_544] : memref<2x320000xi32, #tpu.memory_space<hbm>> -> memref<1x2000xi32, #tpu.memory_space<hbm>>
        %dma_start3A_550 = tpu.memref_squeeze %dma_start3A_549 : memref<1x2000xi32, #tpu.memory_space<hbm>> -> memref<2000xi32, #tpu.memory_space<hbm>>
        tpu.enqueue_dma source(%dma_start3A_550 : memref<2000xi32, #tpu.memory_space<hbm>>) target(%arg8 : memref<2000xi32, #tpu.memory_space<vmem>>) target_semaphore(%run_scoped3A_546 : memref<!tpu.dma_semaphore, #tpu.memory_space<semaphore_mem>>)
        %dma_wait3A_551 = tpu.memref_slice %arg5[%run_scoped3A, %add3A_544] : memref<2x320000xi32, #tpu.memory_space<hbm>> -> memref<1x2000xi32, #tpu.memory_space<hbm>>
        %dma_wait3A_552 = tpu.memref_squeeze %dma_wait3A_551 : memref<1x2000xi32, #tpu.memory_space<hbm>> -> memref<2000xi32, #tpu.memory_space<hbm>>
        %dma_wait3A_553 = tpu.memref_slice %arg5[%run_scoped3A, %add3A_544] : memref<2x320000xi32, #tpu.memory_space<hbm>> -> memref<1x2000xi32, #tpu.memory_space<hbm>>
        %dma_wait3A_554 = tpu.memref_squeeze %dma_wait3A_553 : memref<1x2000xi32, #tpu.memory_space<hbm>> -> memref<2000xi32, #tpu.memory_space<hbm>>
        tpu.wait_dma2 semaphore(%run_scoped3A_546 : memref<!tpu.dma_semaphore, #tpu.memory_space<semaphore_mem>>) src(%dma_wait3A_554 : memref<2000xi32, #tpu.memory_space<hbm>>) dst(%arg8 : memref<2000xi32, #tpu.memory_space<vmem>>)
        tpu.yield
      }) : () -> ()
      %run_scoped3A_545 = arith.constant 1 : i32
      "tpu.region"() ({
        %run_scoped3A_546 = tpu.sem_alloc : memref<!tpu.dma_semaphore, #tpu.memory_space<semaphore_mem>>
        %dma_start3A_547 = tpu.memref_slice %arg5[%run_scoped3A_545, %add3A_544] : memref<2x320000xi32, #tpu.memory_space<hbm>> -> memref<1x2000xi32, #tpu.memory_space<hbm>>
        %dma_start3A_548 = tpu.memref_squeeze %dma_start3A_547 : memref<1x2000xi32, #tpu.memory_space<hbm>> -> memref<2000xi32, #tpu.memory_space<hbm>>
        %dma_start3A_549 = tpu.memref_slice %arg5[%run_scoped3A_545, %add3A_544] : memref<2x320000xi32, #tpu.memory_space<hbm>> -> memref<1x2000xi32, #tpu.memory_space<hbm>>
        %dma_start3A_550 = tpu.memref_squeeze %dma_start3A_549 : memref<1x2000xi32, #tpu.memory_space<hbm>> -> memref<2000xi32, #tpu.memory_space<hbm>>
        tpu.enqueue_dma source(%dma_start3A_550 : memref<2000xi32, #tpu.memory_space<hbm>>) target(%arg9 : memref<2000xi32, #tpu.memory_space<vmem>>) target_semaphore(%run_scoped3A_546 : memref<!tpu.dma_semaphore, #tpu.memory_space<semaphore_mem>>)
        %dma_wait3A_551 = tpu.memref_slice %arg5[%run_scoped3A_545, %add3A_544] : memref<2x320000xi32, #tpu.memory_space<hbm>> -> memref<1x2000xi32, #tpu.memory_space<hbm>>
        %dma_wait3A_552 = tpu.memref_squeeze %dma_wait3A_551 : memref<1x2000xi32, #tpu.memory_space<hbm>> -> memref<2000xi32, #tpu.memory_space<hbm>>
        %dma_wait3A_553 = tpu.memref_slice %arg5[%run_scoped3A_545, %add3A_544] : memref<2x320000xi32, #tpu.memory_space<hbm>> -> memref<1x2000xi32, #tpu.memory_space<hbm>>
        %dma_wait3A_554 = tpu.memref_squeeze %dma_wait3A_553 : memref<1x2000xi32, #tpu.memory_space<hbm>> -> memref<2000xi32, #tpu.memory_space<hbm>>
        tpu.wait_dma2 semaphore(%run_scoped3A_546 : memref<!tpu.dma_semaphore, #tpu.memory_space<semaphore_mem>>) src(%dma_wait3A_554 : memref<2000xi32, #tpu.memory_space<hbm>>) dst(%arg9 : memref<2000xi32, #tpu.memory_space<vmem>>)
        tpu.yield
      }) : () -> ()
    } else {
    }
    %rem3A_75 = arith.constant 0 : i32
    %rem3A_76 = arith.constant 25 : i32
    %rem3A_77 = arith.remsi %rem3A_75, %rem3A_76 : i32
    %mul3A_78 = arith.constant 80 : i32
    %mul3A_79 = arith.muli %rem3A_77, %mul3A_78 : i32
    %add3A_80 = arith.constant 0 : i32
    %add3A_81 = arith.addi %mul3A_79, %add3A_80 : i32
    %get3A = arith.index_cast %add3A_81 : i32 to index
    %get3A_82 = tpu.vector_load %arg8[%get3A] {strides = array<i32>} : memref<2000xi32, #tpu.memory_space<vmem>>, vector<16xi32>,
    %swap3A = arith.constant 0 : index
    %swap3A_83 = tpu.vector_load %arg13[%swap3A] {strides = array<i32>} : memref<80xi32, #tpu.memory_space<vmem>>, vector<16xi32>,
    tpu.vector_store %arg13[%swap3A], %get3A_82 {strides = array<i32>} : memref<80xi32, #tpu.memory_space<vmem>>, vector<16xi32>,
    %add3A_84 = arith.constant 0 : i32
    %add3A_85 = arith.addi %mul3A_79, %add3A_84 : i32
    %get3A_86 = arith.index_cast %add3A_85 : i32 to index
    %get3A_87 = tpu.vector_load %arg9[%get3A_86] {strides = array<i32>} : memref<2000xi32, #tpu.memory_space<vmem>>, vector<16xi32>,
    %swap3A_88 = arith.constant 0 : index
    %swap3A_89 = tpu.vector_load %arg16[%swap3A_88] {strides = array<i32>} : memref<80xi32, #tpu.memory_space<vmem>>, vector<16xi32>,
    tpu.vector_store %arg16[%swap3A_88], %get3A_87 {strides = array<i32>} : memref<80xi32, #tpu.memory_space<vmem>>, vector<16xi32>,
    %add3A_90 = arith.constant 16 : i32
    %add3A_91 = arith.addi %mul3A_79, %add3A_90 : i32
    %get3A_92 = arith.index_cast %add3A_91 : i32 to index
    %get3A_93 = tpu.vector_load %arg8[%get3A_92] {strides = array<i32>} : memref<2000xi32, #tpu.memory_space<vmem>>, vector<16xi32>,
    %swap3A_94 = arith.constant 16 : index
    %swap3A_95 = tpu.vector_load %arg13[%swap3A_94] {strides = array<i32>} : memref<80xi32, #tpu.memory_space<vmem>>, vector<16xi32>,
    tpu.vector_store %arg13[%swap3A_94], %get3A_93 {strides = array<i32>} : memref<80xi32, #tpu.memory_space<vmem>>, vector<16xi32>,
    %add3A_96 = arith.constant 16 : i32
    %add3A_97 = arith.addi %mul3A_79, %add3A_96 : i32
    %get3A_98 = arith.index_cast %add3A_97 : i32 to index
    %get3A_99 = tpu.vector_load %arg9[%get3A_98] {strides = array<i32>} : memref<2000xi32, #tpu.memory_space<vmem>>, vector<16xi32>,
    %swap3A_100 = arith.constant 16 : index
    %swap3A_101 = tpu.vector_load %arg16[%swap3A_100] {strides = array<i32>} : memref<80xi32, #tpu.memory_space<vmem>>, vector<16xi32>,
    tpu.vector_store %arg16[%swap3A_100], %get3A_99 {strides = array<i32>} : memref<80xi32, #tpu.memory_space<vmem>>, vector<16xi32>,
    %add3A_102 = arith.constant 32 : i32
    %add3A_103 = arith.addi %mul3A_79, %add3A_102 : i32
    %get3A_104 = arith.index_cast %add3A_103 : i32 to index
    %get3A_105 = tpu.vector_load %arg8[%get3A_104] {strides = array<i32>} : memref<2000xi32, #tpu.memory_space<vmem>>, vector<16xi32>,
    %swap3A_106 = arith.constant 32 : index
    %swap3A_107 = tpu.vector_load %arg13[%swap3A_106] {strides = array<i32>} : memref<80xi32, #tpu.memory_space<vmem>>, vector<16xi32>,
    tpu.vector_store %arg13[%swap3A_106], %get3A_105 {strides = array<i32>} : memref<80xi32, #tpu.memory_space<vmem>>, vector<16xi32>,
    %add3A_108 = arith.constant 32 : i32
    %add3A_109 = arith.addi %mul3A_79, %add3A_108 : i32
    %get3A_110 = arith.index_cast %add3A_109 : i32 to index
    %get3A_111 = tpu.vector_load %arg9[%get3A_110] {strides = array<i32>} : memref<2000xi32, #tpu.memory_space<vmem>>, vector<16xi32>,
    %swap3A_112 = arith.constant 32 : index
    %swap3A_113 = tpu.vector_load %arg16[%swap3A_112] {strides = array<i32>} : memref<80xi32, #tpu.memory_space<vmem>>, vector<16xi32>,
    tpu.vector_store %arg16[%swap3A_112], %get3A_111 {strides = array<i32>} : memref<80xi32, #tpu.memory_space<vmem>>, vector<16xi32>,
    %add3A_114 = arith.constant 48 : i32
    %add3A_115 = arith.addi %mul3A_79, %add3A_114 : i32
    %get3A_116 = arith.index_cast %add3A_115 : i32 to index
    %get3A_117 = tpu.vector_load %arg8[%get3A_116] {strides = array<i32>} : memref<2000xi32, #tpu.memory_space<vmem>>, vector<16xi32>,
    %swap3A_118 = arith.constant 48 : index
    %swap3A_119 = tpu.vector_load %arg13[%swap3A_118] {strides = array<i32>} : memref<80xi32, #tpu.memory_space<vmem>>, vector<16xi32>,
    tpu.vector_store %arg13[%swap3A_118], %get3A_117 {strides = array<i32>} : memref<80xi32, #tpu.memory_space<vmem>>, vector<16xi32>,
    %add3A_120 = arith.constant 48 : i32
    %add3A_121 = arith.addi %mul3A_79, %add3A_120 : i32
    %get3A_122 = arith.index_cast %add3A_121 : i32 to index
    %get3A_123 = tpu.vector_load %arg9[%get3A_122] {strides = array<i32>} : memref<2000xi32, #tpu.memory_space<vmem>>, vector<16xi32>,
    %swap3A_124 = arith.constant 48 : index
    %swap3A_125 = tpu.vector_load %arg16[%swap3A_124] {strides = array<i32>} : memref<80xi32, #tpu.memory_space<vmem>>, vector<16xi32>,
    tpu.vector_store %arg16[%swap3A_124], %get3A_123 {strides = array<i32>} : memref<80xi32, #tpu.memory_space<vmem>>, vector<16xi32>,
    %add3A_126 = arith.constant 64 : i32
    %add3A_127 = arith.addi %mul3A_79, %add3A_126 : i32
    %get3A_128 = arith.index_cast %add3A_127 : i32 to index
    %get3A_129 = tpu.vector_load %arg8[%get3A_128] {strides = array<i32>} : memref<2000xi32, #tpu.memory_space<vmem>>, vector<16xi32>,
    %swap3A_130 = arith.constant 64 : index
    %swap3A_131 = tpu.vector_load %arg13[%swap3A_130] {strides = array<i32>} : memref<80xi32, #tpu.memory_space<vmem>>, vector<16xi32>,
    tpu.vector_store %arg13[%swap3A_130], %get3A_129 {strides = array<i32>} : memref<80xi32, #tpu.memory_space<vmem>>, vector<16xi32>,
    %add3A_132 = arith.constant 64 : i32
    %add3A_133 = arith.addi %mul3A_79, %add3A_132 : i32
    %get3A_134 = arith.index_cast %add3A_133 : i32 to index
    %get3A_135 = tpu.vector_load %arg9[%get3A_134] {strides = array<i32>} : memref<2000xi32, #tpu.memory_space<vmem>>, vector<16xi32>,
    %swap3A_136 = arith.constant 64 : index
    %swap3A_137 = tpu.vector_load %arg16[%swap3A_136] {strides = array<i32>} : memref<80xi32, #tpu.memory_space<vmem>>, vector<16xi32>,
    tpu.vector_store %arg16[%swap3A_136], %get3A_135 {strides = array<i32>} : memref<80xi32, #tpu.memory_space<vmem>>, vector<16xi32>,
    %dma_start3A = arith.constant 0 : i32
    %dma_start3A_138 = arith.constant 0 : i32
    %dma_start3A_139 = tpu.memref_slice %arg2[%dma_start3A, %dma_start3A_138] : memref<10000x128xf32, #tpu.memory_space<hbm>> -> memref<10000x128xf32, #tpu.memory_space<hbm>>
    tpu.enqueue_indirect_dma source(%dma_start3A_139 : memref<10000x128xf32, #tpu.memory_space<hbm>>) target(%arg10 : memref<80x128xf32, #tpu.memory_space<vmem>>) offsets(%arg16 : memref<80xi32, #tpu.memory_space<vmem>>) semaphore(%arg30 : memref<!tpu.dma_semaphore, #tpu.memory_space<semaphore_mem>>)
    %dma_start3A_140 = arith.constant 0 : i32
    %dma_start3A_141 = tpu.memref_slice %arg3[%dma_start3A_140] : memref<10000xf32, #tpu.memory_space<hbm>> -> memref<10000xf32, #tpu.memory_space<hbm>>
    tpu.enqueue_indirect_dma source(%dma_start3A_141 : memref<10000xf32, #tpu.memory_space<hbm>>) target(%arg19 : memref<80xf32, #tpu.memory_space<vmem>>) offsets(%arg13 : memref<80xi32, #tpu.memory_space<vmem>>) semaphore(%arg30 : memref<!tpu.dma_semaphore, #tpu.memory_space<semaphore_mem>>)
    %dma_start3A_142 = arith.constant 0 : i32
    %dma_start3A_143 = tpu.memref_slice %arg4[%dma_start3A_142] : memref<10000xf32, #tpu.memory_space<hbm>> -> memref<10000xf32, #tpu.memory_space<hbm>>
    tpu.enqueue_indirect_dma source(%dma_start3A_143 : memref<10000xf32, #tpu.memory_space<hbm>>) target(%arg22 : memref<80xf32, #tpu.memory_space<vmem>>) offsets(%arg16 : memref<80xi32, #tpu.memory_space<vmem>>) semaphore(%arg30 : memref<!tpu.dma_semaphore, #tpu.memory_space<semaphore_mem>>)
    %rem3A_144 = arith.constant 1 : i32
    %rem3A_145 = arith.constant 25 : i32
    %rem3A_146 = arith.remsi %rem3A_144, %rem3A_145 : i32
    %eq3A_147 = arith.constant 0 : i32
    %eq3A_148 = arith.cmpi eq, %rem3A_146, %eq3A_147 : i32
    %convert_element_type3A_149 = arith.extui %eq3A_148 : i1 to i32
    %cond3A_150 = arith.constant 0 : i32
    %cond3A_151 = arith.cmpi ne, %convert_element_type3A_149, %cond3A_150 : i32
    scf.if %cond3A_151 {
      %add3A_543 = arith.constant 0 : i32
      %add3A_544 = arith.addi %mul3A_70, %add3A_543 : i32
      %run_scoped3A = arith.constant 0 : i32
      "tpu.region"() ({
        %run_scoped3A_546 = tpu.sem_alloc : memref<!tpu.dma_semaphore, #tpu.memory_space<semaphore_mem>>
        %dma_start3A_547 = tpu.memref_slice %arg5[%run_scoped3A, %add3A_544] : memref<2x320000xi32, #tpu.memory_space<hbm>> -> memref<1x2000xi32, #tpu.memory_space<hbm>>
        %dma_start3A_548 = tpu.memref_squeeze %dma_start3A_547 : memref<1x2000xi32, #tpu.memory_space<hbm>> -> memref<2000xi32, #tpu.memory_space<hbm>>
        %dma_start3A_549 = tpu.memref_slice %arg5[%run_scoped3A, %add3A_544] : memref<2x320000xi32, #tpu.memory_space<hbm>> -> memref<1x2000xi32, #tpu.memory_space<hbm>>
        %dma_start3A_550 = tpu.memref_squeeze %dma_start3A_549 : memref<1x2000xi32, #tpu.memory_space<hbm>> -> memref<2000xi32, #tpu.memory_space<hbm>>
        tpu.enqueue_dma source(%dma_start3A_550 : memref<2000xi32, #tpu.memory_space<hbm>>) target(%arg8 : memref<2000xi32, #tpu.memory_space<vmem>>) target_semaphore(%run_scoped3A_546 : memref<!tpu.dma_semaphore, #tpu.memory_space<semaphore_mem>>)
        %dma_wait3A_551 = tpu.memref_slice %arg5[%run_scoped3A, %add3A_544] : memref<2x320000xi32, #tpu.memory_space<hbm>> -> memref<1x2000xi32, #tpu.memory_space<hbm>>
        %dma_wait3A_552 = tpu.memref_squeeze %dma_wait3A_551 : memref<1x2000xi32, #tpu.memory_space<hbm>> -> memref<2000xi32, #tpu.memory_space<hbm>>
        %dma_wait3A_553 = tpu.memref_slice %arg5[%run_scoped3A, %add3A_544] : memref<2x320000xi32, #tpu.memory_space<hbm>> -> memref<1x2000xi32, #tpu.memory_space<hbm>>
        %dma_wait3A_554 = tpu.memref_squeeze %dma_wait3A_553 : memref<1x2000xi32, #tpu.memory_space<hbm>> -> memref<2000xi32, #tpu.memory_space<hbm>>
        tpu.wait_dma2 semaphore(%run_scoped3A_546 : memref<!tpu.dma_semaphore, #tpu.memory_space<semaphore_mem>>) src(%dma_wait3A_554 : memref<2000xi32, #tpu.memory_space<hbm>>) dst(%arg8 : memref<2000xi32, #tpu.memory_space<vmem>>)
        tpu.yield
      }) : () -> ()
      %run_scoped3A_545 = arith.constant 1 : i32
      "tpu.region"() ({
        %run_scoped3A_546 = tpu.sem_alloc : memref<!tpu.dma_semaphore, #tpu.memory_space<semaphore_mem>>
        %dma_start3A_547 = tpu.memref_slice %arg5[%run_scoped3A_545, %add3A_544] : memref<2x320000xi32, #tpu.memory_space<hbm>> -> memref<1x2000xi32, #tpu.memory_space<hbm>>
        %dma_start3A_548 = tpu.memref_squeeze %dma_start3A_547 : memref<1x2000xi32, #tpu.memory_space<hbm>> -> memref<2000xi32, #tpu.memory_space<hbm>>
        %dma_start3A_549 = tpu.memref_slice %arg5[%run_scoped3A_545, %add3A_544] : memref<2x320000xi32, #tpu.memory_space<hbm>> -> memref<1x2000xi32, #tpu.memory_space<hbm>>
        %dma_start3A_550 = tpu.memref_squeeze %dma_start3A_549 : memref<1x2000xi32, #tpu.memory_space<hbm>> -> memref<2000xi32, #tpu.memory_space<hbm>>
        tpu.enqueue_dma source(%dma_start3A_550 : memref<2000xi32, #tpu.memory_space<hbm>>) target(%arg9 : memref<2000xi32, #tpu.memory_space<vmem>>) target_semaphore(%run_scoped3A_546 : memref<!tpu.dma_semaphore, #tpu.memory_space<semaphore_mem>>)
        %dma_wait3A_551 = tpu.memref_slice %arg5[%run_scoped3A_545, %add3A_544] : memref<2x320000xi32, #tpu.memory_space<hbm>> -> memref<1x2000xi32, #tpu.memory_space<hbm>>
        %dma_wait3A_552 = tpu.memref_squeeze %dma_wait3A_551 : memref<1x2000xi32, #tpu.memory_space<hbm>> -> memref<2000xi32, #tpu.memory_space<hbm>>
        %dma_wait3A_553 = tpu.memref_slice %arg5[%run_scoped3A_545, %add3A_544] : memref<2x320000xi32, #tpu.memory_space<hbm>> -> memref<1x2000xi32, #tpu.memory_space<hbm>>
        %dma_wait3A_554 = tpu.memref_squeeze %dma_wait3A_553 : memref<1x2000xi32, #tpu.memory_space<hbm>> -> memref<2000xi32, #tpu.memory_space<hbm>>
        tpu.wait_dma2 semaphore(%run_scoped3A_546 : memref<!tpu.dma_semaphore, #tpu.memory_space<semaphore_mem>>) src(%dma_wait3A_554 : memref<2000xi32, #tpu.memory_space<hbm>>) dst(%arg9 : memref<2000xi32, #tpu.memory_space<vmem>>)
        tpu.yield
      }) : () -> ()
    } else {
    }
    %rem3A_152 = arith.constant 1 : i32
    %rem3A_153 = arith.constant 25 : i32
    %rem3A_154 = arith.remsi %rem3A_152, %rem3A_153 : i32
    %mul3A_155 = arith.constant 80 : i32
    %mul3A_156 = arith.muli %rem3A_154, %mul3A_155 : i32
    %add3A_157 = arith.constant 0 : i32
    %add3A_158 = arith.addi %mul3A_156, %add3A_157 : i32
    %get3A_159 = arith.index_cast %add3A_158 : i32 to index
    %get3A_160 = tpu.vector_load %arg8[%get3A_159] {strides = array<i32>} : memref<2000xi32, #tpu.memory_space<vmem>>, vector<16xi32>,
    %swap3A_161 = arith.constant 0 : index
    %swap3A_162 = tpu.vector_load %arg14[%swap3A_161] {strides = array<i32>} : memref<80xi32, #tpu.memory_space<vmem>>, vector<16xi32>,
    tpu.vector_store %arg14[%swap3A_161], %get3A_160 {strides = array<i32>} : memref<80xi32, #tpu.memory_space<vmem>>, vector<16xi32>,
    %add3A_163 = arith.constant 0 : i32
    %add3A_164 = arith.addi %mul3A_156, %add3A_163 : i32
    %get3A_165 = arith.index_cast %add3A_164 : i32 to index
    %get3A_166 = tpu.vector_load %arg9[%get3A_165] {strides = array<i32>} : memref<2000xi32, #tpu.memory_space<vmem>>, vector<16xi32>,
    %swap3A_167 = arith.constant 0 : index
    %swap3A_168 = tpu.vector_load %arg17[%swap3A_167] {strides = array<i32>} : memref<80xi32, #tpu.memory_space<vmem>>, vector<16xi32>,
    tpu.vector_store %arg17[%swap3A_167], %get3A_166 {strides = array<i32>} : memref<80xi32, #tpu.memory_space<vmem>>, vector<16xi32>,
    %add3A_169 = arith.constant 16 : i32
    %add3A_170 = arith.addi %mul3A_156, %add3A_169 : i32
    %get3A_171 = arith.index_cast %add3A_170 : i32 to index
    %get3A_172 = tpu.vector_load %arg8[%get3A_171] {strides = array<i32>} : memref<2000xi32, #tpu.memory_space<vmem>>, vector<16xi32>,
    %swap3A_173 = arith.constant 16 : index
    %swap3A_174 = tpu.vector_load %arg14[%swap3A_173] {strides = array<i32>} : memref<80xi32, #tpu.memory_space<vmem>>, vector<16xi32>,
    tpu.vector_store %arg14[%swap3A_173], %get3A_172 {strides = array<i32>} : memref<80xi32, #tpu.memory_space<vmem>>, vector<16xi32>,
    %add3A_175 = arith.constant 16 : i32
    %add3A_176 = arith.addi %mul3A_156, %add3A_175 : i32
    %get3A_177 = arith.index_cast %add3A_176 : i32 to index
    %get3A_178 = tpu.vector_load %arg9[%get3A_177] {strides = array<i32>} : memref<2000xi32, #tpu.memory_space<vmem>>, vector<16xi32>,
    %swap3A_179 = arith.constant 16 : index
    %swap3A_180 = tpu.vector_load %arg17[%swap3A_179] {strides = array<i32>} : memref<80xi32, #tpu.memory_space<vmem>>, vector<16xi32>,
    tpu.vector_store %arg17[%swap3A_179], %get3A_178 {strides = array<i32>} : memref<80xi32, #tpu.memory_space<vmem>>, vector<16xi32>,
    %add3A_181 = arith.constant 32 : i32
    %add3A_182 = arith.addi %mul3A_156, %add3A_181 : i32
    %get3A_183 = arith.index_cast %add3A_182 : i32 to index
    %get3A_184 = tpu.vector_load %arg8[%get3A_183] {strides = array<i32>} : memref<2000xi32, #tpu.memory_space<vmem>>, vector<16xi32>,
    %swap3A_185 = arith.constant 32 : index
    %swap3A_186 = tpu.vector_load %arg14[%swap3A_185] {strides = array<i32>} : memref<80xi32, #tpu.memory_space<vmem>>, vector<16xi32>,
    tpu.vector_store %arg14[%swap3A_185], %get3A_184 {strides = array<i32>} : memref<80xi32, #tpu.memory_space<vmem>>, vector<16xi32>,
    %add3A_187 = arith.constant 32 : i32
    %add3A_188 = arith.addi %mul3A_156, %add3A_187 : i32
    %get3A_189 = arith.index_cast %add3A_188 : i32 to index
    %get3A_190 = tpu.vector_load %arg9[%get3A_189] {strides = array<i32>} : memref<2000xi32, #tpu.memory_space<vmem>>, vector<16xi32>,
    %swap3A_191 = arith.constant 32 : index
    %swap3A_192 = tpu.vector_load %arg17[%swap3A_191] {strides = array<i32>} : memref<80xi32, #tpu.memory_space<vmem>>, vector<16xi32>,
    tpu.vector_store %arg17[%swap3A_191], %get3A_190 {strides = array<i32>} : memref<80xi32, #tpu.memory_space<vmem>>, vector<16xi32>,
    %add3A_193 = arith.constant 48 : i32
    %add3A_194 = arith.addi %mul3A_156, %add3A_193 : i32
    %get3A_195 = arith.index_cast %add3A_194 : i32 to index
    %get3A_196 = tpu.vector_load %arg8[%get3A_195] {strides = array<i32>} : memref<2000xi32, #tpu.memory_space<vmem>>, vector<16xi32>,
    %swap3A_197 = arith.constant 48 : index
    %swap3A_198 = tpu.vector_load %arg14[%swap3A_197] {strides = array<i32>} : memref<80xi32, #tpu.memory_space<vmem>>, vector<16xi32>,
    tpu.vector_store %arg14[%swap3A_197], %get3A_196 {strides = array<i32>} : memref<80xi32, #tpu.memory_space<vmem>>, vector<16xi32>,
    %add3A_199 = arith.constant 48 : i32
    %add3A_200 = arith.addi %mul3A_156, %add3A_199 : i32
    %get3A_201 = arith.index_cast %add3A_200 : i32 to index
    %get3A_202 = tpu.vector_load %arg9[%get3A_201] {strides = array<i32>} : memref<2000xi32, #tpu.memory_space<vmem>>, vector<16xi32>,
    %swap3A_203 = arith.constant 48 : index
    %swap3A_204 = tpu.vector_load %arg17[%swap3A_203] {strides = array<i32>} : memref<80xi32, #tpu.memory_space<vmem>>, vector<16xi32>,
    tpu.vector_store %arg17[%swap3A_203], %get3A_202 {strides = array<i32>} : memref<80xi32, #tpu.memory_space<vmem>>, vector<16xi32>,
    %add3A_205 = arith.constant 64 : i32
    %add3A_206 = arith.addi %mul3A_156, %add3A_205 : i32
    %get3A_207 = arith.index_cast %add3A_206 : i32 to index
    %get3A_208 = tpu.vector_load %arg8[%get3A_207] {strides = array<i32>} : memref<2000xi32, #tpu.memory_space<vmem>>, vector<16xi32>,
    %swap3A_209 = arith.constant 64 : index
    %swap3A_210 = tpu.vector_load %arg14[%swap3A_209] {strides = array<i32>} : memref<80xi32, #tpu.memory_space<vmem>>, vector<16xi32>,
    tpu.vector_store %arg14[%swap3A_209], %get3A_208 {strides = array<i32>} : memref<80xi32, #tpu.memory_space<vmem>>, vector<16xi32>,
    %add3A_211 = arith.constant 64 : i32
    %add3A_212 = arith.addi %mul3A_156, %add3A_211 : i32
    %get3A_213 = arith.index_cast %add3A_212 : i32 to index
    %get3A_214 = tpu.vector_load %arg9[%get3A_213] {strides = array<i32>} : memref<2000xi32, #tpu.memory_space<vmem>>, vector<16xi32>,
    %swap3A_215 = arith.constant 64 : index
    %swap3A_216 = tpu.vector_load %arg17[%swap3A_215] {strides = array<i32>} : memref<80xi32, #tpu.memory_space<vmem>>, vector<16xi32>,
    tpu.vector_store %arg17[%swap3A_215], %get3A_214 {strides = array<i32>} : memref<80xi32, #tpu.memory_space<vmem>>, vector<16xi32>,
    %dma_start3A_217 = arith.constant 0 : i32
    %dma_start3A_218 = arith.constant 0 : i32
    %dma_start3A_219 = tpu.memref_slice %arg2[%dma_start3A_217, %dma_start3A_218] : memref<10000x128xf32, #tpu.memory_space<hbm>> -> memref<10000x128xf32, #tpu.memory_space<hbm>>
    tpu.enqueue_indirect_dma source(%dma_start3A_219 : memref<10000x128xf32, #tpu.memory_space<hbm>>) target(%arg11 : memref<80x128xf32, #tpu.memory_space<vmem>>) offsets(%arg17 : memref<80xi32, #tpu.memory_space<vmem>>) semaphore(%arg31 : memref<!tpu.dma_semaphore, #tpu.memory_space<semaphore_mem>>)
    %dma_start3A_220 = arith.constant 0 : i32
    %dma_start3A_221 = tpu.memref_slice %arg3[%dma_start3A_220] : memref<10000xf32, #tpu.memory_space<hbm>> -> memref<10000xf32, #tpu.memory_space<hbm>>
    tpu.enqueue_indirect_dma source(%dma_start3A_221 : memref<10000xf32, #tpu.memory_space<hbm>>) target(%arg20 : memref<80xf32, #tpu.memory_space<vmem>>) offsets(%arg14 : memref<80xi32, #tpu.memory_space<vmem>>) semaphore(%arg31 : memref<!tpu.dma_semaphore, #tpu.memory_space<semaphore_mem>>)
    %dma_start3A_222 = arith.constant 0 : i32
    %dma_start3A_223 = tpu.memref_slice %arg4[%dma_start3A_222] : memref<10000xf32, #tpu.memory_space<hbm>> -> memref<10000xf32, #tpu.memory_space<hbm>>
    tpu.enqueue_indirect_dma source(%dma_start3A_223 : memref<10000xf32, #tpu.memory_space<hbm>>) target(%arg23 : memref<80xf32, #tpu.memory_space<vmem>>) offsets(%arg17 : memref<80xi32, #tpu.memory_space<vmem>>) semaphore(%arg31 : memref<!tpu.dma_semaphore, #tpu.memory_space<semaphore_mem>>)
    %rem3A_224 = arith.constant 2 : i32
    %rem3A_225 = arith.constant 25 : i32
    %rem3A_226 = arith.remsi %rem3A_224, %rem3A_225 : i32
    %eq3A_227 = arith.constant 0 : i32
    %eq3A_228 = arith.cmpi eq, %rem3A_226, %eq3A_227 : i32
    %convert_element_type3A_229 = arith.extui %eq3A_228 : i1 to i32
    %cond3A_230 = arith.constant 0 : i32
    %cond3A_231 = arith.cmpi ne, %convert_element_type3A_229, %cond3A_230 : i32
    scf.if %cond3A_231 {
      %add3A_543 = arith.constant 0 : i32
      %add3A_544 = arith.addi %mul3A_70, %add3A_543 : i32
      %run_scoped3A = arith.constant 0 : i32
      "tpu.region"() ({
        %run_scoped3A_546 = tpu.sem_alloc : memref<!tpu.dma_semaphore, #tpu.memory_space<semaphore_mem>>
        %dma_start3A_547 = tpu.memref_slice %arg5[%run_scoped3A, %add3A_544] : memref<2x320000xi32, #tpu.memory_space<hbm>> -> memref<1x2000xi32, #tpu.memory_space<hbm>>
        %dma_start3A_548 = tpu.memref_squeeze %dma_start3A_547 : memref<1x2000xi32, #tpu.memory_space<hbm>> -> memref<2000xi32, #tpu.memory_space<hbm>>
        %dma_start3A_549 = tpu.memref_slice %arg5[%run_scoped3A, %add3A_544] : memref<2x320000xi32, #tpu.memory_space<hbm>> -> memref<1x2000xi32, #tpu.memory_space<hbm>>
        %dma_start3A_550 = tpu.memref_squeeze %dma_start3A_549 : memref<1x2000xi32, #tpu.memory_space<hbm>> -> memref<2000xi32, #tpu.memory_space<hbm>>
        tpu.enqueue_dma source(%dma_start3A_550 : memref<2000xi32, #tpu.memory_space<hbm>>) target(%arg8 : memref<2000xi32, #tpu.memory_space<vmem>>) target_semaphore(%run_scoped3A_546 : memref<!tpu.dma_semaphore, #tpu.memory_space<semaphore_mem>>)
        %dma_wait3A_551 = tpu.memref_slice %arg5[%run_scoped3A, %add3A_544] : memref<2x320000xi32, #tpu.memory_space<hbm>> -> memref<1x2000xi32, #tpu.memory_space<hbm>>
        %dma_wait3A_552 = tpu.memref_squeeze %dma_wait3A_551 : memref<1x2000xi32, #tpu.memory_space<hbm>> -> memref<2000xi32, #tpu.memory_space<hbm>>
        %dma_wait3A_553 = tpu.memref_slice %arg5[%run_scoped3A, %add3A_544] : memref<2x320000xi32, #tpu.memory_space<hbm>> -> memref<1x2000xi32, #tpu.memory_space<hbm>>
        %dma_wait3A_554 = tpu.memref_squeeze %dma_wait3A_553 : memref<1x2000xi32, #tpu.memory_space<hbm>> -> memref<2000xi32, #tpu.memory_space<hbm>>
        tpu.wait_dma2 semaphore(%run_scoped3A_546 : memref<!tpu.dma_semaphore, #tpu.memory_space<semaphore_mem>>) src(%dma_wait3A_554 : memref<2000xi32, #tpu.memory_space<hbm>>) dst(%arg8 : memref<2000xi32, #tpu.memory_space<vmem>>)
        tpu.yield
      }) : () -> ()
      %run_scoped3A_545 = arith.constant 1 : i32
      "tpu.region"() ({
        %run_scoped3A_546 = tpu.sem_alloc : memref<!tpu.dma_semaphore, #tpu.memory_space<semaphore_mem>>
        %dma_start3A_547 = tpu.memref_slice %arg5[%run_scoped3A_545, %add3A_544] : memref<2x320000xi32, #tpu.memory_space<hbm>> -> memref<1x2000xi32, #tpu.memory_space<hbm>>
        %dma_start3A_548 = tpu.memref_squeeze %dma_start3A_547 : memref<1x2000xi32, #tpu.memory_space<hbm>> -> memref<2000xi32, #tpu.memory_space<hbm>>
        %dma_start3A_549 = tpu.memref_slice %arg5[%run_scoped3A_545, %add3A_544] : memref<2x320000xi32, #tpu.memory_space<hbm>> -> memref<1x2000xi32, #tpu.memory_space<hbm>>
        %dma_start3A_550 = tpu.memref_squeeze %dma_start3A_549 : memref<1x2000xi32, #tpu.memory_space<hbm>> -> memref<2000xi32, #tpu.memory_space<hbm>>
        tpu.enqueue_dma source(%dma_start3A_550 : memref<2000xi32, #tpu.memory_space<hbm>>) target(%arg9 : memref<2000xi32, #tpu.memory_space<vmem>>) target_semaphore(%run_scoped3A_546 : memref<!tpu.dma_semaphore, #tpu.memory_space<semaphore_mem>>)
        %dma_wait3A_551 = tpu.memref_slice %arg5[%run_scoped3A_545, %add3A_544] : memref<2x320000xi32, #tpu.memory_space<hbm>> -> memref<1x2000xi32, #tpu.memory_space<hbm>>
        %dma_wait3A_552 = tpu.memref_squeeze %dma_wait3A_551 : memref<1x2000xi32, #tpu.memory_space<hbm>> -> memref<2000xi32, #tpu.memory_space<hbm>>
        %dma_wait3A_553 = tpu.memref_slice %arg5[%run_scoped3A_545, %add3A_544] : memref<2x320000xi32, #tpu.memory_space<hbm>> -> memref<1x2000xi32, #tpu.memory_space<hbm>>
        %dma_wait3A_554 = tpu.memref_squeeze %dma_wait3A_553 : memref<1x2000xi32, #tpu.memory_space<hbm>> -> memref<2000xi32, #tpu.memory_space<hbm>>
        tpu.wait_dma2 semaphore(%run_scoped3A_546 : memref<!tpu.dma_semaphore, #tpu.memory_space<semaphore_mem>>) src(%dma_wait3A_554 : memref<2000xi32, #tpu.memory_space<hbm>>) dst(%arg9 : memref<2000xi32, #tpu.memory_space<vmem>>)
        tpu.yield
      }) : () -> ()
    } else {
    }
    %rem3A_232 = arith.constant 2 : i32
    %rem3A_233 = arith.constant 25 : i32
    %rem3A_234 = arith.remsi %rem3A_232, %rem3A_233 : i32
    %mul3A_235 = arith.constant 80 : i32
    %mul3A_236 = arith.muli %rem3A_234, %mul3A_235 : i32
    %add3A_237 = arith.constant 0 : i32
    %add3A_238 = arith.addi %mul3A_236, %add3A_237 : i32
    %get3A_239 = arith.index_cast %add3A_238 : i32 to index
    %get3A_240 = tpu.vector_load %arg8[%get3A_239] {strides = array<i32>} : memref<2000xi32, #tpu.memory_space<vmem>>, vector<16xi32>,
    %swap3A_241 = arith.constant 0 : index
    %swap3A_242 = tpu.vector_load %arg15[%swap3A_241] {strides = array<i32>} : memref<80xi32, #tpu.memory_space<vmem>>, vector<16xi32>,
    tpu.vector_store %arg15[%swap3A_241], %get3A_240 {strides = array<i32>} : memref<80xi32, #tpu.memory_space<vmem>>, vector<16xi32>,
    %add3A_243 = arith.constant 0 : i32
    %add3A_244 = arith.addi %mul3A_236, %add3A_243 : i32
    %get3A_245 = arith.index_cast %add3A_244 : i32 to index
    %get3A_246 = tpu.vector_load %arg9[%get3A_245] {strides = array<i32>} : memref<2000xi32, #tpu.memory_space<vmem>>, vector<16xi32>,
    %swap3A_247 = arith.constant 0 : index
    %swap3A_248 = tpu.vector_load %arg18[%swap3A_247] {strides = array<i32>} : memref<80xi32, #tpu.memory_space<vmem>>, vector<16xi32>,
    tpu.vector_store %arg18[%swap3A_247], %get3A_246 {strides = array<i32>} : memref<80xi32, #tpu.memory_space<vmem>>, vector<16xi32>,
    %add3A_249 = arith.constant 16 : i32
    %add3A_250 = arith.addi %mul3A_236, %add3A_249 : i32
    %get3A_251 = arith.index_cast %add3A_250 : i32 to index
    %get3A_252 = tpu.vector_load %arg8[%get3A_251] {strides = array<i32>} : memref<2000xi32, #tpu.memory_space<vmem>>, vector<16xi32>,
    %swap3A_253 = arith.constant 16 : index
    %swap3A_254 = tpu.vector_load %arg15[%swap3A_253] {strides = array<i32>} : memref<80xi32, #tpu.memory_space<vmem>>, vector<16xi32>,
    tpu.vector_store %arg15[%swap3A_253], %get3A_252 {strides = array<i32>} : memref<80xi32, #tpu.memory_space<vmem>>, vector<16xi32>,
    %add3A_255 = arith.constant 16 : i32
    %add3A_256 = arith.addi %mul3A_236, %add3A_255 : i32
    %get3A_257 = arith.index_cast %add3A_256 : i32 to index
    %get3A_258 = tpu.vector_load %arg9[%get3A_257] {strides = array<i32>} : memref<2000xi32, #tpu.memory_space<vmem>>, vector<16xi32>,
    %swap3A_259 = arith.constant 16 : index
    %swap3A_260 = tpu.vector_load %arg18[%swap3A_259] {strides = array<i32>} : memref<80xi32, #tpu.memory_space<vmem>>, vector<16xi32>,
    tpu.vector_store %arg18[%swap3A_259], %get3A_258 {strides = array<i32>} : memref<80xi32, #tpu.memory_space<vmem>>, vector<16xi32>,
    %add3A_261 = arith.constant 32 : i32
    %add3A_262 = arith.addi %mul3A_236, %add3A_261 : i32
    %get3A_263 = arith.index_cast %add3A_262 : i32 to index
    %get3A_264 = tpu.vector_load %arg8[%get3A_263] {strides = array<i32>} : memref<2000xi32, #tpu.memory_space<vmem>>, vector<16xi32>,
    %swap3A_265 = arith.constant 32 : index
    %swap3A_266 = tpu.vector_load %arg15[%swap3A_265] {strides = array<i32>} : memref<80xi32, #tpu.memory_space<vmem>>, vector<16xi32>,
    tpu.vector_store %arg15[%swap3A_265], %get3A_264 {strides = array<i32>} : memref<80xi32, #tpu.memory_space<vmem>>, vector<16xi32>,
    %add3A_267 = arith.constant 32 : i32
    %add3A_268 = arith.addi %mul3A_236, %add3A_267 : i32
    %get3A_269 = arith.index_cast %add3A_268 : i32 to index
    %get3A_270 = tpu.vector_load %arg9[%get3A_269] {strides = array<i32>} : memref<2000xi32, #tpu.memory_space<vmem>>, vector<16xi32>,
    %swap3A_271 = arith.constant 32 : index
    %swap3A_272 = tpu.vector_load %arg18[%swap3A_271] {strides = array<i32>} : memref<80xi32, #tpu.memory_space<vmem>>, vector<16xi32>,
    tpu.vector_store %arg18[%swap3A_271], %get3A_270 {strides = array<i32>} : memref<80xi32, #tpu.memory_space<vmem>>, vector<16xi32>,
    %add3A_273 = arith.constant 48 : i32
    %add3A_274 = arith.addi %mul3A_236, %add3A_273 : i32
    %get3A_275 = arith.index_cast %add3A_274 : i32 to index
    %get3A_276 = tpu.vector_load %arg8[%get3A_275] {strides = array<i32>} : memref<2000xi32, #tpu.memory_space<vmem>>, vector<16xi32>,
    %swap3A_277 = arith.constant 48 : index
    %swap3A_278 = tpu.vector_load %arg15[%swap3A_277] {strides = array<i32>} : memref<80xi32, #tpu.memory_space<vmem>>, vector<16xi32>,
    tpu.vector_store %arg15[%swap3A_277], %get3A_276 {strides = array<i32>} : memref<80xi32, #tpu.memory_space<vmem>>, vector<16xi32>,
    %add3A_279 = arith.constant 48 : i32
    %add3A_280 = arith.addi %mul3A_236, %add3A_279 : i32
    %get3A_281 = arith.index_cast %add3A_280 : i32 to index
    %get3A_282 = tpu.vector_load %arg9[%get3A_281] {strides = array<i32>} : memref<2000xi32, #tpu.memory_space<vmem>>, vector<16xi32>,
    %swap3A_283 = arith.constant 48 : index
    %swap3A_284 = tpu.vector_load %arg18[%swap3A_283] {strides = array<i32>} : memref<80xi32, #tpu.memory_space<vmem>>, vector<16xi32>,
    tpu.vector_store %arg18[%swap3A_283], %get3A_282 {strides = array<i32>} : memref<80xi32, #tpu.memory_space<vmem>>, vector<16xi32>,
    %add3A_285 = arith.constant 64 : i32
    %add3A_286 = arith.addi %mul3A_236, %add3A_285 : i32
    %get3A_287 = arith.index_cast %add3A_286 : i32 to index
    %get3A_288 = tpu.vector_load %arg8[%get3A_287] {strides = array<i32>} : memref<2000xi32, #tpu.memory_space<vmem>>, vector<16xi32>,
    %swap3A_289 = arith.constant 64 : index
    %swap3A_290 = tpu.vector_load %arg15[%swap3A_289] {strides = array<i32>} : memref<80xi32, #tpu.memory_space<vmem>>, vector<16xi32>,
    tpu.vector_store %arg15[%swap3A_289], %get3A_288 {strides = array<i32>} : memref<80xi32, #tpu.memory_space<vmem>>, vector<16xi32>,
    %add3A_291 = arith.constant 64 : i32
    %add3A_292 = arith.addi %mul3A_236, %add3A_291 : i32
    %get3A_293 = arith.index_cast %add3A_292 : i32 to index
    %get3A_294 = tpu.vector_load %arg9[%get3A_293] {strides = array<i32>} : memref<2000xi32, #tpu.memory_space<vmem>>, vector<16xi32>,
    %swap3A_295 = arith.constant 64 : index
    %swap3A_296 = tpu.vector_load %arg18[%swap3A_295] {strides = array<i32>} : memref<80xi32, #tpu.memory_space<vmem>>, vector<16xi32>,
    tpu.vector_store %arg18[%swap3A_295], %get3A_294 {strides = array<i32>} : memref<80xi32, #tpu.memory_space<vmem>>, vector<16xi32>,
    %dma_start3A_297 = arith.constant 0 : i32
    %dma_start3A_298 = arith.constant 0 : i32
    %dma_start3A_299 = tpu.memref_slice %arg2[%dma_start3A_297, %dma_start3A_298] : memref<10000x128xf32, #tpu.memory_space<hbm>> -> memref<10000x128xf32, #tpu.memory_space<hbm>>
    tpu.enqueue_indirect_dma source(%dma_start3A_299 : memref<10000x128xf32, #tpu.memory_space<hbm>>) target(%arg12 : memref<80x128xf32, #tpu.memory_space<vmem>>) offsets(%arg18 : memref<80xi32, #tpu.memory_space<vmem>>) semaphore(%arg32 : memref<!tpu.dma_semaphore, #tpu.memory_space<semaphore_mem>>)
    %dma_start3A_300 = arith.constant 0 : i32
    %dma_start3A_301 = tpu.memref_slice %arg3[%dma_start3A_300] : memref<10000xf32, #tpu.memory_space<hbm>> -> memref<10000xf32, #tpu.memory_space<hbm>>
    tpu.enqueue_indirect_dma source(%dma_start3A_301 : memref<10000xf32, #tpu.memory_space<hbm>>) target(%arg21 : memref<80xf32, #tpu.memory_space<vmem>>) offsets(%arg15 : memref<80xi32, #tpu.memory_space<vmem>>) semaphore(%arg32 : memref<!tpu.dma_semaphore, #tpu.memory_space<semaphore_mem>>)
    %dma_start3A_302 = arith.constant 0 : i32
    %dma_start3A_303 = tpu.memref_slice %arg4[%dma_start3A_302] : memref<10000xf32, #tpu.memory_space<hbm>> -> memref<10000xf32, #tpu.memory_space<hbm>>
    tpu.enqueue_indirect_dma source(%dma_start3A_303 : memref<10000xf32, #tpu.memory_space<hbm>>) target(%arg24 : memref<80xf32, #tpu.memory_space<vmem>>) offsets(%arg18 : memref<80xi32, #tpu.memory_space<vmem>>) semaphore(%arg32 : memref<!tpu.dma_semaphore, #tpu.memory_space<semaphore_mem>>)
    %scan3A_304 = arith.constant 0 : i32
    %scan3A_305 = arith.constant 0 : i32
    %scan3A_306 = arith.constant 41 : i32
    %scan3A_307 = arith.addi %scan3A_305, %scan3A_306 : i32
    %scan3A_308 = arith.constant 1 : i32
    %scan3A_309 = scf.for %scan3A_543 = %scan3A_305 to %scan3A_307 step %scan3A_308 iter_args(%scan3A_544 = %scan3A_304) -> (i32)  : i32 {
      %mul3A_545 = arith.constant 3 : i32
      %mul3A_546 = arith.muli %mul3A_545, %scan3A_543 : i32
      %dma_wait3A_547 = arith.constant 0 : i32
      %dma_wait3A_548 = arith.constant 0 : i32
      %dma_wait3A_549 = tpu.memref_slice %arg2[%dma_wait3A_547, %dma_wait3A_548] : memref<10000x128xf32, #tpu.memory_space<hbm>> -> memref<10000x128xf32, #tpu.memory_space<hbm>>
      tpu.wait_indirect_dma semaphore(%arg30 : memref<!tpu.dma_semaphore, #tpu.memory_space<semaphore_mem>>) src(%dma_wait3A_549 : memref<10000x128xf32, #tpu.memory_space<hbm>>) dst(%arg10 : memref<80x128xf32, #tpu.memory_space<vmem>>)
      %dma_wait3A_550 = arith.constant 0 : i32
      %dma_wait3A_551 = tpu.memref_slice %arg3[%dma_wait3A_550] : memref<10000xf32, #tpu.memory_space<hbm>> -> memref<10000xf32, #tpu.memory_space<hbm>>
      tpu.wait_indirect_dma semaphore(%arg30 : memref<!tpu.dma_semaphore, #tpu.memory_space<semaphore_mem>>) src(%dma_wait3A_551 : memref<10000xf32, #tpu.memory_space<hbm>>) dst(%arg19 : memref<80xf32, #tpu.memory_space<vmem>>)
      %dma_wait3A_552 = arith.constant 0 : i32
      %dma_wait3A_553 = tpu.memref_slice %arg4[%dma_wait3A_552] : memref<10000xf32, #tpu.memory_space<hbm>> -> memref<10000xf32, #tpu.memory_space<hbm>>
      tpu.wait_indirect_dma semaphore(%arg30 : memref<!tpu.dma_semaphore, #tpu.memory_space<semaphore_mem>>) src(%dma_wait3A_553 : memref<10000xf32, #tpu.memory_space<hbm>>) dst(%arg22 : memref<80xf32, #tpu.memory_space<vmem>>)
      %add3A_554 = arith.constant 0 : i32
      %add3A_555 = vector.broadcast %add3A_554 : i32 to vector<16xi32>
      %add3A_556 = arith.addi %iota3A, %add3A_555 : vector<16xi32>
      %get3A_557 = arith.constant 0 : index
      %get3A_558 = tpu.vector_load %arg19[%get3A_557] {strides = array<i32>} : memref<80xf32, #tpu.memory_space<vmem>>, vector<16xf32>,
      %get3A_559 = arith.constant 0 : index
      %get3A_560 = tpu.vector_load %arg22[%get3A_559] {strides = array<i32>} : memref<80xf32, #tpu.memory_space<vmem>>, vector<16xf32>,
      %add3A_561 = arith.addf %get3A_558, %get3A_560 : vector<16xf32>
      %gt3A_562 = arith.constant 0.000000e+00 : f32
      %gt3A_563 = vector.broadcast %gt3A_562 : f32 to vector<16xf32>
      %gt3A_564 = arith.cmpf ogt, %add3A_561, %gt3A_563 : vector<16xf32>
      %mul3A_565 = arith.constant 2.000000e-01 : f32
      %mul3A_566 = vector.broadcast %mul3A_565 : f32 to vector<16xf32>
      %mul3A_567 = arith.mulf %mul3A_566, %add3A_561 : vector<16xf32>
      %select_n3A_568 = arith.select %gt3A_564, %add3A_561, %mul3A_567 : vector<16xi1>, vector<16xf32>
      %exp3A_569 = math.exp %select_n3A_568 : vector<16xf32>
      tpu.vector_store_idx %arg25[%add3A_556, %broadcast_in_dim3A_2], %exp3A_569 : memref<80x8xf32, #tpu.memory_space<vmem>>[vector<16xi32>, vector<16xi32>], vector<16xf32>,
      %add3A_570 = arith.constant 16 : i32
      %add3A_571 = vector.broadcast %add3A_570 : i32 to vector<16xi32>
      %add3A_572 = arith.addi %iota3A, %add3A_571 : vector<16xi32>
      %get3A_573 = arith.constant 16 : index
      %get3A_574 = tpu.vector_load %arg19[%get3A_573] {strides = array<i32>} : memref<80xf32, #tpu.memory_space<vmem>>, vector<16xf32>,
      %get3A_575 = arith.constant 16 : index
      %get3A_576 = tpu.vector_load %arg22[%get3A_575] {strides = array<i32>} : memref<80xf32, #tpu.memory_space<vmem>>, vector<16xf32>,
      %add3A_577 = arith.addf %get3A_574, %get3A_576 : vector<16xf32>
      %gt3A_578 = arith.constant 0.000000e+00 : f32
      %gt3A_579 = vector.broadcast %gt3A_578 : f32 to vector<16xf32>
      %gt3A_580 = arith.cmpf ogt, %add3A_577, %gt3A_579 : vector<16xf32>
      %mul3A_581 = arith.constant 2.000000e-01 : f32
      %mul3A_582 = vector.broadcast %mul3A_581 : f32 to vector<16xf32>
      %mul3A_583 = arith.mulf %mul3A_582, %add3A_577 : vector<16xf32>
      %select_n3A_584 = arith.select %gt3A_580, %add3A_577, %mul3A_583 : vector<16xi1>, vector<16xf32>
      %exp3A_585 = math.exp %select_n3A_584 : vector<16xf32>
      tpu.vector_store_idx %arg25[%add3A_572, %broadcast_in_dim3A_2], %exp3A_585 : memref<80x8xf32, #tpu.memory_space<vmem>>[vector<16xi32>, vector<16xi32>], vector<16xf32>,
      %add3A_586 = arith.constant 32 : i32
      %add3A_587 = vector.broadcast %add3A_586 : i32 to vector<16xi32>
      %add3A_588 = arith.addi %iota3A, %add3A_587 : vector<16xi32>
      %get3A_589 = arith.constant 32 : index
      %get3A_590 = tpu.vector_load %arg19[%get3A_589] {strides = array<i32>} : memref<80xf32, #tpu.memory_space<vmem>>, vector<16xf32>,
      %get3A_591 = arith.constant 32 : index
      %get3A_592 = tpu.vector_load %arg22[%get3A_591] {strides = array<i32>} : memref<80xf32, #tpu.memory_space<vmem>>, vector<16xf32>,
      %add3A_593 = arith.addf %get3A_590, %get3A_592 : vector<16xf32>
      %gt3A_594 = arith.constant 0.000000e+00 : f32
      %gt3A_595 = vector.broadcast %gt3A_594 : f32 to vector<16xf32>
      %gt3A_596 = arith.cmpf ogt, %add3A_593, %gt3A_595 : vector<16xf32>
      %mul3A_597 = arith.constant 2.000000e-01 : f32
      %mul3A_598 = vector.broadcast %mul3A_597 : f32 to vector<16xf32>
      %mul3A_599 = arith.mulf %mul3A_598, %add3A_593 : vector<16xf32>
      %select_n3A_600 = arith.select %gt3A_596, %add3A_593, %mul3A_599 : vector<16xi1>, vector<16xf32>
      %exp3A_601 = math.exp %select_n3A_600 : vector<16xf32>
      tpu.vector_store_idx %arg25[%add3A_588, %broadcast_in_dim3A_2], %exp3A_601 : memref<80x8xf32, #tpu.memory_space<vmem>>[vector<16xi32>, vector<16xi32>], vector<16xf32>,
      %add3A_602 = arith.constant 48 : i32
      %add3A_603 = vector.broadcast %add3A_602 : i32 to vector<16xi32>
      %add3A_604 = arith.addi %iota3A, %add3A_603 : vector<16xi32>
      %get3A_605 = arith.constant 48 : index
      %get3A_606 = tpu.vector_load %arg19[%get3A_605] {strides = array<i32>} : memref<80xf32, #tpu.memory_space<vmem>>, vector<16xf32>,
      %get3A_607 = arith.constant 48 : index
      %get3A_608 = tpu.vector_load %arg22[%get3A_607] {strides = array<i32>} : memref<80xf32, #tpu.memory_space<vmem>>, vector<16xf32>,
      %add3A_609 = arith.addf %get3A_606, %get3A_608 : vector<16xf32>
      %gt3A_610 = arith.constant 0.000000e+00 : f32
      %gt3A_611 = vector.broadcast %gt3A_610 : f32 to vector<16xf32>
      %gt3A_612 = arith.cmpf ogt, %add3A_609, %gt3A_611 : vector<16xf32>
      %mul3A_613 = arith.constant 2.000000e-01 : f32
      %mul3A_614 = vector.broadcast %mul3A_613 : f32 to vector<16xf32>
      %mul3A_615 = arith.mulf %mul3A_614, %add3A_609 : vector<16xf32>
      %select_n3A_616 = arith.select %gt3A_612, %add3A_609, %mul3A_615 : vector<16xi1>, vector<16xf32>
      %exp3A_617 = math.exp %select_n3A_616 : vector<16xf32>
      tpu.vector_store_idx %arg25[%add3A_604, %broadcast_in_dim3A_2], %exp3A_617 : memref<80x8xf32, #tpu.memory_space<vmem>>[vector<16xi32>, vector<16xi32>], vector<16xf32>,
      %add3A_618 = arith.constant 64 : i32
      %add3A_619 = vector.broadcast %add3A_618 : i32 to vector<16xi32>
      %add3A_620 = arith.addi %iota3A, %add3A_619 : vector<16xi32>
      %get3A_621 = arith.constant 64 : index
      %get3A_622 = tpu.vector_load %arg19[%get3A_621] {strides = array<i32>} : memref<80xf32, #tpu.memory_space<vmem>>, vector<16xf32>,
      %get3A_623 = arith.constant 64 : index
      %get3A_624 = tpu.vector_load %arg22[%get3A_623] {strides = array<i32>} : memref<80xf32, #tpu.memory_space<vmem>>, vector<16xf32>,
      %add3A_625 = arith.addf %get3A_622, %get3A_624 : vector<16xf32>
      %gt3A_626 = arith.constant 0.000000e+00 : f32
      %gt3A_627 = vector.broadcast %gt3A_626 : f32 to vector<16xf32>
      %gt3A_628 = arith.cmpf ogt, %add3A_625, %gt3A_627 : vector<16xf32>
      %mul3A_629 = arith.constant 2.000000e-01 : f32
      %mul3A_630 = vector.broadcast %mul3A_629 : f32 to vector<16xf32>
      %mul3A_631 = arith.mulf %mul3A_630, %add3A_625 : vector<16xf32>
      %select_n3A_632 = arith.select %gt3A_628, %add3A_625, %mul3A_631 : vector<16xi1>, vector<16xf32>
      %exp3A_633 = math.exp %select_n3A_632 : vector<16xf32>
      tpu.vector_store_idx %arg25[%add3A_620, %broadcast_in_dim3A_2], %exp3A_633 : memref<80x8xf32, #tpu.memory_space<vmem>>[vector<16xi32>, vector<16xi32>], vector<16xf32>,
      %parallel_loop3A_634 = arith.constant 0 : i32
      %parallel_loop3A_635 = arith.constant 80 : i32
      %parallel_loop3A_636 = arith.constant 1 : i32
      scf.for %parallel_loop3A_880 = %parallel_loop3A_634 to %parallel_loop3A_635 step %parallel_loop3A_636  : i32 {
        %parallel_loop3A_881 = vector.broadcast %parallel_loop3A_880 : i32 to vector<16xi32>
        %parallel_loop3A_882 = tpu.vector_load_idx %arg25[%parallel_loop3A_881, %broadcast_in_dim3A_2] : memref<80x8xf32, #tpu.memory_space<vmem>>[vector<16xi32>, vector<16xi32>], vector<16xf32>,
        %parallel_loop3A_883 = arith.index_cast %parallel_loop3A_880 : i32 to index
        %parallel_loop3A_884 = arith.constant 0 : index
        %parallel_loop3A_885 = tpu.vector_load %arg10[%parallel_loop3A_883, %parallel_loop3A_884] {strides = array<i32>} : memref<80x128xf32, #tpu.memory_space<vmem>>, vector<16xf32>,
        %parallel_loop3A_886 = arith.mulf %parallel_loop3A_885, %parallel_loop3A_882 : vector<16xf32>
        %parallel_loop3A_887 = arith.index_cast %parallel_loop3A_880 : i32 to index
        %parallel_loop3A_888 = arith.constant 0 : index
        %parallel_loop3A_889 = tpu.vector_load %arg10[%parallel_loop3A_887, %parallel_loop3A_888] {strides = array<i32>} : memref<80x128xf32, #tpu.memory_space<vmem>>, vector<16xf32>,
        tpu.vector_store %arg10[%parallel_loop3A_887, %parallel_loop3A_888], %parallel_loop3A_886 {strides = array<i32>} : memref<80x128xf32, #tpu.memory_space<vmem>>, vector<16xf32>,
        %parallel_loop3A_890 = arith.index_cast %parallel_loop3A_880 : i32 to index
        %parallel_loop3A_891 = arith.constant 16 : index
        %parallel_loop3A_892 = tpu.vector_load %arg10[%parallel_loop3A_890, %parallel_loop3A_891] {strides = array<i32>} : memref<80x128xf32, #tpu.memory_space<vmem>>, vector<16xf32>,
        %parallel_loop3A_893 = arith.mulf %parallel_loop3A_892, %parallel_loop3A_882 : vector<16xf32>
        %parallel_loop3A_894 = arith.index_cast %parallel_loop3A_880 : i32 to index
        %parallel_loop3A_895 = arith.constant 16 : index
        %parallel_loop3A_896 = tpu.vector_load %arg10[%parallel_loop3A_894, %parallel_loop3A_895] {strides = array<i32>} : memref<80x128xf32, #tpu.memory_space<vmem>>, vector<16xf32>,
        tpu.vector_store %arg10[%parallel_loop3A_894, %parallel_loop3A_895], %parallel_loop3A_893 {strides = array<i32>} : memref<80x128xf32, #tpu.memory_space<vmem>>, vector<16xf32>,
        %parallel_loop3A_897 = arith.index_cast %parallel_loop3A_880 : i32 to index
        %parallel_loop3A_898 = arith.constant 32 : index
        %parallel_loop3A_899 = tpu.vector_load %arg10[%parallel_loop3A_897, %parallel_loop3A_898] {strides = array<i32>} : memref<80x128xf32, #tpu.memory_space<vmem>>, vector<16xf32>,
        %parallel_loop3A_900 = arith.mulf %parallel_loop3A_899, %parallel_loop3A_882 : vector<16xf32>
        %parallel_loop3A_901 = arith.index_cast %parallel_loop3A_880 : i32 to index
        %parallel_loop3A_902 = arith.constant 32 : index
        %parallel_loop3A_903 = tpu.vector_load %arg10[%parallel_loop3A_901, %parallel_loop3A_902] {strides = array<i32>} : memref<80x128xf32, #tpu.memory_space<vmem>>, vector<16xf32>,
        tpu.vector_store %arg10[%parallel_loop3A_901, %parallel_loop3A_902], %parallel_loop3A_900 {strides = array<i32>} : memref<80x128xf32, #tpu.memory_space<vmem>>, vector<16xf32>,
        %parallel_loop3A_904 = arith.index_cast %parallel_loop3A_880 : i32 to index
        %parallel_loop3A_905 = arith.constant 48 : index
        %parallel_loop3A_906 = tpu.vector_load %arg10[%parallel_loop3A_904, %parallel_loop3A_905] {strides = array<i32>} : memref<80x128xf32, #tpu.memory_space<vmem>>, vector<16xf32>,
        %parallel_loop3A_907 = arith.mulf %parallel_loop3A_906, %parallel_loop3A_882 : vector<16xf32>
        %parallel_loop3A_908 = arith.index_cast %parallel_loop3A_880 : i32 to index
        %parallel_loop3A_909 = arith.constant 48 : index
        %parallel_loop3A_910 = tpu.vector_load %arg10[%parallel_loop3A_908, %parallel_loop3A_909] {strides = array<i32>} : memref<80x128xf32, #tpu.memory_space<vmem>>, vector<16xf32>,
        tpu.vector_store %arg10[%parallel_loop3A_908, %parallel_loop3A_909], %parallel_loop3A_907 {strides = array<i32>} : memref<80x128xf32, #tpu.memory_space<vmem>>, vector<16xf32>,
        %parallel_loop3A_911 = arith.index_cast %parallel_loop3A_880 : i32 to index
        %parallel_loop3A_912 = arith.constant 64 : index
        %parallel_loop3A_913 = tpu.vector_load %arg10[%parallel_loop3A_911, %parallel_loop3A_912] {strides = array<i32>} : memref<80x128xf32, #tpu.memory_space<vmem>>, vector<16xf32>,
        %parallel_loop3A_914 = arith.mulf %parallel_loop3A_913, %parallel_loop3A_882 : vector<16xf32>
        %parallel_loop3A_915 = arith.index_cast %parallel_loop3A_880 : i32 to index
        %parallel_loop3A_916 = arith.constant 64 : index
        %parallel_loop3A_917 = tpu.vector_load %arg10[%parallel_loop3A_915, %parallel_loop3A_916] {strides = array<i32>} : memref<80x128xf32, #tpu.memory_space<vmem>>, vector<16xf32>,
        tpu.vector_store %arg10[%parallel_loop3A_915, %parallel_loop3A_916], %parallel_loop3A_914 {strides = array<i32>} : memref<80x128xf32, #tpu.memory_space<vmem>>, vector<16xf32>,
        %parallel_loop3A_918 = arith.index_cast %parallel_loop3A_880 : i32 to index
        %parallel_loop3A_919 = arith.constant 80 : index
        %parallel_loop3A_920 = tpu.vector_load %arg10[%parallel_loop3A_918, %parallel_loop3A_919] {strides = array<i32>} : memref<80x128xf32, #tpu.memory_space<vmem>>, vector<16xf32>,
        %parallel_loop3A_921 = arith.mulf %parallel_loop3A_920, %parallel_loop3A_882 : vector<16xf32>
        %parallel_loop3A_922 = arith.index_cast %parallel_loop3A_880 : i32 to index
        %parallel_loop3A_923 = arith.constant 80 : index
        %parallel_loop3A_924 = tpu.vector_load %arg10[%parallel_loop3A_922, %parallel_loop3A_923] {strides = array<i32>} : memref<80x128xf32, #tpu.memory_space<vmem>>, vector<16xf32>,
        tpu.vector_store %arg10[%parallel_loop3A_922, %parallel_loop3A_923], %parallel_loop3A_921 {strides = array<i32>} : memref<80x128xf32, #tpu.memory_space<vmem>>, vector<16xf32>,
        %parallel_loop3A_925 = arith.index_cast %parallel_loop3A_880 : i32 to index
        %parallel_loop3A_926 = arith.constant 96 : index
        %parallel_loop3A_927 = tpu.vector_load %arg10[%parallel_loop3A_925, %parallel_loop3A_926] {strides = array<i32>} : memref<80x128xf32, #tpu.memory_space<vmem>>, vector<16xf32>,
        %parallel_loop3A_928 = arith.mulf %parallel_loop3A_927, %parallel_loop3A_882 : vector<16xf32>
        %parallel_loop3A_929 = arith.index_cast %parallel_loop3A_880 : i32 to index
        %parallel_loop3A_930 = arith.constant 96 : index
        %parallel_loop3A_931 = tpu.vector_load %arg10[%parallel_loop3A_929, %parallel_loop3A_930] {strides = array<i32>} : memref<80x128xf32, #tpu.memory_space<vmem>>, vector<16xf32>,
        tpu.vector_store %arg10[%parallel_loop3A_929, %parallel_loop3A_930], %parallel_loop3A_928 {strides = array<i32>} : memref<80x128xf32, #tpu.memory_space<vmem>>, vector<16xf32>,
        %parallel_loop3A_932 = arith.index_cast %parallel_loop3A_880 : i32 to index
        %parallel_loop3A_933 = arith.constant 112 : index
        %parallel_loop3A_934 = tpu.vector_load %arg10[%parallel_loop3A_932, %parallel_loop3A_933] {strides = array<i32>} : memref<80x128xf32, #tpu.memory_space<vmem>>, vector<16xf32>,
        %parallel_loop3A_935 = arith.mulf %parallel_loop3A_934, %parallel_loop3A_882 : vector<16xf32>
        %parallel_loop3A_936 = arith.index_cast %parallel_loop3A_880 : i32 to index
        %parallel_loop3A_937 = arith.constant 112 : index
        %parallel_loop3A_938 = tpu.vector_load %arg10[%parallel_loop3A_936, %parallel_loop3A_937] {strides = array<i32>} : memref<80x128xf32, #tpu.memory_space<vmem>>, vector<16xf32>,
        tpu.vector_store %arg10[%parallel_loop3A_936, %parallel_loop3A_937], %parallel_loop3A_935 {strides = array<i32>} : memref<80x128xf32, #tpu.memory_space<vmem>>, vector<16xf32>,
      } {sc.loop_unroll_factor = 4 : i64, sc.parallel_access}
      %dma_start3A_637 = arith.constant 0 : i32
      %dma_start3A_638 = arith.constant 0 : i32
      %dma_start3A_639 = tpu.memref_slice %arg28[%dma_start3A_637, %dma_start3A_638] : memref<10240x128xf32, #tpu.memory_space<vmem_shared>> -> memref<10240x128xf32, #tpu.memory_space<vmem_shared>>
      tpu.enqueue_indirect_dma source(%arg10 : memref<80x128xf32, #tpu.memory_space<vmem>>) target(%dma_start3A_639 : memref<10240x128xf32, #tpu.memory_space<vmem_shared>>) offsets(%arg13 : memref<80xi32, #tpu.memory_space<vmem>>) semaphore(%arg33 : memref<!tpu.dma_semaphore, #tpu.memory_space<semaphore_mem>>) {add = true}
      %dma_start3A_640 = arith.constant 0 : i32
      %dma_start3A_641 = arith.constant 0 : i32
      %dma_start3A_642 = tpu.memref_slice %arg29[%dma_start3A_640, %dma_start3A_641] : memref<10240x8xf32, #tpu.memory_space<vmem_shared>> -> memref<10240x8xf32, #tpu.memory_space<vmem_shared>>
      tpu.enqueue_indirect_dma source(%arg25 : memref<80x8xf32, #tpu.memory_space<vmem>>) target(%dma_start3A_642 : memref<10240x8xf32, #tpu.memory_space<vmem_shared>>) offsets(%arg13 : memref<80xi32, #tpu.memory_space<vmem>>) semaphore(%arg33 : memref<!tpu.dma_semaphore, #tpu.memory_space<semaphore_mem>>) {add = true}
      %dma_wait3A_643 = arith.constant 0 : i32
      %dma_wait3A_644 = arith.constant 0 : i32
      %dma_wait3A_645 = tpu.memref_slice %arg2[%dma_wait3A_643, %dma_wait3A_644] : memref<10000x128xf32, #tpu.memory_space<hbm>> -> memref<10000x128xf32, #tpu.memory_space<hbm>>
      tpu.wait_indirect_dma semaphore(%arg31 : memref<!tpu.dma_semaphore, #tpu.memory_space<semaphore_mem>>) src(%dma_wait3A_645 : memref<10000x128xf32, #tpu.memory_space<hbm>>) dst(%arg11 : memref<80x128xf32, #tpu.memory_space<vmem>>)
      %dma_wait3A_646 = arith.constant 0 : i32
      %dma_wait3A_647 = tpu.memref_slice %arg3[%dma_wait3A_646] : memref<10000xf32, #tpu.memory_space<hbm>> -> memref<10000xf32, #tpu.memory_space<hbm>>
      tpu.wait_indirect_dma semaphore(%arg31 : memref<!tpu.dma_semaphore, #tpu.memory_space<semaphore_mem>>) src(%dma_wait3A_647 : memref<10000xf32, #tpu.memory_space<hbm>>) dst(%arg20 : memref<80xf32, #tpu.memory_space<vmem>>)
      %dma_wait3A_648 = arith.constant 0 : i32
      %dma_wait3A_649 = tpu.memref_slice %arg4[%dma_wait3A_648] : memref<10000xf32, #tpu.memory_space<hbm>> -> memref<10000xf32, #tpu.memory_space<hbm>>
      tpu.wait_indirect_dma semaphore(%arg31 : memref<!tpu.dma_semaphore, #tpu.memory_space<semaphore_mem>>) src(%dma_wait3A_649 : memref<10000xf32, #tpu.memory_space<hbm>>) dst(%arg23 : memref<80xf32, #tpu.memory_space<vmem>>)
      %add3A_650 = arith.constant 0 : i32
      %add3A_651 = vector.broadcast %add3A_650 : i32 to vector<16xi32>
      %add3A_652 = arith.addi %iota3A, %add3A_651 : vector<16xi32>
      %get3A_653 = arith.constant 0 : index
      %get3A_654 = tpu.vector_load %arg20[%get3A_653] {strides = array<i32>} : memref<80xf32, #tpu.memory_space<vmem>>, vector<16xf32>,
      %get3A_655 = arith.constant 0 : index
      %get3A_656 = tpu.vector_load %arg23[%get3A_655] {strides = array<i32>} : memref<80xf32, #tpu.memory_space<vmem>>, vector<16xf32>,
      %add3A_657 = arith.addf %get3A_654, %get3A_656 : vector<16xf32>
      %gt3A_658 = arith.constant 0.000000e+00 : f32
      %gt3A_659 = vector.broadcast %gt3A_658 : f32 to vector<16xf32>
      %gt3A_660 = arith.cmpf ogt, %add3A_657, %gt3A_659 : vector<16xf32>
      %mul3A_661 = arith.constant 2.000000e-01 : f32
      %mul3A_662 = vector.broadcast %mul3A_661 : f32 to vector<16xf32>
      %mul3A_663 = arith.mulf %mul3A_662, %add3A_657 : vector<16xf32>
      %select_n3A_664 = arith.select %gt3A_660, %add3A_657, %mul3A_663 : vector<16xi1>, vector<16xf32>
      %exp3A_665 = math.exp %select_n3A_664 : vector<16xf32>
      tpu.vector_store_idx %arg26[%add3A_652, %broadcast_in_dim3A_2], %exp3A_665 : memref<80x8xf32, #tpu.memory_space<vmem>>[vector<16xi32>, vector<16xi32>], vector<16xf32>,
      %add3A_666 = arith.constant 16 : i32
      %add3A_667 = vector.broadcast %add3A_666 : i32 to vector<16xi32>
      %add3A_668 = arith.addi %iota3A, %add3A_667 : vector<16xi32>
      %get3A_669 = arith.constant 16 : index
      %get3A_670 = tpu.vector_load %arg20[%get3A_669] {strides = array<i32>} : memref<80xf32, #tpu.memory_space<vmem>>, vector<16xf32>,
      %get3A_671 = arith.constant 16 : index
      %get3A_672 = tpu.vector_load %arg23[%get3A_671] {strides = array<i32>} : memref<80xf32, #tpu.memory_space<vmem>>, vector<16xf32>,
      %add3A_673 = arith.addf %get3A_670, %get3A_672 : vector<16xf32>
      %gt3A_674 = arith.constant 0.000000e+00 : f32
      %gt3A_675 = vector.broadcast %gt3A_674 : f32 to vector<16xf32>
      %gt3A_676 = arith.cmpf ogt, %add3A_673, %gt3A_675 : vector<16xf32>
      %mul3A_677 = arith.constant 2.000000e-01 : f32
      %mul3A_678 = vector.broadcast %mul3A_677 : f32 to vector<16xf32>
      %mul3A_679 = arith.mulf %mul3A_678, %add3A_673 : vector<16xf32>
      %select_n3A_680 = arith.select %gt3A_676, %add3A_673, %mul3A_679 : vector<16xi1>, vector<16xf32>
      %exp3A_681 = math.exp %select_n3A_680 : vector<16xf32>
      tpu.vector_store_idx %arg26[%add3A_668, %broadcast_in_dim3A_2], %exp3A_681 : memref<80x8xf32, #tpu.memory_space<vmem>>[vector<16xi32>, vector<16xi32>], vector<16xf32>,
      %add3A_682 = arith.constant 32 : i32
      %add3A_683 = vector.broadcast %add3A_682 : i32 to vector<16xi32>
      %add3A_684 = arith.addi %iota3A, %add3A_683 : vector<16xi32>
      %get3A_685 = arith.constant 32 : index
      %get3A_686 = tpu.vector_load %arg20[%get3A_685] {strides = array<i32>} : memref<80xf32, #tpu.memory_space<vmem>>, vector<16xf32>,
      %get3A_687 = arith.constant 32 : index
      %get3A_688 = tpu.vector_load %arg23[%get3A_687] {strides = array<i32>} : memref<80xf32, #tpu.memory_space<vmem>>, vector<16xf32>,
      %add3A_689 = arith.addf %get3A_686, %get3A_688 : vector<16xf32>
      %gt3A_690 = arith.constant 0.000000e+00 : f32
      %gt3A_691 = vector.broadcast %gt3A_690 : f32 to vector<16xf32>
      %gt3A_692 = arith.cmpf ogt, %add3A_689, %gt3A_691 : vector<16xf32>
      %mul3A_693 = arith.constant 2.000000e-01 : f32
      %mul3A_694 = vector.broadcast %mul3A_693 : f32 to vector<16xf32>
      %mul3A_695 = arith.mulf %mul3A_694, %add3A_689 : vector<16xf32>
      %select_n3A_696 = arith.select %gt3A_692, %add3A_689, %mul3A_695 : vector<16xi1>, vector<16xf32>
      %exp3A_697 = math.exp %select_n3A_696 : vector<16xf32>
      tpu.vector_store_idx %arg26[%add3A_684, %broadcast_in_dim3A_2], %exp3A_697 : memref<80x8xf32, #tpu.memory_space<vmem>>[vector<16xi32>, vector<16xi32>], vector<16xf32>,
      %add3A_698 = arith.constant 48 : i32
      %add3A_699 = vector.broadcast %add3A_698 : i32 to vector<16xi32>
      %add3A_700 = arith.addi %iota3A, %add3A_699 : vector<16xi32>
      %get3A_701 = arith.constant 48 : index
      %get3A_702 = tpu.vector_load %arg20[%get3A_701] {strides = array<i32>} : memref<80xf32, #tpu.memory_space<vmem>>, vector<16xf32>,
      %get3A_703 = arith.constant 48 : index
      %get3A_704 = tpu.vector_load %arg23[%get3A_703] {strides = array<i32>} : memref<80xf32, #tpu.memory_space<vmem>>, vector<16xf32>,
      %add3A_705 = arith.addf %get3A_702, %get3A_704 : vector<16xf32>
      %gt3A_706 = arith.constant 0.000000e+00 : f32
      %gt3A_707 = vector.broadcast %gt3A_706 : f32 to vector<16xf32>
      %gt3A_708 = arith.cmpf ogt, %add3A_705, %gt3A_707 : vector<16xf32>
      %mul3A_709 = arith.constant 2.000000e-01 : f32
      %mul3A_710 = vector.broadcast %mul3A_709 : f32 to vector<16xf32>
      %mul3A_711 = arith.mulf %mul3A_710, %add3A_705 : vector<16xf32>
      %select_n3A_712 = arith.select %gt3A_708, %add3A_705, %mul3A_711 : vector<16xi1>, vector<16xf32>
      %exp3A_713 = math.exp %select_n3A_712 : vector<16xf32>
      tpu.vector_store_idx %arg26[%add3A_700, %broadcast_in_dim3A_2], %exp3A_713 : memref<80x8xf32, #tpu.memory_space<vmem>>[vector<16xi32>, vector<16xi32>], vector<16xf32>,
      %add3A_714 = arith.constant 64 : i32
      %add3A_715 = vector.broadcast %add3A_714 : i32 to vector<16xi32>
      %add3A_716 = arith.addi %iota3A, %add3A_715 : vector<16xi32>
      %get3A_717 = arith.constant 64 : index
      %get3A_718 = tpu.vector_load %arg20[%get3A_717] {strides = array<i32>} : memref<80xf32, #tpu.memory_space<vmem>>, vector<16xf32>,
      %get3A_719 = arith.constant 64 : index
      %get3A_720 = tpu.vector_load %arg23[%get3A_719] {strides = array<i32>} : memref<80xf32, #tpu.memory_space<vmem>>, vector<16xf32>,
      %add3A_721 = arith.addf %get3A_718, %get3A_720 : vector<16xf32>
      %gt3A_722 = arith.constant 0.000000e+00 : f32
      %gt3A_723 = vector.broadcast %gt3A_722 : f32 to vector<16xf32>
      %gt3A_724 = arith.cmpf ogt, %add3A_721, %gt3A_723 : vector<16xf32>
      %mul3A_725 = arith.constant 2.000000e-01 : f32
      %mul3A_726 = vector.broadcast %mul3A_725 : f32 to vector<16xf32>
      %mul3A_727 = arith.mulf %mul3A_726, %add3A_721 : vector<16xf32>
      %select_n3A_728 = arith.select %gt3A_724, %add3A_721, %mul3A_727 : vector<16xi1>, vector<16xf32>
      %exp3A_729 = math.exp %select_n3A_728 : vector<16xf32>
      tpu.vector_store_idx %arg26[%add3A_716, %broadcast_in_dim3A_2], %exp3A_729 : memref<80x8xf32, #tpu.memory_space<vmem>>[vector<16xi32>, vector<16xi32>], vector<16xf32>,
      %parallel_loop3A_730 = arith.constant 0 : i32
      %parallel_loop3A_731 = arith.constant 80 : i32
      %parallel_loop3A_732 = arith.constant 1 : i32
      scf.for %parallel_loop3A_880 = %parallel_loop3A_730 to %parallel_loop3A_731 step %parallel_loop3A_732  : i32 {
        %parallel_loop3A_881 = vector.broadcast %parallel_loop3A_880 : i32 to vector<16xi32>
        %parallel_loop3A_882 = tpu.vector_load_idx %arg26[%parallel_loop3A_881, %broadcast_in_dim3A_2] : memref<80x8xf32, #tpu.memory_space<vmem>>[vector<16xi32>, vector<16xi32>], vector<16xf32>,
        %parallel_loop3A_883 = arith.index_cast %parallel_loop3A_880 : i32 to index
        %parallel_loop3A_884 = arith.constant 0 : index
        %parallel_loop3A_885 = tpu.vector_load %arg11[%parallel_loop3A_883, %parallel_loop3A_884] {strides = array<i32>} : memref<80x128xf32, #tpu.memory_space<vmem>>, vector<16xf32>,
        %parallel_loop3A_886 = arith.mulf %parallel_loop3A_885, %parallel_loop3A_882 : vector<16xf32>
        %parallel_loop3A_887 = arith.index_cast %parallel_loop3A_880 : i32 to index
        %parallel_loop3A_888 = arith.constant 0 : index
        %parallel_loop3A_889 = tpu.vector_load %arg11[%parallel_loop3A_887, %parallel_loop3A_888] {strides = array<i32>} : memref<80x128xf32, #tpu.memory_space<vmem>>, vector<16xf32>,
        tpu.vector_store %arg11[%parallel_loop3A_887, %parallel_loop3A_888], %parallel_loop3A_886 {strides = array<i32>} : memref<80x128xf32, #tpu.memory_space<vmem>>, vector<16xf32>,
        %parallel_loop3A_890 = arith.index_cast %parallel_loop3A_880 : i32 to index
        %parallel_loop3A_891 = arith.constant 16 : index
        %parallel_loop3A_892 = tpu.vector_load %arg11[%parallel_loop3A_890, %parallel_loop3A_891] {strides = array<i32>} : memref<80x128xf32, #tpu.memory_space<vmem>>, vector<16xf32>,
        %parallel_loop3A_893 = arith.mulf %parallel_loop3A_892, %parallel_loop3A_882 : vector<16xf32>
        %parallel_loop3A_894 = arith.index_cast %parallel_loop3A_880 : i32 to index
        %parallel_loop3A_895 = arith.constant 16 : index
        %parallel_loop3A_896 = tpu.vector_load %arg11[%parallel_loop3A_894, %parallel_loop3A_895] {strides = array<i32>} : memref<80x128xf32, #tpu.memory_space<vmem>>, vector<16xf32>,
        tpu.vector_store %arg11[%parallel_loop3A_894, %parallel_loop3A_895], %parallel_loop3A_893 {strides = array<i32>} : memref<80x128xf32, #tpu.memory_space<vmem>>, vector<16xf32>,
        %parallel_loop3A_897 = arith.index_cast %parallel_loop3A_880 : i32 to index
        %parallel_loop3A_898 = arith.constant 32 : index
        %parallel_loop3A_899 = tpu.vector_load %arg11[%parallel_loop3A_897, %parallel_loop3A_898] {strides = array<i32>} : memref<80x128xf32, #tpu.memory_space<vmem>>, vector<16xf32>,
        %parallel_loop3A_900 = arith.mulf %parallel_loop3A_899, %parallel_loop3A_882 : vector<16xf32>
        %parallel_loop3A_901 = arith.index_cast %parallel_loop3A_880 : i32 to index
        %parallel_loop3A_902 = arith.constant 32 : index
        %parallel_loop3A_903 = tpu.vector_load %arg11[%parallel_loop3A_901, %parallel_loop3A_902] {strides = array<i32>} : memref<80x128xf32, #tpu.memory_space<vmem>>, vector<16xf32>,
        tpu.vector_store %arg11[%parallel_loop3A_901, %parallel_loop3A_902], %parallel_loop3A_900 {strides = array<i32>} : memref<80x128xf32, #tpu.memory_space<vmem>>, vector<16xf32>,
        %parallel_loop3A_904 = arith.index_cast %parallel_loop3A_880 : i32 to index
        %parallel_loop3A_905 = arith.constant 48 : index
        %parallel_loop3A_906 = tpu.vector_load %arg11[%parallel_loop3A_904, %parallel_loop3A_905] {strides = array<i32>} : memref<80x128xf32, #tpu.memory_space<vmem>>, vector<16xf32>,
        %parallel_loop3A_907 = arith.mulf %parallel_loop3A_906, %parallel_loop3A_882 : vector<16xf32>
        %parallel_loop3A_908 = arith.index_cast %parallel_loop3A_880 : i32 to index
        %parallel_loop3A_909 = arith.constant 48 : index
        %parallel_loop3A_910 = tpu.vector_load %arg11[%parallel_loop3A_908, %parallel_loop3A_909] {strides = array<i32>} : memref<80x128xf32, #tpu.memory_space<vmem>>, vector<16xf32>,
        tpu.vector_store %arg11[%parallel_loop3A_908, %parallel_loop3A_909], %parallel_loop3A_907 {strides = array<i32>} : memref<80x128xf32, #tpu.memory_space<vmem>>, vector<16xf32>,
        %parallel_loop3A_911 = arith.index_cast %parallel_loop3A_880 : i32 to index
        %parallel_loop3A_912 = arith.constant 64 : index
        %parallel_loop3A_913 = tpu.vector_load %arg11[%parallel_loop3A_911, %parallel_loop3A_912] {strides = array<i32>} : memref<80x128xf32, #tpu.memory_space<vmem>>, vector<16xf32>,
        %parallel_loop3A_914 = arith.mulf %parallel_loop3A_913, %parallel_loop3A_882 : vector<16xf32>
        %parallel_loop3A_915 = arith.index_cast %parallel_loop3A_880 : i32 to index
        %parallel_loop3A_916 = arith.constant 64 : index
        %parallel_loop3A_917 = tpu.vector_load %arg11[%parallel_loop3A_915, %parallel_loop3A_916] {strides = array<i32>} : memref<80x128xf32, #tpu.memory_space<vmem>>, vector<16xf32>,
        tpu.vector_store %arg11[%parallel_loop3A_915, %parallel_loop3A_916], %parallel_loop3A_914 {strides = array<i32>} : memref<80x128xf32, #tpu.memory_space<vmem>>, vector<16xf32>,
        %parallel_loop3A_918 = arith.index_cast %parallel_loop3A_880 : i32 to index
        %parallel_loop3A_919 = arith.constant 80 : index
        %parallel_loop3A_920 = tpu.vector_load %arg11[%parallel_loop3A_918, %parallel_loop3A_919] {strides = array<i32>} : memref<80x128xf32, #tpu.memory_space<vmem>>, vector<16xf32>,
        %parallel_loop3A_921 = arith.mulf %parallel_loop3A_920, %parallel_loop3A_882 : vector<16xf32>
        %parallel_loop3A_922 = arith.index_cast %parallel_loop3A_880 : i32 to index
        %parallel_loop3A_923 = arith.constant 80 : index
        %parallel_loop3A_924 = tpu.vector_load %arg11[%parallel_loop3A_922, %parallel_loop3A_923] {strides = array<i32>} : memref<80x128xf32, #tpu.memory_space<vmem>>, vector<16xf32>,
        tpu.vector_store %arg11[%parallel_loop3A_922, %parallel_loop3A_923], %parallel_loop3A_921 {strides = array<i32>} : memref<80x128xf32, #tpu.memory_space<vmem>>, vector<16xf32>,
        %parallel_loop3A_925 = arith.index_cast %parallel_loop3A_880 : i32 to index
        %parallel_loop3A_926 = arith.constant 96 : index
        %parallel_loop3A_927 = tpu.vector_load %arg11[%parallel_loop3A_925, %parallel_loop3A_926] {strides = array<i32>} : memref<80x128xf32, #tpu.memory_space<vmem>>, vector<16xf32>,
        %parallel_loop3A_928 = arith.mulf %parallel_loop3A_927, %parallel_loop3A_882 : vector<16xf32>
        %parallel_loop3A_929 = arith.index_cast %parallel_loop3A_880 : i32 to index
        %parallel_loop3A_930 = arith.constant 96 : index
        %parallel_loop3A_931 = tpu.vector_load %arg11[%parallel_loop3A_929, %parallel_loop3A_930] {strides = array<i32>} : memref<80x128xf32, #tpu.memory_space<vmem>>, vector<16xf32>,
        tpu.vector_store %arg11[%parallel_loop3A_929, %parallel_loop3A_930], %parallel_loop3A_928 {strides = array<i32>} : memref<80x128xf32, #tpu.memory_space<vmem>>, vector<16xf32>,
        %parallel_loop3A_932 = arith.index_cast %parallel_loop3A_880 : i32 to index
        %parallel_loop3A_933 = arith.constant 112 : index
        %parallel_loop3A_934 = tpu.vector_load %arg11[%parallel_loop3A_932, %parallel_loop3A_933] {strides = array<i32>} : memref<80x128xf32, #tpu.memory_space<vmem>>, vector<16xf32>,
        %parallel_loop3A_935 = arith.mulf %parallel_loop3A_934, %parallel_loop3A_882 : vector<16xf32>
        %parallel_loop3A_936 = arith.index_cast %parallel_loop3A_880 : i32 to index
        %parallel_loop3A_937 = arith.constant 112 : index
        %parallel_loop3A_938 = tpu.vector_load %arg11[%parallel_loop3A_936, %parallel_loop3A_937] {strides = array<i32>} : memref<80x128xf32, #tpu.memory_space<vmem>>, vector<16xf32>,
        tpu.vector_store %arg11[%parallel_loop3A_936, %parallel_loop3A_937], %parallel_loop3A_935 {strides = array<i32>} : memref<80x128xf32, #tpu.memory_space<vmem>>, vector<16xf32>,
      } {sc.loop_unroll_factor = 4 : i64, sc.parallel_access}
      %dma_start3A_733 = arith.constant 0 : i32
      %dma_start3A_734 = arith.constant 0 : i32
      %dma_start3A_735 = tpu.memref_slice %arg28[%dma_start3A_733, %dma_start3A_734] : memref<10240x128xf32, #tpu.memory_space<vmem_shared>> -> memref<10240x128xf32, #tpu.memory_space<vmem_shared>>
      tpu.enqueue_indirect_dma source(%arg11 : memref<80x128xf32, #tpu.memory_space<vmem>>) target(%dma_start3A_735 : memref<10240x128xf32, #tpu.memory_space<vmem_shared>>) offsets(%arg14 : memref<80xi32, #tpu.memory_space<vmem>>) semaphore(%arg34 : memref<!tpu.dma_semaphore, #tpu.memory_space<semaphore_mem>>) {add = true}
      %dma_start3A_736 = arith.constant 0 : i32
      %dma_start3A_737 = arith.constant 0 : i32
      %dma_start3A_738 = tpu.memref_slice %arg29[%dma_start3A_736, %dma_start3A_737] : memref<10240x8xf32, #tpu.memory_space<vmem_shared>> -> memref<10240x8xf32, #tpu.memory_space<vmem_shared>>
      tpu.enqueue_indirect_dma source(%arg26 : memref<80x8xf32, #tpu.memory_space<vmem>>) target(%dma_start3A_738 : memref<10240x8xf32, #tpu.memory_space<vmem_shared>>) offsets(%arg14 : memref<80xi32, #tpu.memory_space<vmem>>) semaphore(%arg34 : memref<!tpu.dma_semaphore, #tpu.memory_space<semaphore_mem>>) {add = true}
      %dma_wait3A_739 = arith.constant 0 : i32
      %dma_wait3A_740 = arith.constant 0 : i32
      %dma_wait3A_741 = tpu.memref_slice %arg2[%dma_wait3A_739, %dma_wait3A_740] : memref<10000x128xf32, #tpu.memory_space<hbm>> -> memref<10000x128xf32, #tpu.memory_space<hbm>>
      tpu.wait_indirect_dma semaphore(%arg32 : memref<!tpu.dma_semaphore, #tpu.memory_space<semaphore_mem>>) src(%dma_wait3A_741 : memref<10000x128xf32, #tpu.memory_space<hbm>>) dst(%arg12 : memref<80x128xf32, #tpu.memory_space<vmem>>)
      %dma_wait3A_742 = arith.constant 0 : i32
      %dma_wait3A_743 = tpu.memref_slice %arg3[%dma_wait3A_742] : memref<10000xf32, #tpu.memory_space<hbm>> -> memref<10000xf32, #tpu.memory_space<hbm>>
      tpu.wait_indirect_dma semaphore(%arg32 : memref<!tpu.dma_semaphore, #tpu.memory_space<semaphore_mem>>) src(%dma_wait3A_743 : memref<10000xf32, #tpu.memory_space<hbm>>) dst(%arg21 : memref<80xf32, #tpu.memory_space<vmem>>)
      %dma_wait3A_744 = arith.constant 0 : i32
      %dma_wait3A_745 = tpu.memref_slice %arg4[%dma_wait3A_744] : memref<10000xf32, #tpu.memory_space<hbm>> -> memref<10000xf32, #tpu.memory_space<hbm>>
      tpu.wait_indirect_dma semaphore(%arg32 : memref<!tpu.dma_semaphore, #tpu.memory_space<semaphore_mem>>) src(%dma_wait3A_745 : memref<10000xf32, #tpu.memory_space<hbm>>) dst(%arg24 : memref<80xf32, #tpu.memory_space<vmem>>)
      %add3A_746 = arith.constant 0 : i32
      %add3A_747 = vector.broadcast %add3A_746 : i32 to vector<16xi32>
      %add3A_748 = arith.addi %iota3A, %add3A_747 : vector<16xi32>
      %get3A_749 = arith.constant 0 : index
      %get3A_750 = tpu.vector_load %arg21[%get3A_749] {strides = array<i32>} : memref<80xf32, #tpu.memory_space<vmem>>, vector<16xf32>,
      %get3A_751 = arith.constant 0 : index
      %get3A_752 = tpu.vector_load %arg24[%get3A_751] {strides = array<i32>} : memref<80xf32, #tpu.memory_space<vmem>>, vector<16xf32>,
      %add3A_753 = arith.addf %get3A_750, %get3A_752 : vector<16xf32>
      %gt3A_754 = arith.constant 0.000000e+00 : f32
      %gt3A_755 = vector.broadcast %gt3A_754 : f32 to vector<16xf32>
      %gt3A_756 = arith.cmpf ogt, %add3A_753, %gt3A_755 : vector<16xf32>
      %mul3A_757 = arith.constant 2.000000e-01 : f32
      %mul3A_758 = vector.broadcast %mul3A_757 : f32 to vector<16xf32>
      %mul3A_759 = arith.mulf %mul3A_758, %add3A_753 : vector<16xf32>
      %select_n3A_760 = arith.select %gt3A_756, %add3A_753, %mul3A_759 : vector<16xi1>, vector<16xf32>
      %exp3A_761 = math.exp %select_n3A_760 : vector<16xf32>
      tpu.vector_store_idx %arg27[%add3A_748, %broadcast_in_dim3A_2], %exp3A_761 : memref<80x8xf32, #tpu.memory_space<vmem>>[vector<16xi32>, vector<16xi32>], vector<16xf32>,
      %add3A_762 = arith.constant 16 : i32
      %add3A_763 = vector.broadcast %add3A_762 : i32 to vector<16xi32>
      %add3A_764 = arith.addi %iota3A, %add3A_763 : vector<16xi32>
      %get3A_765 = arith.constant 16 : index
      %get3A_766 = tpu.vector_load %arg21[%get3A_765] {strides = array<i32>} : memref<80xf32, #tpu.memory_space<vmem>>, vector<16xf32>,
      %get3A_767 = arith.constant 16 : index
      %get3A_768 = tpu.vector_load %arg24[%get3A_767] {strides = array<i32>} : memref<80xf32, #tpu.memory_space<vmem>>, vector<16xf32>,
      %add3A_769 = arith.addf %get3A_766, %get3A_768 : vector<16xf32>
      %gt3A_770 = arith.constant 0.000000e+00 : f32
      %gt3A_771 = vector.broadcast %gt3A_770 : f32 to vector<16xf32>
      %gt3A_772 = arith.cmpf ogt, %add3A_769, %gt3A_771 : vector<16xf32>
      %mul3A_773 = arith.constant 2.000000e-01 : f32
      %mul3A_774 = vector.broadcast %mul3A_773 : f32 to vector<16xf32>
      %mul3A_775 = arith.mulf %mul3A_774, %add3A_769 : vector<16xf32>
      %select_n3A_776 = arith.select %gt3A_772, %add3A_769, %mul3A_775 : vector<16xi1>, vector<16xf32>
      %exp3A_777 = math.exp %select_n3A_776 : vector<16xf32>
      tpu.vector_store_idx %arg27[%add3A_764, %broadcast_in_dim3A_2], %exp3A_777 : memref<80x8xf32, #tpu.memory_space<vmem>>[vector<16xi32>, vector<16xi32>], vector<16xf32>,
      %add3A_778 = arith.constant 32 : i32
      %add3A_779 = vector.broadcast %add3A_778 : i32 to vector<16xi32>
      %add3A_780 = arith.addi %iota3A, %add3A_779 : vector<16xi32>
      %get3A_781 = arith.constant 32 : index
      %get3A_782 = tpu.vector_load %arg21[%get3A_781] {strides = array<i32>} : memref<80xf32, #tpu.memory_space<vmem>>, vector<16xf32>,
      %get3A_783 = arith.constant 32 : index
      %get3A_784 = tpu.vector_load %arg24[%get3A_783] {strides = array<i32>} : memref<80xf32, #tpu.memory_space<vmem>>, vector<16xf32>,
      %add3A_785 = arith.addf %get3A_782, %get3A_784 : vector<16xf32>
      %gt3A_786 = arith.constant 0.000000e+00 : f32
      %gt3A_787 = vector.broadcast %gt3A_786 : f32 to vector<16xf32>
      %gt3A_788 = arith.cmpf ogt, %add3A_785, %gt3A_787 : vector<16xf32>
      %mul3A_789 = arith.constant 2.000000e-01 : f32
      %mul3A_790 = vector.broadcast %mul3A_789 : f32 to vector<16xf32>
      %mul3A_791 = arith.mulf %mul3A_790, %add3A_785 : vector<16xf32>
      %select_n3A_792 = arith.select %gt3A_788, %add3A_785, %mul3A_791 : vector<16xi1>, vector<16xf32>
      %exp3A_793 = math.exp %select_n3A_792 : vector<16xf32>
      tpu.vector_store_idx %arg27[%add3A_780, %broadcast_in_dim3A_2], %exp3A_793 : memref<80x8xf32, #tpu.memory_space<vmem>>[vector<16xi32>, vector<16xi32>], vector<16xf32>,
      %add3A_794 = arith.constant 48 : i32
      %add3A_795 = vector.broadcast %add3A_794 : i32 to vector<16xi32>
      %add3A_796 = arith.addi %iota3A, %add3A_795 : vector<16xi32>
      %get3A_797 = arith.constant 48 : index
      %get3A_798 = tpu.vector_load %arg21[%get3A_797] {strides = array<i32>} : memref<80xf32, #tpu.memory_space<vmem>>, vector<16xf32>,
      %get3A_799 = arith.constant 48 : index
      %get3A_800 = tpu.vector_load %arg24[%get3A_799] {strides = array<i32>} : memref<80xf32, #tpu.memory_space<vmem>>, vector<16xf32>,
      %add3A_801 = arith.addf %get3A_798, %get3A_800 : vector<16xf32>
      %gt3A_802 = arith.constant 0.000000e+00 : f32
      %gt3A_803 = vector.broadcast %gt3A_802 : f32 to vector<16xf32>
      %gt3A_804 = arith.cmpf ogt, %add3A_801, %gt3A_803 : vector<16xf32>
      %mul3A_805 = arith.constant 2.000000e-01 : f32
      %mul3A_806 = vector.broadcast %mul3A_805 : f32 to vector<16xf32>
      %mul3A_807 = arith.mulf %mul3A_806, %add3A_801 : vector<16xf32>
      %select_n3A_808 = arith.select %gt3A_804, %add3A_801, %mul3A_807 : vector<16xi1>, vector<16xf32>
      %exp3A_809 = math.exp %select_n3A_808 : vector<16xf32>
      tpu.vector_store_idx %arg27[%add3A_796, %broadcast_in_dim3A_2], %exp3A_809 : memref<80x8xf32, #tpu.memory_space<vmem>>[vector<16xi32>, vector<16xi32>], vector<16xf32>,
      %add3A_810 = arith.constant 64 : i32
      %add3A_811 = vector.broadcast %add3A_810 : i32 to vector<16xi32>
      %add3A_812 = arith.addi %iota3A, %add3A_811 : vector<16xi32>
      %get3A_813 = arith.constant 64 : index
      %get3A_814 = tpu.vector_load %arg21[%get3A_813] {strides = array<i32>} : memref<80xf32, #tpu.memory_space<vmem>>, vector<16xf32>,
      %get3A_815 = arith.constant 64 : index
      %get3A_816 = tpu.vector_load %arg24[%get3A_815] {strides = array<i32>} : memref<80xf32, #tpu.memory_space<vmem>>, vector<16xf32>,
      %add3A_817 = arith.addf %get3A_814, %get3A_816 : vector<16xf32>
      %gt3A_818 = arith.constant 0.000000e+00 : f32
      %gt3A_819 = vector.broadcast %gt3A_818 : f32 to vector<16xf32>
      %gt3A_820 = arith.cmpf ogt, %add3A_817, %gt3A_819 : vector<16xf32>
      %mul3A_821 = arith.constant 2.000000e-01 : f32
      %mul3A_822 = vector.broadcast %mul3A_821 : f32 to vector<16xf32>
      %mul3A_823 = arith.mulf %mul3A_822, %add3A_817 : vector<16xf32>
      %select_n3A_824 = arith.select %gt3A_820, %add3A_817, %mul3A_823 : vector<16xi1>, vector<16xf32>
      %exp3A_825 = math.exp %select_n3A_824 : vector<16xf32>
      tpu.vector_store_idx %arg27[%add3A_812, %broadcast_in_dim3A_2], %exp3A_825 : memref<80x8xf32, #tpu.memory_space<vmem>>[vector<16xi32>, vector<16xi32>], vector<16xf32>,
      %parallel_loop3A_826 = arith.constant 0 : i32
      %parallel_loop3A_827 = arith.constant 80 : i32
      %parallel_loop3A_828 = arith.constant 1 : i32
      scf.for %parallel_loop3A_880 = %parallel_loop3A_826 to %parallel_loop3A_827 step %parallel_loop3A_828  : i32 {
        %parallel_loop3A_881 = vector.broadcast %parallel_loop3A_880 : i32 to vector<16xi32>
        %parallel_loop3A_882 = tpu.vector_load_idx %arg27[%parallel_loop3A_881, %broadcast_in_dim3A_2] : memref<80x8xf32, #tpu.memory_space<vmem>>[vector<16xi32>, vector<16xi32>], vector<16xf32>,
        %parallel_loop3A_883 = arith.index_cast %parallel_loop3A_880 : i32 to index
        %parallel_loop3A_884 = arith.constant 0 : index
        %parallel_loop3A_885 = tpu.vector_load %arg12[%parallel_loop3A_883, %parallel_loop3A_884] {strides = array<i32>} : memref<80x128xf32, #tpu.memory_space<vmem>>, vector<16xf32>,
        %parallel_loop3A_886 = arith.mulf %parallel_loop3A_885, %parallel_loop3A_882 : vector<16xf32>
        %parallel_loop3A_887 = arith.index_cast %parallel_loop3A_880 : i32 to index
        %parallel_loop3A_888 = arith.constant 0 : index
        %parallel_loop3A_889 = tpu.vector_load %arg12[%parallel_loop3A_887, %parallel_loop3A_888] {strides = array<i32>} : memref<80x128xf32, #tpu.memory_space<vmem>>, vector<16xf32>,
        tpu.vector_store %arg12[%parallel_loop3A_887, %parallel_loop3A_888], %parallel_loop3A_886 {strides = array<i32>} : memref<80x128xf32, #tpu.memory_space<vmem>>, vector<16xf32>,
        %parallel_loop3A_890 = arith.index_cast %parallel_loop3A_880 : i32 to index
        %parallel_loop3A_891 = arith.constant 16 : index
        %parallel_loop3A_892 = tpu.vector_load %arg12[%parallel_loop3A_890, %parallel_loop3A_891] {strides = array<i32>} : memref<80x128xf32, #tpu.memory_space<vmem>>, vector<16xf32>,
        %parallel_loop3A_893 = arith.mulf %parallel_loop3A_892, %parallel_loop3A_882 : vector<16xf32>
        %parallel_loop3A_894 = arith.index_cast %parallel_loop3A_880 : i32 to index
        %parallel_loop3A_895 = arith.constant 16 : index
        %parallel_loop3A_896 = tpu.vector_load %arg12[%parallel_loop3A_894, %parallel_loop3A_895] {strides = array<i32>} : memref<80x128xf32, #tpu.memory_space<vmem>>, vector<16xf32>,
        tpu.vector_store %arg12[%parallel_loop3A_894, %parallel_loop3A_895], %parallel_loop3A_893 {strides = array<i32>} : memref<80x128xf32, #tpu.memory_space<vmem>>, vector<16xf32>,
        %parallel_loop3A_897 = arith.index_cast %parallel_loop3A_880 : i32 to index
        %parallel_loop3A_898 = arith.constant 32 : index
        %parallel_loop3A_899 = tpu.vector_load %arg12[%parallel_loop3A_897, %parallel_loop3A_898] {strides = array<i32>} : memref<80x128xf32, #tpu.memory_space<vmem>>, vector<16xf32>,
        %parallel_loop3A_900 = arith.mulf %parallel_loop3A_899, %parallel_loop3A_882 : vector<16xf32>
        %parallel_loop3A_901 = arith.index_cast %parallel_loop3A_880 : i32 to index
        %parallel_loop3A_902 = arith.constant 32 : index
        %parallel_loop3A_903 = tpu.vector_load %arg12[%parallel_loop3A_901, %parallel_loop3A_902] {strides = array<i32>} : memref<80x128xf32, #tpu.memory_space<vmem>>, vector<16xf32>,
        tpu.vector_store %arg12[%parallel_loop3A_901, %parallel_loop3A_902], %parallel_loop3A_900 {strides = array<i32>} : memref<80x128xf32, #tpu.memory_space<vmem>>, vector<16xf32>,
        %parallel_loop3A_904 = arith.index_cast %parallel_loop3A_880 : i32 to index
        %parallel_loop3A_905 = arith.constant 48 : index
        %parallel_loop3A_906 = tpu.vector_load %arg12[%parallel_loop3A_904, %parallel_loop3A_905] {strides = array<i32>} : memref<80x128xf32, #tpu.memory_space<vmem>>, vector<16xf32>,
        %parallel_loop3A_907 = arith.mulf %parallel_loop3A_906, %parallel_loop3A_882 : vector<16xf32>
        %parallel_loop3A_908 = arith.index_cast %parallel_loop3A_880 : i32 to index
        %parallel_loop3A_909 = arith.constant 48 : index
        %parallel_loop3A_910 = tpu.vector_load %arg12[%parallel_loop3A_908, %parallel_loop3A_909] {strides = array<i32>} : memref<80x128xf32, #tpu.memory_space<vmem>>, vector<16xf32>,
        tpu.vector_store %arg12[%parallel_loop3A_908, %parallel_loop3A_909], %parallel_loop3A_907 {strides = array<i32>} : memref<80x128xf32, #tpu.memory_space<vmem>>, vector<16xf32>,
        %parallel_loop3A_911 = arith.index_cast %parallel_loop3A_880 : i32 to index
        %parallel_loop3A_912 = arith.constant 64 : index
        %parallel_loop3A_913 = tpu.vector_load %arg12[%parallel_loop3A_911, %parallel_loop3A_912] {strides = array<i32>} : memref<80x128xf32, #tpu.memory_space<vmem>>, vector<16xf32>,
        %parallel_loop3A_914 = arith.mulf %parallel_loop3A_913, %parallel_loop3A_882 : vector<16xf32>
        %parallel_loop3A_915 = arith.index_cast %parallel_loop3A_880 : i32 to index
        %parallel_loop3A_916 = arith.constant 64 : index
        %parallel_loop3A_917 = tpu.vector_load %arg12[%parallel_loop3A_915, %parallel_loop3A_916] {strides = array<i32>} : memref<80x128xf32, #tpu.memory_space<vmem>>, vector<16xf32>,
        tpu.vector_store %arg12[%parallel_loop3A_915, %parallel_loop3A_916], %parallel_loop3A_914 {strides = array<i32>} : memref<80x128xf32, #tpu.memory_space<vmem>>, vector<16xf32>,
        %parallel_loop3A_918 = arith.index_cast %parallel_loop3A_880 : i32 to index
        %parallel_loop3A_919 = arith.constant 80 : index
        %parallel_loop3A_920 = tpu.vector_load %arg12[%parallel_loop3A_918, %parallel_loop3A_919] {strides = array<i32>} : memref<80x128xf32, #tpu.memory_space<vmem>>, vector<16xf32>,
        %parallel_loop3A_921 = arith.mulf %parallel_loop3A_920, %parallel_loop3A_882 : vector<16xf32>
        %parallel_loop3A_922 = arith.index_cast %parallel_loop3A_880 : i32 to index
        %parallel_loop3A_923 = arith.constant 80 : index
        %parallel_loop3A_924 = tpu.vector_load %arg12[%parallel_loop3A_922, %parallel_loop3A_923] {strides = array<i32>} : memref<80x128xf32, #tpu.memory_space<vmem>>, vector<16xf32>,
        tpu.vector_store %arg12[%parallel_loop3A_922, %parallel_loop3A_923], %parallel_loop3A_921 {strides = array<i32>} : memref<80x128xf32, #tpu.memory_space<vmem>>, vector<16xf32>,
        %parallel_loop3A_925 = arith.index_cast %parallel_loop3A_880 : i32 to index
        %parallel_loop3A_926 = arith.constant 96 : index
        %parallel_loop3A_927 = tpu.vector_load %arg12[%parallel_loop3A_925, %parallel_loop3A_926] {strides = array<i32>} : memref<80x128xf32, #tpu.memory_space<vmem>>, vector<16xf32>,
        %parallel_loop3A_928 = arith.mulf %parallel_loop3A_927, %parallel_loop3A_882 : vector<16xf32>
        %parallel_loop3A_929 = arith.index_cast %parallel_loop3A_880 : i32 to index
        %parallel_loop3A_930 = arith.constant 96 : index
        %parallel_loop3A_931 = tpu.vector_load %arg12[%parallel_loop3A_929, %parallel_loop3A_930] {strides = array<i32>} : memref<80x128xf32, #tpu.memory_space<vmem>>, vector<16xf32>,
        tpu.vector_store %arg12[%parallel_loop3A_929, %parallel_loop3A_930], %parallel_loop3A_928 {strides = array<i32>} : memref<80x128xf32, #tpu.memory_space<vmem>>, vector<16xf32>,
        %parallel_loop3A_932 = arith.index_cast %parallel_loop3A_880 : i32 to index
        %parallel_loop3A_933 = arith.constant 112 : index
        %parallel_loop3A_934 = tpu.vector_load %arg12[%parallel_loop3A_932, %parallel_loop3A_933] {strides = array<i32>} : memref<80x128xf32, #tpu.memory_space<vmem>>, vector<16xf32>,
        %parallel_loop3A_935 = arith.mulf %parallel_loop3A_934, %parallel_loop3A_882 : vector<16xf32>
        %parallel_loop3A_936 = arith.index_cast %parallel_loop3A_880 : i32 to index
        %parallel_loop3A_937 = arith.constant 112 : index
        %parallel_loop3A_938 = tpu.vector_load %arg12[%parallel_loop3A_936, %parallel_loop3A_937] {strides = array<i32>} : memref<80x128xf32, #tpu.memory_space<vmem>>, vector<16xf32>,
        tpu.vector_store %arg12[%parallel_loop3A_936, %parallel_loop3A_937], %parallel_loop3A_935 {strides = array<i32>} : memref<80x128xf32, #tpu.memory_space<vmem>>, vector<16xf32>,
      } {sc.loop_unroll_factor = 4 : i64, sc.parallel_access}
      %dma_start3A_829 = arith.constant 0 : i32
      %dma_start3A_830 = arith.constant 0 : i32
      %dma_start3A_831 = tpu.memref_slice %arg28[%dma_start3A_829, %dma_start3A_830] : memref<10240x128xf32, #tpu.memory_space<vmem_shared>> -> memref<10240x128xf32, #tpu.memory_space<vmem_shared>>
      tpu.enqueue_indirect_dma source(%arg12 : memref<80x128xf32, #tpu.memory_space<vmem>>) target(%dma_start3A_831 : memref<10240x128xf32, #tpu.memory_space<vmem_shared>>) offsets(%arg15 : memref<80xi32, #tpu.memory_space<vmem>>) semaphore(%arg35 : memref<!tpu.dma_semaphore, #tpu.memory_space<semaphore_mem>>) {add = true}
      %dma_start3A_832 = arith.constant 0 : i32
      %dma_start3A_833 = arith.constant 0 : i32
      %dma_start3A_834 = tpu.memref_slice %arg29[%dma_start3A_832, %dma_start3A_833] : memref<10240x8xf32, #tpu.memory_space<vmem_shared>> -> memref<10240x8xf32, #tpu.memory_space<vmem_shared>>
      tpu.enqueue_indirect_dma source(%arg27 : memref<80x8xf32, #tpu.memory_space<vmem>>) target(%dma_start3A_834 : memref<10240x8xf32, #tpu.memory_space<vmem_shared>>) offsets(%arg15 : memref<80xi32, #tpu.memory_space<vmem>>) semaphore(%arg35 : memref<!tpu.dma_semaphore, #tpu.memory_space<semaphore_mem>>) {add = true}
      %dma_wait3A_835 = arith.constant 0 : i32
      %dma_wait3A_836 = arith.constant 0 : i32
      %dma_wait3A_837 = tpu.memref_slice %arg28[%dma_wait3A_835, %dma_wait3A_836] : memref<10240x128xf32, #tpu.memory_space<vmem_shared>> -> memref<10240x128xf32, #tpu.memory_space<vmem_shared>>
      tpu.wait_indirect_dma semaphore(%arg33 : memref<!tpu.dma_semaphore, #tpu.memory_space<semaphore_mem>>) src(%arg10 : memref<80x128xf32, #tpu.memory_space<vmem>>) dst(%dma_wait3A_837 : memref<10240x128xf32, #tpu.memory_space<vmem_shared>>)
      %dma_wait3A_838 = arith.constant 0 : i32
      %dma_wait3A_839 = arith.constant 0 : i32
      %dma_wait3A_840 = tpu.memref_slice %arg29[%dma_wait3A_838, %dma_wait3A_839] : memref<10240x8xf32, #tpu.memory_space<vmem_shared>> -> memref<10240x8xf32, #tpu.memory_space<vmem_shared>>
      tpu.wait_indirect_dma semaphore(%arg33 : memref<!tpu.dma_semaphore, #tpu.memory_space<semaphore_mem>>) src(%arg25 : memref<80x8xf32, #tpu.memory_space<vmem>>) dst(%dma_wait3A_840 : memref<10240x8xf32, #tpu.memory_space<vmem_shared>>)
      %dma_wait3A_841 = arith.constant 0 : i32
      %dma_wait3A_842 = arith.constant 0 : i32
      %dma_wait3A_843 = tpu.memref_slice %arg28[%dma_wait3A_841, %dma_wait3A_842] : memref<10240x128xf32, #tpu.memory_space<vmem_shared>> -> memref<10240x128xf32, #tpu.memory_space<vmem_shared>>
      tpu.wait_indirect_dma semaphore(%arg34 : memref<!tpu.dma_semaphore, #tpu.memory_space<semaphore_mem>>) src(%arg11 : memref<80x128xf32, #tpu.memory_space<vmem>>) dst(%dma_wait3A_843 : memref<10240x128xf32, #tpu.memory_space<vmem_shared>>)
      %dma_wait3A_844 = arith.constant 0 : i32
      %dma_wait3A_845 = arith.constant 0 : i32
      %dma_wait3A_846 = tpu.memref_slice %arg29[%dma_wait3A_844, %dma_wait3A_845] : memref<10240x8xf32, #tpu.memory_space<vmem_shared>> -> memref<10240x8xf32, #tpu.memory_space<vmem_shared>>
      tpu.wait_indirect_dma semaphore(%arg34 : memref<!tpu.dma_semaphore, #tpu.memory_space<semaphore_mem>>) src(%arg26 : memref<80x8xf32, #tpu.memory_space<vmem>>) dst(%dma_wait3A_846 : memref<10240x8xf32, #tpu.memory_space<vmem_shared>>)
      %dma_wait3A_847 = arith.constant 0 : i32
      %dma_wait3A_848 = arith.constant 0 : i32
      %dma_wait3A_849 = tpu.memref_slice %arg28[%dma_wait3A_847, %dma_wait3A_848] : memref<10240x128xf32, #tpu.memory_space<vmem_shared>> -> memref<10240x128xf32, #tpu.memory_space<vmem_shared>>
      tpu.wait_indirect_dma semaphore(%arg35 : memref<!tpu.dma_semaphore, #tpu.memory_space<semaphore_mem>>) src(%arg12 : memref<80x128xf32, #tpu.memory_space<vmem>>) dst(%dma_wait3A_849 : memref<10240x128xf32, #tpu.memory_space<vmem_shared>>)
      %dma_wait3A_850 = arith.constant 0 : i32
      %dma_wait3A_851 = arith.constant 0 : i32
      %dma_wait3A_852 = tpu.memref_slice %arg29[%dma_wait3A_850, %dma_wait3A_851] : memref<10240x8xf32, #tpu.memory_space<vmem_shared>> -> memref<10240x8xf32, #tpu.memory_space<vmem_shared>>
      tpu.wait_indirect_dma semaphore(%arg35 : memref<!tpu.dma_semaphore, #tpu.memory_space<semaphore_mem>>) src(%arg27 : memref<80x8xf32, #tpu.memory_space<vmem>>) dst(%dma_wait3A_852 : memref<10240x8xf32, #tpu.memory_space<vmem_shared>>)
      %add3A_853 = arith.constant 3 : i32
      %add3A_854 = arith.addi %mul3A_546, %add3A_853 : i32
      %add3A_855 = arith.constant 0 : i32
      %add3A_856 = arith.addi %add3A_854, %add3A_855 : i32
      %lt3A = arith.constant 125 : i32
      %lt3A_857 = arith.cmpi slt, %add3A_856, %lt3A : i32
      %convert_element_type3A_858 = arith.extui %lt3A_857 : i1 to i32
      %cond3A_859 = arith.constant 0 : i32
      %cond3A_860 = arith.cmpi ne, %convert_element_type3A_858, %cond3A_859 : i32
      scf.if %cond3A_860 {
        %rem3A_880 = arith.constant 25 : i32
        %rem3A_881 = arith.remsi %add3A_856, %rem3A_880 : i32
        %eq3A_882 = arith.constant 0 : i32
        %eq3A_883 = arith.cmpi eq, %rem3A_881, %eq3A_882 : i32
        %convert_element_type3A_884 = arith.extui %eq3A_883 : i1 to i32
        %cond3A_885 = arith.constant 0 : i32
        %cond3A_886 = arith.cmpi ne, %convert_element_type3A_884, %cond3A_885 : i32
        scf.if %cond3A_886 {
          %jit3A = arith.constant 25 : i32
          %div3A = arith.divsi %add3A_856, %jit3A : i32
          %sign3A = arith.constant 0 : i32
          %sign3A_958 = arith.cmpi sgt, %add3A_856, %sign3A : i32
          %sign3A_959 = arith.extui %sign3A_958 : i1 to i32
          %sign3A_960 = arith.constant 0 : i32
          %sign3A_961 = arith.cmpi slt, %add3A_856, %sign3A_960 : i32
          %sign3A_962 = arith.extui %sign3A_961 : i1 to i32
          %sign3A_963 = arith.subi %sign3A_959, %sign3A_962 : i32
          %sign3A_964 = arith.constant 0 : i32
          %sign3A_965 = arith.cmpi sgt, %jit3A, %sign3A_964 : i32
          %sign3A_966 = arith.extui %sign3A_965 : i1 to i32
          %sign3A_967 = arith.constant 0 : i32
          %sign3A_968 = arith.cmpi slt, %jit3A, %sign3A_967 : i32
          %sign3A_969 = arith.extui %sign3A_968 : i1 to i32
          %sign3A_970 = arith.subi %sign3A_966, %sign3A_969 : i32
          %ne3A = arith.cmpi ne, %sign3A_963, %sign3A_970 : i32
          %rem3A_971 = arith.remsi %add3A_856, %jit3A : i32
          %ne3A_972 = arith.constant 0 : i32
          %ne3A_973 = arith.cmpi ne, %rem3A_971, %ne3A_972 : i32
          %and3A_974 = arith.andi %ne3A, %ne3A_973 : i1
          %sub3A = arith.constant 1 : i32
          %sub3A_975 = arith.subi %div3A, %sub3A : i32
          %select_n3A_976 = arith.select %and3A_974, %sub3A_975, %div3A : i32
          %mul3A_977 = arith.constant 2000 : i32
          %mul3A_978 = arith.muli %select_n3A_976, %mul3A_977 : i32
          %add3A_979 = arith.addi %mul3A_70, %mul3A_978 : i32
          %run_scoped3A = arith.constant 0 : i32
          "tpu.region"() ({
            %run_scoped3A_981 = tpu.sem_alloc : memref<!tpu.dma_semaphore, #tpu.memory_space<semaphore_mem>>
            %dma_start3A_982 = tpu.memref_slice %arg5[%run_scoped3A, %add3A_979] : memref<2x320000xi32, #tpu.memory_space<hbm>> -> memref<1x2000xi32, #tpu.memory_space<hbm>>
            %dma_start3A_983 = tpu.memref_squeeze %dma_start3A_982 : memref<1x2000xi32, #tpu.memory_space<hbm>> -> memref<2000xi32, #tpu.memory_space<hbm>>
            %dma_start3A_984 = tpu.memref_slice %arg5[%run_scoped3A, %add3A_979] : memref<2x320000xi32, #tpu.memory_space<hbm>> -> memref<1x2000xi32, #tpu.memory_space<hbm>>
            %dma_start3A_985 = tpu.memref_squeeze %dma_start3A_984 : memref<1x2000xi32, #tpu.memory_space<hbm>> -> memref<2000xi32, #tpu.memory_space<hbm>>
            tpu.enqueue_dma source(%dma_start3A_985 : memref<2000xi32, #tpu.memory_space<hbm>>) target(%arg8 : memref<2000xi32, #tpu.memory_space<vmem>>) target_semaphore(%run_scoped3A_981 : memref<!tpu.dma_semaphore, #tpu.memory_space<semaphore_mem>>)
            %dma_wait3A_986 = tpu.memref_slice %arg5[%run_scoped3A, %add3A_979] : memref<2x320000xi32, #tpu.memory_space<hbm>> -> memref<1x2000xi32, #tpu.memory_space<hbm>>
            %dma_wait3A_987 = tpu.memref_squeeze %dma_wait3A_986 : memref<1x2000xi32, #tpu.memory_space<hbm>> -> memref<2000xi32, #tpu.memory_space<hbm>>
            %dma_wait3A_988 = tpu.memref_slice %arg5[%run_scoped3A, %add3A_979] : memref<2x320000xi32, #tpu.memory_space<hbm>> -> memref<1x2000xi32, #tpu.memory_space<hbm>>
            %dma_wait3A_989 = tpu.memref_squeeze %dma_wait3A_988 : memref<1x2000xi32, #tpu.memory_space<hbm>> -> memref<2000xi32, #tpu.memory_space<hbm>>
            tpu.wait_dma2 semaphore(%run_scoped3A_981 : memref<!tpu.dma_semaphore, #tpu.memory_space<semaphore_mem>>) src(%dma_wait3A_989 : memref<2000xi32, #tpu.memory_space<hbm>>) dst(%arg8 : memref<2000xi32, #tpu.memory_space<vmem>>)
            tpu.yield
          }) : () -> ()
          %run_scoped3A_980 = arith.constant 1 : i32
          "tpu.region"() ({
            %run_scoped3A_981 = tpu.sem_alloc : memref<!tpu.dma_semaphore, #tpu.memory_space<semaphore_mem>>
            %dma_start3A_982 = tpu.memref_slice %arg5[%run_scoped3A_980, %add3A_979] : memref<2x320000xi32, #tpu.memory_space<hbm>> -> memref<1x2000xi32, #tpu.memory_space<hbm>>
            %dma_start3A_983 = tpu.memref_squeeze %dma_start3A_982 : memref<1x2000xi32, #tpu.memory_space<hbm>> -> memref<2000xi32, #tpu.memory_space<hbm>>
            %dma_start3A_984 = tpu.memref_slice %arg5[%run_scoped3A_980, %add3A_979] : memref<2x320000xi32, #tpu.memory_space<hbm>> -> memref<1x2000xi32, #tpu.memory_space<hbm>>
            %dma_start3A_985 = tpu.memref_squeeze %dma_start3A_984 : memref<1x2000xi32, #tpu.memory_space<hbm>> -> memref<2000xi32, #tpu.memory_space<hbm>>
            tpu.enqueue_dma source(%dma_start3A_985 : memref<2000xi32, #tpu.memory_space<hbm>>) target(%arg9 : memref<2000xi32, #tpu.memory_space<vmem>>) target_semaphore(%run_scoped3A_981 : memref<!tpu.dma_semaphore, #tpu.memory_space<semaphore_mem>>)
            %dma_wait3A_986 = tpu.memref_slice %arg5[%run_scoped3A_980, %add3A_979] : memref<2x320000xi32, #tpu.memory_space<hbm>> -> memref<1x2000xi32, #tpu.memory_space<hbm>>
            %dma_wait3A_987 = tpu.memref_squeeze %dma_wait3A_986 : memref<1x2000xi32, #tpu.memory_space<hbm>> -> memref<2000xi32, #tpu.memory_space<hbm>>
            %dma_wait3A_988 = tpu.memref_slice %arg5[%run_scoped3A_980, %add3A_979] : memref<2x320000xi32, #tpu.memory_space<hbm>> -> memref<1x2000xi32, #tpu.memory_space<hbm>>
            %dma_wait3A_989 = tpu.memref_squeeze %dma_wait3A_988 : memref<1x2000xi32, #tpu.memory_space<hbm>> -> memref<2000xi32, #tpu.memory_space<hbm>>
            tpu.wait_dma2 semaphore(%run_scoped3A_981 : memref<!tpu.dma_semaphore, #tpu.memory_space<semaphore_mem>>) src(%dma_wait3A_989 : memref<2000xi32, #tpu.memory_space<hbm>>) dst(%arg9 : memref<2000xi32, #tpu.memory_space<vmem>>)
            tpu.yield
          }) : () -> ()
        } else {
        }
        %rem3A_887 = arith.constant 25 : i32
        %rem3A_888 = arith.remsi %add3A_856, %rem3A_887 : i32
        %mul3A_889 = arith.constant 80 : i32
        %mul3A_890 = arith.muli %rem3A_888, %mul3A_889 : i32
        %add3A_891 = arith.constant 0 : i32
        %add3A_892 = arith.addi %mul3A_890, %add3A_891 : i32
        %get3A_893 = arith.index_cast %add3A_892 : i32 to index
        %get3A_894 = tpu.vector_load %arg8[%get3A_893] {strides = array<i32>} : memref<2000xi32, #tpu.memory_space<vmem>>, vector<16xi32>,
        %swap3A_895 = arith.constant 0 : index
        %swap3A_896 = tpu.vector_load %arg13[%swap3A_895] {strides = array<i32>} : memref<80xi32, #tpu.memory_space<vmem>>, vector<16xi32>,
        tpu.vector_store %arg13[%swap3A_895], %get3A_894 {strides = array<i32>} : memref<80xi32, #tpu.memory_space<vmem>>, vector<16xi32>,
        %add3A_897 = arith.constant 0 : i32
        %add3A_898 = arith.addi %mul3A_890, %add3A_897 : i32
        %get3A_899 = arith.index_cast %add3A_898 : i32 to index
        %get3A_900 = tpu.vector_load %arg9[%get3A_899] {strides = array<i32>} : memref<2000xi32, #tpu.memory_space<vmem>>, vector<16xi32>,
        %swap3A_901 = arith.constant 0 : index
        %swap3A_902 = tpu.vector_load %arg16[%swap3A_901] {strides = array<i32>} : memref<80xi32, #tpu.memory_space<vmem>>, vector<16xi32>,
        tpu.vector_store %arg16[%swap3A_901], %get3A_900 {strides = array<i32>} : memref<80xi32, #tpu.memory_space<vmem>>, vector<16xi32>,
        %add3A_903 = arith.constant 16 : i32
        %add3A_904 = arith.addi %mul3A_890, %add3A_903 : i32
        %get3A_905 = arith.index_cast %add3A_904 : i32 to index
        %get3A_906 = tpu.vector_load %arg8[%get3A_905] {strides = array<i32>} : memref<2000xi32, #tpu.memory_space<vmem>>, vector<16xi32>,
        %swap3A_907 = arith.constant 16 : index
        %swap3A_908 = tpu.vector_load %arg13[%swap3A_907] {strides = array<i32>} : memref<80xi32, #tpu.memory_space<vmem>>, vector<16xi32>,
        tpu.vector_store %arg13[%swap3A_907], %get3A_906 {strides = array<i32>} : memref<80xi32, #tpu.memory_space<vmem>>, vector<16xi32>,
        %add3A_909 = arith.constant 16 : i32
        %add3A_910 = arith.addi %mul3A_890, %add3A_909 : i32
        %get3A_911 = arith.index_cast %add3A_910 : i32 to index
        %get3A_912 = tpu.vector_load %arg9[%get3A_911] {strides = array<i32>} : memref<2000xi32, #tpu.memory_space<vmem>>, vector<16xi32>,
        %swap3A_913 = arith.constant 16 : index
        %swap3A_914 = tpu.vector_load %arg16[%swap3A_913] {strides = array<i32>} : memref<80xi32, #tpu.memory_space<vmem>>, vector<16xi32>,
        tpu.vector_store %arg16[%swap3A_913], %get3A_912 {strides = array<i32>} : memref<80xi32, #tpu.memory_space<vmem>>, vector<16xi32>,
        %add3A_915 = arith.constant 32 : i32
        %add3A_916 = arith.addi %mul3A_890, %add3A_915 : i32
        %get3A_917 = arith.index_cast %add3A_916 : i32 to index
        %get3A_918 = tpu.vector_load %arg8[%get3A_917] {strides = array<i32>} : memref<2000xi32, #tpu.memory_space<vmem>>, vector<16xi32>,
        %swap3A_919 = arith.constant 32 : index
        %swap3A_920 = tpu.vector_load %arg13[%swap3A_919] {strides = array<i32>} : memref<80xi32, #tpu.memory_space<vmem>>, vector<16xi32>,
        tpu.vector_store %arg13[%swap3A_919], %get3A_918 {strides = array<i32>} : memref<80xi32, #tpu.memory_space<vmem>>, vector<16xi32>,
        %add3A_921 = arith.constant 32 : i32
        %add3A_922 = arith.addi %mul3A_890, %add3A_921 : i32
        %get3A_923 = arith.index_cast %add3A_922 : i32 to index
        %get3A_924 = tpu.vector_load %arg9[%get3A_923] {strides = array<i32>} : memref<2000xi32, #tpu.memory_space<vmem>>, vector<16xi32>,
        %swap3A_925 = arith.constant 32 : index
        %swap3A_926 = tpu.vector_load %arg16[%swap3A_925] {strides = array<i32>} : memref<80xi32, #tpu.memory_space<vmem>>, vector<16xi32>,
        tpu.vector_store %arg16[%swap3A_925], %get3A_924 {strides = array<i32>} : memref<80xi32, #tpu.memory_space<vmem>>, vector<16xi32>,
        %add3A_927 = arith.constant 48 : i32
        %add3A_928 = arith.addi %mul3A_890, %add3A_927 : i32
        %get3A_929 = arith.index_cast %add3A_928 : i32 to index
        %get3A_930 = tpu.vector_load %arg8[%get3A_929] {strides = array<i32>} : memref<2000xi32, #tpu.memory_space<vmem>>, vector<16xi32>,
        %swap3A_931 = arith.constant 48 : index
        %swap3A_932 = tpu.vector_load %arg13[%swap3A_931] {strides = array<i32>} : memref<80xi32, #tpu.memory_space<vmem>>, vector<16xi32>,
        tpu.vector_store %arg13[%swap3A_931], %get3A_930 {strides = array<i32>} : memref<80xi32, #tpu.memory_space<vmem>>, vector<16xi32>,
        %add3A_933 = arith.constant 48 : i32
        %add3A_934 = arith.addi %mul3A_890, %add3A_933 : i32
        %get3A_935 = arith.index_cast %add3A_934 : i32 to index
        %get3A_936 = tpu.vector_load %arg9[%get3A_935] {strides = array<i32>} : memref<2000xi32, #tpu.memory_space<vmem>>, vector<16xi32>,
        %swap3A_937 = arith.constant 48 : index
        %swap3A_938 = tpu.vector_load %arg16[%swap3A_937] {strides = array<i32>} : memref<80xi32, #tpu.memory_space<vmem>>, vector<16xi32>,
        tpu.vector_store %arg16[%swap3A_937], %get3A_936 {strides = array<i32>} : memref<80xi32, #tpu.memory_space<vmem>>, vector<16xi32>,
        %add3A_939 = arith.constant 64 : i32
        %add3A_940 = arith.addi %mul3A_890, %add3A_939 : i32
        %get3A_941 = arith.index_cast %add3A_940 : i32 to index
        %get3A_942 = tpu.vector_load %arg8[%get3A_941] {strides = array<i32>} : memref<2000xi32, #tpu.memory_space<vmem>>, vector<16xi32>,
        %swap3A_943 = arith.constant 64 : index
        %swap3A_944 = tpu.vector_load %arg13[%swap3A_943] {strides = array<i32>} : memref<80xi32, #tpu.memory_space<vmem>>, vector<16xi32>,
        tpu.vector_store %arg13[%swap3A_943], %get3A_942 {strides = array<i32>} : memref<80xi32, #tpu.memory_space<vmem>>, vector<16xi32>,
        %add3A_945 = arith.constant 64 : i32
        %add3A_946 = arith.addi %mul3A_890, %add3A_945 : i32
        %get3A_947 = arith.index_cast %add3A_946 : i32 to index
        %get3A_948 = tpu.vector_load %arg9[%get3A_947] {strides = array<i32>} : memref<2000xi32, #tpu.memory_space<vmem>>, vector<16xi32>,
        %swap3A_949 = arith.constant 64 : index
        %swap3A_950 = tpu.vector_load %arg16[%swap3A_949] {strides = array<i32>} : memref<80xi32, #tpu.memory_space<vmem>>, vector<16xi32>,
        tpu.vector_store %arg16[%swap3A_949], %get3A_948 {strides = array<i32>} : memref<80xi32, #tpu.memory_space<vmem>>, vector<16xi32>,
        %dma_start3A_951 = arith.constant 0 : i32
        %dma_start3A_952 = arith.constant 0 : i32
        %dma_start3A_953 = tpu.memref_slice %arg2[%dma_start3A_951, %dma_start3A_952] : memref<10000x128xf32, #tpu.memory_space<hbm>> -> memref<10000x128xf32, #tpu.memory_space<hbm>>
        tpu.enqueue_indirect_dma source(%dma_start3A_953 : memref<10000x128xf32, #tpu.memory_space<hbm>>) target(%arg10 : memref<80x128xf32, #tpu.memory_space<vmem>>) offsets(%arg16 : memref<80xi32, #tpu.memory_space<vmem>>) semaphore(%arg30 : memref<!tpu.dma_semaphore, #tpu.memory_space<semaphore_mem>>)
        %dma_start3A_954 = arith.constant 0 : i32
        %dma_start3A_955 = tpu.memref_slice %arg3[%dma_start3A_954] : memref<10000xf32, #tpu.memory_space<hbm>> -> memref<10000xf32, #tpu.memory_space<hbm>>
        tpu.enqueue_indirect_dma source(%dma_start3A_955 : memref<10000xf32, #tpu.memory_space<hbm>>) target(%arg19 : memref<80xf32, #tpu.memory_space<vmem>>) offsets(%arg13 : memref<80xi32, #tpu.memory_space<vmem>>) semaphore(%arg30 : memref<!tpu.dma_semaphore, #tpu.memory_space<semaphore_mem>>)
        %dma_start3A_956 = arith.constant 0 : i32
        %dma_start3A_957 = tpu.memref_slice %arg4[%dma_start3A_956] : memref<10000xf32, #tpu.memory_space<hbm>> -> memref<10000xf32, #tpu.memory_space<hbm>>
        tpu.enqueue_indirect_dma source(%dma_start3A_957 : memref<10000xf32, #tpu.memory_space<hbm>>) target(%arg22 : memref<80xf32, #tpu.memory_space<vmem>>) offsets(%arg16 : memref<80xi32, #tpu.memory_space<vmem>>) semaphore(%arg30 : memref<!tpu.dma_semaphore, #tpu.memory_space<semaphore_mem>>)
      } else {
      }
      %add3A_861 = arith.constant 3 : i32
      %add3A_862 = arith.addi %mul3A_546, %add3A_861 : i32
      %add3A_863 = arith.constant 1 : i32
      %add3A_864 = arith.addi %add3A_862, %add3A_863 : i32
      %lt3A_865 = arith.constant 125 : i32
      %lt3A_866 = arith.cmpi slt, %add3A_864, %lt3A_865 : i32
      %convert_element_type3A_867 = arith.extui %lt3A_866 : i1 to i32
      %cond3A_868 = arith.constant 0 : i32
      %cond3A_869 = arith.cmpi ne, %convert_element_type3A_867, %cond3A_868 : i32
      scf.if %cond3A_869 {
        %rem3A_880 = arith.constant 25 : i32
        %rem3A_881 = arith.remsi %add3A_864, %rem3A_880 : i32
        %eq3A_882 = arith.constant 0 : i32
        %eq3A_883 = arith.cmpi eq, %rem3A_881, %eq3A_882 : i32
        %convert_element_type3A_884 = arith.extui %eq3A_883 : i1 to i32
        %cond3A_885 = arith.constant 0 : i32
        %cond3A_886 = arith.cmpi ne, %convert_element_type3A_884, %cond3A_885 : i32
        scf.if %cond3A_886 {
          %jit3A = arith.constant 25 : i32
          %div3A = arith.divsi %add3A_864, %jit3A : i32
          %sign3A = arith.constant 0 : i32
          %sign3A_958 = arith.cmpi sgt, %add3A_864, %sign3A : i32
          %sign3A_959 = arith.extui %sign3A_958 : i1 to i32
          %sign3A_960 = arith.constant 0 : i32
          %sign3A_961 = arith.cmpi slt, %add3A_864, %sign3A_960 : i32
          %sign3A_962 = arith.extui %sign3A_961 : i1 to i32
          %sign3A_963 = arith.subi %sign3A_959, %sign3A_962 : i32
          %sign3A_964 = arith.constant 0 : i32
          %sign3A_965 = arith.cmpi sgt, %jit3A, %sign3A_964 : i32
          %sign3A_966 = arith.extui %sign3A_965 : i1 to i32
          %sign3A_967 = arith.constant 0 : i32
          %sign3A_968 = arith.cmpi slt, %jit3A, %sign3A_967 : i32
          %sign3A_969 = arith.extui %sign3A_968 : i1 to i32
          %sign3A_970 = arith.subi %sign3A_966, %sign3A_969 : i32
          %ne3A = arith.cmpi ne, %sign3A_963, %sign3A_970 : i32
          %rem3A_971 = arith.remsi %add3A_864, %jit3A : i32
          %ne3A_972 = arith.constant 0 : i32
          %ne3A_973 = arith.cmpi ne, %rem3A_971, %ne3A_972 : i32
          %and3A_974 = arith.andi %ne3A, %ne3A_973 : i1
          %sub3A = arith.constant 1 : i32
          %sub3A_975 = arith.subi %div3A, %sub3A : i32
          %select_n3A_976 = arith.select %and3A_974, %sub3A_975, %div3A : i32
          %mul3A_977 = arith.constant 2000 : i32
          %mul3A_978 = arith.muli %select_n3A_976, %mul3A_977 : i32
          %add3A_979 = arith.addi %mul3A_70, %mul3A_978 : i32
          %run_scoped3A = arith.constant 0 : i32
          "tpu.region"() ({
            %run_scoped3A_981 = tpu.sem_alloc : memref<!tpu.dma_semaphore, #tpu.memory_space<semaphore_mem>>
            %dma_start3A_982 = tpu.memref_slice %arg5[%run_scoped3A, %add3A_979] : memref<2x320000xi32, #tpu.memory_space<hbm>> -> memref<1x2000xi32, #tpu.memory_space<hbm>>
            %dma_start3A_983 = tpu.memref_squeeze %dma_start3A_982 : memref<1x2000xi32, #tpu.memory_space<hbm>> -> memref<2000xi32, #tpu.memory_space<hbm>>
            %dma_start3A_984 = tpu.memref_slice %arg5[%run_scoped3A, %add3A_979] : memref<2x320000xi32, #tpu.memory_space<hbm>> -> memref<1x2000xi32, #tpu.memory_space<hbm>>
            %dma_start3A_985 = tpu.memref_squeeze %dma_start3A_984 : memref<1x2000xi32, #tpu.memory_space<hbm>> -> memref<2000xi32, #tpu.memory_space<hbm>>
            tpu.enqueue_dma source(%dma_start3A_985 : memref<2000xi32, #tpu.memory_space<hbm>>) target(%arg8 : memref<2000xi32, #tpu.memory_space<vmem>>) target_semaphore(%run_scoped3A_981 : memref<!tpu.dma_semaphore, #tpu.memory_space<semaphore_mem>>)
            %dma_wait3A_986 = tpu.memref_slice %arg5[%run_scoped3A, %add3A_979] : memref<2x320000xi32, #tpu.memory_space<hbm>> -> memref<1x2000xi32, #tpu.memory_space<hbm>>
            %dma_wait3A_987 = tpu.memref_squeeze %dma_wait3A_986 : memref<1x2000xi32, #tpu.memory_space<hbm>> -> memref<2000xi32, #tpu.memory_space<hbm>>
            %dma_wait3A_988 = tpu.memref_slice %arg5[%run_scoped3A, %add3A_979] : memref<2x320000xi32, #tpu.memory_space<hbm>> -> memref<1x2000xi32, #tpu.memory_space<hbm>>
            %dma_wait3A_989 = tpu.memref_squeeze %dma_wait3A_988 : memref<1x2000xi32, #tpu.memory_space<hbm>> -> memref<2000xi32, #tpu.memory_space<hbm>>
            tpu.wait_dma2 semaphore(%run_scoped3A_981 : memref<!tpu.dma_semaphore, #tpu.memory_space<semaphore_mem>>) src(%dma_wait3A_989 : memref<2000xi32, #tpu.memory_space<hbm>>) dst(%arg8 : memref<2000xi32, #tpu.memory_space<vmem>>)
            tpu.yield
          }) : () -> ()
          %run_scoped3A_980 = arith.constant 1 : i32
          "tpu.region"() ({
            %run_scoped3A_981 = tpu.sem_alloc : memref<!tpu.dma_semaphore, #tpu.memory_space<semaphore_mem>>
            %dma_start3A_982 = tpu.memref_slice %arg5[%run_scoped3A_980, %add3A_979] : memref<2x320000xi32, #tpu.memory_space<hbm>> -> memref<1x2000xi32, #tpu.memory_space<hbm>>
            %dma_start3A_983 = tpu.memref_squeeze %dma_start3A_982 : memref<1x2000xi32, #tpu.memory_space<hbm>> -> memref<2000xi32, #tpu.memory_space<hbm>>
            %dma_start3A_984 = tpu.memref_slice %arg5[%run_scoped3A_980, %add3A_979] : memref<2x320000xi32, #tpu.memory_space<hbm>> -> memref<1x2000xi32, #tpu.memory_space<hbm>>
            %dma_start3A_985 = tpu.memref_squeeze %dma_start3A_984 : memref<1x2000xi32, #tpu.memory_space<hbm>> -> memref<2000xi32, #tpu.memory_space<hbm>>
            tpu.enqueue_dma source(%dma_start3A_985 : memref<2000xi32, #tpu.memory_space<hbm>>) target(%arg9 : memref<2000xi32, #tpu.memory_space<vmem>>) target_semaphore(%run_scoped3A_981 : memref<!tpu.dma_semaphore, #tpu.memory_space<semaphore_mem>>)
            %dma_wait3A_986 = tpu.memref_slice %arg5[%run_scoped3A_980, %add3A_979] : memref<2x320000xi32, #tpu.memory_space<hbm>> -> memref<1x2000xi32, #tpu.memory_space<hbm>>
            %dma_wait3A_987 = tpu.memref_squeeze %dma_wait3A_986 : memref<1x2000xi32, #tpu.memory_space<hbm>> -> memref<2000xi32, #tpu.memory_space<hbm>>
            %dma_wait3A_988 = tpu.memref_slice %arg5[%run_scoped3A_980, %add3A_979] : memref<2x320000xi32, #tpu.memory_space<hbm>> -> memref<1x2000xi32, #tpu.memory_space<hbm>>
            %dma_wait3A_989 = tpu.memref_squeeze %dma_wait3A_988 : memref<1x2000xi32, #tpu.memory_space<hbm>> -> memref<2000xi32, #tpu.memory_space<hbm>>
            tpu.wait_dma2 semaphore(%run_scoped3A_981 : memref<!tpu.dma_semaphore, #tpu.memory_space<semaphore_mem>>) src(%dma_wait3A_989 : memref<2000xi32, #tpu.memory_space<hbm>>) dst(%arg9 : memref<2000xi32, #tpu.memory_space<vmem>>)
            tpu.yield
          }) : () -> ()
        } else {
        }
        %rem3A_887 = arith.constant 25 : i32
        %rem3A_888 = arith.remsi %add3A_864, %rem3A_887 : i32
        %mul3A_889 = arith.constant 80 : i32
        %mul3A_890 = arith.muli %rem3A_888, %mul3A_889 : i32
        %add3A_891 = arith.constant 0 : i32
        %add3A_892 = arith.addi %mul3A_890, %add3A_891 : i32
        %get3A_893 = arith.index_cast %add3A_892 : i32 to index
        %get3A_894 = tpu.vector_load %arg8[%get3A_893] {strides = array<i32>} : memref<2000xi32, #tpu.memory_space<vmem>>, vector<16xi32>,
        %swap3A_895 = arith.constant 0 : index
        %swap3A_896 = tpu.vector_load %arg14[%swap3A_895] {strides = array<i32>} : memref<80xi32, #tpu.memory_space<vmem>>, vector<16xi32>,
        tpu.vector_store %arg14[%swap3A_895], %get3A_894 {strides = array<i32>} : memref<80xi32, #tpu.memory_space<vmem>>, vector<16xi32>,
        %add3A_897 = arith.constant 0 : i32
        %add3A_898 = arith.addi %mul3A_890, %add3A_897 : i32
        %get3A_899 = arith.index_cast %add3A_898 : i32 to index
        %get3A_900 = tpu.vector_load %arg9[%get3A_899] {strides = array<i32>} : memref<2000xi32, #tpu.memory_space<vmem>>, vector<16xi32>,
        %swap3A_901 = arith.constant 0 : index
        %swap3A_902 = tpu.vector_load %arg17[%swap3A_901] {strides = array<i32>} : memref<80xi32, #tpu.memory_space<vmem>>, vector<16xi32>,
        tpu.vector_store %arg17[%swap3A_901], %get3A_900 {strides = array<i32>} : memref<80xi32, #tpu.memory_space<vmem>>, vector<16xi32>,
        %add3A_903 = arith.constant 16 : i32
        %add3A_904 = arith.addi %mul3A_890, %add3A_903 : i32
        %get3A_905 = arith.index_cast %add3A_904 : i32 to index
        %get3A_906 = tpu.vector_load %arg8[%get3A_905] {strides = array<i32>} : memref<2000xi32, #tpu.memory_space<vmem>>, vector<16xi32>,
        %swap3A_907 = arith.constant 16 : index
        %swap3A_908 = tpu.vector_load %arg14[%swap3A_907] {strides = array<i32>} : memref<80xi32, #tpu.memory_space<vmem>>, vector<16xi32>,
        tpu.vector_store %arg14[%swap3A_907], %get3A_906 {strides = array<i32>} : memref<80xi32, #tpu.memory_space<vmem>>, vector<16xi32>,
        %add3A_909 = arith.constant 16 : i32
        %add3A_910 = arith.addi %mul3A_890, %add3A_909 : i32
        %get3A_911 = arith.index_cast %add3A_910 : i32 to index
        %get3A_912 = tpu.vector_load %arg9[%get3A_911] {strides = array<i32>} : memref<2000xi32, #tpu.memory_space<vmem>>, vector<16xi32>,
        %swap3A_913 = arith.constant 16 : index
        %swap3A_914 = tpu.vector_load %arg17[%swap3A_913] {strides = array<i32>} : memref<80xi32, #tpu.memory_space<vmem>>, vector<16xi32>,
        tpu.vector_store %arg17[%swap3A_913], %get3A_912 {strides = array<i32>} : memref<80xi32, #tpu.memory_space<vmem>>, vector<16xi32>,
        %add3A_915 = arith.constant 32 : i32
        %add3A_916 = arith.addi %mul3A_890, %add3A_915 : i32
        %get3A_917 = arith.index_cast %add3A_916 : i32 to index
        %get3A_918 = tpu.vector_load %arg8[%get3A_917] {strides = array<i32>} : memref<2000xi32, #tpu.memory_space<vmem>>, vector<16xi32>,
        %swap3A_919 = arith.constant 32 : index
        %swap3A_920 = tpu.vector_load %arg14[%swap3A_919] {strides = array<i32>} : memref<80xi32, #tpu.memory_space<vmem>>, vector<16xi32>,
        tpu.vector_store %arg14[%swap3A_919], %get3A_918 {strides = array<i32>} : memref<80xi32, #tpu.memory_space<vmem>>, vector<16xi32>,
        %add3A_921 = arith.constant 32 : i32
        %add3A_922 = arith.addi %mul3A_890, %add3A_921 : i32
        %get3A_923 = arith.index_cast %add3A_922 : i32 to index
        %get3A_924 = tpu.vector_load %arg9[%get3A_923] {strides = array<i32>} : memref<2000xi32, #tpu.memory_space<vmem>>, vector<16xi32>,
        %swap3A_925 = arith.constant 32 : index
        %swap3A_926 = tpu.vector_load %arg17[%swap3A_925] {strides = array<i32>} : memref<80xi32, #tpu.memory_space<vmem>>, vector<16xi32>,
        tpu.vector_store %arg17[%swap3A_925], %get3A_924 {strides = array<i32>} : memref<80xi32, #tpu.memory_space<vmem>>, vector<16xi32>,
        %add3A_927 = arith.constant 48 : i32
        %add3A_928 = arith.addi %mul3A_890, %add3A_927 : i32
        %get3A_929 = arith.index_cast %add3A_928 : i32 to index
        %get3A_930 = tpu.vector_load %arg8[%get3A_929] {strides = array<i32>} : memref<2000xi32, #tpu.memory_space<vmem>>, vector<16xi32>,
        %swap3A_931 = arith.constant 48 : index
        %swap3A_932 = tpu.vector_load %arg14[%swap3A_931] {strides = array<i32>} : memref<80xi32, #tpu.memory_space<vmem>>, vector<16xi32>,
        tpu.vector_store %arg14[%swap3A_931], %get3A_930 {strides = array<i32>} : memref<80xi32, #tpu.memory_space<vmem>>, vector<16xi32>,
        %add3A_933 = arith.constant 48 : i32
        %add3A_934 = arith.addi %mul3A_890, %add3A_933 : i32
        %get3A_935 = arith.index_cast %add3A_934 : i32 to index
        %get3A_936 = tpu.vector_load %arg9[%get3A_935] {strides = array<i32>} : memref<2000xi32, #tpu.memory_space<vmem>>, vector<16xi32>,
        %swap3A_937 = arith.constant 48 : index
        %swap3A_938 = tpu.vector_load %arg17[%swap3A_937] {strides = array<i32>} : memref<80xi32, #tpu.memory_space<vmem>>, vector<16xi32>,
        tpu.vector_store %arg17[%swap3A_937], %get3A_936 {strides = array<i32>} : memref<80xi32, #tpu.memory_space<vmem>>, vector<16xi32>,
        %add3A_939 = arith.constant 64 : i32
        %add3A_940 = arith.addi %mul3A_890, %add3A_939 : i32
        %get3A_941 = arith.index_cast %add3A_940 : i32 to index
        %get3A_942 = tpu.vector_load %arg8[%get3A_941] {strides = array<i32>} : memref<2000xi32, #tpu.memory_space<vmem>>, vector<16xi32>,
        %swap3A_943 = arith.constant 64 : index
        %swap3A_944 = tpu.vector_load %arg14[%swap3A_943] {strides = array<i32>} : memref<80xi32, #tpu.memory_space<vmem>>, vector<16xi32>,
        tpu.vector_store %arg14[%swap3A_943], %get3A_942 {strides = array<i32>} : memref<80xi32, #tpu.memory_space<vmem>>, vector<16xi32>,
        %add3A_945 = arith.constant 64 : i32
        %add3A_946 = arith.addi %mul3A_890, %add3A_945 : i32
        %get3A_947 = arith.index_cast %add3A_946 : i32 to index
        %get3A_948 = tpu.vector_load %arg9[%get3A_947] {strides = array<i32>} : memref<2000xi32, #tpu.memory_space<vmem>>, vector<16xi32>,
        %swap3A_949 = arith.constant 64 : index
        %swap3A_950 = tpu.vector_load %arg17[%swap3A_949] {strides = array<i32>} : memref<80xi32, #tpu.memory_space<vmem>>, vector<16xi32>,
        tpu.vector_store %arg17[%swap3A_949], %get3A_948 {strides = array<i32>} : memref<80xi32, #tpu.memory_space<vmem>>, vector<16xi32>,
        %dma_start3A_951 = arith.constant 0 : i32
        %dma_start3A_952 = arith.constant 0 : i32
        %dma_start3A_953 = tpu.memref_slice %arg2[%dma_start3A_951, %dma_start3A_952] : memref<10000x128xf32, #tpu.memory_space<hbm>> -> memref<10000x128xf32, #tpu.memory_space<hbm>>
        tpu.enqueue_indirect_dma source(%dma_start3A_953 : memref<10000x128xf32, #tpu.memory_space<hbm>>) target(%arg11 : memref<80x128xf32, #tpu.memory_space<vmem>>) offsets(%arg17 : memref<80xi32, #tpu.memory_space<vmem>>) semaphore(%arg31 : memref<!tpu.dma_semaphore, #tpu.memory_space<semaphore_mem>>)
        %dma_start3A_954 = arith.constant 0 : i32
        %dma_start3A_955 = tpu.memref_slice %arg3[%dma_start3A_954] : memref<10000xf32, #tpu.memory_space<hbm>> -> memref<10000xf32, #tpu.memory_space<hbm>>
        tpu.enqueue_indirect_dma source(%dma_start3A_955 : memref<10000xf32, #tpu.memory_space<hbm>>) target(%arg20 : memref<80xf32, #tpu.memory_space<vmem>>) offsets(%arg14 : memref<80xi32, #tpu.memory_space<vmem>>) semaphore(%arg31 : memref<!tpu.dma_semaphore, #tpu.memory_space<semaphore_mem>>)
        %dma_start3A_956 = arith.constant 0 : i32
        %dma_start3A_957 = tpu.memref_slice %arg4[%dma_start3A_956] : memref<10000xf32, #tpu.memory_space<hbm>> -> memref<10000xf32, #tpu.memory_space<hbm>>
        tpu.enqueue_indirect_dma source(%dma_start3A_957 : memref<10000xf32, #tpu.memory_space<hbm>>) target(%arg23 : memref<80xf32, #tpu.memory_space<vmem>>) offsets(%arg17 : memref<80xi32, #tpu.memory_space<vmem>>) semaphore(%arg31 : memref<!tpu.dma_semaphore, #tpu.memory_space<semaphore_mem>>)
      } else {
      }
      %add3A_870 = arith.constant 3 : i32
      %add3A_871 = arith.addi %mul3A_546, %add3A_870 : i32
      %add3A_872 = arith.constant 2 : i32
      %add3A_873 = arith.addi %add3A_871, %add3A_872 : i32
      %lt3A_874 = arith.constant 125 : i32
      %lt3A_875 = arith.cmpi slt, %add3A_873, %lt3A_874 : i32
      %convert_element_type3A_876 = arith.extui %lt3A_875 : i1 to i32
      %cond3A_877 = arith.constant 0 : i32
      %cond3A_878 = arith.cmpi ne, %convert_element_type3A_876, %cond3A_877 : i32
      scf.if %cond3A_878 {
        %rem3A_880 = arith.constant 25 : i32
        %rem3A_881 = arith.remsi %add3A_873, %rem3A_880 : i32
        %eq3A_882 = arith.constant 0 : i32
        %eq3A_883 = arith.cmpi eq, %rem3A_881, %eq3A_882 : i32
        %convert_element_type3A_884 = arith.extui %eq3A_883 : i1 to i32
        %cond3A_885 = arith.constant 0 : i32
        %cond3A_886 = arith.cmpi ne, %convert_element_type3A_884, %cond3A_885 : i32
        scf.if %cond3A_886 {
          %jit3A = arith.constant 25 : i32
          %div3A = arith.divsi %add3A_873, %jit3A : i32
          %sign3A = arith.constant 0 : i32
          %sign3A_958 = arith.cmpi sgt, %add3A_873, %sign3A : i32
          %sign3A_959 = arith.extui %sign3A_958 : i1 to i32
          %sign3A_960 = arith.constant 0 : i32
          %sign3A_961 = arith.cmpi slt, %add3A_873, %sign3A_960 : i32
          %sign3A_962 = arith.extui %sign3A_961 : i1 to i32
          %sign3A_963 = arith.subi %sign3A_959, %sign3A_962 : i32
          %sign3A_964 = arith.constant 0 : i32
          %sign3A_965 = arith.cmpi sgt, %jit3A, %sign3A_964 : i32
          %sign3A_966 = arith.extui %sign3A_965 : i1 to i32
          %sign3A_967 = arith.constant 0 : i32
          %sign3A_968 = arith.cmpi slt, %jit3A, %sign3A_967 : i32
          %sign3A_969 = arith.extui %sign3A_968 : i1 to i32
          %sign3A_970 = arith.subi %sign3A_966, %sign3A_969 : i32
          %ne3A = arith.cmpi ne, %sign3A_963, %sign3A_970 : i32
          %rem3A_971 = arith.remsi %add3A_873, %jit3A : i32
          %ne3A_972 = arith.constant 0 : i32
          %ne3A_973 = arith.cmpi ne, %rem3A_971, %ne3A_972 : i32
          %and3A_974 = arith.andi %ne3A, %ne3A_973 : i1
          %sub3A = arith.constant 1 : i32
          %sub3A_975 = arith.subi %div3A, %sub3A : i32
          %select_n3A_976 = arith.select %and3A_974, %sub3A_975, %div3A : i32
          %mul3A_977 = arith.constant 2000 : i32
          %mul3A_978 = arith.muli %select_n3A_976, %mul3A_977 : i32
          %add3A_979 = arith.addi %mul3A_70, %mul3A_978 : i32
          %run_scoped3A = arith.constant 0 : i32
          "tpu.region"() ({
            %run_scoped3A_981 = tpu.sem_alloc : memref<!tpu.dma_semaphore, #tpu.memory_space<semaphore_mem>>
            %dma_start3A_982 = tpu.memref_slice %arg5[%run_scoped3A, %add3A_979] : memref<2x320000xi32, #tpu.memory_space<hbm>> -> memref<1x2000xi32, #tpu.memory_space<hbm>>
            %dma_start3A_983 = tpu.memref_squeeze %dma_start3A_982 : memref<1x2000xi32, #tpu.memory_space<hbm>> -> memref<2000xi32, #tpu.memory_space<hbm>>
            %dma_start3A_984 = tpu.memref_slice %arg5[%run_scoped3A, %add3A_979] : memref<2x320000xi32, #tpu.memory_space<hbm>> -> memref<1x2000xi32, #tpu.memory_space<hbm>>
            %dma_start3A_985 = tpu.memref_squeeze %dma_start3A_984 : memref<1x2000xi32, #tpu.memory_space<hbm>> -> memref<2000xi32, #tpu.memory_space<hbm>>
            tpu.enqueue_dma source(%dma_start3A_985 : memref<2000xi32, #tpu.memory_space<hbm>>) target(%arg8 : memref<2000xi32, #tpu.memory_space<vmem>>) target_semaphore(%run_scoped3A_981 : memref<!tpu.dma_semaphore, #tpu.memory_space<semaphore_mem>>)
            %dma_wait3A_986 = tpu.memref_slice %arg5[%run_scoped3A, %add3A_979] : memref<2x320000xi32, #tpu.memory_space<hbm>> -> memref<1x2000xi32, #tpu.memory_space<hbm>>
            %dma_wait3A_987 = tpu.memref_squeeze %dma_wait3A_986 : memref<1x2000xi32, #tpu.memory_space<hbm>> -> memref<2000xi32, #tpu.memory_space<hbm>>
            %dma_wait3A_988 = tpu.memref_slice %arg5[%run_scoped3A, %add3A_979] : memref<2x320000xi32, #tpu.memory_space<hbm>> -> memref<1x2000xi32, #tpu.memory_space<hbm>>
            %dma_wait3A_989 = tpu.memref_squeeze %dma_wait3A_988 : memref<1x2000xi32, #tpu.memory_space<hbm>> -> memref<2000xi32, #tpu.memory_space<hbm>>
            tpu.wait_dma2 semaphore(%run_scoped3A_981 : memref<!tpu.dma_semaphore, #tpu.memory_space<semaphore_mem>>) src(%dma_wait3A_989 : memref<2000xi32, #tpu.memory_space<hbm>>) dst(%arg8 : memref<2000xi32, #tpu.memory_space<vmem>>)
            tpu.yield
          }) : () -> ()
          %run_scoped3A_980 = arith.constant 1 : i32
          "tpu.region"() ({
            %run_scoped3A_981 = tpu.sem_alloc : memref<!tpu.dma_semaphore, #tpu.memory_space<semaphore_mem>>
            %dma_start3A_982 = tpu.memref_slice %arg5[%run_scoped3A_980, %add3A_979] : memref<2x320000xi32, #tpu.memory_space<hbm>> -> memref<1x2000xi32, #tpu.memory_space<hbm>>
            %dma_start3A_983 = tpu.memref_squeeze %dma_start3A_982 : memref<1x2000xi32, #tpu.memory_space<hbm>> -> memref<2000xi32, #tpu.memory_space<hbm>>
            %dma_start3A_984 = tpu.memref_slice %arg5[%run_scoped3A_980, %add3A_979] : memref<2x320000xi32, #tpu.memory_space<hbm>> -> memref<1x2000xi32, #tpu.memory_space<hbm>>
            %dma_start3A_985 = tpu.memref_squeeze %dma_start3A_984 : memref<1x2000xi32, #tpu.memory_space<hbm>> -> memref<2000xi32, #tpu.memory_space<hbm>>
            tpu.enqueue_dma source(%dma_start3A_985 : memref<2000xi32, #tpu.memory_space<hbm>>) target(%arg9 : memref<2000xi32, #tpu.memory_space<vmem>>) target_semaphore(%run_scoped3A_981 : memref<!tpu.dma_semaphore, #tpu.memory_space<semaphore_mem>>)
            %dma_wait3A_986 = tpu.memref_slice %arg5[%run_scoped3A_980, %add3A_979] : memref<2x320000xi32, #tpu.memory_space<hbm>> -> memref<1x2000xi32, #tpu.memory_space<hbm>>
            %dma_wait3A_987 = tpu.memref_squeeze %dma_wait3A_986 : memref<1x2000xi32, #tpu.memory_space<hbm>> -> memref<2000xi32, #tpu.memory_space<hbm>>
            %dma_wait3A_988 = tpu.memref_slice %arg5[%run_scoped3A_980, %add3A_979] : memref<2x320000xi32, #tpu.memory_space<hbm>> -> memref<1x2000xi32, #tpu.memory_space<hbm>>
            %dma_wait3A_989 = tpu.memref_squeeze %dma_wait3A_988 : memref<1x2000xi32, #tpu.memory_space<hbm>> -> memref<2000xi32, #tpu.memory_space<hbm>>
            tpu.wait_dma2 semaphore(%run_scoped3A_981 : memref<!tpu.dma_semaphore, #tpu.memory_space<semaphore_mem>>) src(%dma_wait3A_989 : memref<2000xi32, #tpu.memory_space<hbm>>) dst(%arg9 : memref<2000xi32, #tpu.memory_space<vmem>>)
            tpu.yield
          }) : () -> ()
        } else {
        }
        %rem3A_887 = arith.constant 25 : i32
        %rem3A_888 = arith.remsi %add3A_873, %rem3A_887 : i32
        %mul3A_889 = arith.constant 80 : i32
        %mul3A_890 = arith.muli %rem3A_888, %mul3A_889 : i32
        %add3A_891 = arith.constant 0 : i32
        %add3A_892 = arith.addi %mul3A_890, %add3A_891 : i32
        %get3A_893 = arith.index_cast %add3A_892 : i32 to index
        %get3A_894 = tpu.vector_load %arg8[%get3A_893] {strides = array<i32>} : memref<2000xi32, #tpu.memory_space<vmem>>, vector<16xi32>,
        %swap3A_895 = arith.constant 0 : index
        %swap3A_896 = tpu.vector_load %arg15[%swap3A_895] {strides = array<i32>} : memref<80xi32, #tpu.memory_space<vmem>>, vector<16xi32>,
        tpu.vector_store %arg15[%swap3A_895], %get3A_894 {strides = array<i32>} : memref<80xi32, #tpu.memory_space<vmem>>, vector<16xi32>,
        %add3A_897 = arith.constant 0 : i32
        %add3A_898 = arith.addi %mul3A_890, %add3A_897 : i32
        %get3A_899 = arith.index_cast %add3A_898 : i32 to index
        %get3A_900 = tpu.vector_load %arg9[%get3A_899] {strides = array<i32>} : memref<2000xi32, #tpu.memory_space<vmem>>, vector<16xi32>,
        %swap3A_901 = arith.constant 0 : index
        %swap3A_902 = tpu.vector_load %arg18[%swap3A_901] {strides = array<i32>} : memref<80xi32, #tpu.memory_space<vmem>>, vector<16xi32>,
        tpu.vector_store %arg18[%swap3A_901], %get3A_900 {strides = array<i32>} : memref<80xi32, #tpu.memory_space<vmem>>, vector<16xi32>,
        %add3A_903 = arith.constant 16 : i32
        %add3A_904 = arith.addi %mul3A_890, %add3A_903 : i32
        %get3A_905 = arith.index_cast %add3A_904 : i32 to index
        %get3A_906 = tpu.vector_load %arg8[%get3A_905] {strides = array<i32>} : memref<2000xi32, #tpu.memory_space<vmem>>, vector<16xi32>,
        %swap3A_907 = arith.constant 16 : index
        %swap3A_908 = tpu.vector_load %arg15[%swap3A_907] {strides = array<i32>} : memref<80xi32, #tpu.memory_space<vmem>>, vector<16xi32>,
        tpu.vector_store %arg15[%swap3A_907], %get3A_906 {strides = array<i32>} : memref<80xi32, #tpu.memory_space<vmem>>, vector<16xi32>,
        %add3A_909 = arith.constant 16 : i32
        %add3A_910 = arith.addi %mul3A_890, %add3A_909 : i32
        %get3A_911 = arith.index_cast %add3A_910 : i32 to index
        %get3A_912 = tpu.vector_load %arg9[%get3A_911] {strides = array<i32>} : memref<2000xi32, #tpu.memory_space<vmem>>, vector<16xi32>,
        %swap3A_913 = arith.constant 16 : index
        %swap3A_914 = tpu.vector_load %arg18[%swap3A_913] {strides = array<i32>} : memref<80xi32, #tpu.memory_space<vmem>>, vector<16xi32>,
        tpu.vector_store %arg18[%swap3A_913], %get3A_912 {strides = array<i32>} : memref<80xi32, #tpu.memory_space<vmem>>, vector<16xi32>,
        %add3A_915 = arith.constant 32 : i32
        %add3A_916 = arith.addi %mul3A_890, %add3A_915 : i32
        %get3A_917 = arith.index_cast %add3A_916 : i32 to index
        %get3A_918 = tpu.vector_load %arg8[%get3A_917] {strides = array<i32>} : memref<2000xi32, #tpu.memory_space<vmem>>, vector<16xi32>,
        %swap3A_919 = arith.constant 32 : index
        %swap3A_920 = tpu.vector_load %arg15[%swap3A_919] {strides = array<i32>} : memref<80xi32, #tpu.memory_space<vmem>>, vector<16xi32>,
        tpu.vector_store %arg15[%swap3A_919], %get3A_918 {strides = array<i32>} : memref<80xi32, #tpu.memory_space<vmem>>, vector<16xi32>,
        %add3A_921 = arith.constant 32 : i32
        %add3A_922 = arith.addi %mul3A_890, %add3A_921 : i32
        %get3A_923 = arith.index_cast %add3A_922 : i32 to index
        %get3A_924 = tpu.vector_load %arg9[%get3A_923] {strides = array<i32>} : memref<2000xi32, #tpu.memory_space<vmem>>, vector<16xi32>,
        %swap3A_925 = arith.constant 32 : index
        %swap3A_926 = tpu.vector_load %arg18[%swap3A_925] {strides = array<i32>} : memref<80xi32, #tpu.memory_space<vmem>>, vector<16xi32>,
        tpu.vector_store %arg18[%swap3A_925], %get3A_924 {strides = array<i32>} : memref<80xi32, #tpu.memory_space<vmem>>, vector<16xi32>,
        %add3A_927 = arith.constant 48 : i32
        %add3A_928 = arith.addi %mul3A_890, %add3A_927 : i32
        %get3A_929 = arith.index_cast %add3A_928 : i32 to index
        %get3A_930 = tpu.vector_load %arg8[%get3A_929] {strides = array<i32>} : memref<2000xi32, #tpu.memory_space<vmem>>, vector<16xi32>,
        %swap3A_931 = arith.constant 48 : index
        %swap3A_932 = tpu.vector_load %arg15[%swap3A_931] {strides = array<i32>} : memref<80xi32, #tpu.memory_space<vmem>>, vector<16xi32>,
        tpu.vector_store %arg15[%swap3A_931], %get3A_930 {strides = array<i32>} : memref<80xi32, #tpu.memory_space<vmem>>, vector<16xi32>,
        %add3A_933 = arith.constant 48 : i32
        %add3A_934 = arith.addi %mul3A_890, %add3A_933 : i32
        %get3A_935 = arith.index_cast %add3A_934 : i32 to index
        %get3A_936 = tpu.vector_load %arg9[%get3A_935] {strides = array<i32>} : memref<2000xi32, #tpu.memory_space<vmem>>, vector<16xi32>,
        %swap3A_937 = arith.constant 48 : index
        %swap3A_938 = tpu.vector_load %arg18[%swap3A_937] {strides = array<i32>} : memref<80xi32, #tpu.memory_space<vmem>>, vector<16xi32>,
        tpu.vector_store %arg18[%swap3A_937], %get3A_936 {strides = array<i32>} : memref<80xi32, #tpu.memory_space<vmem>>, vector<16xi32>,
        %add3A_939 = arith.constant 64 : i32
        %add3A_940 = arith.addi %mul3A_890, %add3A_939 : i32
        %get3A_941 = arith.index_cast %add3A_940 : i32 to index
        %get3A_942 = tpu.vector_load %arg8[%get3A_941] {strides = array<i32>} : memref<2000xi32, #tpu.memory_space<vmem>>, vector<16xi32>,
        %swap3A_943 = arith.constant 64 : index
        %swap3A_944 = tpu.vector_load %arg15[%swap3A_943] {strides = array<i32>} : memref<80xi32, #tpu.memory_space<vmem>>, vector<16xi32>,
        tpu.vector_store %arg15[%swap3A_943], %get3A_942 {strides = array<i32>} : memref<80xi32, #tpu.memory_space<vmem>>, vector<16xi32>,
        %add3A_945 = arith.constant 64 : i32
        %add3A_946 = arith.addi %mul3A_890, %add3A_945 : i32
        %get3A_947 = arith.index_cast %add3A_946 : i32 to index
        %get3A_948 = tpu.vector_load %arg9[%get3A_947] {strides = array<i32>} : memref<2000xi32, #tpu.memory_space<vmem>>, vector<16xi32>,
        %swap3A_949 = arith.constant 64 : index
        %swap3A_950 = tpu.vector_load %arg18[%swap3A_949] {strides = array<i32>} : memref<80xi32, #tpu.memory_space<vmem>>, vector<16xi32>,
        tpu.vector_store %arg18[%swap3A_949], %get3A_948 {strides = array<i32>} : memref<80xi32, #tpu.memory_space<vmem>>, vector<16xi32>,
        %dma_start3A_951 = arith.constant 0 : i32
        %dma_start3A_952 = arith.constant 0 : i32
        %dma_start3A_953 = tpu.memref_slice %arg2[%dma_start3A_951, %dma_start3A_952] : memref<10000x128xf32, #tpu.memory_space<hbm>> -> memref<10000x128xf32, #tpu.memory_space<hbm>>
        tpu.enqueue_indirect_dma source(%dma_start3A_953 : memref<10000x128xf32, #tpu.memory_space<hbm>>) target(%arg12 : memref<80x128xf32, #tpu.memory_space<vmem>>) offsets(%arg18 : memref<80xi32, #tpu.memory_space<vmem>>) semaphore(%arg32 : memref<!tpu.dma_semaphore, #tpu.memory_space<semaphore_mem>>)
        %dma_start3A_954 = arith.constant 0 : i32
        %dma_start3A_955 = tpu.memref_slice %arg3[%dma_start3A_954] : memref<10000xf32, #tpu.memory_space<hbm>> -> memref<10000xf32, #tpu.memory_space<hbm>>
        tpu.enqueue_indirect_dma source(%dma_start3A_955 : memref<10000xf32, #tpu.memory_space<hbm>>) target(%arg21 : memref<80xf32, #tpu.memory_space<vmem>>) offsets(%arg15 : memref<80xi32, #tpu.memory_space<vmem>>) semaphore(%arg32 : memref<!tpu.dma_semaphore, #tpu.memory_space<semaphore_mem>>)
        %dma_start3A_956 = arith.constant 0 : i32
        %dma_start3A_957 = tpu.memref_slice %arg4[%dma_start3A_956] : memref<10000xf32, #tpu.memory_space<hbm>> -> memref<10000xf32, #tpu.memory_space<hbm>>
        tpu.enqueue_indirect_dma source(%dma_start3A_957 : memref<10000xf32, #tpu.memory_space<hbm>>) target(%arg24 : memref<80xf32, #tpu.memory_space<vmem>>) offsets(%arg18 : memref<80xi32, #tpu.memory_space<vmem>>) semaphore(%arg32 : memref<!tpu.dma_semaphore, #tpu.memory_space<semaphore_mem>>)
      } else {
      }
      %scan3A_879 = arith.constant 0 : i32
      scf.yield %scan3A_879 : i32
    }
    %scan3A_310 = arith.constant 41 : i32
    %dma_wait3A = arith.constant 0 : i32
    %dma_wait3A_311 = arith.constant 0 : i32
    %dma_wait3A_312 = tpu.memref_slice %arg2[%dma_wait3A, %dma_wait3A_311] : memref<10000x128xf32, #tpu.memory_space<hbm>> -> memref<10000x128xf32, #tpu.memory_space<hbm>>
    tpu.wait_indirect_dma semaphore(%arg30 : memref<!tpu.dma_semaphore, #tpu.memory_space<semaphore_mem>>) src(%dma_wait3A_312 : memref<10000x128xf32, #tpu.memory_space<hbm>>) dst(%arg10 : memref<80x128xf32, #tpu.memory_space<vmem>>)
    %dma_wait3A_313 = arith.constant 0 : i32
    %dma_wait3A_314 = tpu.memref_slice %arg3[%dma_wait3A_313] : memref<10000xf32, #tpu.memory_space<hbm>> -> memref<10000xf32, #tpu.memory_space<hbm>>
    tpu.wait_indirect_dma semaphore(%arg30 : memref<!tpu.dma_semaphore, #tpu.memory_space<semaphore_mem>>) src(%dma_wait3A_314 : memref<10000xf32, #tpu.memory_space<hbm>>) dst(%arg19 : memref<80xf32, #tpu.memory_space<vmem>>)
    %dma_wait3A_315 = arith.constant 0 : i32
    %dma_wait3A_316 = tpu.memref_slice %arg4[%dma_wait3A_315] : memref<10000xf32, #tpu.memory_space<hbm>> -> memref<10000xf32, #tpu.memory_space<hbm>>
    tpu.wait_indirect_dma semaphore(%arg30 : memref<!tpu.dma_semaphore, #tpu.memory_space<semaphore_mem>>) src(%dma_wait3A_316 : memref<10000xf32, #tpu.memory_space<hbm>>) dst(%arg22 : memref<80xf32, #tpu.memory_space<vmem>>)
    %add3A_317 = arith.constant 0 : i32
    %add3A_318 = vector.broadcast %add3A_317 : i32 to vector<16xi32>
    %add3A_319 = arith.addi %iota3A, %add3A_318 : vector<16xi32>
    %get3A_320 = arith.constant 0 : index
    %get3A_321 = tpu.vector_load %arg19[%get3A_320] {strides = array<i32>} : memref<80xf32, #tpu.memory_space<vmem>>, vector<16xf32>,
    %get3A_322 = arith.constant 0 : index
    %get3A_323 = tpu.vector_load %arg22[%get3A_322] {strides = array<i32>} : memref<80xf32, #tpu.memory_space<vmem>>, vector<16xf32>,
    %add3A_324 = arith.addf %get3A_321, %get3A_323 : vector<16xf32>
    %gt3A = arith.constant 0.000000e+00 : f32
    %gt3A_325 = vector.broadcast %gt3A : f32 to vector<16xf32>
    %gt3A_326 = arith.cmpf ogt, %add3A_324, %gt3A_325 : vector<16xf32>
    %mul3A_327 = arith.constant 2.000000e-01 : f32
    %mul3A_328 = vector.broadcast %mul3A_327 : f32 to vector<16xf32>
    %mul3A_329 = arith.mulf %mul3A_328, %add3A_324 : vector<16xf32>
    %select_n3A = arith.select %gt3A_326, %add3A_324, %mul3A_329 : vector<16xi1>, vector<16xf32>
    %exp3A = math.exp %select_n3A : vector<16xf32>
    tpu.vector_store_idx %arg25[%add3A_319, %broadcast_in_dim3A_2], %exp3A : memref<80x8xf32, #tpu.memory_space<vmem>>[vector<16xi32>, vector<16xi32>], vector<16xf32>,
    %add3A_330 = arith.constant 16 : i32
    %add3A_331 = vector.broadcast %add3A_330 : i32 to vector<16xi32>
    %add3A_332 = arith.addi %iota3A, %add3A_331 : vector<16xi32>
    %get3A_333 = arith.constant 16 : index
    %get3A_334 = tpu.vector_load %arg19[%get3A_333] {strides = array<i32>} : memref<80xf32, #tpu.memory_space<vmem>>, vector<16xf32>,
    %get3A_335 = arith.constant 16 : index
    %get3A_336 = tpu.vector_load %arg22[%get3A_335] {strides = array<i32>} : memref<80xf32, #tpu.memory_space<vmem>>, vector<16xf32>,
    %add3A_337 = arith.addf %get3A_334, %get3A_336 : vector<16xf32>
    %gt3A_338 = arith.constant 0.000000e+00 : f32
    %gt3A_339 = vector.broadcast %gt3A_338 : f32 to vector<16xf32>
    %gt3A_340 = arith.cmpf ogt, %add3A_337, %gt3A_339 : vector<16xf32>
    %mul3A_341 = arith.constant 2.000000e-01 : f32
    %mul3A_342 = vector.broadcast %mul3A_341 : f32 to vector<16xf32>
    %mul3A_343 = arith.mulf %mul3A_342, %add3A_337 : vector<16xf32>
    %select_n3A_344 = arith.select %gt3A_340, %add3A_337, %mul3A_343 : vector<16xi1>, vector<16xf32>
    %exp3A_345 = math.exp %select_n3A_344 : vector<16xf32>
    tpu.vector_store_idx %arg25[%add3A_332, %broadcast_in_dim3A_2], %exp3A_345 : memref<80x8xf32, #tpu.memory_space<vmem>>[vector<16xi32>, vector<16xi32>], vector<16xf32>,
    %add3A_346 = arith.constant 32 : i32
    %add3A_347 = vector.broadcast %add3A_346 : i32 to vector<16xi32>
    %add3A_348 = arith.addi %iota3A, %add3A_347 : vector<16xi32>
    %get3A_349 = arith.constant 32 : index
    %get3A_350 = tpu.vector_load %arg19[%get3A_349] {strides = array<i32>} : memref<80xf32, #tpu.memory_space<vmem>>, vector<16xf32>,
    %get3A_351 = arith.constant 32 : index
    %get3A_352 = tpu.vector_load %arg22[%get3A_351] {strides = array<i32>} : memref<80xf32, #tpu.memory_space<vmem>>, vector<16xf32>,
    %add3A_353 = arith.addf %get3A_350, %get3A_352 : vector<16xf32>
    %gt3A_354 = arith.constant 0.000000e+00 : f32
    %gt3A_355 = vector.broadcast %gt3A_354 : f32 to vector<16xf32>
    %gt3A_356 = arith.cmpf ogt, %add3A_353, %gt3A_355 : vector<16xf32>
    %mul3A_357 = arith.constant 2.000000e-01 : f32
    %mul3A_358 = vector.broadcast %mul3A_357 : f32 to vector<16xf32>
    %mul3A_359 = arith.mulf %mul3A_358, %add3A_353 : vector<16xf32>
    %select_n3A_360 = arith.select %gt3A_356, %add3A_353, %mul3A_359 : vector<16xi1>, vector<16xf32>
    %exp3A_361 = math.exp %select_n3A_360 : vector<16xf32>
    tpu.vector_store_idx %arg25[%add3A_348, %broadcast_in_dim3A_2], %exp3A_361 : memref<80x8xf32, #tpu.memory_space<vmem>>[vector<16xi32>, vector<16xi32>], vector<16xf32>,
    %add3A_362 = arith.constant 48 : i32
    %add3A_363 = vector.broadcast %add3A_362 : i32 to vector<16xi32>
    %add3A_364 = arith.addi %iota3A, %add3A_363 : vector<16xi32>
    %get3A_365 = arith.constant 48 : index
    %get3A_366 = tpu.vector_load %arg19[%get3A_365] {strides = array<i32>} : memref<80xf32, #tpu.memory_space<vmem>>, vector<16xf32>,
    %get3A_367 = arith.constant 48 : index
    %get3A_368 = tpu.vector_load %arg22[%get3A_367] {strides = array<i32>} : memref<80xf32, #tpu.memory_space<vmem>>, vector<16xf32>,
    %add3A_369 = arith.addf %get3A_366, %get3A_368 : vector<16xf32>
    %gt3A_370 = arith.constant 0.000000e+00 : f32
    %gt3A_371 = vector.broadcast %gt3A_370 : f32 to vector<16xf32>
    %gt3A_372 = arith.cmpf ogt, %add3A_369, %gt3A_371 : vector<16xf32>
    %mul3A_373 = arith.constant 2.000000e-01 : f32
    %mul3A_374 = vector.broadcast %mul3A_373 : f32 to vector<16xf32>
    %mul3A_375 = arith.mulf %mul3A_374, %add3A_369 : vector<16xf32>
    %select_n3A_376 = arith.select %gt3A_372, %add3A_369, %mul3A_375 : vector<16xi1>, vector<16xf32>
    %exp3A_377 = math.exp %select_n3A_376 : vector<16xf32>
    tpu.vector_store_idx %arg25[%add3A_364, %broadcast_in_dim3A_2], %exp3A_377 : memref<80x8xf32, #tpu.memory_space<vmem>>[vector<16xi32>, vector<16xi32>], vector<16xf32>,
    %add3A_378 = arith.constant 64 : i32
    %add3A_379 = vector.broadcast %add3A_378 : i32 to vector<16xi32>
    %add3A_380 = arith.addi %iota3A, %add3A_379 : vector<16xi32>
    %get3A_381 = arith.constant 64 : index
    %get3A_382 = tpu.vector_load %arg19[%get3A_381] {strides = array<i32>} : memref<80xf32, #tpu.memory_space<vmem>>, vector<16xf32>,
    %get3A_383 = arith.constant 64 : index
    %get3A_384 = tpu.vector_load %arg22[%get3A_383] {strides = array<i32>} : memref<80xf32, #tpu.memory_space<vmem>>, vector<16xf32>,
    %add3A_385 = arith.addf %get3A_382, %get3A_384 : vector<16xf32>
    %gt3A_386 = arith.constant 0.000000e+00 : f32
    %gt3A_387 = vector.broadcast %gt3A_386 : f32 to vector<16xf32>
    %gt3A_388 = arith.cmpf ogt, %add3A_385, %gt3A_387 : vector<16xf32>
    %mul3A_389 = arith.constant 2.000000e-01 : f32
    %mul3A_390 = vector.broadcast %mul3A_389 : f32 to vector<16xf32>
    %mul3A_391 = arith.mulf %mul3A_390, %add3A_385 : vector<16xf32>
    %select_n3A_392 = arith.select %gt3A_388, %add3A_385, %mul3A_391 : vector<16xi1>, vector<16xf32>
    %exp3A_393 = math.exp %select_n3A_392 : vector<16xf32>
    tpu.vector_store_idx %arg25[%add3A_380, %broadcast_in_dim3A_2], %exp3A_393 : memref<80x8xf32, #tpu.memory_space<vmem>>[vector<16xi32>, vector<16xi32>], vector<16xf32>,
    %parallel_loop3A = arith.constant 0 : i32
    %parallel_loop3A_394 = arith.constant 80 : i32
    %parallel_loop3A_395 = arith.constant 1 : i32
    scf.for %parallel_loop3A_543 = %parallel_loop3A to %parallel_loop3A_394 step %parallel_loop3A_395  : i32 {
      %parallel_loop3A_544 = vector.broadcast %parallel_loop3A_543 : i32 to vector<16xi32>
      %parallel_loop3A_545 = tpu.vector_load_idx %arg25[%parallel_loop3A_544, %broadcast_in_dim3A_2] : memref<80x8xf32, #tpu.memory_space<vmem>>[vector<16xi32>, vector<16xi32>], vector<16xf32>,
      %parallel_loop3A_546 = arith.index_cast %parallel_loop3A_543 : i32 to index
      %parallel_loop3A_547 = arith.constant 0 : index
      %parallel_loop3A_548 = tpu.vector_load %arg10[%parallel_loop3A_546, %parallel_loop3A_547] {strides = array<i32>} : memref<80x128xf32, #tpu.memory_space<vmem>>, vector<16xf32>,
      %parallel_loop3A_549 = arith.mulf %parallel_loop3A_548, %parallel_loop3A_545 : vector<16xf32>
      %parallel_loop3A_550 = arith.index_cast %parallel_loop3A_543 : i32 to index
      %parallel_loop3A_551 = arith.constant 0 : index
      %parallel_loop3A_552 = tpu.vector_load %arg10[%parallel_loop3A_550, %parallel_loop3A_551] {strides = array<i32>} : memref<80x128xf32, #tpu.memory_space<vmem>>, vector<16xf32>,
      tpu.vector_store %arg10[%parallel_loop3A_550, %parallel_loop3A_551], %parallel_loop3A_549 {strides = array<i32>} : memref<80x128xf32, #tpu.memory_space<vmem>>, vector<16xf32>,
      %parallel_loop3A_553 = arith.index_cast %parallel_loop3A_543 : i32 to index
      %parallel_loop3A_554 = arith.constant 16 : index
      %parallel_loop3A_555 = tpu.vector_load %arg10[%parallel_loop3A_553, %parallel_loop3A_554] {strides = array<i32>} : memref<80x128xf32, #tpu.memory_space<vmem>>, vector<16xf32>,
      %parallel_loop3A_556 = arith.mulf %parallel_loop3A_555, %parallel_loop3A_545 : vector<16xf32>
      %parallel_loop3A_557 = arith.index_cast %parallel_loop3A_543 : i32 to index
      %parallel_loop3A_558 = arith.constant 16 : index
      %parallel_loop3A_559 = tpu.vector_load %arg10[%parallel_loop3A_557, %parallel_loop3A_558] {strides = array<i32>} : memref<80x128xf32, #tpu.memory_space<vmem>>, vector<16xf32>,
      tpu.vector_store %arg10[%parallel_loop3A_557, %parallel_loop3A_558], %parallel_loop3A_556 {strides = array<i32>} : memref<80x128xf32, #tpu.memory_space<vmem>>, vector<16xf32>,
      %parallel_loop3A_560 = arith.index_cast %parallel_loop3A_543 : i32 to index
      %parallel_loop3A_561 = arith.constant 32 : index
      %parallel_loop3A_562 = tpu.vector_load %arg10[%parallel_loop3A_560, %parallel_loop3A_561] {strides = array<i32>} : memref<80x128xf32, #tpu.memory_space<vmem>>, vector<16xf32>,
      %parallel_loop3A_563 = arith.mulf %parallel_loop3A_562, %parallel_loop3A_545 : vector<16xf32>
      %parallel_loop3A_564 = arith.index_cast %parallel_loop3A_543 : i32 to index
      %parallel_loop3A_565 = arith.constant 32 : index
      %parallel_loop3A_566 = tpu.vector_load %arg10[%parallel_loop3A_564, %parallel_loop3A_565] {strides = array<i32>} : memref<80x128xf32, #tpu.memory_space<vmem>>, vector<16xf32>,
      tpu.vector_store %arg10[%parallel_loop3A_564, %parallel_loop3A_565], %parallel_loop3A_563 {strides = array<i32>} : memref<80x128xf32, #tpu.memory_space<vmem>>, vector<16xf32>,
      %parallel_loop3A_567 = arith.index_cast %parallel_loop3A_543 : i32 to index
      %parallel_loop3A_568 = arith.constant 48 : index
      %parallel_loop3A_569 = tpu.vector_load %arg10[%parallel_loop3A_567, %parallel_loop3A_568] {strides = array<i32>} : memref<80x128xf32, #tpu.memory_space<vmem>>, vector<16xf32>,
      %parallel_loop3A_570 = arith.mulf %parallel_loop3A_569, %parallel_loop3A_545 : vector<16xf32>
      %parallel_loop3A_571 = arith.index_cast %parallel_loop3A_543 : i32 to index
      %parallel_loop3A_572 = arith.constant 48 : index
      %parallel_loop3A_573 = tpu.vector_load %arg10[%parallel_loop3A_571, %parallel_loop3A_572] {strides = array<i32>} : memref<80x128xf32, #tpu.memory_space<vmem>>, vector<16xf32>,
      tpu.vector_store %arg10[%parallel_loop3A_571, %parallel_loop3A_572], %parallel_loop3A_570 {strides = array<i32>} : memref<80x128xf32, #tpu.memory_space<vmem>>, vector<16xf32>,
      %parallel_loop3A_574 = arith.index_cast %parallel_loop3A_543 : i32 to index
      %parallel_loop3A_575 = arith.constant 64 : index
      %parallel_loop3A_576 = tpu.vector_load %arg10[%parallel_loop3A_574, %parallel_loop3A_575] {strides = array<i32>} : memref<80x128xf32, #tpu.memory_space<vmem>>, vector<16xf32>,
      %parallel_loop3A_577 = arith.mulf %parallel_loop3A_576, %parallel_loop3A_545 : vector<16xf32>
      %parallel_loop3A_578 = arith.index_cast %parallel_loop3A_543 : i32 to index
      %parallel_loop3A_579 = arith.constant 64 : index
      %parallel_loop3A_580 = tpu.vector_load %arg10[%parallel_loop3A_578, %parallel_loop3A_579] {strides = array<i32>} : memref<80x128xf32, #tpu.memory_space<vmem>>, vector<16xf32>,
      tpu.vector_store %arg10[%parallel_loop3A_578, %parallel_loop3A_579], %parallel_loop3A_577 {strides = array<i32>} : memref<80x128xf32, #tpu.memory_space<vmem>>, vector<16xf32>,
      %parallel_loop3A_581 = arith.index_cast %parallel_loop3A_543 : i32 to index
      %parallel_loop3A_582 = arith.constant 80 : index
      %parallel_loop3A_583 = tpu.vector_load %arg10[%parallel_loop3A_581, %parallel_loop3A_582] {strides = array<i32>} : memref<80x128xf32, #tpu.memory_space<vmem>>, vector<16xf32>,
      %parallel_loop3A_584 = arith.mulf %parallel_loop3A_583, %parallel_loop3A_545 : vector<16xf32>
      %parallel_loop3A_585 = arith.index_cast %parallel_loop3A_543 : i32 to index
      %parallel_loop3A_586 = arith.constant 80 : index
      %parallel_loop3A_587 = tpu.vector_load %arg10[%parallel_loop3A_585, %parallel_loop3A_586] {strides = array<i32>} : memref<80x128xf32, #tpu.memory_space<vmem>>, vector<16xf32>,
      tpu.vector_store %arg10[%parallel_loop3A_585, %parallel_loop3A_586], %parallel_loop3A_584 {strides = array<i32>} : memref<80x128xf32, #tpu.memory_space<vmem>>, vector<16xf32>,
      %parallel_loop3A_588 = arith.index_cast %parallel_loop3A_543 : i32 to index
      %parallel_loop3A_589 = arith.constant 96 : index
      %parallel_loop3A_590 = tpu.vector_load %arg10[%parallel_loop3A_588, %parallel_loop3A_589] {strides = array<i32>} : memref<80x128xf32, #tpu.memory_space<vmem>>, vector<16xf32>,
      %parallel_loop3A_591 = arith.mulf %parallel_loop3A_590, %parallel_loop3A_545 : vector<16xf32>
      %parallel_loop3A_592 = arith.index_cast %parallel_loop3A_543 : i32 to index
      %parallel_loop3A_593 = arith.constant 96 : index
      %parallel_loop3A_594 = tpu.vector_load %arg10[%parallel_loop3A_592, %parallel_loop3A_593] {strides = array<i32>} : memref<80x128xf32, #tpu.memory_space<vmem>>, vector<16xf32>,
      tpu.vector_store %arg10[%parallel_loop3A_592, %parallel_loop3A_593], %parallel_loop3A_591 {strides = array<i32>} : memref<80x128xf32, #tpu.memory_space<vmem>>, vector<16xf32>,
      %parallel_loop3A_595 = arith.index_cast %parallel_loop3A_543 : i32 to index
      %parallel_loop3A_596 = arith.constant 112 : index
      %parallel_loop3A_597 = tpu.vector_load %arg10[%parallel_loop3A_595, %parallel_loop3A_596] {strides = array<i32>} : memref<80x128xf32, #tpu.memory_space<vmem>>, vector<16xf32>,
      %parallel_loop3A_598 = arith.mulf %parallel_loop3A_597, %parallel_loop3A_545 : vector<16xf32>
      %parallel_loop3A_599 = arith.index_cast %parallel_loop3A_543 : i32 to index
      %parallel_loop3A_600 = arith.constant 112 : index
      %parallel_loop3A_601 = tpu.vector_load %arg10[%parallel_loop3A_599, %parallel_loop3A_600] {strides = array<i32>} : memref<80x128xf32, #tpu.memory_space<vmem>>, vector<16xf32>,
      tpu.vector_store %arg10[%parallel_loop3A_599, %parallel_loop3A_600], %parallel_loop3A_598 {strides = array<i32>} : memref<80x128xf32, #tpu.memory_space<vmem>>, vector<16xf32>,
    } {sc.loop_unroll_factor = 4 : i64, sc.parallel_access}
    %dma_start3A_396 = arith.constant 0 : i32
    %dma_start3A_397 = arith.constant 0 : i32
    %dma_start3A_398 = tpu.memref_slice %arg28[%dma_start3A_396, %dma_start3A_397] : memref<10240x128xf32, #tpu.memory_space<vmem_shared>> -> memref<10240x128xf32, #tpu.memory_space<vmem_shared>>
    tpu.enqueue_indirect_dma source(%arg10 : memref<80x128xf32, #tpu.memory_space<vmem>>) target(%dma_start3A_398 : memref<10240x128xf32, #tpu.memory_space<vmem_shared>>) offsets(%arg13 : memref<80xi32, #tpu.memory_space<vmem>>) semaphore(%arg33 : memref<!tpu.dma_semaphore, #tpu.memory_space<semaphore_mem>>) {add = true}
    %dma_start3A_399 = arith.constant 0 : i32
    %dma_start3A_400 = arith.constant 0 : i32
    %dma_start3A_401 = tpu.memref_slice %arg29[%dma_start3A_399, %dma_start3A_400] : memref<10240x8xf32, #tpu.memory_space<vmem_shared>> -> memref<10240x8xf32, #tpu.memory_space<vmem_shared>>
    tpu.enqueue_indirect_dma source(%arg25 : memref<80x8xf32, #tpu.memory_space<vmem>>) target(%dma_start3A_401 : memref<10240x8xf32, #tpu.memory_space<vmem_shared>>) offsets(%arg13 : memref<80xi32, #tpu.memory_space<vmem>>) semaphore(%arg33 : memref<!tpu.dma_semaphore, #tpu.memory_space<semaphore_mem>>) {add = true}
    %dma_wait3A_402 = arith.constant 0 : i32
    %dma_wait3A_403 = arith.constant 0 : i32
    %dma_wait3A_404 = tpu.memref_slice %arg2[%dma_wait3A_402, %dma_wait3A_403] : memref<10000x128xf32, #tpu.memory_space<hbm>> -> memref<10000x128xf32, #tpu.memory_space<hbm>>
    tpu.wait_indirect_dma semaphore(%arg31 : memref<!tpu.dma_semaphore, #tpu.memory_space<semaphore_mem>>) src(%dma_wait3A_404 : memref<10000x128xf32, #tpu.memory_space<hbm>>) dst(%arg11 : memref<80x128xf32, #tpu.memory_space<vmem>>)
    %dma_wait3A_405 = arith.constant 0 : i32
    %dma_wait3A_406 = tpu.memref_slice %arg3[%dma_wait3A_405] : memref<10000xf32, #tpu.memory_space<hbm>> -> memref<10000xf32, #tpu.memory_space<hbm>>
    tpu.wait_indirect_dma semaphore(%arg31 : memref<!tpu.dma_semaphore, #tpu.memory_space<semaphore_mem>>) src(%dma_wait3A_406 : memref<10000xf32, #tpu.memory_space<hbm>>) dst(%arg20 : memref<80xf32, #tpu.memory_space<vmem>>)
    %dma_wait3A_407 = arith.constant 0 : i32
    %dma_wait3A_408 = tpu.memref_slice %arg4[%dma_wait3A_407] : memref<10000xf32, #tpu.memory_space<hbm>> -> memref<10000xf32, #tpu.memory_space<hbm>>
    tpu.wait_indirect_dma semaphore(%arg31 : memref<!tpu.dma_semaphore, #tpu.memory_space<semaphore_mem>>) src(%dma_wait3A_408 : memref<10000xf32, #tpu.memory_space<hbm>>) dst(%arg23 : memref<80xf32, #tpu.memory_space<vmem>>)
    %add3A_409 = arith.constant 0 : i32
    %add3A_410 = vector.broadcast %add3A_409 : i32 to vector<16xi32>
    %add3A_411 = arith.addi %iota3A, %add3A_410 : vector<16xi32>
    %get3A_412 = arith.constant 0 : index
    %get3A_413 = tpu.vector_load %arg20[%get3A_412] {strides = array<i32>} : memref<80xf32, #tpu.memory_space<vmem>>, vector<16xf32>,
    %get3A_414 = arith.constant 0 : index
    %get3A_415 = tpu.vector_load %arg23[%get3A_414] {strides = array<i32>} : memref<80xf32, #tpu.memory_space<vmem>>, vector<16xf32>,
    %add3A_416 = arith.addf %get3A_413, %get3A_415 : vector<16xf32>
    %gt3A_417 = arith.constant 0.000000e+00 : f32
    %gt3A_418 = vector.broadcast %gt3A_417 : f32 to vector<16xf32>
    %gt3A_419 = arith.cmpf ogt, %add3A_416, %gt3A_418 : vector<16xf32>
    %mul3A_420 = arith.constant 2.000000e-01 : f32
    %mul3A_421 = vector.broadcast %mul3A_420 : f32 to vector<16xf32>
    %mul3A_422 = arith.mulf %mul3A_421, %add3A_416 : vector<16xf32>
    %select_n3A_423 = arith.select %gt3A_419, %add3A_416, %mul3A_422 : vector<16xi1>, vector<16xf32>
    %exp3A_424 = math.exp %select_n3A_423 : vector<16xf32>
    tpu.vector_store_idx %arg26[%add3A_411, %broadcast_in_dim3A_2], %exp3A_424 : memref<80x8xf32, #tpu.memory_space<vmem>>[vector<16xi32>, vector<16xi32>], vector<16xf32>,
    %add3A_425 = arith.constant 16 : i32
    %add3A_426 = vector.broadcast %add3A_425 : i32 to vector<16xi32>
    %add3A_427 = arith.addi %iota3A, %add3A_426 : vector<16xi32>
    %get3A_428 = arith.constant 16 : index
    %get3A_429 = tpu.vector_load %arg20[%get3A_428] {strides = array<i32>} : memref<80xf32, #tpu.memory_space<vmem>>, vector<16xf32>,
    %get3A_430 = arith.constant 16 : index
    %get3A_431 = tpu.vector_load %arg23[%get3A_430] {strides = array<i32>} : memref<80xf32, #tpu.memory_space<vmem>>, vector<16xf32>,
    %add3A_432 = arith.addf %get3A_429, %get3A_431 : vector<16xf32>
    %gt3A_433 = arith.constant 0.000000e+00 : f32
    %gt3A_434 = vector.broadcast %gt3A_433 : f32 to vector<16xf32>
    %gt3A_435 = arith.cmpf ogt, %add3A_432, %gt3A_434 : vector<16xf32>
    %mul3A_436 = arith.constant 2.000000e-01 : f32
    %mul3A_437 = vector.broadcast %mul3A_436 : f32 to vector<16xf32>
    %mul3A_438 = arith.mulf %mul3A_437, %add3A_432 : vector<16xf32>
    %select_n3A_439 = arith.select %gt3A_435, %add3A_432, %mul3A_438 : vector<16xi1>, vector<16xf32>
    %exp3A_440 = math.exp %select_n3A_439 : vector<16xf32>
    tpu.vector_store_idx %arg26[%add3A_427, %broadcast_in_dim3A_2], %exp3A_440 : memref<80x8xf32, #tpu.memory_space<vmem>>[vector<16xi32>, vector<16xi32>], vector<16xf32>,
    %add3A_441 = arith.constant 32 : i32
    %add3A_442 = vector.broadcast %add3A_441 : i32 to vector<16xi32>
    %add3A_443 = arith.addi %iota3A, %add3A_442 : vector<16xi32>
    %get3A_444 = arith.constant 32 : index
    %get3A_445 = tpu.vector_load %arg20[%get3A_444] {strides = array<i32>} : memref<80xf32, #tpu.memory_space<vmem>>, vector<16xf32>,
    %get3A_446 = arith.constant 32 : index
    %get3A_447 = tpu.vector_load %arg23[%get3A_446] {strides = array<i32>} : memref<80xf32, #tpu.memory_space<vmem>>, vector<16xf32>,
    %add3A_448 = arith.addf %get3A_445, %get3A_447 : vector<16xf32>
    %gt3A_449 = arith.constant 0.000000e+00 : f32
    %gt3A_450 = vector.broadcast %gt3A_449 : f32 to vector<16xf32>
    %gt3A_451 = arith.cmpf ogt, %add3A_448, %gt3A_450 : vector<16xf32>
    %mul3A_452 = arith.constant 2.000000e-01 : f32
    %mul3A_453 = vector.broadcast %mul3A_452 : f32 to vector<16xf32>
    %mul3A_454 = arith.mulf %mul3A_453, %add3A_448 : vector<16xf32>
    %select_n3A_455 = arith.select %gt3A_451, %add3A_448, %mul3A_454 : vector<16xi1>, vector<16xf32>
    %exp3A_456 = math.exp %select_n3A_455 : vector<16xf32>
    tpu.vector_store_idx %arg26[%add3A_443, %broadcast_in_dim3A_2], %exp3A_456 : memref<80x8xf32, #tpu.memory_space<vmem>>[vector<16xi32>, vector<16xi32>], vector<16xf32>,
    %add3A_457 = arith.constant 48 : i32
    %add3A_458 = vector.broadcast %add3A_457 : i32 to vector<16xi32>
    %add3A_459 = arith.addi %iota3A, %add3A_458 : vector<16xi32>
    %get3A_460 = arith.constant 48 : index
    %get3A_461 = tpu.vector_load %arg20[%get3A_460] {strides = array<i32>} : memref<80xf32, #tpu.memory_space<vmem>>, vector<16xf32>,
    %get3A_462 = arith.constant 48 : index
    %get3A_463 = tpu.vector_load %arg23[%get3A_462] {strides = array<i32>} : memref<80xf32, #tpu.memory_space<vmem>>, vector<16xf32>,
    %add3A_464 = arith.addf %get3A_461, %get3A_463 : vector<16xf32>
    %gt3A_465 = arith.constant 0.000000e+00 : f32
    %gt3A_466 = vector.broadcast %gt3A_465 : f32 to vector<16xf32>
    %gt3A_467 = arith.cmpf ogt, %add3A_464, %gt3A_466 : vector<16xf32>
    %mul3A_468 = arith.constant 2.000000e-01 : f32
    %mul3A_469 = vector.broadcast %mul3A_468 : f32 to vector<16xf32>
    %mul3A_470 = arith.mulf %mul3A_469, %add3A_464 : vector<16xf32>
    %select_n3A_471 = arith.select %gt3A_467, %add3A_464, %mul3A_470 : vector<16xi1>, vector<16xf32>
    %exp3A_472 = math.exp %select_n3A_471 : vector<16xf32>
    tpu.vector_store_idx %arg26[%add3A_459, %broadcast_in_dim3A_2], %exp3A_472 : memref<80x8xf32, #tpu.memory_space<vmem>>[vector<16xi32>, vector<16xi32>], vector<16xf32>,
    %add3A_473 = arith.constant 64 : i32
    %add3A_474 = vector.broadcast %add3A_473 : i32 to vector<16xi32>
    %add3A_475 = arith.addi %iota3A, %add3A_474 : vector<16xi32>
    %get3A_476 = arith.constant 64 : index
    %get3A_477 = tpu.vector_load %arg20[%get3A_476] {strides = array<i32>} : memref<80xf32, #tpu.memory_space<vmem>>, vector<16xf32>,
    %get3A_478 = arith.constant 64 : index
    %get3A_479 = tpu.vector_load %arg23[%get3A_478] {strides = array<i32>} : memref<80xf32, #tpu.memory_space<vmem>>, vector<16xf32>,
    %add3A_480 = arith.addf %get3A_477, %get3A_479 : vector<16xf32>
    %gt3A_481 = arith.constant 0.000000e+00 : f32
    %gt3A_482 = vector.broadcast %gt3A_481 : f32 to vector<16xf32>
    %gt3A_483 = arith.cmpf ogt, %add3A_480, %gt3A_482 : vector<16xf32>
    %mul3A_484 = arith.constant 2.000000e-01 : f32
    %mul3A_485 = vector.broadcast %mul3A_484 : f32 to vector<16xf32>
    %mul3A_486 = arith.mulf %mul3A_485, %add3A_480 : vector<16xf32>
    %select_n3A_487 = arith.select %gt3A_483, %add3A_480, %mul3A_486 : vector<16xi1>, vector<16xf32>
    %exp3A_488 = math.exp %select_n3A_487 : vector<16xf32>
    tpu.vector_store_idx %arg26[%add3A_475, %broadcast_in_dim3A_2], %exp3A_488 : memref<80x8xf32, #tpu.memory_space<vmem>>[vector<16xi32>, vector<16xi32>], vector<16xf32>,
    %parallel_loop3A_489 = arith.constant 0 : i32
    %parallel_loop3A_490 = arith.constant 80 : i32
    %parallel_loop3A_491 = arith.constant 1 : i32
    scf.for %parallel_loop3A_543 = %parallel_loop3A_489 to %parallel_loop3A_490 step %parallel_loop3A_491  : i32 {
      %parallel_loop3A_544 = vector.broadcast %parallel_loop3A_543 : i32 to vector<16xi32>
      %parallel_loop3A_545 = tpu.vector_load_idx %arg26[%parallel_loop3A_544, %broadcast_in_dim3A_2] : memref<80x8xf32, #tpu.memory_space<vmem>>[vector<16xi32>, vector<16xi32>], vector<16xf32>,
      %parallel_loop3A_546 = arith.index_cast %parallel_loop3A_543 : i32 to index
      %parallel_loop3A_547 = arith.constant 0 : index
      %parallel_loop3A_548 = tpu.vector_load %arg11[%parallel_loop3A_546, %parallel_loop3A_547] {strides = array<i32>} : memref<80x128xf32, #tpu.memory_space<vmem>>, vector<16xf32>,
      %parallel_loop3A_549 = arith.mulf %parallel_loop3A_548, %parallel_loop3A_545 : vector<16xf32>
      %parallel_loop3A_550 = arith.index_cast %parallel_loop3A_543 : i32 to index
      %parallel_loop3A_551 = arith.constant 0 : index
      %parallel_loop3A_552 = tpu.vector_load %arg11[%parallel_loop3A_550, %parallel_loop3A_551] {strides = array<i32>} : memref<80x128xf32, #tpu.memory_space<vmem>>, vector<16xf32>,
      tpu.vector_store %arg11[%parallel_loop3A_550, %parallel_loop3A_551], %parallel_loop3A_549 {strides = array<i32>} : memref<80x128xf32, #tpu.memory_space<vmem>>, vector<16xf32>,
      %parallel_loop3A_553 = arith.index_cast %parallel_loop3A_543 : i32 to index
      %parallel_loop3A_554 = arith.constant 16 : index
      %parallel_loop3A_555 = tpu.vector_load %arg11[%parallel_loop3A_553, %parallel_loop3A_554] {strides = array<i32>} : memref<80x128xf32, #tpu.memory_space<vmem>>, vector<16xf32>,
      %parallel_loop3A_556 = arith.mulf %parallel_loop3A_555, %parallel_loop3A_545 : vector<16xf32>
      %parallel_loop3A_557 = arith.index_cast %parallel_loop3A_543 : i32 to index
      %parallel_loop3A_558 = arith.constant 16 : index
      %parallel_loop3A_559 = tpu.vector_load %arg11[%parallel_loop3A_557, %parallel_loop3A_558] {strides = array<i32>} : memref<80x128xf32, #tpu.memory_space<vmem>>, vector<16xf32>,
      tpu.vector_store %arg11[%parallel_loop3A_557, %parallel_loop3A_558], %parallel_loop3A_556 {strides = array<i32>} : memref<80x128xf32, #tpu.memory_space<vmem>>, vector<16xf32>,
      %parallel_loop3A_560 = arith.index_cast %parallel_loop3A_543 : i32 to index
      %parallel_loop3A_561 = arith.constant 32 : index
      %parallel_loop3A_562 = tpu.vector_load %arg11[%parallel_loop3A_560, %parallel_loop3A_561] {strides = array<i32>} : memref<80x128xf32, #tpu.memory_space<vmem>>, vector<16xf32>,
      %parallel_loop3A_563 = arith.mulf %parallel_loop3A_562, %parallel_loop3A_545 : vector<16xf32>
      %parallel_loop3A_564 = arith.index_cast %parallel_loop3A_543 : i32 to index
      %parallel_loop3A_565 = arith.constant 32 : index
      %parallel_loop3A_566 = tpu.vector_load %arg11[%parallel_loop3A_564, %parallel_loop3A_565] {strides = array<i32>} : memref<80x128xf32, #tpu.memory_space<vmem>>, vector<16xf32>,
      tpu.vector_store %arg11[%parallel_loop3A_564, %parallel_loop3A_565], %parallel_loop3A_563 {strides = array<i32>} : memref<80x128xf32, #tpu.memory_space<vmem>>, vector<16xf32>,
      %parallel_loop3A_567 = arith.index_cast %parallel_loop3A_543 : i32 to index
      %parallel_loop3A_568 = arith.constant 48 : index
      %parallel_loop3A_569 = tpu.vector_load %arg11[%parallel_loop3A_567, %parallel_loop3A_568] {strides = array<i32>} : memref<80x128xf32, #tpu.memory_space<vmem>>, vector<16xf32>,
      %parallel_loop3A_570 = arith.mulf %parallel_loop3A_569, %parallel_loop3A_545 : vector<16xf32>
      %parallel_loop3A_571 = arith.index_cast %parallel_loop3A_543 : i32 to index
      %parallel_loop3A_572 = arith.constant 48 : index
      %parallel_loop3A_573 = tpu.vector_load %arg11[%parallel_loop3A_571, %parallel_loop3A_572] {strides = array<i32>} : memref<80x128xf32, #tpu.memory_space<vmem>>, vector<16xf32>,
      tpu.vector_store %arg11[%parallel_loop3A_571, %parallel_loop3A_572], %parallel_loop3A_570 {strides = array<i32>} : memref<80x128xf32, #tpu.memory_space<vmem>>, vector<16xf32>,
      %parallel_loop3A_574 = arith.index_cast %parallel_loop3A_543 : i32 to index
      %parallel_loop3A_575 = arith.constant 64 : index
      %parallel_loop3A_576 = tpu.vector_load %arg11[%parallel_loop3A_574, %parallel_loop3A_575] {strides = array<i32>} : memref<80x128xf32, #tpu.memory_space<vmem>>, vector<16xf32>,
      %parallel_loop3A_577 = arith.mulf %parallel_loop3A_576, %parallel_loop3A_545 : vector<16xf32>
      %parallel_loop3A_578 = arith.index_cast %parallel_loop3A_543 : i32 to index
      %parallel_loop3A_579 = arith.constant 64 : index
      %parallel_loop3A_580 = tpu.vector_load %arg11[%parallel_loop3A_578, %parallel_loop3A_579] {strides = array<i32>} : memref<80x128xf32, #tpu.memory_space<vmem>>, vector<16xf32>,
      tpu.vector_store %arg11[%parallel_loop3A_578, %parallel_loop3A_579], %parallel_loop3A_577 {strides = array<i32>} : memref<80x128xf32, #tpu.memory_space<vmem>>, vector<16xf32>,
      %parallel_loop3A_581 = arith.index_cast %parallel_loop3A_543 : i32 to index
      %parallel_loop3A_582 = arith.constant 80 : index
      %parallel_loop3A_583 = tpu.vector_load %arg11[%parallel_loop3A_581, %parallel_loop3A_582] {strides = array<i32>} : memref<80x128xf32, #tpu.memory_space<vmem>>, vector<16xf32>,
      %parallel_loop3A_584 = arith.mulf %parallel_loop3A_583, %parallel_loop3A_545 : vector<16xf32>
      %parallel_loop3A_585 = arith.index_cast %parallel_loop3A_543 : i32 to index
      %parallel_loop3A_586 = arith.constant 80 : index
      %parallel_loop3A_587 = tpu.vector_load %arg11[%parallel_loop3A_585, %parallel_loop3A_586] {strides = array<i32>} : memref<80x128xf32, #tpu.memory_space<vmem>>, vector<16xf32>,
      tpu.vector_store %arg11[%parallel_loop3A_585, %parallel_loop3A_586], %parallel_loop3A_584 {strides = array<i32>} : memref<80x128xf32, #tpu.memory_space<vmem>>, vector<16xf32>,
      %parallel_loop3A_588 = arith.index_cast %parallel_loop3A_543 : i32 to index
      %parallel_loop3A_589 = arith.constant 96 : index
      %parallel_loop3A_590 = tpu.vector_load %arg11[%parallel_loop3A_588, %parallel_loop3A_589] {strides = array<i32>} : memref<80x128xf32, #tpu.memory_space<vmem>>, vector<16xf32>,
      %parallel_loop3A_591 = arith.mulf %parallel_loop3A_590, %parallel_loop3A_545 : vector<16xf32>
      %parallel_loop3A_592 = arith.index_cast %parallel_loop3A_543 : i32 to index
      %parallel_loop3A_593 = arith.constant 96 : index
      %parallel_loop3A_594 = tpu.vector_load %arg11[%parallel_loop3A_592, %parallel_loop3A_593] {strides = array<i32>} : memref<80x128xf32, #tpu.memory_space<vmem>>, vector<16xf32>,
      tpu.vector_store %arg11[%parallel_loop3A_592, %parallel_loop3A_593], %parallel_loop3A_591 {strides = array<i32>} : memref<80x128xf32, #tpu.memory_space<vmem>>, vector<16xf32>,
      %parallel_loop3A_595 = arith.index_cast %parallel_loop3A_543 : i32 to index
      %parallel_loop3A_596 = arith.constant 112 : index
      %parallel_loop3A_597 = tpu.vector_load %arg11[%parallel_loop3A_595, %parallel_loop3A_596] {strides = array<i32>} : memref<80x128xf32, #tpu.memory_space<vmem>>, vector<16xf32>,
      %parallel_loop3A_598 = arith.mulf %parallel_loop3A_597, %parallel_loop3A_545 : vector<16xf32>
      %parallel_loop3A_599 = arith.index_cast %parallel_loop3A_543 : i32 to index
      %parallel_loop3A_600 = arith.constant 112 : index
      %parallel_loop3A_601 = tpu.vector_load %arg11[%parallel_loop3A_599, %parallel_loop3A_600] {strides = array<i32>} : memref<80x128xf32, #tpu.memory_space<vmem>>, vector<16xf32>,
      tpu.vector_store %arg11[%parallel_loop3A_599, %parallel_loop3A_600], %parallel_loop3A_598 {strides = array<i32>} : memref<80x128xf32, #tpu.memory_space<vmem>>, vector<16xf32>,
    } {sc.loop_unroll_factor = 4 : i64, sc.parallel_access}
    %dma_start3A_492 = arith.constant 0 : i32
    %dma_start3A_493 = arith.constant 0 : i32
    %dma_start3A_494 = tpu.memref_slice %arg28[%dma_start3A_492, %dma_start3A_493] : memref<10240x128xf32, #tpu.memory_space<vmem_shared>> -> memref<10240x128xf32, #tpu.memory_space<vmem_shared>>
    tpu.enqueue_indirect_dma source(%arg11 : memref<80x128xf32, #tpu.memory_space<vmem>>) target(%dma_start3A_494 : memref<10240x128xf32, #tpu.memory_space<vmem_shared>>) offsets(%arg14 : memref<80xi32, #tpu.memory_space<vmem>>) semaphore(%arg34 : memref<!tpu.dma_semaphore, #tpu.memory_space<semaphore_mem>>) {add = true}
    %dma_start3A_495 = arith.constant 0 : i32
    %dma_start3A_496 = arith.constant 0 : i32
    %dma_start3A_497 = tpu.memref_slice %arg29[%dma_start3A_495, %dma_start3A_496] : memref<10240x8xf32, #tpu.memory_space<vmem_shared>> -> memref<10240x8xf32, #tpu.memory_space<vmem_shared>>
    tpu.enqueue_indirect_dma source(%arg26 : memref<80x8xf32, #tpu.memory_space<vmem>>) target(%dma_start3A_497 : memref<10240x8xf32, #tpu.memory_space<vmem_shared>>) offsets(%arg14 : memref<80xi32, #tpu.memory_space<vmem>>) semaphore(%arg34 : memref<!tpu.dma_semaphore, #tpu.memory_space<semaphore_mem>>) {add = true}
    %dma_wait3A_498 = arith.constant 0 : i32
    %dma_wait3A_499 = arith.constant 0 : i32
    %dma_wait3A_500 = tpu.memref_slice %arg28[%dma_wait3A_498, %dma_wait3A_499] : memref<10240x128xf32, #tpu.memory_space<vmem_shared>> -> memref<10240x128xf32, #tpu.memory_space<vmem_shared>>
    tpu.wait_indirect_dma semaphore(%arg33 : memref<!tpu.dma_semaphore, #tpu.memory_space<semaphore_mem>>) src(%arg10 : memref<80x128xf32, #tpu.memory_space<vmem>>) dst(%dma_wait3A_500 : memref<10240x128xf32, #tpu.memory_space<vmem_shared>>)
    %dma_wait3A_501 = arith.constant 0 : i32
    %dma_wait3A_502 = arith.constant 0 : i32
    %dma_wait3A_503 = tpu.memref_slice %arg29[%dma_wait3A_501, %dma_wait3A_502] : memref<10240x8xf32, #tpu.memory_space<vmem_shared>> -> memref<10240x8xf32, #tpu.memory_space<vmem_shared>>
    tpu.wait_indirect_dma semaphore(%arg33 : memref<!tpu.dma_semaphore, #tpu.memory_space<semaphore_mem>>) src(%arg25 : memref<80x8xf32, #tpu.memory_space<vmem>>) dst(%dma_wait3A_503 : memref<10240x8xf32, #tpu.memory_space<vmem_shared>>)
    %dma_wait3A_504 = arith.constant 0 : i32
    %dma_wait3A_505 = arith.constant 0 : i32
    %dma_wait3A_506 = tpu.memref_slice %arg28[%dma_wait3A_504, %dma_wait3A_505] : memref<10240x128xf32, #tpu.memory_space<vmem_shared>> -> memref<10240x128xf32, #tpu.memory_space<vmem_shared>>
    tpu.wait_indirect_dma semaphore(%arg34 : memref<!tpu.dma_semaphore, #tpu.memory_space<semaphore_mem>>) src(%arg11 : memref<80x128xf32, #tpu.memory_space<vmem>>) dst(%dma_wait3A_506 : memref<10240x128xf32, #tpu.memory_space<vmem_shared>>)
    %dma_wait3A_507 = arith.constant 0 : i32
    %dma_wait3A_508 = arith.constant 0 : i32
    %dma_wait3A_509 = tpu.memref_slice %arg29[%dma_wait3A_507, %dma_wait3A_508] : memref<10240x8xf32, #tpu.memory_space<vmem_shared>> -> memref<10240x8xf32, #tpu.memory_space<vmem_shared>>
    tpu.wait_indirect_dma semaphore(%arg34 : memref<!tpu.dma_semaphore, #tpu.memory_space<semaphore_mem>>) src(%arg26 : memref<80x8xf32, #tpu.memory_space<vmem>>) dst(%dma_wait3A_509 : memref<10240x8xf32, #tpu.memory_space<vmem_shared>>)
    %barrier3A_510 = arith.constant 0 : index
    tpu.barrier barrier_id(%barrier3A_510)
    %mul3A_511 = arith.constant 640 : i32
    %mul3A_512 = arith.muli %arg1, %mul3A_511 : i32
    %add3A_513 = arith.constant 0 : i32
    %add3A_514 = arith.addi %mul3A_512, %add3A_513 : i32
    "tpu.region"() ({
      %run_scoped3A = tpu.sem_alloc : memref<!tpu.dma_semaphore, #tpu.memory_space<semaphore_mem>>
      %dma_start3A_543 = arith.constant 0 : i32
      %dma_start3A_544 = tpu.memref_slice %arg28[%add3A_514, %dma_start3A_543] : memref<10240x128xf32, #tpu.memory_space<vmem_shared>> -> memref<80x128xf32, #tpu.memory_space<vmem_shared>>
      %dma_start3A_545 = arith.constant 0 : i32
      %dma_start3A_546 = tpu.memref_slice %arg28[%add3A_514, %dma_start3A_545] : memref<10240x128xf32, #tpu.memory_space<vmem_shared>> -> memref<80x128xf32, #tpu.memory_space<vmem_shared>>
      tpu.enqueue_dma source(%dma_start3A_546 : memref<80x128xf32, #tpu.memory_space<vmem_shared>>) target(%arg10 : memref<80x128xf32, #tpu.memory_space<vmem>>) target_semaphore(%run_scoped3A : memref<!tpu.dma_semaphore, #tpu.memory_space<semaphore_mem>>)
      %dma_wait3A_547 = arith.constant 0 : i32
      %dma_wait3A_548 = tpu.memref_slice %arg28[%add3A_514, %dma_wait3A_547] : memref<10240x128xf32, #tpu.memory_space<vmem_shared>> -> memref<80x128xf32, #tpu.memory_space<vmem_shared>>
      %dma_wait3A_549 = arith.constant 0 : i32
      %dma_wait3A_550 = tpu.memref_slice %arg28[%add3A_514, %dma_wait3A_549] : memref<10240x128xf32, #tpu.memory_space<vmem_shared>> -> memref<80x128xf32, #tpu.memory_space<vmem_shared>>
      tpu.wait_dma2 semaphore(%run_scoped3A : memref<!tpu.dma_semaphore, #tpu.memory_space<semaphore_mem>>) src(%dma_wait3A_550 : memref<80x128xf32, #tpu.memory_space<vmem_shared>>) dst(%arg10 : memref<80x128xf32, #tpu.memory_space<vmem>>)
      tpu.yield
    }) : () -> ()
    "tpu.region"() ({
      %run_scoped3A = tpu.sem_alloc : memref<!tpu.dma_semaphore, #tpu.memory_space<semaphore_mem>>
      %dma_start3A_543 = arith.constant 0 : i32
      %dma_start3A_544 = tpu.memref_slice %arg6[%arg0, %add3A_514, %dma_start3A_543] : memref<2x10240x128xf32, #tpu.memory_space<hbm>> -> memref<1x80x128xf32, #tpu.memory_space<hbm>>
      %dma_start3A_545 = tpu.memref_squeeze %dma_start3A_544 : memref<1x80x128xf32, #tpu.memory_space<hbm>> -> memref<80x128xf32, #tpu.memory_space<hbm>>
      %dma_start3A_546 = arith.constant 0 : i32
      %dma_start3A_547 = tpu.memref_slice %arg6[%arg0, %add3A_514, %dma_start3A_546] : memref<2x10240x128xf32, #tpu.memory_space<hbm>> -> memref<1x80x128xf32, #tpu.memory_space<hbm>>
      %dma_start3A_548 = tpu.memref_squeeze %dma_start3A_547 : memref<1x80x128xf32, #tpu.memory_space<hbm>> -> memref<80x128xf32, #tpu.memory_space<hbm>>
      tpu.enqueue_dma source(%arg10 : memref<80x128xf32, #tpu.memory_space<vmem>>) target(%dma_start3A_548 : memref<80x128xf32, #tpu.memory_space<hbm>>) target_semaphore(%run_scoped3A : memref<!tpu.dma_semaphore, #tpu.memory_space<semaphore_mem>>)
      %dma_wait3A_549 = arith.constant 0 : i32
      %dma_wait3A_550 = tpu.memref_slice %arg6[%arg0, %add3A_514, %dma_wait3A_549] : memref<2x10240x128xf32, #tpu.memory_space<hbm>> -> memref<1x80x128xf32, #tpu.memory_space<hbm>>
      %dma_wait3A_551 = tpu.memref_squeeze %dma_wait3A_550 : memref<1x80x128xf32, #tpu.memory_space<hbm>> -> memref<80x128xf32, #tpu.memory_space<hbm>>
      %dma_wait3A_552 = arith.constant 0 : i32
      %dma_wait3A_553 = tpu.memref_slice %arg6[%arg0, %add3A_514, %dma_wait3A_552] : memref<2x10240x128xf32, #tpu.memory_space<hbm>> -> memref<1x80x128xf32, #tpu.memory_space<hbm>>
      %dma_wait3A_554 = tpu.memref_squeeze %dma_wait3A_553 : memref<1x80x128xf32, #tpu.memory_space<hbm>> -> memref<80x128xf32, #tpu.memory_space<hbm>>
      tpu.wait_dma2 semaphore(%run_scoped3A : memref<!tpu.dma_semaphore, #tpu.memory_space<semaphore_mem>>) src(%arg10 : memref<80x128xf32, #tpu.memory_space<vmem>>) dst(%dma_wait3A_554 : memref<80x128xf32, #tpu.memory_space<hbm>>)
      tpu.yield
    }) : () -> ()
    "tpu.region"() ({
      %run_scoped3A = tpu.sem_alloc : memref<!tpu.dma_semaphore, #tpu.memory_space<semaphore_mem>>
      %dma_start3A_543 = arith.constant 0 : i32
      %dma_start3A_544 = tpu.memref_slice %arg29[%add3A_514, %dma_start3A_543] : memref<10240x8xf32, #tpu.memory_space<vmem_shared>> -> memref<80x8xf32, #tpu.memory_space<vmem_shared>>
      %dma_start3A_545 = arith.constant 0 : i32
      %dma_start3A_546 = tpu.memref_slice %arg29[%add3A_514, %dma_start3A_545] : memref<10240x8xf32, #tpu.memory_space<vmem_shared>> -> memref<80x8xf32, #tpu.memory_space<vmem_shared>>
      tpu.enqueue_dma source(%dma_start3A_546 : memref<80x8xf32, #tpu.memory_space<vmem_shared>>) target(%arg25 : memref<80x8xf32, #tpu.memory_space<vmem>>) target_semaphore(%run_scoped3A : memref<!tpu.dma_semaphore, #tpu.memory_space<semaphore_mem>>)
      %dma_wait3A_547 = arith.constant 0 : i32
      %dma_wait3A_548 = tpu.memref_slice %arg29[%add3A_514, %dma_wait3A_547] : memref<10240x8xf32, #tpu.memory_space<vmem_shared>> -> memref<80x8xf32, #tpu.memory_space<vmem_shared>>
      %dma_wait3A_549 = arith.constant 0 : i32
      %dma_wait3A_550 = tpu.memref_slice %arg29[%add3A_514, %dma_wait3A_549] : memref<10240x8xf32, #tpu.memory_space<vmem_shared>> -> memref<80x8xf32, #tpu.memory_space<vmem_shared>>
      tpu.wait_dma2 semaphore(%run_scoped3A : memref<!tpu.dma_semaphore, #tpu.memory_space<semaphore_mem>>) src(%dma_wait3A_550 : memref<80x8xf32, #tpu.memory_space<vmem_shared>>) dst(%arg25 : memref<80x8xf32, #tpu.memory_space<vmem>>)
      tpu.yield
    }) : () -> ()
    "tpu.region"() ({
      %run_scoped3A = tpu.sem_alloc : memref<!tpu.dma_semaphore, #tpu.memory_space<semaphore_mem>>
      %dma_start3A_543 = arith.constant 0 : i32
      %dma_start3A_544 = tpu.memref_slice %arg7[%arg0, %add3A_514, %dma_start3A_543] : memref<2x10240x8xf32, #tpu.memory_space<hbm>> -> memref<1x80x8xf32, #tpu.memory_space<hbm>>
      %dma_start3A_545 = tpu.memref_squeeze %dma_start3A_544 : memref<1x80x8xf32, #tpu.memory_space<hbm>> -> memref<80x8xf32, #tpu.memory_space<hbm>>
      %dma_start3A_546 = arith.constant 0 : i32
      %dma_start3A_547 = tpu.memref_slice %arg7[%arg0, %add3A_514, %dma_start3A_546] : memref<2x10240x8xf32, #tpu.memory_space<hbm>> -> memref<1x80x8xf32, #tpu.memory_space<hbm>>
      %dma_start3A_548 = tpu.memref_squeeze %dma_start3A_547 : memref<1x80x8xf32, #tpu.memory_space<hbm>> -> memref<80x8xf32, #tpu.memory_space<hbm>>
      tpu.enqueue_dma source(%arg25 : memref<80x8xf32, #tpu.memory_space<vmem>>) target(%dma_start3A_548 : memref<80x8xf32, #tpu.memory_space<hbm>>) target_semaphore(%run_scoped3A : memref<!tpu.dma_semaphore, #tpu.memory_space<semaphore_mem>>)
      %dma_wait3A_549 = arith.constant 0 : i32
      %dma_wait3A_550 = tpu.memref_slice %arg7[%arg0, %add3A_514, %dma_wait3A_549] : memref<2x10240x8xf32, #tpu.memory_space<hbm>> -> memref<1x80x8xf32, #tpu.memory_space<hbm>>
      %dma_wait3A_551 = tpu.memref_squeeze %dma_wait3A_550 : memref<1x80x8xf32, #tpu.memory_space<hbm>> -> memref<80x8xf32, #tpu.memory_space<hbm>>
      %dma_wait3A_552 = arith.constant 0 : i32
      %dma_wait3A_553 = tpu.memref_slice %arg7[%arg0, %add3A_514, %dma_wait3A_552] : memref<2x10240x8xf32, #tpu.memory_space<hbm>> -> memref<1x80x8xf32, #tpu.memory_space<hbm>>
      %dma_wait3A_554 = tpu.memref_squeeze %dma_wait3A_553 : memref<1x80x8xf32, #tpu.memory_space<hbm>> -> memref<80x8xf32, #tpu.memory_space<hbm>>
      tpu.wait_dma2 semaphore(%run_scoped3A : memref<!tpu.dma_semaphore, #tpu.memory_space<semaphore_mem>>) src(%arg25 : memref<80x8xf32, #tpu.memory_space<vmem>>) dst(%dma_wait3A_554 : memref<80x8xf32, #tpu.memory_space<hbm>>)
      tpu.yield
    }) : () -> ()
    %mul3A_515 = arith.constant 640 : i32
    %mul3A_516 = arith.muli %arg1, %mul3A_515 : i32
    %add3A_517 = arith.constant 80 : i32
    %add3A_518 = arith.addi %mul3A_516, %add3A_517 : i32
    "tpu.region"() ({
      %run_scoped3A = tpu.sem_alloc : memref<!tpu.dma_semaphore, #tpu.memory_space<semaphore_mem>>
      %dma_start3A_543 = arith.constant 0 : i32
      %dma_start3A_544 = tpu.memref_slice %arg28[%add3A_518, %dma_start3A_543] : memref<10240x128xf32, #tpu.memory_space<vmem_shared>> -> memref<80x128xf32, #tpu.memory_space<vmem_shared>>
      %dma_start3A_545 = arith.constant 0 : i32
      %dma_start3A_546 = tpu.memref_slice %arg28[%add3A_518, %dma_start3A_545] : memref<10240x128xf32, #tpu.memory_space<vmem_shared>> -> memref<80x128xf32, #tpu.memory_space<vmem_shared>>
      tpu.enqueue_dma source(%dma_start3A_546 : memref<80x128xf32, #tpu.memory_space<vmem_shared>>) target(%arg10 : memref<80x128xf32, #tpu.memory_space<vmem>>) target_semaphore(%run_scoped3A : memref<!tpu.dma_semaphore, #tpu.memory_space<semaphore_mem>>)
      %dma_wait3A_547 = arith.constant 0 : i32
      %dma_wait3A_548 = tpu.memref_slice %arg28[%add3A_518, %dma_wait3A_547] : memref<10240x128xf32, #tpu.memory_space<vmem_shared>> -> memref<80x128xf32, #tpu.memory_space<vmem_shared>>
      %dma_wait3A_549 = arith.constant 0 : i32
      %dma_wait3A_550 = tpu.memref_slice %arg28[%add3A_518, %dma_wait3A_549] : memref<10240x128xf32, #tpu.memory_space<vmem_shared>> -> memref<80x128xf32, #tpu.memory_space<vmem_shared>>
      tpu.wait_dma2 semaphore(%run_scoped3A : memref<!tpu.dma_semaphore, #tpu.memory_space<semaphore_mem>>) src(%dma_wait3A_550 : memref<80x128xf32, #tpu.memory_space<vmem_shared>>) dst(%arg10 : memref<80x128xf32, #tpu.memory_space<vmem>>)
      tpu.yield
    }) : () -> ()
    "tpu.region"() ({
      %run_scoped3A = tpu.sem_alloc : memref<!tpu.dma_semaphore, #tpu.memory_space<semaphore_mem>>
      %dma_start3A_543 = arith.constant 0 : i32
      %dma_start3A_544 = tpu.memref_slice %arg6[%arg0, %add3A_518, %dma_start3A_543] : memref<2x10240x128xf32, #tpu.memory_space<hbm>> -> memref<1x80x128xf32, #tpu.memory_space<hbm>>
      %dma_start3A_545 = tpu.memref_squeeze %dma_start3A_544 : memref<1x80x128xf32, #tpu.memory_space<hbm>> -> memref<80x128xf32, #tpu.memory_space<hbm>>
      %dma_start3A_546 = arith.constant 0 : i32
      %dma_start3A_547 = tpu.memref_slice %arg6[%arg0, %add3A_518, %dma_start3A_546] : memref<2x10240x128xf32, #tpu.memory_space<hbm>> -> memref<1x80x128xf32, #tpu.memory_space<hbm>>
      %dma_start3A_548 = tpu.memref_squeeze %dma_start3A_547 : memref<1x80x128xf32, #tpu.memory_space<hbm>> -> memref<80x128xf32, #tpu.memory_space<hbm>>
      tpu.enqueue_dma source(%arg10 : memref<80x128xf32, #tpu.memory_space<vmem>>) target(%dma_start3A_548 : memref<80x128xf32, #tpu.memory_space<hbm>>) target_semaphore(%run_scoped3A : memref<!tpu.dma_semaphore, #tpu.memory_space<semaphore_mem>>)
      %dma_wait3A_549 = arith.constant 0 : i32
      %dma_wait3A_550 = tpu.memref_slice %arg6[%arg0, %add3A_518, %dma_wait3A_549] : memref<2x10240x128xf32, #tpu.memory_space<hbm>> -> memref<1x80x128xf32, #tpu.memory_space<hbm>>
      %dma_wait3A_551 = tpu.memref_squeeze %dma_wait3A_550 : memref<1x80x128xf32, #tpu.memory_space<hbm>> -> memref<80x128xf32, #tpu.memory_space<hbm>>
      %dma_wait3A_552 = arith.constant 0 : i32
      %dma_wait3A_553 = tpu.memref_slice %arg6[%arg0, %add3A_518, %dma_wait3A_552] : memref<2x10240x128xf32, #tpu.memory_space<hbm>> -> memref<1x80x128xf32, #tpu.memory_space<hbm>>
      %dma_wait3A_554 = tpu.memref_squeeze %dma_wait3A_553 : memref<1x80x128xf32, #tpu.memory_space<hbm>> -> memref<80x128xf32, #tpu.memory_space<hbm>>
      tpu.wait_dma2 semaphore(%run_scoped3A : memref<!tpu.dma_semaphore, #tpu.memory_space<semaphore_mem>>) src(%arg10 : memref<80x128xf32, #tpu.memory_space<vmem>>) dst(%dma_wait3A_554 : memref<80x128xf32, #tpu.memory_space<hbm>>)
      tpu.yield
    }) : () -> ()
    "tpu.region"() ({
      %run_scoped3A = tpu.sem_alloc : memref<!tpu.dma_semaphore, #tpu.memory_space<semaphore_mem>>
      %dma_start3A_543 = arith.constant 0 : i32
      %dma_start3A_544 = tpu.memref_slice %arg29[%add3A_518, %dma_start3A_543] : memref<10240x8xf32, #tpu.memory_space<vmem_shared>> -> memref<80x8xf32, #tpu.memory_space<vmem_shared>>
      %dma_start3A_545 = arith.constant 0 : i32
      %dma_start3A_546 = tpu.memref_slice %arg29[%add3A_518, %dma_start3A_545] : memref<10240x8xf32, #tpu.memory_space<vmem_shared>> -> memref<80x8xf32, #tpu.memory_space<vmem_shared>>
      tpu.enqueue_dma source(%dma_start3A_546 : memref<80x8xf32, #tpu.memory_space<vmem_shared>>) target(%arg25 : memref<80x8xf32, #tpu.memory_space<vmem>>) target_semaphore(%run_scoped3A : memref<!tpu.dma_semaphore, #tpu.memory_space<semaphore_mem>>)
      %dma_wait3A_547 = arith.constant 0 : i32
      %dma_wait3A_548 = tpu.memref_slice %arg29[%add3A_518, %dma_wait3A_547] : memref<10240x8xf32, #tpu.memory_space<vmem_shared>> -> memref<80x8xf32, #tpu.memory_space<vmem_shared>>
      %dma_wait3A_549 = arith.constant 0 : i32
      %dma_wait3A_550 = tpu.memref_slice %arg29[%add3A_518, %dma_wait3A_549] : memref<10240x8xf32, #tpu.memory_space<vmem_shared>> -> memref<80x8xf32, #tpu.memory_space<vmem_shared>>
      tpu.wait_dma2 semaphore(%run_scoped3A : memref<!tpu.dma_semaphore, #tpu.memory_space<semaphore_mem>>) src(%dma_wait3A_550 : memref<80x8xf32, #tpu.memory_space<vmem_shared>>) dst(%arg25 : memref<80x8xf32, #tpu.memory_space<vmem>>)
      tpu.yield
    }) : () -> ()
    "tpu.region"() ({
      %run_scoped3A = tpu.sem_alloc : memref<!tpu.dma_semaphore, #tpu.memory_space<semaphore_mem>>
      %dma_start3A_543 = arith.constant 0 : i32
      %dma_start3A_544 = tpu.memref_slice %arg7[%arg0, %add3A_518, %dma_start3A_543] : memref<2x10240x8xf32, #tpu.memory_space<hbm>> -> memref<1x80x8xf32, #tpu.memory_space<hbm>>
      %dma_start3A_545 = tpu.memref_squeeze %dma_start3A_544 : memref<1x80x8xf32, #tpu.memory_space<hbm>> -> memref<80x8xf32, #tpu.memory_space<hbm>>
      %dma_start3A_546 = arith.constant 0 : i32
      %dma_start3A_547 = tpu.memref_slice %arg7[%arg0, %add3A_518, %dma_start3A_546] : memref<2x10240x8xf32, #tpu.memory_space<hbm>> -> memref<1x80x8xf32, #tpu.memory_space<hbm>>
      %dma_start3A_548 = tpu.memref_squeeze %dma_start3A_547 : memref<1x80x8xf32, #tpu.memory_space<hbm>> -> memref<80x8xf32, #tpu.memory_space<hbm>>
      tpu.enqueue_dma source(%arg25 : memref<80x8xf32, #tpu.memory_space<vmem>>) target(%dma_start3A_548 : memref<80x8xf32, #tpu.memory_space<hbm>>) target_semaphore(%run_scoped3A : memref<!tpu.dma_semaphore, #tpu.memory_space<semaphore_mem>>)
      %dma_wait3A_549 = arith.constant 0 : i32
      %dma_wait3A_550 = tpu.memref_slice %arg7[%arg0, %add3A_518, %dma_wait3A_549] : memref<2x10240x8xf32, #tpu.memory_space<hbm>> -> memref<1x80x8xf32, #tpu.memory_space<hbm>>
      %dma_wait3A_551 = tpu.memref_squeeze %dma_wait3A_550 : memref<1x80x8xf32, #tpu.memory_space<hbm>> -> memref<80x8xf32, #tpu.memory_space<hbm>>
      %dma_wait3A_552 = arith.constant 0 : i32
      %dma_wait3A_553 = tpu.memref_slice %arg7[%arg0, %add3A_518, %dma_wait3A_552] : memref<2x10240x8xf32, #tpu.memory_space<hbm>> -> memref<1x80x8xf32, #tpu.memory_space<hbm>>
      %dma_wait3A_554 = tpu.memref_squeeze %dma_wait3A_553 : memref<1x80x8xf32, #tpu.memory_space<hbm>> -> memref<80x8xf32, #tpu.memory_space<hbm>>
      tpu.wait_dma2 semaphore(%run_scoped3A : memref<!tpu.dma_semaphore, #tpu.memory_space<semaphore_mem>>) src(%arg25 : memref<80x8xf32, #tpu.memory_space<vmem>>) dst(%dma_wait3A_554 : memref<80x8xf32, #tpu.memory_space<hbm>>)
      tpu.yield
    }) : () -> ()
    %mul3A_519 = arith.constant 640 : i32
    %mul3A_520 = arith.muli %arg1, %mul3A_519 : i32
    %add3A_521 = arith.constant 160 : i32
    %add3A_522 = arith.addi %mul3A_520, %add3A_521 : i32
    "tpu.region"() ({
      %run_scoped3A = tpu.sem_alloc : memref<!tpu.dma_semaphore, #tpu.memory_space<semaphore_mem>>
      %dma_start3A_543 = arith.constant 0 : i32
      %dma_start3A_544 = tpu.memref_slice %arg28[%add3A_522, %dma_start3A_543] : memref<10240x128xf32, #tpu.memory_space<vmem_shared>> -> memref<80x128xf32, #tpu.memory_space<vmem_shared>>
      %dma_start3A_545 = arith.constant 0 : i32
      %dma_start3A_546 = tpu.memref_slice %arg28[%add3A_522, %dma_start3A_545] : memref<10240x128xf32, #tpu.memory_space<vmem_shared>> -> memref<80x128xf32, #tpu.memory_space<vmem_shared>>
      tpu.enqueue_dma source(%dma_start3A_546 : memref<80x128xf32, #tpu.memory_space<vmem_shared>>) target(%arg10 : memref<80x128xf32, #tpu.memory_space<vmem>>) target_semaphore(%run_scoped3A : memref<!tpu.dma_semaphore, #tpu.memory_space<semaphore_mem>>)
      %dma_wait3A_547 = arith.constant 0 : i32
      %dma_wait3A_548 = tpu.memref_slice %arg28[%add3A_522, %dma_wait3A_547] : memref<10240x128xf32, #tpu.memory_space<vmem_shared>> -> memref<80x128xf32, #tpu.memory_space<vmem_shared>>
      %dma_wait3A_549 = arith.constant 0 : i32
      %dma_wait3A_550 = tpu.memref_slice %arg28[%add3A_522, %dma_wait3A_549] : memref<10240x128xf32, #tpu.memory_space<vmem_shared>> -> memref<80x128xf32, #tpu.memory_space<vmem_shared>>
      tpu.wait_dma2 semaphore(%run_scoped3A : memref<!tpu.dma_semaphore, #tpu.memory_space<semaphore_mem>>) src(%dma_wait3A_550 : memref<80x128xf32, #tpu.memory_space<vmem_shared>>) dst(%arg10 : memref<80x128xf32, #tpu.memory_space<vmem>>)
      tpu.yield
    }) : () -> ()
    "tpu.region"() ({
      %run_scoped3A = tpu.sem_alloc : memref<!tpu.dma_semaphore, #tpu.memory_space<semaphore_mem>>
      %dma_start3A_543 = arith.constant 0 : i32
      %dma_start3A_544 = tpu.memref_slice %arg6[%arg0, %add3A_522, %dma_start3A_543] : memref<2x10240x128xf32, #tpu.memory_space<hbm>> -> memref<1x80x128xf32, #tpu.memory_space<hbm>>
      %dma_start3A_545 = tpu.memref_squeeze %dma_start3A_544 : memref<1x80x128xf32, #tpu.memory_space<hbm>> -> memref<80x128xf32, #tpu.memory_space<hbm>>
      %dma_start3A_546 = arith.constant 0 : i32
      %dma_start3A_547 = tpu.memref_slice %arg6[%arg0, %add3A_522, %dma_start3A_546] : memref<2x10240x128xf32, #tpu.memory_space<hbm>> -> memref<1x80x128xf32, #tpu.memory_space<hbm>>
      %dma_start3A_548 = tpu.memref_squeeze %dma_start3A_547 : memref<1x80x128xf32, #tpu.memory_space<hbm>> -> memref<80x128xf32, #tpu.memory_space<hbm>>
      tpu.enqueue_dma source(%arg10 : memref<80x128xf32, #tpu.memory_space<vmem>>) target(%dma_start3A_548 : memref<80x128xf32, #tpu.memory_space<hbm>>) target_semaphore(%run_scoped3A : memref<!tpu.dma_semaphore, #tpu.memory_space<semaphore_mem>>)
      %dma_wait3A_549 = arith.constant 0 : i32
      %dma_wait3A_550 = tpu.memref_slice %arg6[%arg0, %add3A_522, %dma_wait3A_549] : memref<2x10240x128xf32, #tpu.memory_space<hbm>> -> memref<1x80x128xf32, #tpu.memory_space<hbm>>
      %dma_wait3A_551 = tpu.memref_squeeze %dma_wait3A_550 : memref<1x80x128xf32, #tpu.memory_space<hbm>> -> memref<80x128xf32, #tpu.memory_space<hbm>>
      %dma_wait3A_552 = arith.constant 0 : i32
      %dma_wait3A_553 = tpu.memref_slice %arg6[%arg0, %add3A_522, %dma_wait3A_552] : memref<2x10240x128xf32, #tpu.memory_space<hbm>> -> memref<1x80x128xf32, #tpu.memory_space<hbm>>
      %dma_wait3A_554 = tpu.memref_squeeze %dma_wait3A_553 : memref<1x80x128xf32, #tpu.memory_space<hbm>> -> memref<80x128xf32, #tpu.memory_space<hbm>>
      tpu.wait_dma2 semaphore(%run_scoped3A : memref<!tpu.dma_semaphore, #tpu.memory_space<semaphore_mem>>) src(%arg10 : memref<80x128xf32, #tpu.memory_space<vmem>>) dst(%dma_wait3A_554 : memref<80x128xf32, #tpu.memory_space<hbm>>)
      tpu.yield
    }) : () -> ()
    "tpu.region"() ({
      %run_scoped3A = tpu.sem_alloc : memref<!tpu.dma_semaphore, #tpu.memory_space<semaphore_mem>>
      %dma_start3A_543 = arith.constant 0 : i32
      %dma_start3A_544 = tpu.memref_slice %arg29[%add3A_522, %dma_start3A_543] : memref<10240x8xf32, #tpu.memory_space<vmem_shared>> -> memref<80x8xf32, #tpu.memory_space<vmem_shared>>
      %dma_start3A_545 = arith.constant 0 : i32
      %dma_start3A_546 = tpu.memref_slice %arg29[%add3A_522, %dma_start3A_545] : memref<10240x8xf32, #tpu.memory_space<vmem_shared>> -> memref<80x8xf32, #tpu.memory_space<vmem_shared>>
      tpu.enqueue_dma source(%dma_start3A_546 : memref<80x8xf32, #tpu.memory_space<vmem_shared>>) target(%arg25 : memref<80x8xf32, #tpu.memory_space<vmem>>) target_semaphore(%run_scoped3A : memref<!tpu.dma_semaphore, #tpu.memory_space<semaphore_mem>>)
      %dma_wait3A_547 = arith.constant 0 : i32
      %dma_wait3A_548 = tpu.memref_slice %arg29[%add3A_522, %dma_wait3A_547] : memref<10240x8xf32, #tpu.memory_space<vmem_shared>> -> memref<80x8xf32, #tpu.memory_space<vmem_shared>>
      %dma_wait3A_549 = arith.constant 0 : i32
      %dma_wait3A_550 = tpu.memref_slice %arg29[%add3A_522, %dma_wait3A_549] : memref<10240x8xf32, #tpu.memory_space<vmem_shared>> -> memref<80x8xf32, #tpu.memory_space<vmem_shared>>
      tpu.wait_dma2 semaphore(%run_scoped3A : memref<!tpu.dma_semaphore, #tpu.memory_space<semaphore_mem>>) src(%dma_wait3A_550 : memref<80x8xf32, #tpu.memory_space<vmem_shared>>) dst(%arg25 : memref<80x8xf32, #tpu.memory_space<vmem>>)
      tpu.yield
    }) : () -> ()
    "tpu.region"() ({
      %run_scoped3A = tpu.sem_alloc : memref<!tpu.dma_semaphore, #tpu.memory_space<semaphore_mem>>
      %dma_start3A_543 = arith.constant 0 : i32
      %dma_start3A_544 = tpu.memref_slice %arg7[%arg0, %add3A_522, %dma_start3A_543] : memref<2x10240x8xf32, #tpu.memory_space<hbm>> -> memref<1x80x8xf32, #tpu.memory_space<hbm>>
      %dma_start3A_545 = tpu.memref_squeeze %dma_start3A_544 : memref<1x80x8xf32, #tpu.memory_space<hbm>> -> memref<80x8xf32, #tpu.memory_space<hbm>>
      %dma_start3A_546 = arith.constant 0 : i32
      %dma_start3A_547 = tpu.memref_slice %arg7[%arg0, %add3A_522, %dma_start3A_546] : memref<2x10240x8xf32, #tpu.memory_space<hbm>> -> memref<1x80x8xf32, #tpu.memory_space<hbm>>
      %dma_start3A_548 = tpu.memref_squeeze %dma_start3A_547 : memref<1x80x8xf32, #tpu.memory_space<hbm>> -> memref<80x8xf32, #tpu.memory_space<hbm>>
      tpu.enqueue_dma source(%arg25 : memref<80x8xf32, #tpu.memory_space<vmem>>) target(%dma_start3A_548 : memref<80x8xf32, #tpu.memory_space<hbm>>) target_semaphore(%run_scoped3A : memref<!tpu.dma_semaphore, #tpu.memory_space<semaphore_mem>>)
      %dma_wait3A_549 = arith.constant 0 : i32
      %dma_wait3A_550 = tpu.memref_slice %arg7[%arg0, %add3A_522, %dma_wait3A_549] : memref<2x10240x8xf32, #tpu.memory_space<hbm>> -> memref<1x80x8xf32, #tpu.memory_space<hbm>>
      %dma_wait3A_551 = tpu.memref_squeeze %dma_wait3A_550 : memref<1x80x8xf32, #tpu.memory_space<hbm>> -> memref<80x8xf32, #tpu.memory_space<hbm>>
      %dma_wait3A_552 = arith.constant 0 : i32
      %dma_wait3A_553 = tpu.memref_slice %arg7[%arg0, %add3A_522, %dma_wait3A_552] : memref<2x10240x8xf32, #tpu.memory_space<hbm>> -> memref<1x80x8xf32, #tpu.memory_space<hbm>>
      %dma_wait3A_554 = tpu.memref_squeeze %dma_wait3A_553 : memref<1x80x8xf32, #tpu.memory_space<hbm>> -> memref<80x8xf32, #tpu.memory_space<hbm>>
      tpu.wait_dma2 semaphore(%run_scoped3A : memref<!tpu.dma_semaphore, #tpu.memory_space<semaphore_mem>>) src(%arg25 : memref<80x8xf32, #tpu.memory_space<vmem>>) dst(%dma_wait3A_554 : memref<80x8xf32, #tpu.memory_space<hbm>>)
      tpu.yield
    }) : () -> ()
    %mul3A_523 = arith.constant 640 : i32
    %mul3A_524 = arith.muli %arg1, %mul3A_523 : i32
    %add3A_525 = arith.constant 240 : i32
    %add3A_526 = arith.addi %mul3A_524, %add3A_525 : i32
    "tpu.region"() ({
      %run_scoped3A = tpu.sem_alloc : memref<!tpu.dma_semaphore, #tpu.memory_space<semaphore_mem>>
      %dma_start3A_543 = arith.constant 0 : i32
      %dma_start3A_544 = tpu.memref_slice %arg28[%add3A_526, %dma_start3A_543] : memref<10240x128xf32, #tpu.memory_space<vmem_shared>> -> memref<80x128xf32, #tpu.memory_space<vmem_shared>>
      %dma_start3A_545 = arith.constant 0 : i32
      %dma_start3A_546 = tpu.memref_slice %arg28[%add3A_526, %dma_start3A_545] : memref<10240x128xf32, #tpu.memory_space<vmem_shared>> -> memref<80x128xf32, #tpu.memory_space<vmem_shared>>
      tpu.enqueue_dma source(%dma_start3A_546 : memref<80x128xf32, #tpu.memory_space<vmem_shared>>) target(%arg10 : memref<80x128xf32, #tpu.memory_space<vmem>>) target_semaphore(%run_scoped3A : memref<!tpu.dma_semaphore, #tpu.memory_space<semaphore_mem>>)
      %dma_wait3A_547 = arith.constant 0 : i32
      %dma_wait3A_548 = tpu.memref_slice %arg28[%add3A_526, %dma_wait3A_547] : memref<10240x128xf32, #tpu.memory_space<vmem_shared>> -> memref<80x128xf32, #tpu.memory_space<vmem_shared>>
      %dma_wait3A_549 = arith.constant 0 : i32
      %dma_wait3A_550 = tpu.memref_slice %arg28[%add3A_526, %dma_wait3A_549] : memref<10240x128xf32, #tpu.memory_space<vmem_shared>> -> memref<80x128xf32, #tpu.memory_space<vmem_shared>>
      tpu.wait_dma2 semaphore(%run_scoped3A : memref<!tpu.dma_semaphore, #tpu.memory_space<semaphore_mem>>) src(%dma_wait3A_550 : memref<80x128xf32, #tpu.memory_space<vmem_shared>>) dst(%arg10 : memref<80x128xf32, #tpu.memory_space<vmem>>)
      tpu.yield
    }) : () -> ()
    "tpu.region"() ({
      %run_scoped3A = tpu.sem_alloc : memref<!tpu.dma_semaphore, #tpu.memory_space<semaphore_mem>>
      %dma_start3A_543 = arith.constant 0 : i32
      %dma_start3A_544 = tpu.memref_slice %arg6[%arg0, %add3A_526, %dma_start3A_543] : memref<2x10240x128xf32, #tpu.memory_space<hbm>> -> memref<1x80x128xf32, #tpu.memory_space<hbm>>
      %dma_start3A_545 = tpu.memref_squeeze %dma_start3A_544 : memref<1x80x128xf32, #tpu.memory_space<hbm>> -> memref<80x128xf32, #tpu.memory_space<hbm>>
      %dma_start3A_546 = arith.constant 0 : i32
      %dma_start3A_547 = tpu.memref_slice %arg6[%arg0, %add3A_526, %dma_start3A_546] : memref<2x10240x128xf32, #tpu.memory_space<hbm>> -> memref<1x80x128xf32, #tpu.memory_space<hbm>>
      %dma_start3A_548 = tpu.memref_squeeze %dma_start3A_547 : memref<1x80x128xf32, #tpu.memory_space<hbm>> -> memref<80x128xf32, #tpu.memory_space<hbm>>
      tpu.enqueue_dma source(%arg10 : memref<80x128xf32, #tpu.memory_space<vmem>>) target(%dma_start3A_548 : memref<80x128xf32, #tpu.memory_space<hbm>>) target_semaphore(%run_scoped3A : memref<!tpu.dma_semaphore, #tpu.memory_space<semaphore_mem>>)
      %dma_wait3A_549 = arith.constant 0 : i32
      %dma_wait3A_550 = tpu.memref_slice %arg6[%arg0, %add3A_526, %dma_wait3A_549] : memref<2x10240x128xf32, #tpu.memory_space<hbm>> -> memref<1x80x128xf32, #tpu.memory_space<hbm>>
      %dma_wait3A_551 = tpu.memref_squeeze %dma_wait3A_550 : memref<1x80x128xf32, #tpu.memory_space<hbm>> -> memref<80x128xf32, #tpu.memory_space<hbm>>
      %dma_wait3A_552 = arith.constant 0 : i32
      %dma_wait3A_553 = tpu.memref_slice %arg6[%arg0, %add3A_526, %dma_wait3A_552] : memref<2x10240x128xf32, #tpu.memory_space<hbm>> -> memref<1x80x128xf32, #tpu.memory_space<hbm>>
      %dma_wait3A_554 = tpu.memref_squeeze %dma_wait3A_553 : memref<1x80x128xf32, #tpu.memory_space<hbm>> -> memref<80x128xf32, #tpu.memory_space<hbm>>
      tpu.wait_dma2 semaphore(%run_scoped3A : memref<!tpu.dma_semaphore, #tpu.memory_space<semaphore_mem>>) src(%arg10 : memref<80x128xf32, #tpu.memory_space<vmem>>) dst(%dma_wait3A_554 : memref<80x128xf32, #tpu.memory_space<hbm>>)
      tpu.yield
    }) : () -> ()
    "tpu.region"() ({
      %run_scoped3A = tpu.sem_alloc : memref<!tpu.dma_semaphore, #tpu.memory_space<semaphore_mem>>
      %dma_start3A_543 = arith.constant 0 : i32
      %dma_start3A_544 = tpu.memref_slice %arg29[%add3A_526, %dma_start3A_543] : memref<10240x8xf32, #tpu.memory_space<vmem_shared>> -> memref<80x8xf32, #tpu.memory_space<vmem_shared>>
      %dma_start3A_545 = arith.constant 0 : i32
      %dma_start3A_546 = tpu.memref_slice %arg29[%add3A_526, %dma_start3A_545] : memref<10240x8xf32, #tpu.memory_space<vmem_shared>> -> memref<80x8xf32, #tpu.memory_space<vmem_shared>>
      tpu.enqueue_dma source(%dma_start3A_546 : memref<80x8xf32, #tpu.memory_space<vmem_shared>>) target(%arg25 : memref<80x8xf32, #tpu.memory_space<vmem>>) target_semaphore(%run_scoped3A : memref<!tpu.dma_semaphore, #tpu.memory_space<semaphore_mem>>)
      %dma_wait3A_547 = arith.constant 0 : i32
      %dma_wait3A_548 = tpu.memref_slice %arg29[%add3A_526, %dma_wait3A_547] : memref<10240x8xf32, #tpu.memory_space<vmem_shared>> -> memref<80x8xf32, #tpu.memory_space<vmem_shared>>
      %dma_wait3A_549 = arith.constant 0 : i32
      %dma_wait3A_550 = tpu.memref_slice %arg29[%add3A_526, %dma_wait3A_549] : memref<10240x8xf32, #tpu.memory_space<vmem_shared>> -> memref<80x8xf32, #tpu.memory_space<vmem_shared>>
      tpu.wait_dma2 semaphore(%run_scoped3A : memref<!tpu.dma_semaphore, #tpu.memory_space<semaphore_mem>>) src(%dma_wait3A_550 : memref<80x8xf32, #tpu.memory_space<vmem_shared>>) dst(%arg25 : memref<80x8xf32, #tpu.memory_space<vmem>>)
      tpu.yield
    }) : () -> ()
    "tpu.region"() ({
      %run_scoped3A = tpu.sem_alloc : memref<!tpu.dma_semaphore, #tpu.memory_space<semaphore_mem>>
      %dma_start3A_543 = arith.constant 0 : i32
      %dma_start3A_544 = tpu.memref_slice %arg7[%arg0, %add3A_526, %dma_start3A_543] : memref<2x10240x8xf32, #tpu.memory_space<hbm>> -> memref<1x80x8xf32, #tpu.memory_space<hbm>>
      %dma_start3A_545 = tpu.memref_squeeze %dma_start3A_544 : memref<1x80x8xf32, #tpu.memory_space<hbm>> -> memref<80x8xf32, #tpu.memory_space<hbm>>
      %dma_start3A_546 = arith.constant 0 : i32
      %dma_start3A_547 = tpu.memref_slice %arg7[%arg0, %add3A_526, %dma_start3A_546] : memref<2x10240x8xf32, #tpu.memory_space<hbm>> -> memref<1x80x8xf32, #tpu.memory_space<hbm>>
      %dma_start3A_548 = tpu.memref_squeeze %dma_start3A_547 : memref<1x80x8xf32, #tpu.memory_space<hbm>> -> memref<80x8xf32, #tpu.memory_space<hbm>>
      tpu.enqueue_dma source(%arg25 : memref<80x8xf32, #tpu.memory_space<vmem>>) target(%dma_start3A_548 : memref<80x8xf32, #tpu.memory_space<hbm>>) target_semaphore(%run_scoped3A : memref<!tpu.dma_semaphore, #tpu.memory_space<semaphore_mem>>)
      %dma_wait3A_549 = arith.constant 0 : i32
      %dma_wait3A_550 = tpu.memref_slice %arg7[%arg0, %add3A_526, %dma_wait3A_549] : memref<2x10240x8xf32, #tpu.memory_space<hbm>> -> memref<1x80x8xf32, #tpu.memory_space<hbm>>
      %dma_wait3A_551 = tpu.memref_squeeze %dma_wait3A_550 : memref<1x80x8xf32, #tpu.memory_space<hbm>> -> memref<80x8xf32, #tpu.memory_space<hbm>>
      %dma_wait3A_552 = arith.constant 0 : i32
      %dma_wait3A_553 = tpu.memref_slice %arg7[%arg0, %add3A_526, %dma_wait3A_552] : memref<2x10240x8xf32, #tpu.memory_space<hbm>> -> memref<1x80x8xf32, #tpu.memory_space<hbm>>
      %dma_wait3A_554 = tpu.memref_squeeze %dma_wait3A_553 : memref<1x80x8xf32, #tpu.memory_space<hbm>> -> memref<80x8xf32, #tpu.memory_space<hbm>>
      tpu.wait_dma2 semaphore(%run_scoped3A : memref<!tpu.dma_semaphore, #tpu.memory_space<semaphore_mem>>) src(%arg25 : memref<80x8xf32, #tpu.memory_space<vmem>>) dst(%dma_wait3A_554 : memref<80x8xf32, #tpu.memory_space<hbm>>)
      tpu.yield
    }) : () -> ()
    %mul3A_527 = arith.constant 640 : i32
    %mul3A_528 = arith.muli %arg1, %mul3A_527 : i32
    %add3A_529 = arith.constant 320 : i32
    %add3A_530 = arith.addi %mul3A_528, %add3A_529 : i32
    "tpu.region"() ({
      %run_scoped3A = tpu.sem_alloc : memref<!tpu.dma_semaphore, #tpu.memory_space<semaphore_mem>>
      %dma_start3A_543 = arith.constant 0 : i32
      %dma_start3A_544 = tpu.memref_slice %arg28[%add3A_530, %dma_start3A_543] : memref<10240x128xf32, #tpu.memory_space<vmem_shared>> -> memref<80x128xf32, #tpu.memory_space<vmem_shared>>
      %dma_start3A_545 = arith.constant 0 : i32
      %dma_start3A_546 = tpu.memref_slice %arg28[%add3A_530, %dma_start3A_545] : memref<10240x128xf32, #tpu.memory_space<vmem_shared>> -> memref<80x128xf32, #tpu.memory_space<vmem_shared>>
      tpu.enqueue_dma source(%dma_start3A_546 : memref<80x128xf32, #tpu.memory_space<vmem_shared>>) target(%arg10 : memref<80x128xf32, #tpu.memory_space<vmem>>) target_semaphore(%run_scoped3A : memref<!tpu.dma_semaphore, #tpu.memory_space<semaphore_mem>>)
      %dma_wait3A_547 = arith.constant 0 : i32
      %dma_wait3A_548 = tpu.memref_slice %arg28[%add3A_530, %dma_wait3A_547] : memref<10240x128xf32, #tpu.memory_space<vmem_shared>> -> memref<80x128xf32, #tpu.memory_space<vmem_shared>>
      %dma_wait3A_549 = arith.constant 0 : i32
      %dma_wait3A_550 = tpu.memref_slice %arg28[%add3A_530, %dma_wait3A_549] : memref<10240x128xf32, #tpu.memory_space<vmem_shared>> -> memref<80x128xf32, #tpu.memory_space<vmem_shared>>
      tpu.wait_dma2 semaphore(%run_scoped3A : memref<!tpu.dma_semaphore, #tpu.memory_space<semaphore_mem>>) src(%dma_wait3A_550 : memref<80x128xf32, #tpu.memory_space<vmem_shared>>) dst(%arg10 : memref<80x128xf32, #tpu.memory_space<vmem>>)
      tpu.yield
    }) : () -> ()
    "tpu.region"() ({
      %run_scoped3A = tpu.sem_alloc : memref<!tpu.dma_semaphore, #tpu.memory_space<semaphore_mem>>
      %dma_start3A_543 = arith.constant 0 : i32
      %dma_start3A_544 = tpu.memref_slice %arg6[%arg0, %add3A_530, %dma_start3A_543] : memref<2x10240x128xf32, #tpu.memory_space<hbm>> -> memref<1x80x128xf32, #tpu.memory_space<hbm>>
      %dma_start3A_545 = tpu.memref_squeeze %dma_start3A_544 : memref<1x80x128xf32, #tpu.memory_space<hbm>> -> memref<80x128xf32, #tpu.memory_space<hbm>>
      %dma_start3A_546 = arith.constant 0 : i32
      %dma_start3A_547 = tpu.memref_slice %arg6[%arg0, %add3A_530, %dma_start3A_546] : memref<2x10240x128xf32, #tpu.memory_space<hbm>> -> memref<1x80x128xf32, #tpu.memory_space<hbm>>
      %dma_start3A_548 = tpu.memref_squeeze %dma_start3A_547 : memref<1x80x128xf32, #tpu.memory_space<hbm>> -> memref<80x128xf32, #tpu.memory_space<hbm>>
      tpu.enqueue_dma source(%arg10 : memref<80x128xf32, #tpu.memory_space<vmem>>) target(%dma_start3A_548 : memref<80x128xf32, #tpu.memory_space<hbm>>) target_semaphore(%run_scoped3A : memref<!tpu.dma_semaphore, #tpu.memory_space<semaphore_mem>>)
      %dma_wait3A_549 = arith.constant 0 : i32
      %dma_wait3A_550 = tpu.memref_slice %arg6[%arg0, %add3A_530, %dma_wait3A_549] : memref<2x10240x128xf32, #tpu.memory_space<hbm>> -> memref<1x80x128xf32, #tpu.memory_space<hbm>>
      %dma_wait3A_551 = tpu.memref_squeeze %dma_wait3A_550 : memref<1x80x128xf32, #tpu.memory_space<hbm>> -> memref<80x128xf32, #tpu.memory_space<hbm>>
      %dma_wait3A_552 = arith.constant 0 : i32
      %dma_wait3A_553 = tpu.memref_slice %arg6[%arg0, %add3A_530, %dma_wait3A_552] : memref<2x10240x128xf32, #tpu.memory_space<hbm>> -> memref<1x80x128xf32, #tpu.memory_space<hbm>>
      %dma_wait3A_554 = tpu.memref_squeeze %dma_wait3A_553 : memref<1x80x128xf32, #tpu.memory_space<hbm>> -> memref<80x128xf32, #tpu.memory_space<hbm>>
      tpu.wait_dma2 semaphore(%run_scoped3A : memref<!tpu.dma_semaphore, #tpu.memory_space<semaphore_mem>>) src(%arg10 : memref<80x128xf32, #tpu.memory_space<vmem>>) dst(%dma_wait3A_554 : memref<80x128xf32, #tpu.memory_space<hbm>>)
      tpu.yield
    }) : () -> ()
    "tpu.region"() ({
      %run_scoped3A = tpu.sem_alloc : memref<!tpu.dma_semaphore, #tpu.memory_space<semaphore_mem>>
      %dma_start3A_543 = arith.constant 0 : i32
      %dma_start3A_544 = tpu.memref_slice %arg29[%add3A_530, %dma_start3A_543] : memref<10240x8xf32, #tpu.memory_space<vmem_shared>> -> memref<80x8xf32, #tpu.memory_space<vmem_shared>>
      %dma_start3A_545 = arith.constant 0 : i32
      %dma_start3A_546 = tpu.memref_slice %arg29[%add3A_530, %dma_start3A_545] : memref<10240x8xf32, #tpu.memory_space<vmem_shared>> -> memref<80x8xf32, #tpu.memory_space<vmem_shared>>
      tpu.enqueue_dma source(%dma_start3A_546 : memref<80x8xf32, #tpu.memory_space<vmem_shared>>) target(%arg25 : memref<80x8xf32, #tpu.memory_space<vmem>>) target_semaphore(%run_scoped3A : memref<!tpu.dma_semaphore, #tpu.memory_space<semaphore_mem>>)
      %dma_wait3A_547 = arith.constant 0 : i32
      %dma_wait3A_548 = tpu.memref_slice %arg29[%add3A_530, %dma_wait3A_547] : memref<10240x8xf32, #tpu.memory_space<vmem_shared>> -> memref<80x8xf32, #tpu.memory_space<vmem_shared>>
      %dma_wait3A_549 = arith.constant 0 : i32
      %dma_wait3A_550 = tpu.memref_slice %arg29[%add3A_530, %dma_wait3A_549] : memref<10240x8xf32, #tpu.memory_space<vmem_shared>> -> memref<80x8xf32, #tpu.memory_space<vmem_shared>>
      tpu.wait_dma2 semaphore(%run_scoped3A : memref<!tpu.dma_semaphore, #tpu.memory_space<semaphore_mem>>) src(%dma_wait3A_550 : memref<80x8xf32, #tpu.memory_space<vmem_shared>>) dst(%arg25 : memref<80x8xf32, #tpu.memory_space<vmem>>)
      tpu.yield
    }) : () -> ()
    "tpu.region"() ({
      %run_scoped3A = tpu.sem_alloc : memref<!tpu.dma_semaphore, #tpu.memory_space<semaphore_mem>>
      %dma_start3A_543 = arith.constant 0 : i32
      %dma_start3A_544 = tpu.memref_slice %arg7[%arg0, %add3A_530, %dma_start3A_543] : memref<2x10240x8xf32, #tpu.memory_space<hbm>> -> memref<1x80x8xf32, #tpu.memory_space<hbm>>
      %dma_start3A_545 = tpu.memref_squeeze %dma_start3A_544 : memref<1x80x8xf32, #tpu.memory_space<hbm>> -> memref<80x8xf32, #tpu.memory_space<hbm>>
      %dma_start3A_546 = arith.constant 0 : i32
      %dma_start3A_547 = tpu.memref_slice %arg7[%arg0, %add3A_530, %dma_start3A_546] : memref<2x10240x8xf32, #tpu.memory_space<hbm>> -> memref<1x80x8xf32, #tpu.memory_space<hbm>>
      %dma_start3A_548 = tpu.memref_squeeze %dma_start3A_547 : memref<1x80x8xf32, #tpu.memory_space<hbm>> -> memref<80x8xf32, #tpu.memory_space<hbm>>
      tpu.enqueue_dma source(%arg25 : memref<80x8xf32, #tpu.memory_space<vmem>>) target(%dma_start3A_548 : memref<80x8xf32, #tpu.memory_space<hbm>>) target_semaphore(%run_scoped3A : memref<!tpu.dma_semaphore, #tpu.memory_space<semaphore_mem>>)
      %dma_wait3A_549 = arith.constant 0 : i32
      %dma_wait3A_550 = tpu.memref_slice %arg7[%arg0, %add3A_530, %dma_wait3A_549] : memref<2x10240x8xf32, #tpu.memory_space<hbm>> -> memref<1x80x8xf32, #tpu.memory_space<hbm>>
      %dma_wait3A_551 = tpu.memref_squeeze %dma_wait3A_550 : memref<1x80x8xf32, #tpu.memory_space<hbm>> -> memref<80x8xf32, #tpu.memory_space<hbm>>
      %dma_wait3A_552 = arith.constant 0 : i32
      %dma_wait3A_553 = tpu.memref_slice %arg7[%arg0, %add3A_530, %dma_wait3A_552] : memref<2x10240x8xf32, #tpu.memory_space<hbm>> -> memref<1x80x8xf32, #tpu.memory_space<hbm>>
      %dma_wait3A_554 = tpu.memref_squeeze %dma_wait3A_553 : memref<1x80x8xf32, #tpu.memory_space<hbm>> -> memref<80x8xf32, #tpu.memory_space<hbm>>
      tpu.wait_dma2 semaphore(%run_scoped3A : memref<!tpu.dma_semaphore, #tpu.memory_space<semaphore_mem>>) src(%arg25 : memref<80x8xf32, #tpu.memory_space<vmem>>) dst(%dma_wait3A_554 : memref<80x8xf32, #tpu.memory_space<hbm>>)
      tpu.yield
    }) : () -> ()
    %mul3A_531 = arith.constant 640 : i32
    %mul3A_532 = arith.muli %arg1, %mul3A_531 : i32
    %add3A_533 = arith.constant 400 : i32
    %add3A_534 = arith.addi %mul3A_532, %add3A_533 : i32
    "tpu.region"() ({
      %run_scoped3A = tpu.sem_alloc : memref<!tpu.dma_semaphore, #tpu.memory_space<semaphore_mem>>
      %dma_start3A_543 = arith.constant 0 : i32
      %dma_start3A_544 = tpu.memref_slice %arg28[%add3A_534, %dma_start3A_543] : memref<10240x128xf32, #tpu.memory_space<vmem_shared>> -> memref<80x128xf32, #tpu.memory_space<vmem_shared>>
      %dma_start3A_545 = arith.constant 0 : i32
      %dma_start3A_546 = tpu.memref_slice %arg28[%add3A_534, %dma_start3A_545] : memref<10240x128xf32, #tpu.memory_space<vmem_shared>> -> memref<80x128xf32, #tpu.memory_space<vmem_shared>>
      tpu.enqueue_dma source(%dma_start3A_546 : memref<80x128xf32, #tpu.memory_space<vmem_shared>>) target(%arg10 : memref<80x128xf32, #tpu.memory_space<vmem>>) target_semaphore(%run_scoped3A : memref<!tpu.dma_semaphore, #tpu.memory_space<semaphore_mem>>)
      %dma_wait3A_547 = arith.constant 0 : i32
      %dma_wait3A_548 = tpu.memref_slice %arg28[%add3A_534, %dma_wait3A_547] : memref<10240x128xf32, #tpu.memory_space<vmem_shared>> -> memref<80x128xf32, #tpu.memory_space<vmem_shared>>
      %dma_wait3A_549 = arith.constant 0 : i32
      %dma_wait3A_550 = tpu.memref_slice %arg28[%add3A_534, %dma_wait3A_549] : memref<10240x128xf32, #tpu.memory_space<vmem_shared>> -> memref<80x128xf32, #tpu.memory_space<vmem_shared>>
      tpu.wait_dma2 semaphore(%run_scoped3A : memref<!tpu.dma_semaphore, #tpu.memory_space<semaphore_mem>>) src(%dma_wait3A_550 : memref<80x128xf32, #tpu.memory_space<vmem_shared>>) dst(%arg10 : memref<80x128xf32, #tpu.memory_space<vmem>>)
      tpu.yield
    }) : () -> ()
    "tpu.region"() ({
      %run_scoped3A = tpu.sem_alloc : memref<!tpu.dma_semaphore, #tpu.memory_space<semaphore_mem>>
      %dma_start3A_543 = arith.constant 0 : i32
      %dma_start3A_544 = tpu.memref_slice %arg6[%arg0, %add3A_534, %dma_start3A_543] : memref<2x10240x128xf32, #tpu.memory_space<hbm>> -> memref<1x80x128xf32, #tpu.memory_space<hbm>>
      %dma_start3A_545 = tpu.memref_squeeze %dma_start3A_544 : memref<1x80x128xf32, #tpu.memory_space<hbm>> -> memref<80x128xf32, #tpu.memory_space<hbm>>
      %dma_start3A_546 = arith.constant 0 : i32
      %dma_start3A_547 = tpu.memref_slice %arg6[%arg0, %add3A_534, %dma_start3A_546] : memref<2x10240x128xf32, #tpu.memory_space<hbm>> -> memref<1x80x128xf32, #tpu.memory_space<hbm>>
      %dma_start3A_548 = tpu.memref_squeeze %dma_start3A_547 : memref<1x80x128xf32, #tpu.memory_space<hbm>> -> memref<80x128xf32, #tpu.memory_space<hbm>>
      tpu.enqueue_dma source(%arg10 : memref<80x128xf32, #tpu.memory_space<vmem>>) target(%dma_start3A_548 : memref<80x128xf32, #tpu.memory_space<hbm>>) target_semaphore(%run_scoped3A : memref<!tpu.dma_semaphore, #tpu.memory_space<semaphore_mem>>)
      %dma_wait3A_549 = arith.constant 0 : i32
      %dma_wait3A_550 = tpu.memref_slice %arg6[%arg0, %add3A_534, %dma_wait3A_549] : memref<2x10240x128xf32, #tpu.memory_space<hbm>> -> memref<1x80x128xf32, #tpu.memory_space<hbm>>
      %dma_wait3A_551 = tpu.memref_squeeze %dma_wait3A_550 : memref<1x80x128xf32, #tpu.memory_space<hbm>> -> memref<80x128xf32, #tpu.memory_space<hbm>>
      %dma_wait3A_552 = arith.constant 0 : i32
      %dma_wait3A_553 = tpu.memref_slice %arg6[%arg0, %add3A_534, %dma_wait3A_552] : memref<2x10240x128xf32, #tpu.memory_space<hbm>> -> memref<1x80x128xf32, #tpu.memory_space<hbm>>
      %dma_wait3A_554 = tpu.memref_squeeze %dma_wait3A_553 : memref<1x80x128xf32, #tpu.memory_space<hbm>> -> memref<80x128xf32, #tpu.memory_space<hbm>>
      tpu.wait_dma2 semaphore(%run_scoped3A : memref<!tpu.dma_semaphore, #tpu.memory_space<semaphore_mem>>) src(%arg10 : memref<80x128xf32, #tpu.memory_space<vmem>>) dst(%dma_wait3A_554 : memref<80x128xf32, #tpu.memory_space<hbm>>)
      tpu.yield
    }) : () -> ()
    "tpu.region"() ({
      %run_scoped3A = tpu.sem_alloc : memref<!tpu.dma_semaphore, #tpu.memory_space<semaphore_mem>>
      %dma_start3A_543 = arith.constant 0 : i32
      %dma_start3A_544 = tpu.memref_slice %arg29[%add3A_534, %dma_start3A_543] : memref<10240x8xf32, #tpu.memory_space<vmem_shared>> -> memref<80x8xf32, #tpu.memory_space<vmem_shared>>
      %dma_start3A_545 = arith.constant 0 : i32
      %dma_start3A_546 = tpu.memref_slice %arg29[%add3A_534, %dma_start3A_545] : memref<10240x8xf32, #tpu.memory_space<vmem_shared>> -> memref<80x8xf32, #tpu.memory_space<vmem_shared>>
      tpu.enqueue_dma source(%dma_start3A_546 : memref<80x8xf32, #tpu.memory_space<vmem_shared>>) target(%arg25 : memref<80x8xf32, #tpu.memory_space<vmem>>) target_semaphore(%run_scoped3A : memref<!tpu.dma_semaphore, #tpu.memory_space<semaphore_mem>>)
      %dma_wait3A_547 = arith.constant 0 : i32
      %dma_wait3A_548 = tpu.memref_slice %arg29[%add3A_534, %dma_wait3A_547] : memref<10240x8xf32, #tpu.memory_space<vmem_shared>> -> memref<80x8xf32, #tpu.memory_space<vmem_shared>>
      %dma_wait3A_549 = arith.constant 0 : i32
      %dma_wait3A_550 = tpu.memref_slice %arg29[%add3A_534, %dma_wait3A_549] : memref<10240x8xf32, #tpu.memory_space<vmem_shared>> -> memref<80x8xf32, #tpu.memory_space<vmem_shared>>
      tpu.wait_dma2 semaphore(%run_scoped3A : memref<!tpu.dma_semaphore, #tpu.memory_space<semaphore_mem>>) src(%dma_wait3A_550 : memref<80x8xf32, #tpu.memory_space<vmem_shared>>) dst(%arg25 : memref<80x8xf32, #tpu.memory_space<vmem>>)
      tpu.yield
    }) : () -> ()
    "tpu.region"() ({
      %run_scoped3A = tpu.sem_alloc : memref<!tpu.dma_semaphore, #tpu.memory_space<semaphore_mem>>
      %dma_start3A_543 = arith.constant 0 : i32
      %dma_start3A_544 = tpu.memref_slice %arg7[%arg0, %add3A_534, %dma_start3A_543] : memref<2x10240x8xf32, #tpu.memory_space<hbm>> -> memref<1x80x8xf32, #tpu.memory_space<hbm>>
      %dma_start3A_545 = tpu.memref_squeeze %dma_start3A_544 : memref<1x80x8xf32, #tpu.memory_space<hbm>> -> memref<80x8xf32, #tpu.memory_space<hbm>>
      %dma_start3A_546 = arith.constant 0 : i32
      %dma_start3A_547 = tpu.memref_slice %arg7[%arg0, %add3A_534, %dma_start3A_546] : memref<2x10240x8xf32, #tpu.memory_space<hbm>> -> memref<1x80x8xf32, #tpu.memory_space<hbm>>
      %dma_start3A_548 = tpu.memref_squeeze %dma_start3A_547 : memref<1x80x8xf32, #tpu.memory_space<hbm>> -> memref<80x8xf32, #tpu.memory_space<hbm>>
      tpu.enqueue_dma source(%arg25 : memref<80x8xf32, #tpu.memory_space<vmem>>) target(%dma_start3A_548 : memref<80x8xf32, #tpu.memory_space<hbm>>) target_semaphore(%run_scoped3A : memref<!tpu.dma_semaphore, #tpu.memory_space<semaphore_mem>>)
      %dma_wait3A_549 = arith.constant 0 : i32
      %dma_wait3A_550 = tpu.memref_slice %arg7[%arg0, %add3A_534, %dma_wait3A_549] : memref<2x10240x8xf32, #tpu.memory_space<hbm>> -> memref<1x80x8xf32, #tpu.memory_space<hbm>>
      %dma_wait3A_551 = tpu.memref_squeeze %dma_wait3A_550 : memref<1x80x8xf32, #tpu.memory_space<hbm>> -> memref<80x8xf32, #tpu.memory_space<hbm>>
      %dma_wait3A_552 = arith.constant 0 : i32
      %dma_wait3A_553 = tpu.memref_slice %arg7[%arg0, %add3A_534, %dma_wait3A_552] : memref<2x10240x8xf32, #tpu.memory_space<hbm>> -> memref<1x80x8xf32, #tpu.memory_space<hbm>>
      %dma_wait3A_554 = tpu.memref_squeeze %dma_wait3A_553 : memref<1x80x8xf32, #tpu.memory_space<hbm>> -> memref<80x8xf32, #tpu.memory_space<hbm>>
      tpu.wait_dma2 semaphore(%run_scoped3A : memref<!tpu.dma_semaphore, #tpu.memory_space<semaphore_mem>>) src(%arg25 : memref<80x8xf32, #tpu.memory_space<vmem>>) dst(%dma_wait3A_554 : memref<80x8xf32, #tpu.memory_space<hbm>>)
      tpu.yield
    }) : () -> ()
    %mul3A_535 = arith.constant 640 : i32
    %mul3A_536 = arith.muli %arg1, %mul3A_535 : i32
    %add3A_537 = arith.constant 480 : i32
    %add3A_538 = arith.addi %mul3A_536, %add3A_537 : i32
    "tpu.region"() ({
      %run_scoped3A = tpu.sem_alloc : memref<!tpu.dma_semaphore, #tpu.memory_space<semaphore_mem>>
      %dma_start3A_543 = arith.constant 0 : i32
      %dma_start3A_544 = tpu.memref_slice %arg28[%add3A_538, %dma_start3A_543] : memref<10240x128xf32, #tpu.memory_space<vmem_shared>> -> memref<80x128xf32, #tpu.memory_space<vmem_shared>>
      %dma_start3A_545 = arith.constant 0 : i32
      %dma_start3A_546 = tpu.memref_slice %arg28[%add3A_538, %dma_start3A_545] : memref<10240x128xf32, #tpu.memory_space<vmem_shared>> -> memref<80x128xf32, #tpu.memory_space<vmem_shared>>
      tpu.enqueue_dma source(%dma_start3A_546 : memref<80x128xf32, #tpu.memory_space<vmem_shared>>) target(%arg10 : memref<80x128xf32, #tpu.memory_space<vmem>>) target_semaphore(%run_scoped3A : memref<!tpu.dma_semaphore, #tpu.memory_space<semaphore_mem>>)
      %dma_wait3A_547 = arith.constant 0 : i32
      %dma_wait3A_548 = tpu.memref_slice %arg28[%add3A_538, %dma_wait3A_547] : memref<10240x128xf32, #tpu.memory_space<vmem_shared>> -> memref<80x128xf32, #tpu.memory_space<vmem_shared>>
      %dma_wait3A_549 = arith.constant 0 : i32
      %dma_wait3A_550 = tpu.memref_slice %arg28[%add3A_538, %dma_wait3A_549] : memref<10240x128xf32, #tpu.memory_space<vmem_shared>> -> memref<80x128xf32, #tpu.memory_space<vmem_shared>>
      tpu.wait_dma2 semaphore(%run_scoped3A : memref<!tpu.dma_semaphore, #tpu.memory_space<semaphore_mem>>) src(%dma_wait3A_550 : memref<80x128xf32, #tpu.memory_space<vmem_shared>>) dst(%arg10 : memref<80x128xf32, #tpu.memory_space<vmem>>)
      tpu.yield
    }) : () -> ()
    "tpu.region"() ({
      %run_scoped3A = tpu.sem_alloc : memref<!tpu.dma_semaphore, #tpu.memory_space<semaphore_mem>>
      %dma_start3A_543 = arith.constant 0 : i32
      %dma_start3A_544 = tpu.memref_slice %arg6[%arg0, %add3A_538, %dma_start3A_543] : memref<2x10240x128xf32, #tpu.memory_space<hbm>> -> memref<1x80x128xf32, #tpu.memory_space<hbm>>
      %dma_start3A_545 = tpu.memref_squeeze %dma_start3A_544 : memref<1x80x128xf32, #tpu.memory_space<hbm>> -> memref<80x128xf32, #tpu.memory_space<hbm>>
      %dma_start3A_546 = arith.constant 0 : i32
      %dma_start3A_547 = tpu.memref_slice %arg6[%arg0, %add3A_538, %dma_start3A_546] : memref<2x10240x128xf32, #tpu.memory_space<hbm>> -> memref<1x80x128xf32, #tpu.memory_space<hbm>>
      %dma_start3A_548 = tpu.memref_squeeze %dma_start3A_547 : memref<1x80x128xf32, #tpu.memory_space<hbm>> -> memref<80x128xf32, #tpu.memory_space<hbm>>
      tpu.enqueue_dma source(%arg10 : memref<80x128xf32, #tpu.memory_space<vmem>>) target(%dma_start3A_548 : memref<80x128xf32, #tpu.memory_space<hbm>>) target_semaphore(%run_scoped3A : memref<!tpu.dma_semaphore, #tpu.memory_space<semaphore_mem>>)
      %dma_wait3A_549 = arith.constant 0 : i32
      %dma_wait3A_550 = tpu.memref_slice %arg6[%arg0, %add3A_538, %dma_wait3A_549] : memref<2x10240x128xf32, #tpu.memory_space<hbm>> -> memref<1x80x128xf32, #tpu.memory_space<hbm>>
      %dma_wait3A_551 = tpu.memref_squeeze %dma_wait3A_550 : memref<1x80x128xf32, #tpu.memory_space<hbm>> -> memref<80x128xf32, #tpu.memory_space<hbm>>
      %dma_wait3A_552 = arith.constant 0 : i32
      %dma_wait3A_553 = tpu.memref_slice %arg6[%arg0, %add3A_538, %dma_wait3A_552] : memref<2x10240x128xf32, #tpu.memory_space<hbm>> -> memref<1x80x128xf32, #tpu.memory_space<hbm>>
      %dma_wait3A_554 = tpu.memref_squeeze %dma_wait3A_553 : memref<1x80x128xf32, #tpu.memory_space<hbm>> -> memref<80x128xf32, #tpu.memory_space<hbm>>
      tpu.wait_dma2 semaphore(%run_scoped3A : memref<!tpu.dma_semaphore, #tpu.memory_space<semaphore_mem>>) src(%arg10 : memref<80x128xf32, #tpu.memory_space<vmem>>) dst(%dma_wait3A_554 : memref<80x128xf32, #tpu.memory_space<hbm>>)
      tpu.yield
    }) : () -> ()
    "tpu.region"() ({
      %run_scoped3A = tpu.sem_alloc : memref<!tpu.dma_semaphore, #tpu.memory_space<semaphore_mem>>
      %dma_start3A_543 = arith.constant 0 : i32
      %dma_start3A_544 = tpu.memref_slice %arg29[%add3A_538, %dma_start3A_543] : memref<10240x8xf32, #tpu.memory_space<vmem_shared>> -> memref<80x8xf32, #tpu.memory_space<vmem_shared>>
      %dma_start3A_545 = arith.constant 0 : i32
      %dma_start3A_546 = tpu.memref_slice %arg29[%add3A_538, %dma_start3A_545] : memref<10240x8xf32, #tpu.memory_space<vmem_shared>> -> memref<80x8xf32, #tpu.memory_space<vmem_shared>>
      tpu.enqueue_dma source(%dma_start3A_546 : memref<80x8xf32, #tpu.memory_space<vmem_shared>>) target(%arg25 : memref<80x8xf32, #tpu.memory_space<vmem>>) target_semaphore(%run_scoped3A : memref<!tpu.dma_semaphore, #tpu.memory_space<semaphore_mem>>)
      %dma_wait3A_547 = arith.constant 0 : i32
      %dma_wait3A_548 = tpu.memref_slice %arg29[%add3A_538, %dma_wait3A_547] : memref<10240x8xf32, #tpu.memory_space<vmem_shared>> -> memref<80x8xf32, #tpu.memory_space<vmem_shared>>
      %dma_wait3A_549 = arith.constant 0 : i32
      %dma_wait3A_550 = tpu.memref_slice %arg29[%add3A_538, %dma_wait3A_549] : memref<10240x8xf32, #tpu.memory_space<vmem_shared>> -> memref<80x8xf32, #tpu.memory_space<vmem_shared>>
      tpu.wait_dma2 semaphore(%run_scoped3A : memref<!tpu.dma_semaphore, #tpu.memory_space<semaphore_mem>>) src(%dma_wait3A_550 : memref<80x8xf32, #tpu.memory_space<vmem_shared>>) dst(%arg25 : memref<80x8xf32, #tpu.memory_space<vmem>>)
      tpu.yield
    }) : () -> ()
    "tpu.region"() ({
      %run_scoped3A = tpu.sem_alloc : memref<!tpu.dma_semaphore, #tpu.memory_space<semaphore_mem>>
      %dma_start3A_543 = arith.constant 0 : i32
      %dma_start3A_544 = tpu.memref_slice %arg7[%arg0, %add3A_538, %dma_start3A_543] : memref<2x10240x8xf32, #tpu.memory_space<hbm>> -> memref<1x80x8xf32, #tpu.memory_space<hbm>>
      %dma_start3A_545 = tpu.memref_squeeze %dma_start3A_544 : memref<1x80x8xf32, #tpu.memory_space<hbm>> -> memref<80x8xf32, #tpu.memory_space<hbm>>
      %dma_start3A_546 = arith.constant 0 : i32
      %dma_start3A_547 = tpu.memref_slice %arg7[%arg0, %add3A_538, %dma_start3A_546] : memref<2x10240x8xf32, #tpu.memory_space<hbm>> -> memref<1x80x8xf32, #tpu.memory_space<hbm>>
      %dma_start3A_548 = tpu.memref_squeeze %dma_start3A_547 : memref<1x80x8xf32, #tpu.memory_space<hbm>> -> memref<80x8xf32, #tpu.memory_space<hbm>>
      tpu.enqueue_dma source(%arg25 : memref<80x8xf32, #tpu.memory_space<vmem>>) target(%dma_start3A_548 : memref<80x8xf32, #tpu.memory_space<hbm>>) target_semaphore(%run_scoped3A : memref<!tpu.dma_semaphore, #tpu.memory_space<semaphore_mem>>)
      %dma_wait3A_549 = arith.constant 0 : i32
      %dma_wait3A_550 = tpu.memref_slice %arg7[%arg0, %add3A_538, %dma_wait3A_549] : memref<2x10240x8xf32, #tpu.memory_space<hbm>> -> memref<1x80x8xf32, #tpu.memory_space<hbm>>
      %dma_wait3A_551 = tpu.memref_squeeze %dma_wait3A_550 : memref<1x80x8xf32, #tpu.memory_space<hbm>> -> memref<80x8xf32, #tpu.memory_space<hbm>>
      %dma_wait3A_552 = arith.constant 0 : i32
      %dma_wait3A_553 = tpu.memref_slice %arg7[%arg0, %add3A_538, %dma_wait3A_552] : memref<2x10240x8xf32, #tpu.memory_space<hbm>> -> memref<1x80x8xf32, #tpu.memory_space<hbm>>
      %dma_wait3A_554 = tpu.memref_squeeze %dma_wait3A_553 : memref<1x80x8xf32, #tpu.memory_space<hbm>> -> memref<80x8xf32, #tpu.memory_space<hbm>>
      tpu.wait_dma2 semaphore(%run_scoped3A : memref<!tpu.dma_semaphore, #tpu.memory_space<semaphore_mem>>) src(%arg25 : memref<80x8xf32, #tpu.memory_space<vmem>>) dst(%dma_wait3A_554 : memref<80x8xf32, #tpu.memory_space<hbm>>)
      tpu.yield
    }) : () -> ()
    %mul3A_539 = arith.constant 640 : i32
    %mul3A_540 = arith.muli %arg1, %mul3A_539 : i32
    %add3A_541 = arith.constant 560 : i32
    %add3A_542 = arith.addi %mul3A_540, %add3A_541 : i32
    "tpu.region"() ({
      %run_scoped3A = tpu.sem_alloc : memref<!tpu.dma_semaphore, #tpu.memory_space<semaphore_mem>>
      %dma_start3A_543 = arith.constant 0 : i32
      %dma_start3A_544 = tpu.memref_slice %arg28[%add3A_542, %dma_start3A_543] : memref<10240x128xf32, #tpu.memory_space<vmem_shared>> -> memref<80x128xf32, #tpu.memory_space<vmem_shared>>
      %dma_start3A_545 = arith.constant 0 : i32
      %dma_start3A_546 = tpu.memref_slice %arg28[%add3A_542, %dma_start3A_545] : memref<10240x128xf32, #tpu.memory_space<vmem_shared>> -> memref<80x128xf32, #tpu.memory_space<vmem_shared>>
      tpu.enqueue_dma source(%dma_start3A_546 : memref<80x128xf32, #tpu.memory_space<vmem_shared>>) target(%arg10 : memref<80x128xf32, #tpu.memory_space<vmem>>) target_semaphore(%run_scoped3A : memref<!tpu.dma_semaphore, #tpu.memory_space<semaphore_mem>>)
      %dma_wait3A_547 = arith.constant 0 : i32
      %dma_wait3A_548 = tpu.memref_slice %arg28[%add3A_542, %dma_wait3A_547] : memref<10240x128xf32, #tpu.memory_space<vmem_shared>> -> memref<80x128xf32, #tpu.memory_space<vmem_shared>>
      %dma_wait3A_549 = arith.constant 0 : i32
      %dma_wait3A_550 = tpu.memref_slice %arg28[%add3A_542, %dma_wait3A_549] : memref<10240x128xf32, #tpu.memory_space<vmem_shared>> -> memref<80x128xf32, #tpu.memory_space<vmem_shared>>
      tpu.wait_dma2 semaphore(%run_scoped3A : memref<!tpu.dma_semaphore, #tpu.memory_space<semaphore_mem>>) src(%dma_wait3A_550 : memref<80x128xf32, #tpu.memory_space<vmem_shared>>) dst(%arg10 : memref<80x128xf32, #tpu.memory_space<vmem>>)
      tpu.yield
    }) : () -> ()
    "tpu.region"() ({
      %run_scoped3A = tpu.sem_alloc : memref<!tpu.dma_semaphore, #tpu.memory_space<semaphore_mem>>
      %dma_start3A_543 = arith.constant 0 : i32
      %dma_start3A_544 = tpu.memref_slice %arg6[%arg0, %add3A_542, %dma_start3A_543] : memref<2x10240x128xf32, #tpu.memory_space<hbm>> -> memref<1x80x128xf32, #tpu.memory_space<hbm>>
      %dma_start3A_545 = tpu.memref_squeeze %dma_start3A_544 : memref<1x80x128xf32, #tpu.memory_space<hbm>> -> memref<80x128xf32, #tpu.memory_space<hbm>>
      %dma_start3A_546 = arith.constant 0 : i32
      %dma_start3A_547 = tpu.memref_slice %arg6[%arg0, %add3A_542, %dma_start3A_546] : memref<2x10240x128xf32, #tpu.memory_space<hbm>> -> memref<1x80x128xf32, #tpu.memory_space<hbm>>
      %dma_start3A_548 = tpu.memref_squeeze %dma_start3A_547 : memref<1x80x128xf32, #tpu.memory_space<hbm>> -> memref<80x128xf32, #tpu.memory_space<hbm>>
      tpu.enqueue_dma source(%arg10 : memref<80x128xf32, #tpu.memory_space<vmem>>) target(%dma_start3A_548 : memref<80x128xf32, #tpu.memory_space<hbm>>) target_semaphore(%run_scoped3A : memref<!tpu.dma_semaphore, #tpu.memory_space<semaphore_mem>>)
      %dma_wait3A_549 = arith.constant 0 : i32
      %dma_wait3A_550 = tpu.memref_slice %arg6[%arg0, %add3A_542, %dma_wait3A_549] : memref<2x10240x128xf32, #tpu.memory_space<hbm>> -> memref<1x80x128xf32, #tpu.memory_space<hbm>>
      %dma_wait3A_551 = tpu.memref_squeeze %dma_wait3A_550 : memref<1x80x128xf32, #tpu.memory_space<hbm>> -> memref<80x128xf32, #tpu.memory_space<hbm>>
      %dma_wait3A_552 = arith.constant 0 : i32
      %dma_wait3A_553 = tpu.memref_slice %arg6[%arg0, %add3A_542, %dma_wait3A_552] : memref<2x10240x128xf32, #tpu.memory_space<hbm>> -> memref<1x80x128xf32, #tpu.memory_space<hbm>>
      %dma_wait3A_554 = tpu.memref_squeeze %dma_wait3A_553 : memref<1x80x128xf32, #tpu.memory_space<hbm>> -> memref<80x128xf32, #tpu.memory_space<hbm>>
      tpu.wait_dma2 semaphore(%run_scoped3A : memref<!tpu.dma_semaphore, #tpu.memory_space<semaphore_mem>>) src(%arg10 : memref<80x128xf32, #tpu.memory_space<vmem>>) dst(%dma_wait3A_554 : memref<80x128xf32, #tpu.memory_space<hbm>>)
      tpu.yield
    }) : () -> ()
    "tpu.region"() ({
      %run_scoped3A = tpu.sem_alloc : memref<!tpu.dma_semaphore, #tpu.memory_space<semaphore_mem>>
      %dma_start3A_543 = arith.constant 0 : i32
      %dma_start3A_544 = tpu.memref_slice %arg29[%add3A_542, %dma_start3A_543] : memref<10240x8xf32, #tpu.memory_space<vmem_shared>> -> memref<80x8xf32, #tpu.memory_space<vmem_shared>>
      %dma_start3A_545 = arith.constant 0 : i32
      %dma_start3A_546 = tpu.memref_slice %arg29[%add3A_542, %dma_start3A_545] : memref<10240x8xf32, #tpu.memory_space<vmem_shared>> -> memref<80x8xf32, #tpu.memory_space<vmem_shared>>
      tpu.enqueue_dma source(%dma_start3A_546 : memref<80x8xf32, #tpu.memory_space<vmem_shared>>) target(%arg25 : memref<80x8xf32, #tpu.memory_space<vmem>>) target_semaphore(%run_scoped3A : memref<!tpu.dma_semaphore, #tpu.memory_space<semaphore_mem>>)
      %dma_wait3A_547 = arith.constant 0 : i32
      %dma_wait3A_548 = tpu.memref_slice %arg29[%add3A_542, %dma_wait3A_547] : memref<10240x8xf32, #tpu.memory_space<vmem_shared>> -> memref<80x8xf32, #tpu.memory_space<vmem_shared>>
      %dma_wait3A_549 = arith.constant 0 : i32
      %dma_wait3A_550 = tpu.memref_slice %arg29[%add3A_542, %dma_wait3A_549] : memref<10240x8xf32, #tpu.memory_space<vmem_shared>> -> memref<80x8xf32, #tpu.memory_space<vmem_shared>>
      tpu.wait_dma2 semaphore(%run_scoped3A : memref<!tpu.dma_semaphore, #tpu.memory_space<semaphore_mem>>) src(%dma_wait3A_550 : memref<80x8xf32, #tpu.memory_space<vmem_shared>>) dst(%arg25 : memref<80x8xf32, #tpu.memory_space<vmem>>)
      tpu.yield
    }) : () -> ()
    "tpu.region"() ({
      %run_scoped3A = tpu.sem_alloc : memref<!tpu.dma_semaphore, #tpu.memory_space<semaphore_mem>>
      %dma_start3A_543 = arith.constant 0 : i32
      %dma_start3A_544 = tpu.memref_slice %arg7[%arg0, %add3A_542, %dma_start3A_543] : memref<2x10240x8xf32, #tpu.memory_space<hbm>> -> memref<1x80x8xf32, #tpu.memory_space<hbm>>
      %dma_start3A_545 = tpu.memref_squeeze %dma_start3A_544 : memref<1x80x8xf32, #tpu.memory_space<hbm>> -> memref<80x8xf32, #tpu.memory_space<hbm>>
      %dma_start3A_546 = arith.constant 0 : i32
      %dma_start3A_547 = tpu.memref_slice %arg7[%arg0, %add3A_542, %dma_start3A_546] : memref<2x10240x8xf32, #tpu.memory_space<hbm>> -> memref<1x80x8xf32, #tpu.memory_space<hbm>>
      %dma_start3A_548 = tpu.memref_squeeze %dma_start3A_547 : memref<1x80x8xf32, #tpu.memory_space<hbm>> -> memref<80x8xf32, #tpu.memory_space<hbm>>
      tpu.enqueue_dma source(%arg25 : memref<80x8xf32, #tpu.memory_space<vmem>>) target(%dma_start3A_548 : memref<80x8xf32, #tpu.memory_space<hbm>>) target_semaphore(%run_scoped3A : memref<!tpu.dma_semaphore, #tpu.memory_space<semaphore_mem>>)
      %dma_wait3A_549 = arith.constant 0 : i32
      %dma_wait3A_550 = tpu.memref_slice %arg7[%arg0, %add3A_542, %dma_wait3A_549] : memref<2x10240x8xf32, #tpu.memory_space<hbm>> -> memref<1x80x8xf32, #tpu.memory_space<hbm>>
      %dma_wait3A_551 = tpu.memref_squeeze %dma_wait3A_550 : memref<1x80x8xf32, #tpu.memory_space<hbm>> -> memref<80x8xf32, #tpu.memory_space<hbm>>
      %dma_wait3A_552 = arith.constant 0 : i32
      %dma_wait3A_553 = tpu.memref_slice %arg7[%arg0, %add3A_542, %dma_wait3A_552] : memref<2x10240x8xf32, #tpu.memory_space<hbm>> -> memref<1x80x8xf32, #tpu.memory_space<hbm>>
      %dma_wait3A_554 = tpu.memref_squeeze %dma_wait3A_553 : memref<1x80x8xf32, #tpu.memory_space<hbm>> -> memref<80x8xf32, #tpu.memory_space<hbm>>
      tpu.wait_dma2 semaphore(%run_scoped3A : memref<!tpu.dma_semaphore, #tpu.memory_space<semaphore_mem>>) src(%arg25 : memref<80x8xf32, #tpu.memory_space<vmem>>) dst(%dma_wait3A_554 : memref<80x8xf32, #tpu.memory_space<hbm>>)
      tpu.yield
    }) : () -> ()
    return
  }
}

module attributes {stable_mosaic.version = 14 : i64} {
  func.func @_dense_body(%arg0: i32, %arg1: memref<1000x128xf32, #tpu.memory_space<vmem>>, %arg2: memref<128x128xf32, #tpu.memory_space<vmem>>, %arg3: memref<128x8xf32, #tpu.memory_space<vmem>>, %arg4: memref<1x8xf32, #tpu.memory_space<vmem>>, %arg5: memref<1000x128xf32, #tpu.memory_space<vmem>>, %arg6: memref<1000x8xf32, #tpu.memory_space<vmem>>) attributes {dimension_semantics = [#tpu.dimension_semantics<arbitrary>], iteration_bounds = array<i64: 10>, scalar_prefetch = 0 : i64, scratch_operands = 0 : i64, tpu.core_type = #tpu.core_type<tc>, window_params = [{transform_indices = @transform_0, window_bounds = array<i64: 1000, 128>}, {pipeline_mode = #tpu.pipeline_mode<synchronous>, transform_indices = @transform_1, window_bounds = array<i64: 128, 128>}, {pipeline_mode = #tpu.pipeline_mode<synchronous>, transform_indices = @transform_2, window_bounds = array<i64: 128, 8>}, {pipeline_mode = #tpu.pipeline_mode<synchronous>, transform_indices = @transform_3, window_bounds = array<i64: 1, 8>}, {transform_indices = @transform_4, window_bounds = array<i64: 1000, 128>}, {transform_indices = @transform_5, window_bounds = array<i64: 1000, 8>}]} {
    %get3A = arith.constant 0 : index
    %get3A_0 = arith.constant 0 : index
    %get3A_1 = vector.load %arg1[%get3A, %get3A_0] : memref<1000x128xf32, #tpu.memory_space<vmem>>, vector<1000x128xf32>
    %get3A_2 = arith.constant 0 : index
    %get3A_3 = arith.constant 0 : index
    %get3A_4 = vector.load %arg2[%get3A_2, %get3A_3] : memref<128x128xf32, #tpu.memory_space<vmem>>, vector<128x128xf32>
    %dot_general3A = arith.constant dense<0.000000e+00> : vector<1000x128xf32>
    %dot_general3A_5 = tpu.matmul %get3A_1, %get3A_4, %dot_general3A {dimension_numbers = #tpu.dot_dimension_numbers<[1], [0], [0], [1], [0, 0, 1, 1], [], []>, transpose_lhs_hint = false} : vector<1000x128xf32>, vector<128x128xf32>, vector<1000x128xf32> -> vector<1000x128xf32>
    %swap3A = arith.constant 0 : index
    %swap3A_6 = arith.constant 0 : index
    %swap3A_7 = vector.load %arg5[%swap3A, %swap3A_6] : memref<1000x128xf32, #tpu.memory_space<vmem>>, vector<1000x128xf32>
    tpu.vector_store %arg5[%swap3A, %swap3A_6], %dot_general3A_5 {strides = array<i32>} : memref<1000x128xf32, #tpu.memory_space<vmem>>, vector<1000x128xf32>,
    %get3A_8 = arith.constant 0 : index
    %get3A_9 = arith.constant 0 : index
    %get3A_10 = vector.load %arg3[%get3A_8, %get3A_9] : memref<128x8xf32, #tpu.memory_space<vmem>>, vector<128x8xf32>
    %dot_general3A_11 = arith.constant dense<0.000000e+00> : vector<1000x8xf32>
    %dot_general3A_12 = tpu.matmul %dot_general3A_5, %get3A_10, %dot_general3A_11 {dimension_numbers = #tpu.dot_dimension_numbers<[1], [0], [0], [1], [0, 0, 1, 1], [], []>, transpose_lhs_hint = false} : vector<1000x128xf32>, vector<128x8xf32>, vector<1000x8xf32> -> vector<1000x8xf32>
    %get3A_13 = arith.constant 0 : index
    %get3A_14 = arith.constant 0 : index
    %get3A_15 = vector.load %arg4[%get3A_13, %get3A_14] : memref<1x8xf32, #tpu.memory_space<vmem>>, vector<1x8xf32>
    %add3A = vector.broadcast %get3A_15 : vector<1x8xf32> to vector<1000x8xf32>
    %add3A_16 = arith.addf %dot_general3A_12, %add3A : vector<1000x8xf32>
    %swap3A_17 = arith.constant 0 : index
    %swap3A_18 = arith.constant 0 : index
    %swap3A_19 = vector.load %arg6[%swap3A_17, %swap3A_18] : memref<1000x8xf32, #tpu.memory_space<vmem>>, vector<1000x8xf32>
    tpu.vector_store %arg6[%swap3A_17, %swap3A_18], %add3A_16 {strides = array<i32>} : memref<1000x8xf32, #tpu.memory_space<vmem>>, vector<1000x8xf32>,
    return
  }
  func.func @transform_0(%arg0: i32) -> (i32, i32) {
    %c0_i32 = arith.constant 0 : i32
    %c0_i32_0 = arith.constant 0 : i32
    return %arg0, %c0_i32 : i32, i32
  }
  func.func @transform_1(%arg0: i32) -> (i32, i32) {
    %c0_i32 = arith.constant 0 : i32
    %c0_i32_0 = arith.constant 0 : i32
    %c0_i32_1 = arith.constant 0 : i32
    return %c0_i32, %c0_i32_0 : i32, i32
  }
  func.func @transform_2(%arg0: i32) -> (i32, i32) {
    %c0_i32 = arith.constant 0 : i32
    %c0_i32_0 = arith.constant 0 : i32
    %c0_i32_1 = arith.constant 0 : i32
    return %c0_i32, %c0_i32_0 : i32, i32
  }
  func.func @transform_3(%arg0: i32) -> (i32, i32) {
    %c0_i32 = arith.constant 0 : i32
    %c0_i32_0 = arith.constant 0 : i32
    %c0_i32_1 = arith.constant 0 : i32
    return %c0_i32, %c0_i32_0 : i32, i32
  }
  func.func @transform_4(%arg0: i32) -> (i32, i32) {
    %c0_i32 = arith.constant 0 : i32
    %c0_i32_0 = arith.constant 0 : i32
    return %arg0, %c0_i32 : i32, i32
  }
  func.func @transform_5(%arg0: i32) -> (i32, i32) {
    %c0_i32 = arith.constant 0 : i32
    %c0_i32_0 = arith.constant 0 : i32
    return %arg0, %c0_i32 : i32, i32
  }
}

module attributes {stable_mosaic.version = 14 : i64} {
  func.func @_combine_body(%arg0: i32, %arg1: memref<2x1000x128xf32, #tpu.memory_space<vmem>>, %arg2: memref<2x1000x8xf32, #tpu.memory_space<vmem>>, %arg3: memref<1x128xf32, #tpu.memory_space<vmem>>, %arg4: memref<1000x128xf32, #tpu.memory_space<vmem>>) attributes {dimension_semantics = [#tpu.dimension_semantics<arbitrary>], iteration_bounds = array<i64: 10>, scalar_prefetch = 0 : i64, scratch_operands = 0 : i64, tpu.core_type = #tpu.core_type<tc>, window_params = [{transform_indices = @transform_0, window_bounds = array<i64: 2, 1000, 128>}, {transform_indices = @transform_1, window_bounds = array<i64: 2, 1000, 8>}, {pipeline_mode = #tpu.pipeline_mode<synchronous>, transform_indices = @transform_2, window_bounds = array<i64: 1, 128>}, {transform_indices = @transform_3, window_bounds = array<i64: 1000, 128>}]} {
    %get3A = arith.constant 0 : index
    %get3A_0 = arith.constant 0 : index
    %get3A_1 = arith.constant 0 : index
    %get3A_2 = vector.load %arg1[%get3A, %get3A_0, %get3A_1] : memref<2x1000x128xf32, #tpu.memory_space<vmem>>, vector<1x1000x128xf32>
    %get3A_3 = vector.shape_cast %get3A_2 : vector<1x1000x128xf32> to vector<1000x128xf32>
    %get3A_4 = arith.constant 1 : index
    %get3A_5 = arith.constant 0 : index
    %get3A_6 = arith.constant 0 : index
    %get3A_7 = vector.load %arg1[%get3A_4, %get3A_5, %get3A_6] : memref<2x1000x128xf32, #tpu.memory_space<vmem>>, vector<1x1000x128xf32>
    %get3A_8 = vector.shape_cast %get3A_7 : vector<1x1000x128xf32> to vector<1000x128xf32>
    %add3A = arith.addf %get3A_3, %get3A_8 : vector<1000x128xf32>
    %get3A_9 = arith.constant 0 : index
    %get3A_10 = arith.constant 0 : index
    %get3A_11 = arith.constant 0 : index
    %get3A_12 = vector.load %arg2[%get3A_9, %get3A_10, %get3A_11] : memref<2x1000x8xf32, #tpu.memory_space<vmem>>, vector<1x1000x1xf32>
    %get3A_13 = vector.shape_cast %get3A_12 : vector<1x1000x1xf32> to vector<1000x1xf32>
    %get3A_14 = arith.constant 1 : index
    %get3A_15 = arith.constant 0 : index
    %get3A_16 = arith.constant 0 : index
    %get3A_17 = vector.load %arg2[%get3A_14, %get3A_15, %get3A_16] : memref<2x1000x8xf32, #tpu.memory_space<vmem>>, vector<1x1000x1xf32>
    %get3A_18 = vector.shape_cast %get3A_17 : vector<1x1000x1xf32> to vector<1000x1xf32>
    %add3A_19 = arith.addf %get3A_13, %get3A_18 : vector<1000x1xf32>
    %add3A_20 = arith.constant 1.000000e-16 : f32
    %add3A_21 = vector.broadcast %add3A_20 : f32 to vector<1000x1xf32>
    %add3A_22 = arith.addf %add3A_19, %add3A_21 : vector<1000x1xf32>
    %div3A = vector.broadcast %add3A_22 : vector<1000x1xf32> to vector<1000x128xf32>
    %div3A_23 = arith.divf %add3A, %div3A : vector<1000x128xf32>
    %get3A_24 = arith.constant 0 : index
    %get3A_25 = arith.constant 0 : index
    %get3A_26 = vector.load %arg3[%get3A_24, %get3A_25] : memref<1x128xf32, #tpu.memory_space<vmem>>, vector<1x128xf32>
    %add3A_27 = vector.broadcast %get3A_26 : vector<1x128xf32> to vector<1000x128xf32>
    %add3A_28 = arith.addf %div3A_23, %add3A_27 : vector<1000x128xf32>
    %gt3A = arith.constant 0.000000e+00 : f32
    %gt3A_29 = vector.broadcast %gt3A : f32 to vector<1000x128xf32>
    %gt3A_30 = arith.cmpf ogt, %add3A_28, %gt3A_29 : vector<1000x128xf32>
    %min3A = arith.constant 0.000000e+00 : f32
    %min3A_31 = vector.broadcast %min3A : f32 to vector<1000x128xf32>
    %min3A_32 = arith.minimumf %add3A_28, %min3A_31 : vector<1000x128xf32>
    %exp3A = math.exp %min3A_32 : vector<1000x128xf32>
    %sub3A = arith.constant 1.000000e+00 : f32
    %sub3A_33 = vector.broadcast %sub3A : f32 to vector<1000x128xf32>
    %sub3A_34 = arith.subf %exp3A, %sub3A_33 : vector<1000x128xf32>
    %select_n3A = arith.select %gt3A_30, %add3A_28, %sub3A_34 : vector<1000x128xi1>, vector<1000x128xf32>
    %swap3A = arith.constant 0 : index
    %swap3A_35 = arith.constant 0 : index
    %swap3A_36 = vector.load %arg4[%swap3A, %swap3A_35] : memref<1000x128xf32, #tpu.memory_space<vmem>>, vector<1000x128xf32>
    tpu.vector_store %arg4[%swap3A, %swap3A_35], %select_n3A {strides = array<i32>} : memref<1000x128xf32, #tpu.memory_space<vmem>>, vector<1000x128xf32>,
    return
  }
  func.func @transform_0(%arg0: i32) -> (i32, i32, i32) {
    %c0_i32 = arith.constant 0 : i32
    %c0_i32_0 = arith.constant 0 : i32
    %c0_i32_1 = arith.constant 0 : i32
    return %c0_i32, %arg0, %c0_i32_0 : i32, i32, i32
  }
  func.func @transform_1(%arg0: i32) -> (i32, i32, i32) {
    %c0_i32 = arith.constant 0 : i32
    %c0_i32_0 = arith.constant 0 : i32
    %c0_i32_1 = arith.constant 0 : i32
    return %c0_i32, %arg0, %c0_i32_0 : i32, i32, i32
  }
  func.func @transform_2(%arg0: i32) -> (i32, i32) {
    %c0_i32 = arith.constant 0 : i32
    %c0_i32_0 = arith.constant 0 : i32
    %c0_i32_1 = arith.constant 0 : i32
    return %c0_i32, %c0_i32_0 : i32, i32
  }
  func.func @transform_3(%arg0: i32) -> (i32, i32) {
    %c0_i32 = arith.constant 0 : i32
    %c0_i32_0 = arith.constant 0 : i32
    return %arg0, %c0_i32 : i32, i32
  }
}

</mosaic_0001>

<sc_bundles>
// kernel: kernel.5.cloned.1.call-start
scs
__scs_entry_jumppad:
0x0: {  	(pc) =	sbr.rel $0x88, $3  }
0x1: {  	(tag) =	ssettag $0x0;
	lr =	simm.s32 $0x1  }
0x2: {  	[smem:$0x3F99] =	sst lr;
	_ =	strace $0xD0000000  }
0x3: {  	_ = 	snop  }
0x4: {  	_ = 	snop  }
0x5: {  	_ = 	snop  }
0x6: {  	_ = 	snop  }
0x7: {  	_ = 	snop  }
__scs_overlays_trampoline_lowered:
0x8: {  	[smem:$0x3FA8] =	sst s0  }
0x9: {  	[smem:$0x3FA9] =	sst s1  }
0xa: {  	[smem:$0x3FAA] =	sst s2  }
0xb: {  	[smem:$0x3FAB] =	sst s3  }
0xc: {  	[smem:$0x3FAC] =	sst s4  }
0xd: {  	[smem:$0x3FAD] =	sst s5  }
0xe: {  	[smem:$0x3FAE] =	sst s6  }
0xf: {  	[smem:$0x3FAF] =	sst s7  }
0x10: {  	[smem:$0x3FB0] =	sst s8  }
0x11: {  	[smem:$0x3FB1] =	sst s9;
	s0 =	simm.s32 @!p0 $0x0  }
0x12: {  	s1 =	sld [smem:$0x3F97];
	s0 =	simm.s32 @p0 $0x1  }
0x13: {  	[smem:$0x3FB2] =	sst s0;
	s0 =	simm.s32 @!p1 $0x0  }
0x14: {  	s2 =	sld [smem:$0x3F96];
	s0 =	simm.s32 @p1 $0x1  }
0x15: {  	[smem:$0x3FB3] =	sst s0;
	s0 =	simm.s32 @!p2 $0x0  }
0x16: {  	s3 =	sld [smem:$0x3FDB];
	s0 =	simm.s32 @p2 $0x1  }
0x17: {  	s4 =	simm.s32 $0x1BF5;
	[smem:$0x3FB5] =	sst s0  }
0x18: {  	s0 =	sld [smem:$0x3F98];
	_ =	swait.ge [sflag:s4], $0x0  }
0x19: {  	s7 =	sld [smem:$0x3F99]  }
0x1a: {  	s8 =	sadd.s32 $0xFFFFE003, lr  }
0x1b: {  	s9 =	sadd.s32 $0xFFFFFEF7, lr;
	s5 =	simm.s32 $0xFFFFFFFF;
	p2 =	slt.u32 s8, $0xFFFFF086  }
0x1c: {  	p1 =	slt.u32 s9, $0xF7A;
	s5 =	simm.s32 @!p2 $0x0  }
0x1d: {  	s5 =	simm.s32 @p1 $0x1;
	p0 =	seq.s32 s7, s2  }
0x1e: {  	s7 =	smul.u32 @!p0 $0xF7A, s2;
	p2 =	seq.s32 @!p0 s5, $0x0  }
0x1f: {  	s9 =	smul.u32 $0xF7A, s1;
	s8 =	simm.s32 @!p0 $0x1BF5;
	p2 =	por !p2, p0  }
0x20: {  	[sflag:s8] =	ssyncset.s32 @!p0 $0xFFFFF086;
	s6 =	sadd.s32 @!p0 s3, s7;
	s7 =	simm.s32 @!p0 $0x108  }
0x21: {  	s3 =	sadd.s32 s3, s9;
	s6 =	sadd.s32 @!p0 $0x88, s6;
	s7 =	simm.s32 @p2 $0x1082  }
0x22: {  	[simem:s7], [sflag:s8] =	dma.local @!p0 [hbm:s6], $0xF7A  }
0x23: {  	s9 =	sor.u32 $0xD0000000, s2;
	s6 =	simm.s32 $0x108;
	_ =	swait.ge @!p0 [sflag:s8], $0x0  }
0x24: {  	s3 =	sadd.s32 $0x88, s3;
	s6 =	simm.s32 @!p1 $0x1082;
	[sflag:s4] =	ssyncset.s32 $0xFFFFF086  }
0x25: {  	[simem:s6], [sflag:s4] =	dma.local [hbm:s3], $0xF7A  }
0x26: {  	[smem:$0x3F99] =	sst s1;
	(tag) =	ssettag s2;
	_ =	strace s9  }
0x27: {  	s1 =	sld [smem:$0x3FA9]  }
0x28: {  	s2 =	sld [smem:$0x3FAA]  }
0x29: {  	s4 =	sld [smem:$0x3FAC]  }
0x2a: {  	p0 =	seq.s32 s5, $0x0;
	s5 =	sld [smem:$0x3FAD]  }
0x2b: {  	s6 =	sld [smem:$0x3FAE]  }
0x2c: {  	s7 =	sld [smem:$0x3FAF]  }
0x2d: {  	s3 =	simm.s32 $0x108;
	s8 =	sld [smem:$0x3FB0]  }
0x2e: {  	s3 =	simm.s32 @!p0 $0x1082;
	s9 =	sld [smem:$0x3FB1]  }
0x2f: {  	lr =	sadd.s32 s0, s3;
	s0 =	sld [smem:$0x3FA8]  }
0x30: {  	s3 =	sld [smem:$0x3FAB]  }
0x31: {  	[smem:$0x3FB4] =	sst s10  }
0x32: {  	s10 =	sld [smem:$0x3FB2];
	_ =	sdelay $0x3  }
0x33: {  	p0 =	seq.s32 s10, $0x1;
	s10 =	sld [smem:$0x3FB4];
	_ =	sdelay $0x3  }
0x34: {  	[smem:$0x3FB4] =	sst s10  }
0x35: {  	s10 =	sld [smem:$0x3FB3];
	_ =	sdelay $0x3  }
0x36: {  	p1 =	seq.s32 s10, $0x1;
	s10 =	sld [smem:$0x3FB4];
	_ =	sdelay $0x3  }
0x37: {  	[smem:$0x3FB4] =	sst s10  }
0x38: {  	s10 =	sld [smem:$0x3FB5]  }
0x39: {  	_ = 	snop;
	(pc) =	sbr.ind lr, $3  }
0x3a: {  	_ = 	snop  }
0x3b: {  	_ = 	snop  }
0x3c: {  	p2 =	seq.s32 s10, $0x1;
	s10 =	sld [smem:$0x3FB4]  }
0x3d: {  	_ =	shalt  }
0x3e: {  	_ =	shalt  }
0x3f: {  	_ =	shalt  }
0x40: {  	_ =	shalt  }
0x41: {  	_ =	shalt  }
0x42: {  	_ =	shalt  }
0x43: {  	_ =	shalt  }
0x44: {  	_ =	shalt  }
0x45: {  	_ =	shalt  }
0x46: {  	_ =	shalt  }
0x47: {  	_ =	shalt  }
0x48: {  	_ =	shalt  }
0x49: {  	_ =	shalt  }
0x4a: {  	_ =	shalt  }
0x4b: {  	_ =	shalt  }
0x4c: {  	_ =	shalt  }
0x4d: {  	_ =	shalt  }
0x4e: {  	_ =	shalt  }
0x4f: {  	_ =	shalt  }
0x50: {  	_ =	shalt  }
0x51: {  	_ =	shalt  }
0x52: {  	_ =	shalt  }
0x53: {  	_ =	shalt  }
0x54: {  	_ =	shalt  }
0x55: {  	_ =	shalt  }
0x56: {  	_ =	shalt  }
0x57: {  	_ =	shalt  }
0x58: {  	_ =	shalt  }
0x59: {  	_ =	shalt  }
0x5a: {  	_ =	shalt  }
0x5b: {  	_ =	shalt  }
0x5c: {  	_ =	shalt  }
0x5d: {  	_ =	shalt  }
0x5e: {  	_ =	shalt  }
0x5f: {  	_ =	shalt  }
0x60: {  	_ =	shalt  }
0x61: {  	_ =	shalt  }
0x62: {  	_ =	shalt  }
0x63: {  	_ =	shalt  }
0x64: {  	_ =	shalt  }
0x65: {  	_ =	shalt  }
0x66: {  	_ =	shalt  }
0x67: {  	_ =	shalt  }
0x68: {  	_ =	shalt  }
0x69: {  	_ =	shalt  }
0x6a: {  	_ =	shalt  }
0x6b: {  	_ =	shalt  }
0x6c: {  	_ =	shalt  }
0x6d: {  	_ =	shalt  }
0x6e: {  	_ =	shalt  }
0x6f: {  	_ =	shalt  }
0x70: {  	_ =	shalt  }
0x71: {  	_ =	shalt  }
0x72: {  	_ =	shalt  }
0x73: {  	_ =	shalt  }
0x74: {  	_ =	shalt  }
0x75: {  	_ =	shalt  }
0x76: {  	_ =	shalt  }
0x77: {  	_ =	shalt  }
0x78: {  	_ =	shalt  }
0x79: {  	_ =	shalt  }
0x7a: {  	_ =	shalt  }
0x7b: {  	_ =	shalt  }
0x7c: {  	_ =	shalt  }
0x7d: {  	_ =	shalt  }
0x7e: {  	_ =	shalt  }
0x7f: {  	_ =	shalt  }
0x80: {  	_ =	shalt  }
0x81: {  	_ =	shalt  }
0x82: {  	_ =	shalt  }
0x83: {  	_ =	shalt  }
0x84: {  	_ =	shalt  }
0x85: {  	_ =	shalt  }
0x86: {  	_ =	shalt  }
0x87: {  	_ =	shalt  }
.Lfunc_end0:
.L_simem_size_0:
called_computation_lowered:
.L_overlay_start_0:
0x88: {  	s2 =	sld [smem:$0x3FD9]  }
0x89: {  	s3 =	sld [smem:$0x3FFE];
	_ =	sdelay $0x1  }
0x8a: {  	s1 =	srdreg.scid  }
0x8b: {  	s0 =	sand.u32 $0x1, s1  }
0x8c: {  	s17 =	sshll.u32 s0, $0xA;
	s2 =	sadd.s32 s3, s2  }
0x8d: {  	s2 =	sadd.s32 s2, s17  }
0x8e: {  	[smem:$0x3FC0] =	sst s2  }
0x8f: {  	_ = 	snop  }
0x90: {  	s2 =	sld [smem:$0x3FD0];
	(tm) =	ssettm $0x1  }
0x91: {  	s18 =	sld [smem:$0x3FFB];
	_ =	sdelay $0x3  }
0x92: {  	_ =	strace s18  }
0x93: {  	s3 =	sld [smem:$0x3FFC];
	_ =	sdelay $0x3  }
0x94: {  	_ =	strace s3  }
0x95: {  	s3 =	sld [smem:$0x3FFD];
	_ =	sdelay $0x3  }
0x96: {  	_ =	strace s3  }
0x97: {  	_ =	strace $0x8FFFFFFF  }
0x98: {  	s19 =	sld [smem:$0x3FDB];
	_ =	sdelay $0x1  }
0x99: {  	s4 =	simm.s32 $_scs_section_size  }
0x9a: {  	s5 =	simm.s32 $_size__tile_overlayer_lowered;
	s6 =	simm.s32 $_tile_overlayer_lowered  }
0x9b: {  	s22 =	simm.s32 $0x1BFF;
	s21 =	sshll.u32 s6, $0x1;
	s3 =	sadd.s32 s4, s19  }
0x9c: {  	s7 =	simm.s32 $0x0;
	s20 =	sshll.u32 s5, $0x1;
	s5 =	sadd.s32 s21, s3  }
0x9d: {  	[timem:s7], [sflag:s22] =	dma.local [hbm:s5], s20  }
0x9e: {  	_ =	swait.ge [sflag:s22], s20  }
0x9f: {  	s4 =	ssub.s32 $0x0, s20;
	[sflag:s22] =	ssyncset.done $0x0  }
0xa0: {  	[sflag:s22] =	ssyncadd.s32 s4;
	_ =	sdelay $0x1  }
0xa1: {  	s23 =	simm.s32 $0x1B8B  }
0xa2: {  	_ =	swait.ge [sflag:s23], $0x1  }
0xa3: {  	[sflag:s23] =	ssyncset.done $0x0  }
0xa4: {  	s25 =	simm.s32 $0x1B8E;
	s24 =	sld [smem:$0x3FFE];
	[sflag:s23] =	ssyncadd.s32 $0xFFFFFFFF  }
0xa5: {  	s26 =	simm.s32 $execute0_lowered;
	[smem:$0x3FD2] =	sst s25  }
0xa6: {  	s5 =	sshll.u32 s26, $0x1;
	_ =	strace $0x80000046;
	[dreg:$0x1] =	wrdreg $0xFFFFFFFF  }
0xa7: {  	s28 =	simm.s32 $_size_execute0_lowered;
	s3 =	sadd.s32 s3, s5;
	[dreg:$0x0] =	wrdreg $0x0  }
0xa8: {  	s5 =	sshll.u32 s28, $0x1;
	[dreg:$0x2] =	wrdreg s3  }
0xa9: {  	[dreg:$0x3] =	wrdreg s5  }
0xaa: {  	[dreg:$0x4] =	wrdreg $0xC0  }
0xab: {  	_ =	task [dreg:s7], $0x5FFFF  }
0xac: {  	[dreg:$0x1] =	wrdreg $0xFFFFFFFF  }
0xad: {  	[dreg:$0x0] =	wrdreg $0x60  }
0xae: {  	[dreg:$0x2] =	wrdreg s2  }
0xaf: {  	[dreg:$0x3] =	wrdreg s24  }
0xb0: {  	[dreg:$0x4] =	wrdreg $0x92E00  }
0xb1: {  	[dreg:$0x5] =	wrdreg $0x1D2E00  }
0xb2: {  	[dreg:$0x6] =	wrdreg $0x9  }
0xb3: {  	_ =	task.clear_ibuf [dreg:s7], $0x7FFFF;
	_ =	strace $0x90000046  }
0xb4: {  	s29 =	simm.s32 $0x9;
	_ =	strace $0x80000048  }
0xb5: {  	_ =	swait.ge [sflag:s29], $0x1  }
0xb6: {  	[sflag:s29] =	ssyncadd.s32 $0xFFFFFFFF  }
0xb7: {  	_ =	strace $0x90000048  }
0xb8: {  	_ =	sfence  }
0xb9: {  	s30 =	sld [smem:$0x0];
	_ =	sdelay $0x2  }
0xba: {  	s31 =	sshll.u32 s1, $0xD;
	s1 =	sshrl.u32 s1, $0x2  }
0xbb: {  	s3 =	sand.u32 $0x4000, s31;
	s1 =	sadd.s32 s1, s30  }
0xbc: {  	s0 =	sor.u32 s3, s0;
	s1 =	sshll.u32 s1, $0x11  }
0xbd: {  	s0 =	sor.u32 s1, s0  }
0xbe: {  	s0 =	sadd.s32 $0x8F2B, s0  }
0xbf: {  	[sflag:s0] =	ssyncadd.remote.s32 $0x1  }
0xc0: {  	_ =	sfence.sel $0xFFFF  }
0xc1: {  	[dreg:$0x0] =	wrdreg $0xFFFFFFFF;
	(pc) =	sbr.abs _section_cstart, $3  }
0xc2: {  	[dreg:$0x1] =	wrdreg $0xFFFFFFFF  }
0xc3: {  	_ =	task.clear_ibuf [dreg:s7], $0x2FFFF;
	_ =	strace $0x9FFFFFFF  }
0xc4: {  	(tm) =	ssettm $0x7FFFFFFF  }
0xc5: {  	_ =	shalt  }
tec
execute0_lowered:
.L_overlay_start_1:
0x0: {  	(tag) =	ssettag $0x1  }
0x1: {  	s28 =	stileid.u32  }
0x2: {  	s3 =	smul.u32 $0x280, s28  }
0x3: {  	s0 =	srdreg.scid;
	s11 =	smul.u32 $0x14000, s28  }
0x4: {  	s5 =	rddreg [dreg:$0x1];
	s1 =	sand.u32 $0x1, s0;
	s15 =	smul.u32 $0x1400, s28  }
0x5: {  	s14 =	sadd.s32 $0x19800, s5;
	s0 =	ssub.s32 $0x2, s1;
	s16 =	smul.u32 $0x140000, s1  }
0x6: {  	s18 =	smul.u32 $0x14000, s1;
	s2 =	sshrl.u32 s0, $0x1;
	s10 =	sor.u32 $0x50, s3  }
0x7: {  	s6 =	sadd.s32 $0xA0, s3;
	s8 =	sadd.s32 $0xF0, s3;
	s7 =	sadd.s32 $0x140, s3  }
0x8: {  	s4 =	sadd.s32 $0x190, s3;
	s0 =	ssub.s32 s0, s2;
	s17 =	sshll.u32 s10, $0x7  }
0x9: {  	s12 =	sshll.u32 s6, $0x7;
	s13 =	sshll.u32 s8, $0x7;
	s9 =	sshll.u32 s7, $0x7  }
0xa: {  	s2 =	sadd.s32 $0x1E0, s3;
	s19 =	sadd.s32 s11, s16;
	s3 =	sadd.s32 $0x230, s3  }
0xb: {  	s20 =	sadd.s32 s15, s18;
	s18 =	sshrl.u32 s18, $0x3;
	s19 =	sshrl.u32 s19, $0x3  }
0xc: {  	s24 =	sadd.s32 s16, s17;
	s21 =	sadd.s32 s16, s12;
	s22 =	sadd.s32 s16, s13  }
0xd: {  	s23 =	sadd.s32 s16, s9;
	s19 =	sadd.s32 s14, s19;
	s25 =	sshrl.u32 s21, $0x3  }
0xe: {  	s26 =	sshrl.u32 s22, $0x3;
	s21 =	sshll.u32 s4, $0x7;
	[dreg:$0x5] =	wrdreg s19  }
0xf: {  	s19 =	sshrl.u32 s20, $0x3;
	s20 =	sshrl.u32 s24, $0x3;
	s22 =	sadd.s32 s14, s26  }
0x10: {  	s24 =	sadd.s32 s16, s21;
	s20 =	sadd.s32 s14, s20;
	[dreg:$0x8] =	wrdreg s22  }
0x11: {  	[dreg:$0x6] =	wrdreg s20;
	s20 =	sadd.s32 s14, s25;
	s25 =	sshll.u32 s2, $0x7  }
0x12: {  	[dreg:$0x7] =	wrdreg s20;
	s20 =	sshrl.u32 s23, $0x3;
	s26 =	sadd.s32 s16, s25  }
0x13: {  	s20 =	sadd.s32 s14, s20;
	s22 =	sshrl.u32 s26, $0x3;
	s26 =	sshll.u32 s3, $0x7  }
0x14: {  	[dreg:$0x9] =	wrdreg s20;
	s20 =	sshrl.u32 s24, $0x3;
	s23 =	sadd.s32 s14, s22  }
0x15: {  	s16 =	sadd.s32 s16, s26;
	s24 =	simm.s32 $0x0;
	[dreg:$0xb] =	wrdreg s23  }
0x16: {  	s20 =	sadd.s32 s14, s20;
	s16 =	sshrl.u32 s16, $0x3;
	[smem:$0x7FF] =	sst s24  }
0x17: {  	[dreg:$0xa] =	wrdreg s20;
	s20 =	sadd.s32 $0x14800, s5;
	s14 =	sadd.s32 s14, s16  }
0x18: {  	[dreg:$0xc] =	wrdreg s14;
	s22 =	sadd.s32 s20, s19;
	s23 =	sadd.s32 s20, s10  }
0x19: {  	s24 =	sadd.s32 s20, s6;
	[dreg:$0xd] =	wrdreg s22;
	s14 =	sadd.s32 s18, s23  }
0x1a: {  	s19 =	sadd.s32 s20, s8;
	s16 =	sadd.s32 s18, s24;
	[dreg:$0xe] =	wrdreg s14  }
0x1b: {  	s30 =	simm.s32 $0x37A0;
	[dreg:$0xf] =	wrdreg s16;
	s14 =	sadd.s32 s18, s19  }
0x1c: {  	s31 =	simm.s32 $0x87F0;
	s22 =	sadd.s32 s20, s7;
	[dreg:$0x10] =	wrdreg s14  }
0x1d: {  	s29 =	simm.s32 $0x5FA0;
	s16 =	sadd.s32 s18, s22;
	s14 =	rddreg [dreg:$0x0]  }
0x1e: {  	s1 =	sshll.u32 s1, $0x4;
	s23 =	sadd.s32 s20, s4;
	[dreg:$0x11] =	wrdreg s16  }
0x1f: {  	s1 =	sor.u32 s28, s1;
	s19 =	sadd.s32 s18, s23;
	s16 =	rddreg [dreg:$0x2]  }
0x20: {  	s0 =	smax.u32 s0, $0x1;
	s24 =	sadd.s32 s20, s2;
	[dreg:$0x12] =	wrdreg s19  }
0x21: {  	s20 =	sadd.s32 s20, s3;
	s22 =	sadd.s32 s18, s24;
	s19 =	rddreg [dreg:$0x3]  }
0x22: {  	s18 =	sadd.s32 s18, s20;
	s23 =	sadd.s32 $0x13C00, s5;
	[dreg:$0x13] =	wrdreg s22  }
0x23: {  	s24 =	sadd.s32 $0x200, s5;
	[dreg:$0x14] =	wrdreg s18;
	s22 =	sadd.s32 $0x14200, s5  }
0x24: {  	_ =	strace $0x80000047;
	s11 =	sadd.s32 s11, s16;
	s18 =	sadd.s32 s15, s19  }
0x25: {  	s20 =	sadd.s32 s17, s16;
	s15 =	sshll.u32 s10, $0x3;
	[smem:$0x7FA] =	sst s0  }
0x26: {  	s17 =	sadd.s32 s12, s16;
	s10 =	sadd.s32 s9, s16;
	[dreg:$0x16] =	wrdreg s18  }
0x27: {  	s28 =	sadd.s32 s21, s16;
	s12 =	sshll.u32 s4, $0x3;
	[dreg:$0x17] =	wrdreg s20  }
0x28: {  	s4 =	smul.u32 $0x2710, s1;
	s26 =	sadd.s32 s26, s16;
	[dreg:$0x19] =	wrdreg s17  }
0x29: {  	s9 =	simm.s32 $0x2;
	s5 =	sadd.s32 s15, s19;
	[dreg:$0x1d] =	wrdreg s10  }
0x2a: {  	s18 =	sshll.u32 s6, $0x3;
	s20 =	sadd.s32 s13, s16;
	[dreg:$0x15] =	wrdreg s11  }
0x2b: {  	s6 =	sshll.u32 s8, $0x3;
	s8 =	sshll.u32 s7, $0x3;
	[dreg:$0x1f] =	wrdreg s28  }
0x2c: {  	s13 =	sadd.s32 s12, s19;
	s15 =	sadd.s32 s25, s16;
	[smem:$0x7FD] =	sst s26  }
0x2d: {  	s17 =	sshll.u32 s2, $0x3;
	s12 =	simm.s32 $0x7;
	[dreg:$0x18] =	wrdreg s5  }
0x2e: {  	s2 =	simm.s32 $0x5FA0;
	s7 =	simm.s32 $0x1;
	[dreg:$0x1b] =	wrdreg s20  }
0x2f: {  	s10 =	simm.s32 $0x3;
	s5 =	sadd.s32 s18, s19;
	[smem:$0x7F6] =	sst s13  }
0x30: {  	[smem:$0x7F7] =	sst s15;
	s1 =	sadd.s32 s17, s19;
	s18 =	sshll.u32 s3, $0x3  }
0x31: {  	s20 =	sshrl.u32 s4, $0x3;
	s15 =	simm.s32 $0x8B60;
	s13 =	simm.s32 $0x50  }
0x32: {  	s3 =	simm.s32 $0x8840;
	[dreg:$0x1a] =	wrdreg s5;
	s5 =	sadd.s32 s6, s19  }
0x33: {  	[smem:$0x7F8] =	sst s1;
	s1 =	sadd.s32 s18, s19;
	s21 =	sadd.s32 s24, s20  }
0x34: {  	v3 =	vlaneseq.u32;
	s18 =	simm.s32 $0x8DE0;
	s20 =	simm.s32 $0x9060;
	[dreg:$0x1c] =	wrdreg s5  }
0x35: {  	v0 =	vmul.u32 $0x8, v3;
	s6 =	simm.s32 $0x6;
	s5 =	sadd.s32 s8, s19;
	[smem:$0x7F9] =	sst s1  }
0x36: {  	v1 =	vimm.f32 $0.0e+00;
	v2 =	vshrl.u32 v3, $0x3;
	[smem:$0x7FB] =	sst s21;
	s25 =	sadd.s32 $0x9C40, s21;
	s21 =	simm.s32 $0xFA0  }
0x37: {  	v3 =	vand.u32 $0x7, v3;
	v2 =	vmul.u32 $0x8, v2;
	v4 =	vor.u32 $0x80, v0;
	s8 =	simm.s32 $0x4;
	s1 =	simm.s32 $0x0;
	[dreg:$0x1e] =	wrdreg s5  }
0x38: {  	v5 =	vor.u32 $0x100, v0;
	v6 =	vor.u32 $0x180, v0;
	v7 =	vor.u32 $0x200, v0;
	[smem:$0x7FC] =	sst s25;
	s25 =	simm.s32 $0x87A0;
	s5 =	simm.s32 $0x5  }
.LBB2_1:
0x39: {  	[smem:$0x7F5] =	sst s1;
	s17 =	simm.s32 $0x0;
	s0 =	simm.s32 $0x200  }
.LBB2_2:
0x3a: {  	p0 =	sne.s32 s0, $0x9E00;
	[tilespmem:s17+$0x1010] =	vst v1  }
0x3b: {  	[tilespmem:s17+$0xFA0] =	vst v1  }
0x3c: {  	[tilespmem:s17+$0xFB0] =	vst v1  }
.Ltmp0:
0x3d: {  	[tilespmem:s17+$0xFC0] =	vst v1;
	(pc) =	sbr.rel @p0 .LBB2_2-.Ltmp0, $4  }
0x3e: {  	[tilespmem:s17+$0xFD0] =	vst v1  }
0x3f: {  	[tilespmem:s17+$0xFE0] =	vst v1  }
0x40: {  	[tilespmem:s17+$0xFF0] =	vst v1  }
0x41: {  	[tilespmem:s17+$0x1000] =	vst v1;
	s17 =	sshra.s32 s0, $0x2;
	s0 =	sadd.s32 $0x200, s0  }
0x42: {  	[tilespmem:s17+$0x1010] =	vst v1  }
0x43: {  	[tilespmem:s17+$0xFA0] =	vst v1  }
0x44: {  	[tilespmem:s17+$0xFB0] =	vst v1  }
0x45: {  	s0 =	simm.s32 $0x0;
	[tilespmem:s17+$0xFC0] =	vst v1  }
0x46: {  	[tilespmem:s17+$0xFD0] =	vst v1;
	v8 =	vmov s0  }
0x47: {  	[tilespmem:s17+$0xFE0] =	vst v1;
	v8 =	vshll.u32 v8, $0x3  }
0x48: {  	[tilespmem:s17+$0xFF0] =	vst v1;
	v8 =	vor.u32 v2, v8  }
0x49: {  	[tilespmem:s17+$0x1000] =	vst v1;
	s1 =	simm.s32 $0x2;
	v8 =	vor.u32 v3, v8  }
.LBB2_4:
0x4a: {  	p0 =	sne.s32 s1, $0x4E  }
.Ltmp1:
0x4b: {  	_ = 	snop;
	(pc) =	sbr.rel @p0 .LBB2_4-.Ltmp1, $4  }
0x4c: {  	v9 =	vmov s1  }
0x4d: {  	v9 =	vshll.u32 v9, $0x3  }
0x4e: {  	v9 =	vor.u32 v2, v9  }
0x4f: {  	s1 =	sadd.s32 $0x2, s1;
	[tilespmem:v8+s15+$0x0] =	vst.idx.msk $0xffff, v1;
	v8 =	vor.u32 v3, v9  }
0x50: {  	_ =	sdelay $0x3  }
0x51: {  	[tilespmem:v8+s15+$0x0] =	vst.idx.msk $0xffff, v1  }
.LBB2_6:
0x52: {  	v8 =	vmov s0  }
0x53: {  	v8 =	vshll.u32 v8, $0x3  }
0x54: {  	v8 =	vor.u32 v2, v8  }
0x55: {  	p0 =	sne.s32 s0, $0x4E;
	v8 =	vor.u32 v3, v8  }
.Ltmp2:
0x56: {  	_ = 	snop;
	(pc) =	sbr.rel @p0 .LBB2_6-.Ltmp2, $2  }
0x57: {  	_ =	sdelay $0x2  }
0x58: {  	s0 =	sadd.s32 $0x2, s0;
	[tilespmem:v8+s18+$0x0] =	vst.idx.msk $0xffff, v1  }
0x59: {  	s0 =	simm.s32 $0x0  }
0x5a: {  	v8 =	vmov s0  }
0x5b: {  	v8 =	vshll.u32 v8, $0x3  }
0x5c: {  	v8 =	vor.u32 v2, v8  }
0x5d: {  	s0 =	simm.s32 $0x2;
	v8 =	vor.u32 v3, v8  }
.LBB2_8:
0x5e: {  	p0 =	sne.s32 s0, $0x4E  }
.Ltmp3:
0x5f: {  	_ = 	snop;
	(pc) =	sbr.rel @p0 .LBB2_8-.Ltmp3, $4  }
0x60: {  	v9 =	vmov s0  }
0x61: {  	v9 =	vshll.u32 v9, $0x3  }
0x62: {  	v9 =	vor.u32 v2, v9  }
0x63: {  	s0 =	sadd.s32 $0x2, s0;
	[tilespmem:v8+s20+$0x0] =	vst.idx.msk $0xffff, v1;
	v8 =	vor.u32 v3, v9  }
0x64: {  	_ =	sdelay $0x3  }
0x65: {  	[tilespmem:v8+s20+$0x0] =	vst.idx.msk $0xffff, v1  }
0x66: {  	[spmem:s11] =	stream.linear.scatter [tilespmem:s21], [sflag:$0x7], $0x2800, $0x38;
	[tilespmem:$0x1E6E0] =	vst v63  }
0x67: {  	_ =	swait.ge [sflag:s12], $0x2800  }
0x68: {  	[sflag:s12] =	ssyncset.done $0x0  }
0x69: {  	s0 =	rddreg [dreg:$0x16];
	[sflag:s12] =	ssyncadd.s32 $0xFFFFD800  }
0x6a: {  	[spmem:s0] =	stream.linear.scatter [tilespmem:s15], [sflag:$0x7], $0x280, $0x38;
	[tilespmem:$0x1E6E0] =	vst v63  }
0x6b: {  	_ =	swait.ge [sflag:s12], $0x280  }
0x6c: {  	[sflag:s12] =	ssyncset.done $0x0  }
0x6d: {  	s1 =	rddreg [dreg:$0x17];
	[sflag:s12] =	ssyncadd.s32 $0xFFFFFD80  }
0x6e: {  	[spmem:s1] =	stream.linear.scatter [tilespmem:s21], [sflag:$0x7], $0x2800, $0x38;
	[tilespmem:$0x1E6E0] =	vst v63  }
0x6f: {  	_ =	swait.ge [sflag:s12], $0x2800  }
0x70: {  	[sflag:s12] =	ssyncset.done $0x0  }
0x71: {  	s11 =	rddreg [dreg:$0x18];
	[sflag:s12] =	ssyncadd.s32 $0xFFFFD800  }
0x72: {  	[spmem:s11] =	stream.linear.scatter [tilespmem:s15], [sflag:$0x7], $0x280, $0x38;
	[tilespmem:$0x1E6E0] =	vst v63  }
0x73: {  	_ =	swait.ge [sflag:s12], $0x280  }
0x74: {  	[sflag:s12] =	ssyncset.done $0x0  }
0x75: {  	s17 =	rddreg [dreg:$0x19];
	[sflag:s12] =	ssyncadd.s32 $0xFFFFFD80  }
0x76: {  	[spmem:s17] =	stream.linear.scatter [tilespmem:s21], [sflag:$0x7], $0x2800, $0x38;
	[tilespmem:$0x1E6E0] =	vst v63  }
0x77: {  	_ =	swait.ge [sflag:s12], $0x2800  }
0x78: {  	[sflag:s12] =	ssyncset.done $0x0  }
0x79: {  	s1 =	rddreg [dreg:$0x1a];
	[sflag:s12] =	ssyncadd.s32 $0xFFFFD800  }
0x7a: {  	[spmem:s1] =	stream.linear.scatter [tilespmem:s15], [sflag:$0x7], $0x280, $0x38;
	[tilespmem:$0x1E6E0] =	vst v63  }
0x7b: {  	_ =	swait.ge [sflag:s12], $0x280  }
0x7c: {  	[sflag:s12] =	ssyncset.done $0x0  }
0x7d: {  	s11 =	rddreg [dreg:$0x1b];
	[sflag:s12] =	ssyncadd.s32 $0xFFFFFD80  }
0x7e: {  	[spmem:s11] =	stream.linear.scatter [tilespmem:s21], [sflag:$0x7], $0x2800, $0x38;
	[tilespmem:$0x1E6E0] =	vst v63  }
0x7f: {  	_ =	swait.ge [sflag:s12], $0x2800  }
0x80: {  	[sflag:s12] =	ssyncset.done $0x0  }
0x81: {  	s17 =	rddreg [dreg:$0x1c];
	[sflag:s12] =	ssyncadd.s32 $0xFFFFD800  }
0x82: {  	[spmem:s17] =	stream.linear.scatter [tilespmem:s15], [sflag:$0x7], $0x280, $0x38;
	[tilespmem:$0x1E6E0] =	vst v63  }
0x83: {  	_ =	swait.ge [sflag:s12], $0x280  }
0x84: {  	[sflag:s12] =	ssyncset.done $0x0  }
0x85: {  	s1 =	rddreg [dreg:$0x1d];
	[sflag:s12] =	ssyncadd.s32 $0xFFFFFD80  }
0x86: {  	[spmem:s1] =	stream.linear.scatter [tilespmem:s21], [sflag:$0x7], $0x2800, $0x38;
	[tilespmem:$0x1E6E0] =	vst v63  }
0x87: {  	_ =	swait.ge [sflag:s12], $0x2800  }
0x88: {  	[sflag:s12] =	ssyncset.done $0x0  }
0x89: {  	s11 =	rddreg [dreg:$0x1e];
	[sflag:s12] =	ssyncadd.s32 $0xFFFFD800  }
0x8a: {  	[spmem:s11] =	stream.linear.scatter [tilespmem:s15], [sflag:$0x7], $0x280, $0x38;
	[tilespmem:$0x1E6E0] =	vst v63  }
0x8b: {  	_ =	swait.ge [sflag:s12], $0x280  }
0x8c: {  	[sflag:s12] =	ssyncset.done $0x0  }
0x8d: {  	[sflag:s12] =	ssyncadd.s32 $0xFFFFFD80  }
0x8e: {  	[spmem:s28] =	stream.linear.scatter [tilespmem:s21], [sflag:$0x7], $0x2800, $0x38;
	[tilespmem:$0x1E6E0] =	vst v63  }
0x8f: {  	_ =	swait.ge [sflag:s12], $0x2800  }
0x90: {  	s17 =	sld [smem:$0x7F6]  }
0x91: {  	[sflag:s12] =	ssyncset.done $0x0  }
0x92: {  	[sflag:s12] =	ssyncadd.s32 $0xFFFFD800  }
0x93: {  	[spmem:s17] =	stream.linear.scatter [tilespmem:s15], [sflag:$0x7], $0x280, $0x38;
	[tilespmem:$0x1E6E0] =	vst v63  }
0x94: {  	_ =	swait.ge [sflag:s12], $0x280  }
0x95: {  	s28 =	sld [smem:$0x7F7]  }
0x96: {  	[sflag:s12] =	ssyncset.done $0x0  }
0x97: {  	[sflag:s12] =	ssyncadd.s32 $0xFFFFFD80  }
0x98: {  	[spmem:s28] =	stream.linear.scatter [tilespmem:s21], [sflag:$0x7], $0x2800, $0x38;
	[tilespmem:$0x1E6E0] =	vst v63  }
0x99: {  	_ =	swait.ge [sflag:s12], $0x2800  }
0x9a: {  	s1 =	sld [smem:$0x7F8]  }
0x9b: {  	[sflag:s12] =	ssyncset.done $0x0  }
0x9c: {  	[sflag:s12] =	ssyncadd.s32 $0xFFFFD800  }
0x9d: {  	[spmem:s1] =	stream.linear.scatter [tilespmem:s15], [sflag:$0x7], $0x280, $0x38;
	[tilespmem:$0x1E6E0] =	vst v63  }
0x9e: {  	_ =	swait.ge [sflag:s12], $0x280  }
0x9f: {  	[sflag:s12] =	ssyncset.done $0x0  }
0xa0: {  	[sflag:s12] =	ssyncadd.s32 $0xFFFFFD80  }
0xa1: {  	[spmem:s26] =	stream.linear.scatter [tilespmem:s21], [sflag:$0x7], $0x2800, $0x38;
	[tilespmem:$0x1E6E0] =	vst v63  }
0xa2: {  	_ =	swait.ge [sflag:s12], $0x2800  }
0xa3: {  	s11 =	sld [smem:$0x7F9]  }
0xa4: {  	[sflag:s12] =	ssyncset.done $0x0  }
0xa5: {  	[sflag:s12] =	ssyncadd.s32 $0xFFFFD800  }
0xa6: {  	[spmem:s11] =	stream.linear.scatter [tilespmem:s15], [sflag:$0x7], $0x280, $0x38;
	[tilespmem:$0x1E6E0] =	vst v63  }
0xa7: {  	_ =	swait.ge [sflag:s12], $0x280  }
0xa8: {  	[sflag:s12] =	ssyncset.done $0x0  }
0xa9: {  	[sflag:s12] =	ssyncadd.s32 $0xFFFFFD80  }
0xaa: {  	[bflag:$0x0] =	sbarrier.arrive $0xFFFF  }
0xab: {  	s17 =	sld [smem:$0x7FB];
	_ =	sdelay $0x1  }
0xac: {  	s26 =	simm.s32 $0x0  }
0xad: {  	[tilespmem:s26], [sflag:$0x7] =	stream.linear.gather [hbm4b:s17+s26], $0x7D0, $0x38;
	[tilespmem:$0x1E6E0] =	vst v63  }
0xae: {  	_ =	swait.ge [sflag:s12], $0x7D0  }
0xaf: {  	s28 =	sld [smem:$0x7FC]  }
0xb0: {  	[sflag:s12] =	ssyncset.done $0x0  }
0xb1: {  	s1 =	simm.s32 $0x7D0;
	[sflag:s12] =	ssyncadd.s32 $0xFFFFF830  }
0xb2: {  	[tilespmem:s1], [sflag:$0x7] =	stream.linear.gather [hbm4b:s28+s26], $0x7D0, $0x38;
	[tilespmem:$0x1E6E0] =	vst v63  }
0xb3: {  	_ =	swait.ge [sflag:s12], $0x7D0  }
0xb4: {  	[sflag:s12] =	ssyncset.done $0x0  }
0xb5: {  	[sflag:s12] =	ssyncadd.s32 $0xFFFFF830  }
0xb6: {  	v8 =	vld [tilespmem:$0x0]  }
0xb7: {  	v9 =	vld [tilespmem:$0x7D0]  }
0xb8: {  	v10 =	vld [tilespmem:$0x10]  }
0xb9: {  	v11 =	vld [tilespmem:$0x7E0]  }
0xba: {  	v12 =	vld [tilespmem:$0x20]  }
0xbb: {  	v44 =	vld [tilespmem:$0x30];
	[tilespmem:$0x87A0] =	vst v8  }
0xbc: {  	v45 =	vld [tilespmem:$0x800];
	[tilespmem:$0x8890] =	vst v9  }
0xbd: {  	v46 =	vld [tilespmem:$0x40];
	[tilespmem:$0x87B0] =	vst v10  }
0xbe: {  	v47 =	vld [tilespmem:$0x810];
	[tilespmem:$0x88A0] =	vst v11  }
0xbf: {  	v8 =	vld [tilespmem:$0x7F0];
	[tilespmem:$0x87C0] =	vst v12  }
0xc0: {  	[tilespmem:$0x87D0] =	vst v44  }
0xc1: {  	[tilespmem:$0x88C0] =	vst v45  }
0xc2: {  	[tilespmem:$0x87E0] =	vst v46  }
0xc3: {  	[tilespmem:$0x88D0] =	vst v47  }
0xc4: {  	s11 =	simm.s32 $0x8890;
	[tilespmem:$0x88B0] =	vst v8  }
0xc5: {  	[tilespmem:s21], [sflag:$0x1] =	stream.indirect.gather [hbm4b:s14+s13], $0x80, s11, s13, $0xb8;
	[tilespmem:$0x1E6E0] =	vst v63  }
0xc6: {  	s17 =	simm.s32 $0x8980  }
0xc7: {  	[tilespmem:s17], [sflag:$0x1] =	stream.indirect.gather [hbm4b:s22+s13], $0x1, s25, s13, $0xb8;
	[tilespmem:$0x1E6E0] =	vst v63  }
0xc8: {  	s28 =	simm.s32 $0x8A70  }
0xc9: {  	[tilespmem:s28], [sflag:$0x1] =	stream.indirect.gather [hbm4b:s23+s13], $0x1, s11, s13, $0xb8;
	[tilespmem:$0x1E6E0] =	vst v63  }
0xca: {  	v8 =	vld [tilespmem:$0x50]  }
0xcb: {  	v48 =	vld [tilespmem:$0x820]  }
0xcc: {  	v49 =	vld [tilespmem:$0x60]  }
0xcd: {  	v50 =	vld [tilespmem:$0x830]  }
0xce: {  	v51 =	vld [tilespmem:$0x70]  }
0xcf: {  	v52 =	vld [tilespmem:$0x80];
	[tilespmem:$0x87F0] =	vst v8  }
0xd0: {  	v53 =	vld [tilespmem:$0x850];
	[tilespmem:$0x88E0] =	vst v48  }
0xd1: {  	v54 =	vld [tilespmem:$0x90];
	[tilespmem:$0x8800] =	vst v49  }
0xd2: {  	v55 =	vld [tilespmem:$0x860];
	[tilespmem:$0x88F0] =	vst v50  }
0xd3: {  	v8 =	vld [tilespmem:$0x840];
	[tilespmem:$0x8810] =	vst v51  }
0xd4: {  	[tilespmem:$0x8820] =	vst v52  }
0xd5: {  	[tilespmem:$0x8910] =	vst v53  }
0xd6: {  	[tilespmem:$0x8830] =	vst v54  }
0xd7: {  	[tilespmem:$0x8920] =	vst v55  }
0xd8: {  	s11 =	simm.s32 $0x88E0;
	[tilespmem:$0x8900] =	vst v8  }
0xd9: {  	[tilespmem:s30], [sflag:$0x2] =	stream.indirect.gather [hbm4b:s14+s13], $0x80, s11, s13, $0xb8;
	[tilespmem:$0x1E6E0] =	vst v63  }
0xda: {  	s17 =	simm.s32 $0x89D0  }
0xdb: {  	[tilespmem:s17], [sflag:$0x2] =	stream.indirect.gather [hbm4b:s22+s13], $0x1, s31, s13, $0xb8;
	[tilespmem:$0x1E6E0] =	vst v63  }
0xdc: {  	s28 =	simm.s32 $0x8AC0  }
0xdd: {  	[tilespmem:s28], [sflag:$0x2] =	stream.indirect.gather [hbm4b:s23+s13], $0x1, s11, s13, $0xb8;
	[tilespmem:$0x1E6E0] =	vst v63  }
0xde: {  	v8 =	vld [tilespmem:$0xA0]  }
0xdf: {  	v56 =	vld [tilespmem:$0x870]  }
0xe0: {  	v57 =	vld [tilespmem:$0xB0]  }
0xe1: {  	v58 =	vld [tilespmem:$0x880]  }
0xe2: {  	v59 =	vld [tilespmem:$0xC0]  }
0xe3: {  	v60 =	vld [tilespmem:$0xD0];
	[tilespmem:$0x8840] =	vst v8  }
0xe4: {  	v61 =	vld [tilespmem:$0x8A0];
	[tilespmem:$0x8930] =	vst v56  }
0xe5: {  	v62 =	vld [tilespmem:$0xE0];
	[tilespmem:$0x8850] =	vst v57  }
0xe6: {  	v63 =	vld [tilespmem:$0x8B0];
	[tilespmem:$0x8940] =	vst v58  }
0xe7: {  	v8 =	vld [tilespmem:$0x890];
	[tilespmem:$0x8860] =	vst v59  }
0xe8: {  	[tilespmem:$0x8870] =	vst v60  }
0xe9: {  	[tilespmem:$0x8960] =	vst v61  }
0xea: {  	[tilespmem:$0x8880] =	vst v62  }
0xeb: {  	[tilespmem:$0x8970] =	vst v63  }
0xec: {  	s11 =	simm.s32 $0x8930;
	[tilespmem:$0x8950] =	vst v8  }
0xed: {  	[tilespmem:s2], [sflag:$0x3] =	stream.indirect.gather [hbm4b:s14+s13], $0x80, s11, s13, $0xb8;
	[tilespmem:$0x1E6E0] =	vst v63  }
0xee: {  	s17 =	simm.s32 $0x8A20  }
0xef: {  	[tilespmem:s17], [sflag:$0x3] =	stream.indirect.gather [hbm4b:s22+s13], $0x1, s3, s13, $0xb8;
	[tilespmem:$0x1E6E0] =	vst v63  }
0xf0: {  	s28 =	simm.s32 $0x8B10  }
0xf1: {  	[tilespmem:s28], [sflag:$0x3] =	stream.indirect.gather [hbm4b:s23+s13], $0x1, s11, s13, $0xb8;
	[tilespmem:$0x1E6E0] =	vst v63  }
.LBB2_10:
0xf2: {  	_ =	swait.ge [sflag:s7], $0x2800  }
0xf3: {  	[sflag:s7] =	ssyncset.done $0x0  }
0xf4: {  	[sflag:s7] =	ssyncadd.s32 $0xFFFFD800  }
0xf5: {  	_ =	swait.ge [sflag:s7], $0x50  }
0xf6: {  	[sflag:s7] =	ssyncset.done $0x0  }
0xf7: {  	[sflag:s7] =	ssyncadd.s32 $0xFFFFFFB0  }
0xf8: {  	_ =	swait.ge [sflag:s7], $0x50  }
0xf9: {  	[sflag:s7] =	ssyncset.done $0x0  }
0xfa: {  	[sflag:s7] =	ssyncadd.s32 $0xFFFFFFB0  }
0xfb: {  	v8 =	vld [tilespmem:$0x8980]  }
0xfc: {  	v9 =	vld [tilespmem:$0x8A70];
	_ =	sdelay $0x4  }
0xfd: {  	v8 =	vadd.f32 v9, v8;
	_ =	sdelay $0x1  }
0xfe: {  	v9 =	vmul.f32 $2.000000030e-01, v8  }
0xff: {  	vm0 =	vgt.f32 v8, $0.0e+00  }
0x100: {  	v8 =	vsel vm0, v8, v9  }
0x101: {  	v8 =	vmul.f32 $1.442695020e+00, v8;
	_ =	sdelay $0x1  }
0x102: {  	(erf) = vpow2.f32 v8;
	_ =	sdelay $0x8  }
0x103: {  	v8 =	vpop (erf)  }
0x104: {  	[tilespmem:v0+s15+$0x0] =	vst.idx.msk $0xffff, v8  }
0x105: {  	v8 =	vld [tilespmem:$0x8990]  }
0x106: {  	v9 =	vld [tilespmem:$0x8A80];
	_ =	sdelay $0x4  }
0x107: {  	v8 =	vadd.f32 v9, v8;
	_ =	sdelay $0x1  }
0x108: {  	v9 =	vmul.f32 $2.000000030e-01, v8  }
0x109: {  	vm12 =	vgt.f32 v8, $0.0e+00  }
0x10a: {  	v8 =	vsel vm12, v8, v9  }
0x10b: {  	v8 =	vmul.f32 $1.442695020e+00, v8;
	_ =	sdelay $0x1  }
0x10c: {  	(erf) = vpow2.f32 v8;
	_ =	sdelay $0x8  }
0x10d: {  	v8 =	vpop (erf)  }
0x10e: {  	[tilespmem:v4+s15+$0x0] =	vst.idx.msk $0xffff, v8  }
0x10f: {  	v8 =	vld [tilespmem:$0x89A0]  }
0x110: {  	v9 =	vld [tilespmem:$0x8A90];
	_ =	sdelay $0x4  }
0x111: {  	v8 =	vadd.f32 v9, v8;
	_ =	sdelay $0x1  }
0x112: {  	v9 =	vmul.f32 $2.000000030e-01, v8  }
0x113: {  	vm13 =	vgt.f32 v8, $0.0e+00  }
0x114: {  	v8 =	vsel vm13, v8, v9  }
0x115: {  	v8 =	vmul.f32 $1.442695020e+00, v8;
	_ =	sdelay $0x1  }
0x116: {  	(erf) = vpow2.f32 v8;
	_ =	sdelay $0x8  }
0x117: {  	v8 =	vpop (erf)  }
0x118: {  	[tilespmem:v5+s15+$0x0] =	vst.idx.msk $0xffff, v8  }
0x119: {  	v8 =	vld [tilespmem:$0x89B0]  }
0x11a: {  	v9 =	vld [tilespmem:$0x8AA0];
	_ =	sdelay $0x4  }
0x11b: {  	v8 =	vadd.f32 v9, v8;
	_ =	sdelay $0x1  }
0x11c: {  	v9 =	vmul.f32 $2.000000030e-01, v8  }
0x11d: {  	vm14 =	vgt.f32 v8, $0.0e+00  }
0x11e: {  	v8 =	vsel vm14, v8, v9  }
0x11f: {  	v8 =	vmul.f32 $1.442695020e+00, v8;
	_ =	sdelay $0x1  }
0x120: {  	(erf) = vpow2.f32 v8;
	_ =	sdelay $0x8  }
0x121: {  	v8 =	vpop (erf)  }
0x122: {  	[tilespmem:v6+s15+$0x0] =	vst.idx.msk $0xffff, v8  }
0x123: {  	v8 =	vld [tilespmem:$0x89C0]  }
0x124: {  	v9 =	vld [tilespmem:$0x8AB0];
	_ =	sdelay $0x4  }
0x125: {  	v8 =	vadd.f32 v9, v8;
	_ =	sdelay $0x1  }
0x126: {  	v9 =	vmul.f32 $2.000000030e-01, v8  }
0x127: {  	vm15 =	vgt.f32 v8, $0.0e+00  }
0x128: {  	v8 =	vsel vm15, v8, v9  }
0x129: {  	v8 =	vmul.f32 $1.442695020e+00, v8;
	_ =	sdelay $0x1  }
0x12a: {  	(erf) = vpow2.f32 v8;
	_ =	sdelay $0x4  }
0x12b: {  	s0 =	simm.s32 $0x0  }
0x12c: {  	s2 =	simm.s32 $0x18;
	v8 =	vmov s0  }
0x12d: {  	v9 =	vmov s2;
	_ =	sdelay $0x1  }
0x12e: {  	v10 =	vpop (erf)  }
0x12f: {  	[tilespmem:v7+s15+$0x0] =	vst.idx.msk $0xffff, v10  }
0x130: {  	v10 =	vld.idx.msk [tilespmem:v8+s15+$0x0], $0xffff  }
0x131: {  	s28 =	simm.s32 $0x10A0;
	v8 =	vld.idx.msk [tilespmem:v9+s15+$0x0], $0xffff  }
0x132: {  	v9 =	vld [tilespmem:s28+$0xF0]  }
0x133: {  	v11 =	vld [tilespmem:s28+$0xFFFFFF00]  }
0x134: {  	s11 =	simm.s32 $0x8;
	v12 =	vld [tilespmem:s28+$0xFFFFFF10]  }
0x135: {  	v13 =	vmov s11;
	v14 =	vld [tilespmem:s28+$0xFFFFFF20]  }
0x136: {  	v15 =	vld [tilespmem:s28+$0xFFFFFF30]  }
0x137: {  	v18 =	vld [tilespmem:s28+$0xFFFFFF60]  }
0x138: {  	v16 =	vld [tilespmem:s28+$0xFFFFFF40]  }
0x139: {  	v17 =	vld [tilespmem:s28+$0xFFFFFF50];
	v11 =	vmul.f32 v11, v10  }
0x13a: {  	v19 =	vld.idx.msk [tilespmem:v13+s15+$0x0], $0xffff;
	v9 =	vmul.f32 v9, v8  }
0x13b: {  	v13 =	vld [tilespmem:s28+$0xFFFFFF80];
	v12 =	vmul.f32 v12, v10;
	[tilespmem:s28+$0xFFFFFF00] =	vst v11  }
0x13c: {  	v18 =	vmul.f32 v18, v10;
	v11 =	vld [tilespmem:s28+$0xFFFFFF70];
	[tilespmem:s28+$0xF0] =	vst v9  }
0x13d: {  	v9 =	vmul.f32 v14, v10;
	v14 =	vld [tilespmem:s28+$0xFFFFFF90];
	[tilespmem:s28+$0xFFFFFF10] =	vst v12  }
0x13e: {  	s17 =	simm.s32 $0x10;
	v12 =	vmul.f32 v15, v10;
	v15 =	vld [tilespmem:s28+$0xFFFFFFA0];
	[tilespmem:s28+$0xFFFFFF60] =	vst v18  }
0x13f: {  	v20 =	vmov s17;
	[tilespmem:s28+$0xFFFFFF20] =	vst v9;
	v9 =	vmul.f32 v16, v10;
	v16 =	vld [tilespmem:s28+$0xFFFFFFB0]  }
0x140: {  	[tilespmem:s28+$0xFFFFFF30] =	vst v12;
	v12 =	vmul.f32 v17, v10;
	v17 =	vld [tilespmem:s28+$0xFFFFFFC0]  }
0x141: {  	[tilespmem:s28+$0xFFFFFF40] =	vst v9;
	v9 =	vmul.f32 v13, v19;
	v13 =	vld [tilespmem:s28+$0xFFFFFFD0]  }
0x142: {  	[tilespmem:s28+$0xFFFFFF50] =	vst v12;
	v12 =	vld [tilespmem:s28+$0xFFFFFFE0];
	v10 =	vmul.f32 v11, v10  }
0x143: {  	v11 =	vmul.f32 v14, v19;
	v14 =	vld [tilespmem:s28+$0xFFFFFFF0];
	[tilespmem:s28+$0xFFFFFF80] =	vst v9  }
0x144: {  	v9 =	vld.idx.msk [tilespmem:v20+s15+$0x0], $0xffff;
	[tilespmem:s28+$0xFFFFFF70] =	vst v10;
	v10 =	vmul.f32 v15, v19  }
0x145: {  	v15 =	vld [tilespmem:s28+$0x0];
	[tilespmem:s28+$0xFFFFFF90] =	vst v11;
	v11 =	vmul.f32 v16, v19  }
0x146: {  	v16 =	vld [tilespmem:s28+$0x10];
	[tilespmem:s28+$0xFFFFFFA0] =	vst v10;
	v10 =	vmul.f32 v17, v19  }
0x147: {  	v17 =	vld [tilespmem:s28+$0x20];
	[tilespmem:s28+$0xFFFFFFB0] =	vst v11;
	v11 =	vmul.f32 v13, v19  }
0x148: {  	v18 =	vld [tilespmem:s28+$0x30];
	v14 =	vmul.f32 v14, v19;
	[tilespmem:s28+$0xFFFFFFC0] =	vst v10  }
0x149: {  	v63 =	vld [tilespmem:s28+$0x40];
	v10 =	vmul.f32 v12, v19;
	[tilespmem:s28+$0xFFFFFFD0] =	vst v11  }
0x14a: {  	v13 =	vld [tilespmem:s28+$0x50];
	v12 =	vmul.f32 v15, v9;
	[tilespmem:s28+$0xFFFFFFF0] =	vst v14  }
0x14b: {  	v11 =	vld [tilespmem:s28+$0x60];
	[tilespmem:s28+$0xFFFFFFE0] =	vst v10;
	v10 =	vmul.f32 v16, v9  }
0x14c: {  	[tilespmem:s28+$0x0] =	vst v12;
	v14 =	vmul.f32 v17, v9;
	v12 =	vld [tilespmem:s28+$0x70]  }
0x14d: {  	v16 =	vmul.f32 v18, v9;
	[tilespmem:s28+$0x10] =	vst v10;
	v10 =	vld [tilespmem:s28+$0x80]  }
0x14e: {  	s1 =	simm.s32 $0x20;
	s17 =	simm.s32 $0x10A0;
	s0 =	simm.s32 $0x8;
	v15 =	vmul.f32 v63, v9;
	[tilespmem:s28+$0x20] =	vst v14;
	v14 =	vld [tilespmem:s28+$0x90]  }
.LBB2_11:
0x14f: {  	p0 =	slt.u32 s0, $0x4C;
	v17 =	vmov s1;
	s2 =	sadd.s32 $0x8, s1;
	s11 =	sadd.s32 $0x18, s1;
	[tilespmem:s28+$0x30] =	vst v16;
	v13 =	vmul.f32 v13, v9;
	v16 =	vld [tilespmem:s28+$0xA0]  }
0x150: {  	s1 =	sadd.s32 $0x10, s1;
	v18 =	vmov s2;
	v19 =	vmov s11;
	[tilespmem:s28+$0x40] =	vst v15;
	v11 =	vmul.f32 v11, v9;
	v15 =	vld [tilespmem:s28+$0xB0]  }
0x151: {  	v20 =	vmov s1;
	[tilespmem:s28+$0x50] =	vst v13;
	v9 =	vmul.f32 v12, v9;
	v12 =	vld [tilespmem:s28+$0xC0]  }
0x152: {  	[tilespmem:s28+$0x60] =	vst v11;
	v10 =	vmul.f32 v10, v8;
	v11 =	vld [tilespmem:s28+$0xD0]  }
0x153: {  	[tilespmem:s28+$0x70] =	vst v9;
	v9 =	vmul.f32 v14, v8;
	v13 =	vld [tilespmem:s28+$0xE0]  }
0x154: {  	v14 =	vld.idx.msk [tilespmem:v17+s15+$0x0], $0xffff;
	[tilespmem:s28+$0x80] =	vst v10;
	v10 =	vmul.f32 v16, v8  }
0x155: {  	s28 =	sadd.s32 $0x200, s28;
	v16 =	vld.idx.msk [tilespmem:v19+s15+$0x0], $0xffff;
	[tilespmem:s17+$0x90] =	vst v9;
	v9 =	vmul.f32 v15, v8  }
0x156: {  	v15 =	vld [tilespmem:s28+$0xF0];
	[tilespmem:s17+$0xA0] =	vst v10;
	v10 =	vmul.f32 v12, v8  }
0x157: {  	v12 =	vld.idx.msk [tilespmem:v18+s15+$0x0], $0xffff;
	[tilespmem:s17+$0xB0] =	vst v9;
	v11 =	vmul.f32 v11, v8  }
0x158: {  	v9 =	vld.idx.msk [tilespmem:v20+s15+$0x0], $0xffff;
	[tilespmem:s17+$0xC0] =	vst v10;
	v17 =	vmul.f32 v13, v8  }
0x159: {  	v10 =	vld [tilespmem:s28+$0xFFFFFF00];
	[tilespmem:s17+$0xD0] =	vst v11  }
0x15a: {  	v11 =	vld [tilespmem:s28+$0xFFFFFF10];
	[tilespmem:s17+$0xE0] =	vst v17;
	s17 =	smov.u32 s28  }
0x15b: {  	v8 =	vmov v16;
	v13 =	vld [tilespmem:s28+$0xFFFFFF20];
	v15 =	vmul.f32 v15, v16  }
0x15c: {  	v16 =	vld [tilespmem:s28+$0xFFFFFF30]  }
0x15d: {  	v17 =	vld [tilespmem:s28+$0xFFFFFF40];
	[tilespmem:s28+$0xF0] =	vst v15  }
0x15e: {  	v10 =	vmul.f32 v10, v14;
	v15 =	vld [tilespmem:s28+$0xFFFFFF50]  }
0x15f: {  	v11 =	vmul.f32 v11, v14;
	v18 =	vld [tilespmem:s28+$0xFFFFFF60]  }
0x160: {  	[tilespmem:s28+$0xFFFFFF00] =	vst v10;
	v10 =	vmul.f32 v13, v14;
	v13 =	vld [tilespmem:s28+$0xFFFFFF70]  }
0x161: {  	[tilespmem:s28+$0xFFFFFF10] =	vst v11;
	v11 =	vmul.f32 v16, v14;
	v16 =	vld [tilespmem:s28+$0xFFFFFF80]  }
0x162: {  	[tilespmem:s28+$0xFFFFFF20] =	vst v10;
	v10 =	vmul.f32 v17, v14;
	v17 =	vld [tilespmem:s28+$0xFFFFFF90]  }
0x163: {  	[tilespmem:s28+$0xFFFFFF30] =	vst v11;
	v11 =	vmul.f32 v15, v14;
	v15 =	vld [tilespmem:s28+$0xFFFFFFA0]  }
0x164: {  	[tilespmem:s28+$0xFFFFFF40] =	vst v10;
	v10 =	vmul.f32 v18, v14;
	v18 =	vld [tilespmem:s28+$0xFFFFFFB0]  }
0x165: {  	[tilespmem:s28+$0xFFFFFF50] =	vst v11;
	v11 =	vmul.f32 v13, v14;
	v13 =	vld [tilespmem:s28+$0xFFFFFFC0]  }
0x166: {  	[tilespmem:s28+$0xFFFFFF60] =	vst v10;
	v10 =	vmul.f32 v16, v12;
	v14 =	vld [tilespmem:s28+$0xFFFFFFD0]  }
0x167: {  	[tilespmem:s28+$0xFFFFFF70] =	vst v11;
	v11 =	vmul.f32 v17, v12;
	v16 =	vld [tilespmem:s28+$0xFFFFFFE0]  }
0x168: {  	[tilespmem:s28+$0xFFFFFF80] =	vst v10;
	v10 =	vmul.f32 v15, v12;
	v15 =	vld [tilespmem:s28+$0xFFFFFFF0]  }
0x169: {  	[tilespmem:s28+$0xFFFFFF90] =	vst v11;
	v11 =	vmul.f32 v18, v12;
	v17 =	vld [tilespmem:s28+$0x0]  }
0x16a: {  	[tilespmem:s28+$0xFFFFFFA0] =	vst v10;
	v10 =	vmul.f32 v13, v12;
	v18 =	vld [tilespmem:s28+$0x10]  }
0x16b: {  	[tilespmem:s28+$0xFFFFFFB0] =	vst v11;
	v11 =	vmul.f32 v14, v12;
	v14 =	vld [tilespmem:s28+$0x20]  }
0x16c: {  	[tilespmem:s28+$0xFFFFFFC0] =	vst v10;
	v10 =	vmul.f32 v16, v12;
	v16 =	vld [tilespmem:s28+$0x30]  }
0x16d: {  	[tilespmem:s28+$0xFFFFFFD0] =	vst v11;
	v11 =	vmul.f32 v15, v12;
	v15 =	vld [tilespmem:s28+$0x40]  }
.Ltmp4:
0x16e: {  	[tilespmem:s28+$0xFFFFFFE0] =	vst v10;
	v10 =	vmul.f32 v17, v9;
	v13 =	vld [tilespmem:s28+$0x50];
	(pc) =	sbr.rel @p0 .LBB2_11-.Ltmp4, $4  }
0x16f: {  	[tilespmem:s28+$0xFFFFFFF0] =	vst v11;
	v17 =	vmul.f32 v18, v9;
	v11 =	vld [tilespmem:s28+$0x60]  }
0x170: {  	[tilespmem:s28+$0x0] =	vst v10;
	v14 =	vmul.f32 v14, v9;
	v12 =	vld [tilespmem:s28+$0x70]  }
0x171: {  	[tilespmem:s28+$0x10] =	vst v17;
	v16 =	vmul.f32 v16, v9;
	v10 =	vld [tilespmem:s28+$0x80]  }
0x172: {  	s1 =	sshll.u32 s0, $0x3;
	s0 =	sadd.s32 $0x4, s0;
	[tilespmem:s28+$0x20] =	vst v14;
	v15 =	vmul.f32 v15, v9;
	v14 =	vld [tilespmem:s28+$0x90]  }
0x173: {  	v18 =	vld [tilespmem:s28+$0xA0]  }
0x174: {  	v17 =	vmov s1;
	v20 =	vld [tilespmem:s28+$0xB0]  }
0x175: {  	s0 =	sadd.s32 $0x18, s1;
	v21 =	vld [tilespmem:s28+$0xC0]  }
0x176: {  	s11 =	sadd.s32 $0x8, s1;
	s2 =	sadd.s32 $0x10, s1;
	v23 =	vld [tilespmem:s28+$0xD0];
	v19 =	vmov s0;
	v11 =	vmul.f32 v11, v9  }
0x177: {  	[tilespmem:s28+$0x30] =	vst v16;
	v24 =	vld [tilespmem:s28+$0xE0];
	v22 =	vmov s11;
	v16 =	vmov s2;
	s11 =	sadd.s32 $0x200, s28  }
0x178: {  	v13 =	vmul.f32 v13, v9;
	[tilespmem:s28+$0x60] =	vst v11;
	v11 =	vld [tilespmem:s11+$0xF0]  }
0x179: {  	[tilespmem:s28+$0x40] =	vst v15;
	v9 =	vmul.f32 v12, v9;
	v15 =	vld.idx.msk [tilespmem:v17+s15+$0x0], $0xffff  }
0x17a: {  	[tilespmem:s28+$0x50] =	vst v13;
	v10 =	vmul.f32 v10, v8;
	v17 =	vld [tilespmem:s11+$0xFFFFFF10]  }
0x17b: {  	[tilespmem:s28+$0x70] =	vst v9;
	v9 =	vmul.f32 v14, v8;
	v12 =	vld.idx.msk [tilespmem:v19+s15+$0x0], $0xffff  }
0x17c: {  	[tilespmem:s28+$0x80] =	vst v10;
	v10 =	vmul.f32 v18, v8;
	v14 =	vld.idx.msk [tilespmem:v16+s15+$0x0], $0xffff  }
0x17d: {  	[tilespmem:s17+$0x90] =	vst v9;
	v9 =	vmul.f32 v20, v8;
	v16 =	vld [tilespmem:s11+$0xFFFFFF00]  }
0x17e: {  	v18 =	vld [tilespmem:s11+$0xFFFFFF20];
	[tilespmem:s17+$0xA0] =	vst v10;
	v10 =	vmul.f32 v21, v8  }
0x17f: {  	v13 =	vld.idx.msk [tilespmem:v22+s15+$0x0], $0xffff;
	[tilespmem:s17+$0xB0] =	vst v9;
	v9 =	vmul.f32 v23, v8  }
0x180: {  	v8 =	vmul.f32 v24, v8;
	[tilespmem:s17+$0xC0] =	vst v10;
	v10 =	vld [tilespmem:s11+$0xFFFFFF30]  }
0x181: {  	[tilespmem:s17+$0xD0] =	vst v9;
	v9 =	vmul.f32 v11, v12;
	v11 =	vld [tilespmem:s11+$0xFFFFFF40]  }
0x182: {  	[tilespmem:s17+$0xE0] =	vst v8;
	v8 =	vmul.f32 v16, v15;
	v16 =	vld [tilespmem:s11+$0xFFFFFF50]  }
0x183: {  	[tilespmem:s11+$0xF0] =	vst v9;
	v9 =	vmul.f32 v17, v15;
	v17 =	vld [tilespmem:s11+$0xFFFFFF60]  }
0x184: {  	[tilespmem:s11+$0xFFFFFF00] =	vst v8;
	v8 =	vmul.f32 v18, v15;
	v18 =	vld [tilespmem:s11+$0xFFFFFF70]  }
0x185: {  	[tilespmem:s11+$0xFFFFFF10] =	vst v9;
	v9 =	vmul.f32 v10, v15;
	v10 =	vld [tilespmem:s11+$0xFFFFFF80]  }
0x186: {  	[tilespmem:s11+$0xFFFFFF20] =	vst v8;
	v8 =	vmul.f32 v11, v15;
	v11 =	vld [tilespmem:s11+$0xFFFFFF90]  }
0x187: {  	[tilespmem:s11+$0xFFFFFF30] =	vst v9;
	v9 =	vmul.f32 v16, v15;
	v16 =	vld [tilespmem:s11+$0xFFFFFFA0]  }
0x188: {  	[tilespmem:s11+$0xFFFFFF40] =	vst v8;
	v8 =	vmul.f32 v17, v15;
	v17 =	vld [tilespmem:s11+$0xFFFFFFB0]  }
0x189: {  	[tilespmem:s11+$0xFFFFFF50] =	vst v9;
	v9 =	vmul.f32 v18, v15;
	v15 =	vld [tilespmem:s11+$0xFFFFFFC0]  }
0x18a: {  	[tilespmem:s11+$0xFFFFFF60] =	vst v8;
	v8 =	vmul.f32 v10, v13;
	v10 =	vld [tilespmem:s11+$0xFFFFFFD0]  }
0x18b: {  	[tilespmem:s11+$0xFFFFFF70] =	vst v9;
	v9 =	vmul.f32 v11, v13;
	v11 =	vld [tilespmem:s11+$0xFFFFFFE0]  }
0x18c: {  	[tilespmem:s11+$0xFFFFFF80] =	vst v8;
	v8 =	vmul.f32 v16, v13;
	v16 =	vld [tilespmem:s11+$0xFFFFFFF0]  }
0x18d: {  	[tilespmem:s11+$0xFFFFFF90] =	vst v9;
	v9 =	vmul.f32 v17, v13;
	v17 =	vld [tilespmem:s11+$0x0]  }
0x18e: {  	[tilespmem:s11+$0xFFFFFFA0] =	vst v8;
	v8 =	vmul.f32 v15, v13;
	v15 =	vld [tilespmem:s11+$0x10]  }
0x18f: {  	[tilespmem:s11+$0xFFFFFFB0] =	vst v9;
	v9 =	vmul.f32 v10, v13;
	v10 =	vld [tilespmem:s11+$0x20]  }
0x190: {  	[tilespmem:s11+$0xFFFFFFC0] =	vst v8;
	v8 =	vmul.f32 v11, v13;
	v11 =	vld [tilespmem:s11+$0x30]  }
0x191: {  	[tilespmem:s11+$0xFFFFFFD0] =	vst v9;
	v9 =	vmul.f32 v16, v13;
	v13 =	vld [tilespmem:s11+$0x40]  }
0x192: {  	v16 =	vld [tilespmem:s11+$0x50];
	[tilespmem:s11+$0xFFFFFFE0] =	vst v8;
	v8 =	vmul.f32 v17, v14  }
0x193: {  	[tilespmem:s11+$0xFFFFFFF0] =	vst v9;
	v9 =	vmul.f32 v15, v14;
	v15 =	vld [tilespmem:s11+$0x60]  }
0x194: {  	[tilespmem:s11+$0x0] =	vst v8;
	v8 =	vmul.f32 v10, v14;
	v10 =	vld [tilespmem:s11+$0x70]  }
0x195: {  	[tilespmem:s11+$0x10] =	vst v9;
	v9 =	vmul.f32 v11, v14;
	v11 =	vld [tilespmem:s11+$0x80]  }
0x196: {  	[tilespmem:s11+$0x20] =	vst v8;
	v8 =	vmul.f32 v13, v14;
	v13 =	vld [tilespmem:s11+$0x90]  }
0x197: {  	[tilespmem:s11+$0x30] =	vst v9;
	v9 =	vmul.f32 v16, v14;
	v16 =	vld [tilespmem:s11+$0xA0]  }
0x198: {  	[tilespmem:s11+$0x40] =	vst v8;
	v8 =	vmul.f32 v15, v14;
	v15 =	vld [tilespmem:s11+$0xB0]  }
0x199: {  	[tilespmem:s11+$0x50] =	vst v9;
	v9 =	vmul.f32 v10, v14;
	v10 =	vld [tilespmem:s11+$0xC0]  }
0x19a: {  	[tilespmem:s11+$0x60] =	vst v8;
	v8 =	vmul.f32 v11, v12;
	v11 =	vld [tilespmem:s11+$0xD0]  }
0x19b: {  	[tilespmem:s11+$0x70] =	vst v9;
	v9 =	vmul.f32 v13, v12;
	v13 =	vld [tilespmem:s11+$0xE0]  }
0x19c: {  	[tilespmem:s11+$0x80] =	vst v8;
	v8 =	vmul.f32 v16, v12  }
0x19d: {  	[tilespmem:s11+$0x90] =	vst v9;
	v9 =	vmul.f32 v15, v12  }
0x19e: {  	[tilespmem:s11+$0xA0] =	vst v8;
	v8 =	vmul.f32 v10, v12  }
0x19f: {  	[tilespmem:s11+$0xB0] =	vst v9;
	v9 =	vmul.f32 v11, v12  }
0x1a0: {  	[tilespmem:s11+$0xC0] =	vst v8;
	v8 =	vmul.f32 v13, v12  }
0x1a1: {  	[tilespmem:s11+$0xD0] =	vst v9  }
0x1a2: {  	[tilespmem:s11+$0xE0] =	vst v8  }
0x1a3: {  	[spmem:s16] =	stream.indirect.scatter.add.f32 [tilespmem:s21], [sflag:$0x4], $0x80, s25, s13, $0xb8;
	[tilespmem:$0x1E6E0] =	vst v63  }
0x1a4: {  	_ = 	snop  }
0x1a5: {  	[spmem:s19] =	stream.indirect.scatter.add.f32 [tilespmem:s15], [sflag:$0x4], $0x8, s25, s13, $0xb8;
	[tilespmem:$0x1E6E0] =	vst v63  }
0x1a6: {  	_ =	swait.ge [sflag:s9], $0x2800  }
0x1a7: {  	[sflag:s9] =	ssyncset.done $0x0  }
0x1a8: {  	[sflag:s9] =	ssyncadd.s32 $0xFFFFD800  }
0x1a9: {  	_ =	swait.ge [sflag:s9], $0x50  }
0x1aa: {  	[sflag:s9] =	ssyncset.done $0x0  }
0x1ab: {  	[sflag:s9] =	ssyncadd.s32 $0xFFFFFFB0  }
0x1ac: {  	_ =	swait.ge [sflag:s9], $0x50  }
0x1ad: {  	[sflag:s9] =	ssyncset.done $0x0  }
0x1ae: {  	[sflag:s9] =	ssyncadd.s32 $0xFFFFFFB0  }
0x1af: {  	v8 =	vld [tilespmem:$0x89D0]  }
0x1b0: {  	v9 =	vld [tilespmem:$0x8AC0];
	_ =	sdelay $0x4  }
0x1b1: {  	v8 =	vadd.f32 v9, v8;
	_ =	sdelay $0x1  }
0x1b2: {  	v9 =	vmul.f32 $2.000000030e-01, v8  }
0x1b3: {  	vm0 =	vgt.f32 v8, $0.0e+00  }
0x1b4: {  	v8 =	vsel vm0, v8, v9  }
0x1b5: {  	v8 =	vmul.f32 $1.442695020e+00, v8;
	_ =	sdelay $0x1  }
0x1b6: {  	(erf) = vpow2.f32 v8;
	_ =	sdelay $0x8  }
0x1b7: {  	v8 =	vpop (erf)  }
0x1b8: {  	[tilespmem:v0+s18+$0x0] =	vst.idx.msk $0xffff, v8  }
0x1b9: {  	v8 =	vld [tilespmem:$0x89E0]  }
0x1ba: {  	v9 =	vld [tilespmem:$0x8AD0];
	_ =	sdelay $0x4  }
0x1bb: {  	v8 =	vadd.f32 v9, v8;
	_ =	sdelay $0x1  }
0x1bc: {  	v9 =	vmul.f32 $2.000000030e-01, v8  }
0x1bd: {  	vm12 =	vgt.f32 v8, $0.0e+00  }
0x1be: {  	v8 =	vsel vm12, v8, v9  }
0x1bf: {  	v8 =	vmul.f32 $1.442695020e+00, v8;
	_ =	sdelay $0x1  }
0x1c0: {  	(erf) = vpow2.f32 v8;
	_ =	sdelay $0x8  }
0x1c1: {  	v8 =	vpop (erf)  }
0x1c2: {  	[tilespmem:v4+s18+$0x0] =	vst.idx.msk $0xffff, v8  }
0x1c3: {  	v8 =	vld [tilespmem:$0x89F0]  }
0x1c4: {  	v9 =	vld [tilespmem:$0x8AE0];
	_ =	sdelay $0x4  }
0x1c5: {  	v8 =	vadd.f32 v9, v8;
	_ =	sdelay $0x1  }
0x1c6: {  	v9 =	vmul.f32 $2.000000030e-01, v8  }
0x1c7: {  	vm13 =	vgt.f32 v8, $0.0e+00  }
0x1c8: {  	v8 =	vsel vm13, v8, v9  }
0x1c9: {  	v8 =	vmul.f32 $1.442695020e+00, v8;
	_ =	sdelay $0x1  }
0x1ca: {  	(erf) = vpow2.f32 v8;
	_ =	sdelay $0x8  }
0x1cb: {  	v8 =	vpop (erf)  }
0x1cc: {  	[tilespmem:v5+s18+$0x0] =	vst.idx.msk $0xffff, v8  }
0x1cd: {  	v8 =	vld [tilespmem:$0x8A00]  }
0x1ce: {  	v9 =	vld [tilespmem:$0x8AF0];
	_ =	sdelay $0x4  }
0x1cf: {  	v8 =	vadd.f32 v9, v8;
	_ =	sdelay $0x1  }
0x1d0: {  	v9 =	vmul.f32 $2.000000030e-01, v8  }
0x1d1: {  	vm14 =	vgt.f32 v8, $0.0e+00  }
0x1d2: {  	v8 =	vsel vm14, v8, v9  }
0x1d3: {  	v8 =	vmul.f32 $1.442695020e+00, v8;
	_ =	sdelay $0x1  }
0x1d4: {  	(erf) = vpow2.f32 v8;
	_ =	sdelay $0x8  }
0x1d5: {  	v8 =	vpop (erf)  }
0x1d6: {  	[tilespmem:v6+s18+$0x0] =	vst.idx.msk $0xffff, v8  }
0x1d7: {  	v8 =	vld [tilespmem:$0x8A10]  }
0x1d8: {  	v9 =	vld [tilespmem:$0x8B00];
	_ =	sdelay $0x4  }
0x1d9: {  	v8 =	vadd.f32 v9, v8;
	_ =	sdelay $0x1  }
0x1da: {  	v9 =	vmul.f32 $2.000000030e-01, v8  }
0x1db: {  	vm15 =	vgt.f32 v8, $0.0e+00  }
0x1dc: {  	v8 =	vsel vm15, v8, v9  }
0x1dd: {  	v8 =	vmul.f32 $1.442695020e+00, v8;
	_ =	sdelay $0x1  }
0x1de: {  	(erf) = vpow2.f32 v8;
	_ =	sdelay $0x4  }
0x1df: {  	s1 =	simm.s32 $0x0  }
0x1e0: {  	s2 =	simm.s32 $0x18;
	v8 =	vmov s1  }
0x1e1: {  	v9 =	vmov s2;
	_ =	sdelay $0x1  }
0x1e2: {  	v10 =	vpop (erf)  }
0x1e3: {  	[tilespmem:v7+s18+$0x0] =	vst.idx.msk $0xffff, v10  }
0x1e4: {  	s11 =	simm.s32 $0x8;
	v10 =	vld.idx.msk [tilespmem:v8+s18+$0x0], $0xffff  }
0x1e5: {  	s28 =	simm.s32 $0x38A0;
	v13 =	vmov s11;
	v8 =	vld.idx.msk [tilespmem:v9+s18+$0x0], $0xffff  }
0x1e6: {  	v9 =	vld [tilespmem:s28+$0xF0]  }
0x1e7: {  	v11 =	vld [tilespmem:s28+$0xFFFFFF00]  }
0x1e8: {  	v12 =	vld [tilespmem:s28+$0xFFFFFF10]  }
0x1e9: {  	v14 =	vld [tilespmem:s28+$0xFFFFFF20]  }
0x1ea: {  	v19 =	vld.idx.msk [tilespmem:v13+s18+$0x0], $0xffff  }
0x1eb: {  	v13 =	vld [tilespmem:s28+$0xFFFFFF80]  }
0x1ec: {  	v18 =	vld [tilespmem:s28+$0xFFFFFF60]  }
0x1ed: {  	v15 =	vld [tilespmem:s28+$0xFFFFFF30];
	v11 =	vmul.f32 v11, v10  }
0x1ee: {  	v16 =	vld [tilespmem:s28+$0xFFFFFF40];
	v9 =	vmul.f32 v9, v8  }
0x1ef: {  	v17 =	vld [tilespmem:s28+$0xFFFFFF50];
	v12 =	vmul.f32 v12, v10;
	[tilespmem:s28+$0xFFFFFF00] =	vst v11  }
0x1f0: {  	v63 =	vld [tilespmem:s28+$0xFFFFFFD0];
	v13 =	vmul.f32 v13, v19;
	[tilespmem:s28+$0xF0] =	vst v9  }
0x1f1: {  	v18 =	vmul.f32 v18, v10;
	v11 =	vld [tilespmem:s28+$0xFFFFFF70];
	[tilespmem:s28+$0xFFFFFF10] =	vst v12  }
0x1f2: {  	v9 =	vmul.f32 v14, v10;
	v14 =	vld [tilespmem:s28+$0xFFFFFF90];
	[tilespmem:s28+$0xFFFFFF80] =	vst v13  }
0x1f3: {  	s17 =	simm.s32 $0x10;
	v12 =	vmul.f32 v15, v10;
	v15 =	vld [tilespmem:s28+$0xFFFFFFA0];
	[tilespmem:s28+$0xFFFFFF60] =	vst v18  }
0x1f4: {  	v62 =	vmov s17;
	[tilespmem:s28+$0xFFFFFF20] =	vst v9;
	v9 =	vmul.f32 v16, v10;
	v16 =	vld [tilespmem:s28+$0xFFFFFFB0]  }
0x1f5: {  	[tilespmem:s28+$0xFFFFFF30] =	vst v12;
	v12 =	vmul.f32 v17, v10;
	v17 =	vld [tilespmem:s28+$0xFFFFFFC0]  }
0x1f6: {  	v13 =	vld [tilespmem:s28+$0x0];
	[tilespmem:s28+$0xFFFFFF40] =	vst v9;
	v10 =	vmul.f32 v11, v10  }
0x1f7: {  	[tilespmem:s28+$0xFFFFFF50] =	vst v12;
	v11 =	vmul.f32 v14, v19;
	v14 =	vld [tilespmem:s28+$0xFFFFFFF0]  }
0x1f8: {  	v12 =	vld [tilespmem:s28+$0xFFFFFFE0];
	[tilespmem:s28+$0xFFFFFF70] =	vst v10;
	v10 =	vmul.f32 v15, v19  }
0x1f9: {  	v9 =	vld.idx.msk [tilespmem:v62+s18+$0x0], $0xffff;
	[tilespmem:s28+$0xFFFFFF90] =	vst v11;
	v11 =	vmul.f32 v16, v19  }
0x1fa: {  	v15 =	vld [tilespmem:s28+$0x10];
	[tilespmem:s28+$0xFFFFFFA0] =	vst v10;
	v10 =	vmul.f32 v17, v19  }
0x1fb: {  	v16 =	vld [tilespmem:s28+$0x20];
	[tilespmem:s28+$0xFFFFFFB0] =	vst v11;
	v11 =	vmul.f32 v63, v19  }
0x1fc: {  	v17 =	vld [tilespmem:s28+$0x30];
	v14 =	vmul.f32 v14, v19;
	[tilespmem:s28+$0xFFFFFFC0] =	vst v10  }
0x1fd: {  	v18 =	vld [tilespmem:s28+$0x40];
	v10 =	vmul.f32 v12, v19;
	[tilespmem:s28+$0xFFFFFFD0] =	vst v11  }
0x1fe: {  	v12 =	vmul.f32 v13, v9;
	v13 =	vld [tilespmem:s28+$0x50];
	[tilespmem:s28+$0xFFFFFFF0] =	vst v14  }
0x1ff: {  	v11 =	vld [tilespmem:s28+$0x60];
	[tilespmem:s28+$0xFFFFFFE0] =	vst v10;
	v10 =	vmul.f32 v15, v9  }
0x200: {  	v14 =	vmul.f32 v16, v9;
	[tilespmem:s28+$0x0] =	vst v12;
	v12 =	vld [tilespmem:s28+$0x70]  }
0x201: {  	v16 =	vmul.f32 v17, v9;
	[tilespmem:s28+$0x10] =	vst v10;
	v10 =	vld [tilespmem:s28+$0x80]  }
0x202: {  	s0 =	simm.s32 $0x8;
	s17 =	simm.s32 $0x38A0;
	s1 =	simm.s32 $0x20;
	v15 =	vmul.f32 v18, v9;
	[tilespmem:s28+$0x20] =	vst v14;
	v14 =	vld [tilespmem:s28+$0x90]  }
.LBB2_13:
0x203: {  	p0 =	slt.u32 s0, $0x4C;
	v17 =	vmov s1;
	s2 =	sadd.s32 $0x8, s1;
	s11 =	sadd.s32 $0x18, s1;
	[tilespmem:s28+$0x30] =	vst v16;
	v13 =	vmul.f32 v13, v9;
	v16 =	vld [tilespmem:s28+$0xA0]  }
0x204: {  	s1 =	sadd.s32 $0x10, s1;
	v18 =	vmov s2;
	v19 =	vmov s11;
	[tilespmem:s28+$0x40] =	vst v15;
	v11 =	vmul.f32 v11, v9;
	v15 =	vld [tilespmem:s28+$0xB0]  }
0x205: {  	v20 =	vmov s1;
	[tilespmem:s28+$0x50] =	vst v13;
	v9 =	vmul.f32 v12, v9;
	v12 =	vld [tilespmem:s28+$0xC0]  }
0x206: {  	[tilespmem:s28+$0x60] =	vst v11;
	v10 =	vmul.f32 v10, v8;
	v11 =	vld [tilespmem:s28+$0xD0]  }
0x207: {  	[tilespmem:s28+$0x70] =	vst v9;
	v9 =	vmul.f32 v14, v8;
	v13 =	vld [tilespmem:s28+$0xE0]  }
0x208: {  	v14 =	vld.idx.msk [tilespmem:v17+s18+$0x0], $0xffff;
	[tilespmem:s28+$0x80] =	vst v10;
	v10 =	vmul.f32 v16, v8  }
0x209: {  	s28 =	sadd.s32 $0x200, s28;
	v16 =	vld.idx.msk [tilespmem:v19+s18+$0x0], $0xffff;
	[tilespmem:s17+$0x90] =	vst v9;
	v9 =	vmul.f32 v15, v8  }
0x20a: {  	v15 =	vld [tilespmem:s28+$0xF0];
	[tilespmem:s17+$0xA0] =	vst v10;
	v10 =	vmul.f32 v12, v8  }
0x20b: {  	v12 =	vld.idx.msk [tilespmem:v18+s18+$0x0], $0xffff;
	[tilespmem:s17+$0xB0] =	vst v9;
	v11 =	vmul.f32 v11, v8  }
0x20c: {  	v9 =	vld.idx.msk [tilespmem:v20+s18+$0x0], $0xffff;
	[tilespmem:s17+$0xC0] =	vst v10;
	v17 =	vmul.f32 v13, v8  }
0x20d: {  	v10 =	vld [tilespmem:s28+$0xFFFFFF00];
	[tilespmem:s17+$0xD0] =	vst v11  }
0x20e: {  	v11 =	vld [tilespmem:s28+$0xFFFFFF10];
	[tilespmem:s17+$0xE0] =	vst v17;
	s17 =	smov.u32 s28  }
0x20f: {  	v8 =	vmov v16;
	v13 =	vld [tilespmem:s28+$0xFFFFFF20];
	v15 =	vmul.f32 v15, v16  }
0x210: {  	v16 =	vld [tilespmem:s28+$0xFFFFFF30]  }
0x211: {  	v17 =	vld [tilespmem:s28+$0xFFFFFF40];
	[tilespmem:s28+$0xF0] =	vst v15  }
0x212: {  	v10 =	vmul.f32 v10, v14;
	v15 =	vld [tilespmem:s28+$0xFFFFFF50]  }
0x213: {  	v11 =	vmul.f32 v11, v14;
	v18 =	vld [tilespmem:s28+$0xFFFFFF60]  }
0x214: {  	[tilespmem:s28+$0xFFFFFF00] =	vst v10;
	v10 =	vmul.f32 v13, v14;
	v13 =	vld [tilespmem:s28+$0xFFFFFF70]  }
0x215: {  	[tilespmem:s28+$0xFFFFFF10] =	vst v11;
	v11 =	vmul.f32 v16, v14;
	v16 =	vld [tilespmem:s28+$0xFFFFFF80]  }
0x216: {  	[tilespmem:s28+$0xFFFFFF20] =	vst v10;
	v10 =	vmul.f32 v17, v14;
	v17 =	vld [tilespmem:s28+$0xFFFFFF90]  }
0x217: {  	[tilespmem:s28+$0xFFFFFF30] =	vst v11;
	v11 =	vmul.f32 v15, v14;
	v15 =	vld [tilespmem:s28+$0xFFFFFFA0]  }
0x218: {  	[tilespmem:s28+$0xFFFFFF40] =	vst v10;
	v10 =	vmul.f32 v18, v14;
	v18 =	vld [tilespmem:s28+$0xFFFFFFB0]  }
0x219: {  	[tilespmem:s28+$0xFFFFFF50] =	vst v11;
	v11 =	vmul.f32 v13, v14;
	v13 =	vld [tilespmem:s28+$0xFFFFFFC0]  }
0x21a: {  	[tilespmem:s28+$0xFFFFFF60] =	vst v10;
	v10 =	vmul.f32 v16, v12;
	v14 =	vld [tilespmem:s28+$0xFFFFFFD0]  }
0x21b: {  	[tilespmem:s28+$0xFFFFFF70] =	vst v11;
	v11 =	vmul.f32 v17, v12;
	v16 =	vld [tilespmem:s28+$0xFFFFFFE0]  }
0x21c: {  	[tilespmem:s28+$0xFFFFFF80] =	vst v10;
	v10 =	vmul.f32 v15, v12;
	v15 =	vld [tilespmem:s28+$0xFFFFFFF0]  }
0x21d: {  	[tilespmem:s28+$0xFFFFFF90] =	vst v11;
	v11 =	vmul.f32 v18, v12;
	v17 =	vld [tilespmem:s28+$0x0]  }
0x21e: {  	[tilespmem:s28+$0xFFFFFFA0] =	vst v10;
	v10 =	vmul.f32 v13, v12;
	v18 =	vld [tilespmem:s28+$0x10]  }
0x21f: {  	[tilespmem:s28+$0xFFFFFFB0] =	vst v11;
	v11 =	vmul.f32 v14, v12;
	v14 =	vld [tilespmem:s28+$0x20]  }
0x220: {  	[tilespmem:s28+$0xFFFFFFC0] =	vst v10;
	v10 =	vmul.f32 v16, v12;
	v16 =	vld [tilespmem:s28+$0x30]  }
0x221: {  	[tilespmem:s28+$0xFFFFFFD0] =	vst v11;
	v11 =	vmul.f32 v15, v12;
	v15 =	vld [tilespmem:s28+$0x40]  }
.Ltmp5:
0x222: {  	[tilespmem:s28+$0xFFFFFFE0] =	vst v10;
	v10 =	vmul.f32 v17, v9;
	v13 =	vld [tilespmem:s28+$0x50];
	(pc) =	sbr.rel @p0 .LBB2_13-.Ltmp5, $4  }
0x223: {  	[tilespmem:s28+$0xFFFFFFF0] =	vst v11;
	v17 =	vmul.f32 v18, v9;
	v11 =	vld [tilespmem:s28+$0x60]  }
0x224: {  	[tilespmem:s28+$0x0] =	vst v10;
	v14 =	vmul.f32 v14, v9;
	v12 =	vld [tilespmem:s28+$0x70]  }
0x225: {  	[tilespmem:s28+$0x10] =	vst v17;
	v16 =	vmul.f32 v16, v9;
	v10 =	vld [tilespmem:s28+$0x80]  }
0x226: {  	s1 =	sshll.u32 s0, $0x3;
	s0 =	sadd.s32 $0x4, s0;
	[tilespmem:s28+$0x20] =	vst v14;
	v15 =	vmul.f32 v15, v9;
	v14 =	vld [tilespmem:s28+$0x90]  }
0x227: {  	v18 =	vld [tilespmem:s28+$0xA0]  }
0x228: {  	v17 =	vmov s1;
	v20 =	vld [tilespmem:s28+$0xB0]  }
0x229: {  	s0 =	sadd.s32 $0x18, s1;
	v21 =	vld [tilespmem:s28+$0xC0]  }
0x22a: {  	s11 =	sadd.s32 $0x8, s1;
	s2 =	sadd.s32 $0x10, s1;
	v23 =	vld [tilespmem:s28+$0xD0];
	v19 =	vmov s0;
	v11 =	vmul.f32 v11, v9  }
0x22b: {  	[tilespmem:s28+$0x30] =	vst v16;
	v24 =	vld [tilespmem:s28+$0xE0];
	v22 =	vmov s11;
	v16 =	vmov s2;
	s11 =	sadd.s32 $0x200, s28  }
0x22c: {  	v13 =	vmul.f32 v13, v9;
	[tilespmem:s28+$0x60] =	vst v11;
	v11 =	vld [tilespmem:s11+$0xF0]  }
0x22d: {  	[tilespmem:s28+$0x40] =	vst v15;
	v9 =	vmul.f32 v12, v9;
	v15 =	vld.idx.msk [tilespmem:v17+s18+$0x0], $0xffff  }
0x22e: {  	[tilespmem:s28+$0x50] =	vst v13;
	v10 =	vmul.f32 v10, v8;
	v17 =	vld [tilespmem:s11+$0xFFFFFF10]  }
0x22f: {  	[tilespmem:s28+$0x70] =	vst v9;
	v9 =	vmul.f32 v14, v8;
	v12 =	vld.idx.msk [tilespmem:v19+s18+$0x0], $0xffff  }
0x230: {  	[tilespmem:s28+$0x80] =	vst v10;
	v10 =	vmul.f32 v18, v8;
	v14 =	vld.idx.msk [tilespmem:v16+s18+$0x0], $0xffff  }
0x231: {  	[tilespmem:s17+$0x90] =	vst v9;
	v9 =	vmul.f32 v20, v8;
	v16 =	vld [tilespmem:s11+$0xFFFFFF00]  }
0x232: {  	v18 =	vld [tilespmem:s11+$0xFFFFFF20];
	[tilespmem:s17+$0xA0] =	vst v10;
	v10 =	vmul.f32 v21, v8  }
0x233: {  	v13 =	vld.idx.msk [tilespmem:v22+s18+$0x0], $0xffff;
	[tilespmem:s17+$0xB0] =	vst v9;
	v9 =	vmul.f32 v23, v8  }
0x234: {  	v8 =	vmul.f32 v24, v8;
	[tilespmem:s17+$0xC0] =	vst v10;
	v10 =	vld [tilespmem:s11+$0xFFFFFF30]  }
0x235: {  	[tilespmem:s17+$0xD0] =	vst v9;
	v9 =	vmul.f32 v11, v12;
	v11 =	vld [tilespmem:s11+$0xFFFFFF40]  }
0x236: {  	[tilespmem:s17+$0xE0] =	vst v8;
	v8 =	vmul.f32 v16, v15;
	v16 =	vld [tilespmem:s11+$0xFFFFFF50]  }
0x237: {  	[tilespmem:s11+$0xF0] =	vst v9;
	v9 =	vmul.f32 v17, v15;
	v17 =	vld [tilespmem:s11+$0xFFFFFF60]  }
0x238: {  	[tilespmem:s11+$0xFFFFFF00] =	vst v8;
	v8 =	vmul.f32 v18, v15;
	v18 =	vld [tilespmem:s11+$0xFFFFFF70]  }
0x239: {  	[tilespmem:s11+$0xFFFFFF10] =	vst v9;
	v9 =	vmul.f32 v10, v15;
	v10 =	vld [tilespmem:s11+$0xFFFFFF80]  }
0x23a: {  	[tilespmem:s11+$0xFFFFFF20] =	vst v8;
	v8 =	vmul.f32 v11, v15;
	v11 =	vld [tilespmem:s11+$0xFFFFFF90]  }
0x23b: {  	[tilespmem:s11+$0xFFFFFF30] =	vst v9;
	v9 =	vmul.f32 v16, v15;
	v16 =	vld [tilespmem:s11+$0xFFFFFFA0]  }
0x23c: {  	[tilespmem:s11+$0xFFFFFF40] =	vst v8;
	v8 =	vmul.f32 v17, v15;
	v17 =	vld [tilespmem:s11+$0xFFFFFFB0]  }
0x23d: {  	[tilespmem:s11+$0xFFFFFF50] =	vst v9;
	v9 =	vmul.f32 v18, v15;
	v15 =	vld [tilespmem:s11+$0xFFFFFFC0]  }
0x23e: {  	[tilespmem:s11+$0xFFFFFF60] =	vst v8;
	v8 =	vmul.f32 v10, v13;
	v10 =	vld [tilespmem:s11+$0xFFFFFFD0]  }
0x23f: {  	[tilespmem:s11+$0xFFFFFF70] =	vst v9;
	v9 =	vmul.f32 v11, v13;
	v11 =	vld [tilespmem:s11+$0xFFFFFFE0]  }
0x240: {  	[tilespmem:s11+$0xFFFFFF80] =	vst v8;
	v8 =	vmul.f32 v16, v13;
	v16 =	vld [tilespmem:s11+$0xFFFFFFF0]  }
0x241: {  	[tilespmem:s11+$0xFFFFFF90] =	vst v9;
	v9 =	vmul.f32 v17, v13;
	v17 =	vld [tilespmem:s11+$0x0]  }
0x242: {  	[tilespmem:s11+$0xFFFFFFA0] =	vst v8;
	v8 =	vmul.f32 v15, v13;
	v15 =	vld [tilespmem:s11+$0x10]  }
0x243: {  	[tilespmem:s11+$0xFFFFFFB0] =	vst v9;
	v9 =	vmul.f32 v10, v13;
	v10 =	vld [tilespmem:s11+$0x20]  }
0x244: {  	[tilespmem:s11+$0xFFFFFFC0] =	vst v8;
	v8 =	vmul.f32 v11, v13;
	v11 =	vld [tilespmem:s11+$0x30]  }
0x245: {  	[tilespmem:s11+$0xFFFFFFD0] =	vst v9;
	v9 =	vmul.f32 v16, v13;
	v13 =	vld [tilespmem:s11+$0x40]  }
0x246: {  	v16 =	vld [tilespmem:s11+$0x50];
	[tilespmem:s11+$0xFFFFFFE0] =	vst v8;
	v8 =	vmul.f32 v17, v14  }
0x247: {  	[tilespmem:s11+$0xFFFFFFF0] =	vst v9;
	v9 =	vmul.f32 v15, v14;
	v15 =	vld [tilespmem:s11+$0x60]  }
0x248: {  	[tilespmem:s11+$0x0] =	vst v8;
	v8 =	vmul.f32 v10, v14;
	v10 =	vld [tilespmem:s11+$0x70]  }
0x249: {  	[tilespmem:s11+$0x10] =	vst v9;
	v9 =	vmul.f32 v11, v14;
	v11 =	vld [tilespmem:s11+$0x80]  }
0x24a: {  	[tilespmem:s11+$0x20] =	vst v8;
	v8 =	vmul.f32 v13, v14;
	v13 =	vld [tilespmem:s11+$0x90]  }
0x24b: {  	[tilespmem:s11+$0x30] =	vst v9;
	v9 =	vmul.f32 v16, v14;
	v16 =	vld [tilespmem:s11+$0xA0]  }
0x24c: {  	[tilespmem:s11+$0x40] =	vst v8;
	v8 =	vmul.f32 v15, v14;
	v15 =	vld [tilespmem:s11+$0xB0]  }
0x24d: {  	[tilespmem:s11+$0x50] =	vst v9;
	v9 =	vmul.f32 v10, v14;
	v10 =	vld [tilespmem:s11+$0xC0]  }
0x24e: {  	[tilespmem:s11+$0x60] =	vst v8;
	v8 =	vmul.f32 v11, v12;
	v11 =	vld [tilespmem:s11+$0xD0]  }
0x24f: {  	[tilespmem:s11+$0x70] =	vst v9;
	v9 =	vmul.f32 v13, v12;
	v13 =	vld [tilespmem:s11+$0xE0]  }
0x250: {  	[tilespmem:s11+$0x80] =	vst v8;
	v8 =	vmul.f32 v16, v12  }
0x251: {  	[tilespmem:s11+$0x90] =	vst v9;
	v9 =	vmul.f32 v15, v12  }
0x252: {  	[tilespmem:s11+$0xA0] =	vst v8;
	v8 =	vmul.f32 v10, v12  }
0x253: {  	[tilespmem:s11+$0xB0] =	vst v9;
	v9 =	vmul.f32 v11, v12  }
0x254: {  	[tilespmem:s11+$0xC0] =	vst v8;
	v8 =	vmul.f32 v13, v12  }
0x255: {  	[tilespmem:s11+$0xD0] =	vst v9  }
0x256: {  	[tilespmem:s11+$0xE0] =	vst v8  }
0x257: {  	[spmem:s16] =	stream.indirect.scatter.add.f32 [tilespmem:s30], [sflag:$0x5], $0x80, s31, s13, $0xb8;
	[tilespmem:$0x1E6E0] =	vst v63  }
0x258: {  	_ = 	snop  }
0x259: {  	[spmem:s19] =	stream.indirect.scatter.add.f32 [tilespmem:s18], [sflag:$0x5], $0x8, s31, s13, $0xb8;
	[tilespmem:$0x1E6E0] =	vst v63  }
0x25a: {  	_ =	swait.ge [sflag:s10], $0x2800  }
0x25b: {  	[sflag:s10] =	ssyncset.done $0x0  }
0x25c: {  	[sflag:s10] =	ssyncadd.s32 $0xFFFFD800  }
0x25d: {  	_ =	swait.ge [sflag:s10], $0x50  }
0x25e: {  	[sflag:s10] =	ssyncset.done $0x0  }
0x25f: {  	[sflag:s10] =	ssyncadd.s32 $0xFFFFFFB0  }
0x260: {  	_ =	swait.ge [sflag:s10], $0x50  }
0x261: {  	[sflag:s10] =	ssyncset.done $0x0  }
0x262: {  	[sflag:s10] =	ssyncadd.s32 $0xFFFFFFB0  }
0x263: {  	v8 =	vld [tilespmem:$0x8A20]  }
0x264: {  	v9 =	vld [tilespmem:$0x8B10];
	_ =	sdelay $0x4  }
0x265: {  	v8 =	vadd.f32 v9, v8;
	_ =	sdelay $0x1  }
0x266: {  	v9 =	vmul.f32 $2.000000030e-01, v8  }
0x267: {  	vm0 =	vgt.f32 v8, $0.0e+00  }
0x268: {  	v8 =	vsel vm0, v8, v9  }
0x269: {  	v8 =	vmul.f32 $1.442695020e+00, v8;
	_ =	sdelay $0x1  }
0x26a: {  	(erf) = vpow2.f32 v8;
	_ =	sdelay $0x8  }
0x26b: {  	v8 =	vpop (erf)  }
0x26c: {  	[tilespmem:v0+s20+$0x0] =	vst.idx.msk $0xffff, v8  }
0x26d: {  	v8 =	vld [tilespmem:$0x8A30]  }
0x26e: {  	v9 =	vld [tilespmem:$0x8B20];
	_ =	sdelay $0x4  }
0x26f: {  	v8 =	vadd.f32 v9, v8;
	_ =	sdelay $0x1  }
0x270: {  	v9 =	vmul.f32 $2.000000030e-01, v8  }
0x271: {  	vm12 =	vgt.f32 v8, $0.0e+00  }
0x272: {  	v8 =	vsel vm12, v8, v9  }
0x273: {  	v8 =	vmul.f32 $1.442695020e+00, v8;
	_ =	sdelay $0x1  }
0x274: {  	(erf) = vpow2.f32 v8;
	_ =	sdelay $0x8  }
0x275: {  	v8 =	vpop (erf)  }
0x276: {  	[tilespmem:v4+s20+$0x0] =	vst.idx.msk $0xffff, v8  }
0x277: {  	v8 =	vld [tilespmem:$0x8A40]  }
0x278: {  	v9 =	vld [tilespmem:$0x8B30];
	_ =	sdelay $0x4  }
0x279: {  	v8 =	vadd.f32 v9, v8;
	_ =	sdelay $0x1  }
0x27a: {  	v9 =	vmul.f32 $2.000000030e-01, v8  }
0x27b: {  	vm13 =	vgt.f32 v8, $0.0e+00  }
0x27c: {  	v8 =	vsel vm13, v8, v9  }
0x27d: {  	v8 =	vmul.f32 $1.442695020e+00, v8;
	_ =	sdelay $0x1  }
0x27e: {  	(erf) = vpow2.f32 v8;
	_ =	sdelay $0x8  }
0x27f: {  	v8 =	vpop (erf)  }
0x280: {  	[tilespmem:v5+s20+$0x0] =	vst.idx.msk $0xffff, v8  }
0x281: {  	v8 =	vld [tilespmem:$0x8A50]  }
0x282: {  	v9 =	vld [tilespmem:$0x8B40];
	_ =	sdelay $0x4  }
0x283: {  	v8 =	vadd.f32 v9, v8;
	_ =	sdelay $0x1  }
0x284: {  	v9 =	vmul.f32 $2.000000030e-01, v8  }
0x285: {  	vm14 =	vgt.f32 v8, $0.0e+00  }
0x286: {  	v8 =	vsel vm14, v8, v9  }
0x287: {  	v8 =	vmul.f32 $1.442695020e+00, v8;
	_ =	sdelay $0x1  }
0x288: {  	(erf) = vpow2.f32 v8;
	_ =	sdelay $0x8  }
0x289: {  	v8 =	vpop (erf)  }
0x28a: {  	[tilespmem:v6+s20+$0x0] =	vst.idx.msk $0xffff, v8  }
0x28b: {  	v8 =	vld [tilespmem:$0x8A60]  }
0x28c: {  	v9 =	vld [tilespmem:$0x8B50];
	_ =	sdelay $0x4  }
0x28d: {  	v8 =	vadd.f32 v9, v8;
	_ =	sdelay $0x1  }
0x28e: {  	v9 =	vmul.f32 $2.000000030e-01, v8  }
0x28f: {  	vm15 =	vgt.f32 v8, $0.0e+00  }
0x290: {  	v8 =	vsel vm15, v8, v9  }
0x291: {  	v8 =	vmul.f32 $1.442695020e+00, v8;
	_ =	sdelay $0x1  }
0x292: {  	(erf) = vpow2.f32 v8;
	_ =	sdelay $0x4  }
0x293: {  	s1 =	simm.s32 $0x0  }
0x294: {  	s2 =	simm.s32 $0x18;
	v8 =	vmov s1  }
0x295: {  	v9 =	vmov s2;
	_ =	sdelay $0x1  }
0x296: {  	v10 =	vpop (erf)  }
0x297: {  	[tilespmem:v7+s20+$0x0] =	vst.idx.msk $0xffff, v10  }
0x298: {  	s11 =	simm.s32 $0x8;
	v10 =	vld.idx.msk [tilespmem:v8+s20+$0x0], $0xffff  }
0x299: {  	s28 =	simm.s32 $0x60A0;
	v13 =	vmov s11;
	v8 =	vld.idx.msk [tilespmem:v9+s20+$0x0], $0xffff  }
0x29a: {  	v9 =	vld [tilespmem:s28+$0xF0]  }
0x29b: {  	v11 =	vld [tilespmem:s28+$0xFFFFFF00]  }
0x29c: {  	v12 =	vld [tilespmem:s28+$0xFFFFFF10]  }
0x29d: {  	v14 =	vld [tilespmem:s28+$0xFFFFFF20]  }
0x29e: {  	v19 =	vld.idx.msk [tilespmem:v13+s20+$0x0], $0xffff  }
0x29f: {  	v13 =	vld [tilespmem:s28+$0xFFFFFF80]  }
0x2a0: {  	v18 =	vld [tilespmem:s28+$0xFFFFFF60]  }
0x2a1: {  	v15 =	vld [tilespmem:s28+$0xFFFFFF30];
	v11 =	vmul.f32 v11, v10  }
0x2a2: {  	v16 =	vld [tilespmem:s28+$0xFFFFFF40];
	v9 =	vmul.f32 v9, v8  }
0x2a3: {  	v17 =	vld [tilespmem:s28+$0xFFFFFF50];
	v12 =	vmul.f32 v12, v10;
	[tilespmem:s28+$0xFFFFFF00] =	vst v11  }
0x2a4: {  	v63 =	vld [tilespmem:s28+$0xFFFFFFD0];
	v13 =	vmul.f32 v13, v19;
	[tilespmem:s28+$0xF0] =	vst v9  }
0x2a5: {  	v18 =	vmul.f32 v18, v10;
	v11 =	vld [tilespmem:s28+$0xFFFFFF70];
	[tilespmem:s28+$0xFFFFFF10] =	vst v12  }
0x2a6: {  	v9 =	vmul.f32 v14, v10;
	v14 =	vld [tilespmem:s28+$0xFFFFFF90];
	[tilespmem:s28+$0xFFFFFF80] =	vst v13  }
0x2a7: {  	s17 =	simm.s32 $0x10;
	v12 =	vmul.f32 v15, v10;
	v15 =	vld [tilespmem:s28+$0xFFFFFFA0];
	[tilespmem:s28+$0xFFFFFF60] =	vst v18  }
0x2a8: {  	v62 =	vmov s17;
	[tilespmem:s28+$0xFFFFFF20] =	vst v9;
	v9 =	vmul.f32 v16, v10;
	v16 =	vld [tilespmem:s28+$0xFFFFFFB0]  }
0x2a9: {  	[tilespmem:s28+$0xFFFFFF30] =	vst v12;
	v12 =	vmul.f32 v17, v10;
	v17 =	vld [tilespmem:s28+$0xFFFFFFC0]  }
0x2aa: {  	v13 =	vld [tilespmem:s28+$0x0];
	[tilespmem:s28+$0xFFFFFF40] =	vst v9;
	v10 =	vmul.f32 v11, v10  }
0x2ab: {  	[tilespmem:s28+$0xFFFFFF50] =	vst v12;
	v11 =	vmul.f32 v14, v19;
	v14 =	vld [tilespmem:s28+$0xFFFFFFF0]  }
0x2ac: {  	v12 =	vld [tilespmem:s28+$0xFFFFFFE0];
	[tilespmem:s28+$0xFFFFFF70] =	vst v10;
	v10 =	vmul.f32 v15, v19  }
0x2ad: {  	v9 =	vld.idx.msk [tilespmem:v62+s20+$0x0], $0xffff;
	[tilespmem:s28+$0xFFFFFF90] =	vst v11;
	v11 =	vmul.f32 v16, v19  }
0x2ae: {  	v15 =	vld [tilespmem:s28+$0x10];
	[tilespmem:s28+$0xFFFFFFA0] =	vst v10;
	v10 =	vmul.f32 v17, v19  }
0x2af: {  	v16 =	vld [tilespmem:s28+$0x20];
	[tilespmem:s28+$0xFFFFFFB0] =	vst v11;
	v11 =	vmul.f32 v63, v19  }
0x2b0: {  	v17 =	vld [tilespmem:s28+$0x30];
	v14 =	vmul.f32 v14, v19;
	[tilespmem:s28+$0xFFFFFFC0] =	vst v10  }
0x2b1: {  	v18 =	vld [tilespmem:s28+$0x40];
	v10 =	vmul.f32 v12, v19;
	[tilespmem:s28+$0xFFFFFFD0] =	vst v11  }
0x2b2: {  	v12 =	vmul.f32 v13, v9;
	v13 =	vld [tilespmem:s28+$0x50];
	[tilespmem:s28+$0xFFFFFFF0] =	vst v14  }
0x2b3: {  	v11 =	vld [tilespmem:s28+$0x60];
	[tilespmem:s28+$0xFFFFFFE0] =	vst v10;
	v10 =	vmul.f32 v15, v9  }
0x2b4: {  	v14 =	vmul.f32 v16, v9;
	[tilespmem:s28+$0x0] =	vst v12;
	v12 =	vld [tilespmem:s28+$0x70]  }
0x2b5: {  	v16 =	vmul.f32 v17, v9;
	[tilespmem:s28+$0x10] =	vst v10;
	v10 =	vld [tilespmem:s28+$0x80]  }
0x2b6: {  	s0 =	simm.s32 $0x8;
	s17 =	simm.s32 $0x60A0;
	s1 =	simm.s32 $0x20;
	v15 =	vmul.f32 v18, v9;
	[tilespmem:s28+$0x20] =	vst v14;
	v14 =	vld [tilespmem:s28+$0x90]  }
.LBB2_15:
0x2b7: {  	p0 =	slt.u32 s0, $0x4C;
	v17 =	vmov s1;
	s2 =	sadd.s32 $0x8, s1;
	s11 =	sadd.s32 $0x18, s1;
	[tilespmem:s28+$0x30] =	vst v16;
	v13 =	vmul.f32 v13, v9;
	v16 =	vld [tilespmem:s28+$0xA0]  }
0x2b8: {  	s1 =	sadd.s32 $0x10, s1;
	v18 =	vmov s2;
	v19 =	vmov s11;
	[tilespmem:s28+$0x40] =	vst v15;
	v11 =	vmul.f32 v11, v9;
	v15 =	vld [tilespmem:s28+$0xB0]  }
0x2b9: {  	v20 =	vmov s1;
	[tilespmem:s28+$0x50] =	vst v13;
	v9 =	vmul.f32 v12, v9;
	v12 =	vld [tilespmem:s28+$0xC0]  }
0x2ba: {  	[tilespmem:s28+$0x60] =	vst v11;
	v10 =	vmul.f32 v10, v8;
	v11 =	vld [tilespmem:s28+$0xD0]  }
0x2bb: {  	[tilespmem:s28+$0x70] =	vst v9;
	v9 =	vmul.f32 v14, v8;
	v13 =	vld [tilespmem:s28+$0xE0]  }
0x2bc: {  	v14 =	vld.idx.msk [tilespmem:v17+s20+$0x0], $0xffff;
	[tilespmem:s28+$0x80] =	vst v10;
	v10 =	vmul.f32 v16, v8  }
0x2bd: {  	s28 =	sadd.s32 $0x200, s28;
	v16 =	vld.idx.msk [tilespmem:v19+s20+$0x0], $0xffff;
	[tilespmem:s17+$0x90] =	vst v9;
	v9 =	vmul.f32 v15, v8  }
0x2be: {  	v15 =	vld [tilespmem:s28+$0xF0];
	[tilespmem:s17+$0xA0] =	vst v10;
	v10 =	vmul.f32 v12, v8  }
0x2bf: {  	v12 =	vld.idx.msk [tilespmem:v18+s20+$0x0], $0xffff;
	[tilespmem:s17+$0xB0] =	vst v9;
	v11 =	vmul.f32 v11, v8  }
0x2c0: {  	v9 =	vld.idx.msk [tilespmem:v20+s20+$0x0], $0xffff;
	[tilespmem:s17+$0xC0] =	vst v10;
	v17 =	vmul.f32 v13, v8  }
0x2c1: {  	v10 =	vld [tilespmem:s28+$0xFFFFFF00];
	[tilespmem:s17+$0xD0] =	vst v11  }
0x2c2: {  	v11 =	vld [tilespmem:s28+$0xFFFFFF10];
	[tilespmem:s17+$0xE0] =	vst v17;
	s17 =	smov.u32 s28  }
0x2c3: {  	v8 =	vmov v16;
	v13 =	vld [tilespmem:s28+$0xFFFFFF20];
	v15 =	vmul.f32 v15, v16  }
0x2c4: {  	v16 =	vld [tilespmem:s28+$0xFFFFFF30]  }
0x2c5: {  	v17 =	vld [tilespmem:s28+$0xFFFFFF40];
	[tilespmem:s28+$0xF0] =	vst v15  }
0x2c6: {  	v10 =	vmul.f32 v10, v14;
	v15 =	vld [tilespmem:s28+$0xFFFFFF50]  }
0x2c7: {  	v11 =	vmul.f32 v11, v14;
	v18 =	vld [tilespmem:s28+$0xFFFFFF60]  }
0x2c8: {  	[tilespmem:s28+$0xFFFFFF00] =	vst v10;
	v10 =	vmul.f32 v13, v14;
	v13 =	vld [tilespmem:s28+$0xFFFFFF70]  }
0x2c9: {  	[tilespmem:s28+$0xFFFFFF10] =	vst v11;
	v11 =	vmul.f32 v16, v14;
	v16 =	vld [tilespmem:s28+$0xFFFFFF80]  }
0x2ca: {  	[tilespmem:s28+$0xFFFFFF20] =	vst v10;
	v10 =	vmul.f32 v17, v14;
	v17 =	vld [tilespmem:s28+$0xFFFFFF90]  }
0x2cb: {  	[tilespmem:s28+$0xFFFFFF30] =	vst v11;
	v11 =	vmul.f32 v15, v14;
	v15 =	vld [tilespmem:s28+$0xFFFFFFA0]  }
0x2cc: {  	[tilespmem:s28+$0xFFFFFF40] =	vst v10;
	v10 =	vmul.f32 v18, v14;
	v18 =	vld [tilespmem:s28+$0xFFFFFFB0]  }
0x2cd: {  	[tilespmem:s28+$0xFFFFFF50] =	vst v11;
	v11 =	vmul.f32 v13, v14;
	v13 =	vld [tilespmem:s28+$0xFFFFFFC0]  }
0x2ce: {  	[tilespmem:s28+$0xFFFFFF60] =	vst v10;
	v10 =	vmul.f32 v16, v12;
	v14 =	vld [tilespmem:s28+$0xFFFFFFD0]  }
0x2cf: {  	[tilespmem:s28+$0xFFFFFF70] =	vst v11;
	v11 =	vmul.f32 v17, v12;
	v16 =	vld [tilespmem:s28+$0xFFFFFFE0]  }
0x2d0: {  	[tilespmem:s28+$0xFFFFFF80] =	vst v10;
	v10 =	vmul.f32 v15, v12;
	v15 =	vld [tilespmem:s28+$0xFFFFFFF0]  }
0x2d1: {  	[tilespmem:s28+$0xFFFFFF90] =	vst v11;
	v11 =	vmul.f32 v18, v12;
	v17 =	vld [tilespmem:s28+$0x0]  }
0x2d2: {  	[tilespmem:s28+$0xFFFFFFA0] =	vst v10;
	v10 =	vmul.f32 v13, v12;
	v18 =	vld [tilespmem:s28+$0x10]  }
0x2d3: {  	[tilespmem:s28+$0xFFFFFFB0] =	vst v11;
	v11 =	vmul.f32 v14, v12;
	v14 =	vld [tilespmem:s28+$0x20]  }
0x2d4: {  	[tilespmem:s28+$0xFFFFFFC0] =	vst v10;
	v10 =	vmul.f32 v16, v12;
	v16 =	vld [tilespmem:s28+$0x30]  }
0x2d5: {  	[tilespmem:s28+$0xFFFFFFD0] =	vst v11;
	v11 =	vmul.f32 v15, v12;
	v15 =	vld [tilespmem:s28+$0x40]  }
.Ltmp6:
0x2d6: {  	[tilespmem:s28+$0xFFFFFFE0] =	vst v10;
	v10 =	vmul.f32 v17, v9;
	v13 =	vld [tilespmem:s28+$0x50];
	(pc) =	sbr.rel @p0 .LBB2_15-.Ltmp6, $4  }
0x2d7: {  	[tilespmem:s28+$0xFFFFFFF0] =	vst v11;
	v17 =	vmul.f32 v18, v9;
	v11 =	vld [tilespmem:s28+$0x60]  }
0x2d8: {  	[tilespmem:s28+$0x0] =	vst v10;
	v14 =	vmul.f32 v14, v9;
	v12 =	vld [tilespmem:s28+$0x70]  }
0x2d9: {  	[tilespmem:s28+$0x10] =	vst v17;
	v16 =	vmul.f32 v16, v9;
	v10 =	vld [tilespmem:s28+$0x80]  }
0x2da: {  	s1 =	sshll.u32 s0, $0x3;
	s0 =	sadd.s32 $0x4, s0;
	[tilespmem:s28+$0x20] =	vst v14;
	v15 =	vmul.f32 v15, v9;
	v14 =	vld [tilespmem:s28+$0x90]  }
0x2db: {  	v18 =	vld [tilespmem:s28+$0xA0]  }
0x2dc: {  	v20 =	vld [tilespmem:s28+$0xB0]  }
0x2dd: {  	v21 =	vld [tilespmem:s28+$0xC0]  }
0x2de: {  	v23 =	vld [tilespmem:s28+$0xD0]  }
0x2df: {  	v17 =	vmov s1;
	[tilespmem:s28+$0x30] =	vst v16;
	v13 =	vmul.f32 v13, v9;
	v24 =	vld [tilespmem:s28+$0xE0];
	s2 =	sadd.s32 $0x200, s28  }
0x2e0: {  	[tilespmem:s28+$0x40] =	vst v15;
	v11 =	vmul.f32 v11, v9;
	v53 =	vld [tilespmem:s2+$0xF0]  }
0x2e1: {  	v58 =	vld [tilespmem:s2+$0xFFFFFF00];
	[tilespmem:s28+$0x50] =	vst v13;
	v52 =	vmul.f32 v12, v9  }
0x2e2: {  	s11 =	sadd.s32 $0x8, s1;
	v60 =	vld [tilespmem:s2+$0xFFFFFF10];
	[tilespmem:s28+$0x60] =	vst v11;
	v10 =	vmul.f32 v10, v8  }
0x2e3: {  	v22 =	vmov s11;
	v62 =	vld [tilespmem:s2+$0xFFFFFF20];
	[tilespmem:s28+$0x70] =	vst v52;
	v54 =	vmul.f32 v14, v8  }
0x2e4: {  	v51 =	vld.idx.msk [tilespmem:v17+s20+$0x0], $0xffff;
	[tilespmem:s28+$0x80] =	vst v10;
	v56 =	vmul.f32 v18, v8  }
0x2e5: {  	v63 =	vld [tilespmem:s2+$0xFFFFFF30];
	v57 =	vmul.f32 v20, v8;
	[tilespmem:s17+$0x90] =	vst v54  }
0x2e6: {  	s0 =	sadd.s32 $0x18, s1;
	v25 =	vld [tilespmem:s2+$0xFFFFFF60];
	v59 =	vmul.f32 v21, v8;
	[tilespmem:s17+$0xA0] =	vst v56  }
0x2e7: {  	v19 =	vmov s0;
	v61 =	vmul.f32 v23, v8;
	v8 =	vmul.f32 v24, v8;
	v23 =	vld [tilespmem:s2+$0xFFFFFF50];
	[tilespmem:s17+$0xB0] =	vst v57  }
0x2e8: {  	v55 =	vld.idx.msk [tilespmem:v22+s20+$0x0], $0xffff;
	[tilespmem:s17+$0xC0] =	vst v59  }
0x2e9: {  	v22 =	vld [tilespmem:s2+$0xFFFFFF40];
	[tilespmem:s17+$0xE0] =	vst v8;
	v8 =	vmul.f32 v58, v51  }
0x2ea: {  	v26 =	vld [tilespmem:s2+$0xFFFFFF70];
	[tilespmem:s17+$0xD0] =	vst v61;
	v24 =	vmul.f32 v60, v51  }
0x2eb: {  	v28 =	vld [tilespmem:s2+$0xFFFFFF80];
	v27 =	vmul.f32 v63, v51;
	[tilespmem:s2+$0xFFFFFF00] =	vst v8  }
0x2ec: {  	v12 =	vld.idx.msk [tilespmem:v19+s20+$0x0], $0xffff;
	v8 =	vmul.f32 v62, v51;
	[tilespmem:s2+$0xFFFFFF10] =	vst v24  }
0x2ed: {  	v29 =	vld [tilespmem:s2+$0xFFFFFF90];
	v30 =	vmul.f32 v23, v51;
	[tilespmem:s2+$0xFFFFFF30] =	vst v27  }
0x2ee: {  	v31 =	vld [tilespmem:s2+$0xFFFFFFA0];
	[tilespmem:s2+$0xFFFFFF20] =	vst v8;
	v8 =	vmul.f32 v22, v51  }
0x2ef: {  	s1 =	sadd.s32 $0x10, s1;
	v32 =	vld [tilespmem:s2+$0xFFFFFFB0];
	v33 =	vmul.f32 v26, v51;
	[tilespmem:s2+$0xFFFFFF50] =	vst v30  }
0x2f0: {  	v50 =	vmov s1;
	v34 =	vld [tilespmem:s2+$0xFFFFFFC0];
	[tilespmem:s2+$0xFFFFFF40] =	vst v8;
	v8 =	vmul.f32 v25, v51  }
0x2f1: {  	v35 =	vld [tilespmem:s2+$0xFFFFFFD0];
	v21 =	vmul.f32 v53, v12;
	[tilespmem:s2+$0xFFFFFF70] =	vst v33  }
0x2f2: {  	v37 =	vld [tilespmem:s2+$0xFFFFFFE0];
	[tilespmem:s2+$0xFFFFFF60] =	vst v8;
	v8 =	vmul.f32 v28, v55  }
0x2f3: {  	v38 =	vld [tilespmem:s2+$0xFFFFFFF0];
	v36 =	vmul.f32 v29, v55;
	[tilespmem:s2+$0xF0] =	vst v21  }
0x2f4: {  	v40 =	vld [tilespmem:s2+$0x0];
	[tilespmem:s2+$0xFFFFFF80] =	vst v8;
	v8 =	vmul.f32 v31, v55  }
0x2f5: {  	v14 =	vld.idx.msk [tilespmem:v50+s20+$0x0], $0xffff;
	v39 =	vmul.f32 v32, v55;
	[tilespmem:s2+$0xFFFFFF90] =	vst v36  }
0x2f6: {  	v41 =	vld [tilespmem:s2+$0x10];
	[tilespmem:s2+$0xFFFFFFA0] =	vst v8;
	v8 =	vmul.f32 v34, v55  }
0x2f7: {  	v43 =	vld [tilespmem:s2+$0x20];
	v42 =	vmul.f32 v35, v55;
	[tilespmem:s2+$0xFFFFFFB0] =	vst v39  }
0x2f8: {  	v47 =	vld [tilespmem:s2+$0x50];
	[tilespmem:s2+$0xFFFFFFC0] =	vst v8;
	v8 =	vmul.f32 v37, v55  }
0x2f9: {  	v46 =	vld [tilespmem:s2+$0x40];
	v45 =	vmul.f32 v38, v55;
	[tilespmem:s2+$0xFFFFFFD0] =	vst v42  }
0x2fa: {  	v50 =	vld [tilespmem:s2+$0x70];
	[tilespmem:s2+$0xFFFFFFE0] =	vst v8;
	v8 =	vmul.f32 v40, v14  }
0x2fb: {  	v49 =	vld [tilespmem:s2+$0x60];
	v48 =	vmul.f32 v41, v14;
	[tilespmem:s2+$0xFFFFFFF0] =	vst v45  }
0x2fc: {  	v56 =	vld [tilespmem:s2+$0xB0];
	[tilespmem:s2+$0x0] =	vst v8;
	v8 =	vmul.f32 v43, v14  }
0x2fd: {  	v52 =	vld [tilespmem:s2+$0x80];
	v54 =	vmul.f32 v47, v14;
	[tilespmem:s2+$0x10] =	vst v48  }
0x2fe: {  	v59 =	vld [tilespmem:s2+$0xD0];
	[tilespmem:s2+$0x20] =	vst v8;
	v8 =	vmul.f32 v46, v14  }
0x2ff: {  	v57 =	vmul.f32 v50, v14;
	[tilespmem:s2+$0x50] =	vst v54;
	v55 =	vld [tilespmem:s2+$0xA0]  }
0x300: {  	v44 =	vld [tilespmem:s2+$0x30];
	[tilespmem:s2+$0x40] =	vst v8;
	v8 =	vmul.f32 v49, v14  }
0x301: {  	v58 =	vld [tilespmem:s2+$0xC0];
	v62 =	vmul.f32 v56, v12;
	[tilespmem:s2+$0x70] =	vst v57  }
0x302: {  	v53 =	vld [tilespmem:s2+$0x90];
	[tilespmem:s2+$0x60] =	vst v8;
	v8 =	vmul.f32 v52, v12  }
0x303: {  	v61 =	vld [tilespmem:s2+$0xE0];
	v63 =	vmul.f32 v59, v12;
	[tilespmem:s2+$0xB0] =	vst v62  }
0x304: {  	[tilespmem:s2+$0x80] =	vst v8;
	v8 =	vmul.f32 v55, v12  }
0x305: {  	[tilespmem:s2+$0xD0] =	vst v63;
	v51 =	vmul.f32 v44, v14  }
0x306: {  	[tilespmem:s2+$0xA0] =	vst v8;
	v8 =	vmul.f32 v58, v12  }
0x307: {  	v60 =	vmul.f32 v53, v12;
	[tilespmem:s2+$0x30] =	vst v51  }
0x308: {  	[tilespmem:s2+$0xC0] =	vst v8;
	v8 =	vmul.f32 v61, v12  }
0x309: {  	[tilespmem:s2+$0x90] =	vst v60  }
0x30a: {  	[tilespmem:s2+$0xE0] =	vst v8  }
0x30b: {  	[spmem:s16] =	stream.indirect.scatter.add.f32 [tilespmem:s29], [sflag:$0x6], $0x80, s3, s13, $0xb8;
	[tilespmem:$0x1E6E0] =	vst v63  }
0x30c: {  	_ = 	snop  }
0x30d: {  	[spmem:s19] =	stream.indirect.scatter.add.f32 [tilespmem:s20], [sflag:$0x6], $0x8, s3, s13, $0xb8;
	[tilespmem:$0x1E6E0] =	vst v63  }
0x30e: {  	s0 =	smul.u32 $0x3, s26;
	_ =	swait.ge [sflag:s8], $0x2800  }
0x30f: {  	[sflag:s8] =	ssyncset.done $0x0  }
0x310: {  	s1 =	sadd.s32 $0x3, s0;
	[sflag:s8] =	ssyncadd.s32 $0xFFFFD800  }
0x311: {  	s2 =	smulhi.u32 $0x51EB851F, s1;
	_ =	swait.ge [sflag:s8], $0x280  }
0x312: {  	[sflag:s8] =	ssyncset.done $0x0  }
0x313: {  	s2 =	sshrl.u32 s2, $0x3;
	[sflag:s8] =	ssyncadd.s32 $0xFFFFFD80  }
0x314: {  	s2 =	smul.u32 $0x19, s2;
	_ =	swait.ge [sflag:s5], $0x2800  }
0x315: {  	[sflag:s5] =	ssyncset.done $0x0  }
0x316: {  	s2 =	ssub.s32 s1, s2;
	[sflag:s5] =	ssyncadd.s32 $0xFFFFD800  }
0x317: {  	p0 =	sne.s32 s2, $0x0;
	_ =	swait.ge [sflag:s5], $0x280  }
0x318: {  	s1 =	smulhi.u32 @!p0 $0x51EB851F, s1;
	[sflag:s5] =	ssyncset.done $0x0  }
0x319: {  	[sflag:s5] =	ssyncadd.s32 $0xFFFFFD80  }
0x31a: {  	s1 =	sshrl.u32 @!p0 s1, $0x3;
	_ =	swait.ge [sflag:s6], $0x2800  }
0x31b: {  	s1 =	smul.u32 @!p0 $0x7D0, s1;
	[sflag:s6] =	ssyncset.done $0x0  }
0x31c: {  	[sflag:s6] =	ssyncadd.s32 $0xFFFFD800  }
0x31d: {  	s1 =	sadd.s32 @!p0 s4, s1;
	_ =	swait.ge [sflag:s6], $0x280  }
0x31e: {  	s11 =	simm.s32 @!p0 $0x0;
	s1 =	sshrl.u32 @!p0 s1, $0x3;
	[sflag:s6] =	ssyncset.done $0x0  }
0x31f: {  	s17 =	simm.s32 @!p0 $0x7;
	s1 =	sadd.s32 @!p0 s24, s1;
	[sflag:s6] =	ssyncadd.s32 $0xFFFFFD80  }
0x320: {  	[tilespmem:s11], [sflag:$0x7] =	stream.linear.gather @!p0 [hbm4b:s1+s11], $0x7D0, $0x38;
	[tilespmem:$0x1E6E0] =	vst v63  }
0x321: {  	_ =	swait.ge @!p0 [sflag:s17], $0x7D0  }
0x322: {  	[sflag:s17] =	ssyncset.done @!p0 $0x0  }
0x323: {  	s28 =	simm.s32 @!p0 $0x7D0;
	s1 =	sadd.s32 @!p0 $0x9C40, s1;
	[sflag:s17] =	ssyncadd.s32 @!p0 $0xFFFFF830  }
0x324: {  	[tilespmem:s28], [sflag:$0x7] =	stream.linear.gather @!p0 [hbm4b:s1+s11], $0x7D0, $0x38;
	[tilespmem:$0x1E6E0] =	vst v63  }
0x325: {  	_ =	swait.ge @!p0 [sflag:s17], $0x7D0  }
0x326: {  	s11 =	smul.u32 $0x50, s2;
	[sflag:s17] =	ssyncset.done @!p0 $0x0  }
0x327: {  	[sflag:s17] =	ssyncadd.s32 @!p0 $0xFFFFF830  }
0x328: {  	v8 =	vld [tilespmem:s11+$0x0];
	_ =	sdelay $0x4  }
0x329: {  	[tilespmem:$0x87A0] =	vst v8  }
0x32a: {  	v8 =	vld [tilespmem:s11+$0x7D0];
	_ =	sdelay $0x4  }
0x32b: {  	[tilespmem:$0x8890] =	vst v8  }
0x32c: {  	v8 =	vld [tilespmem:s11+$0x10];
	_ =	sdelay $0x4  }
0x32d: {  	[tilespmem:$0x87B0] =	vst v8  }
0x32e: {  	v8 =	vld [tilespmem:s11+$0x7E0];
	_ =	sdelay $0x4  }
0x32f: {  	[tilespmem:$0x88A0] =	vst v8  }
0x330: {  	v8 =	vld [tilespmem:s11+$0x20];
	_ =	sdelay $0x4  }
0x331: {  	[tilespmem:$0x87C0] =	vst v8  }
0x332: {  	v8 =	vld [tilespmem:s11+$0x7F0];
	_ =	sdelay $0x4  }
0x333: {  	[tilespmem:$0x88B0] =	vst v8  }
0x334: {  	v8 =	vld [tilespmem:s11+$0x30];
	_ =	sdelay $0x4  }
0x335: {  	[tilespmem:$0x87D0] =	vst v8  }
0x336: {  	v8 =	vld [tilespmem:s11+$0x800];
	_ =	sdelay $0x4  }
0x337: {  	[tilespmem:$0x88C0] =	vst v8  }
0x338: {  	s1 =	sadd.s32 $0x4, s0;
	v8 =	vld [tilespmem:s11+$0x40]  }
0x339: {  	s17 =	smulhi.u32 $0x51EB851F, s1;
	_ =	sdelay $0x1  }
0x33a: {  	s2 =	sshrl.u32 s17, $0x3  }
0x33b: {  	s2 =	smul.u32 $0x19, s2  }
0x33c: {  	[tilespmem:$0x87E0] =	vst v8  }
0x33d: {  	s2 =	ssub.s32 s1, s2;
	v8 =	vld [tilespmem:s11+$0x810]  }
0x33e: {  	p0 =	sne.s32 s2, $0x0  }
0x33f: {  	s1 =	smulhi.u32 @!p0 $0x51EB851F, s1;
	_ =	sdelay $0x1  }
0x340: {  	s1 =	sshrl.u32 @!p0 s1, $0x3  }
0x341: {  	s1 =	smul.u32 @!p0 $0x7D0, s1;
	s11 =	simm.s32 $0x8890;
	[tilespmem:$0x88D0] =	vst v8  }
0x342: {  	[tilespmem:s21], [sflag:$0x1] =	stream.indirect.gather [hbm4b:s14+s13], $0x80, s11, s13, $0xb8;
	[tilespmem:$0x1E6E0] =	vst v63  }
0x343: {  	s28 =	simm.s32 $0x8980;
	s1 =	sadd.s32 @!p0 s4, s1  }
0x344: {  	[tilespmem:s28], [sflag:$0x1] =	stream.indirect.gather [hbm4b:s22+s13], $0x1, s25, s13, $0xb8;
	[tilespmem:$0x1E6E0] =	vst v63  }
0x345: {  	s1 =	sshrl.u32 @!p0 s1, $0x3;
	s28 =	simm.s32 $0x8A70  }
0x346: {  	[tilespmem:s28], [sflag:$0x1] =	stream.indirect.gather [hbm4b:s23+s13], $0x1, s11, s13, $0xb8;
	[tilespmem:$0x1E6E0] =	vst v63  }
0x347: {  	s17 =	simm.s32 @!p0 $0x7;
	s1 =	sadd.s32 @!p0 s24, s1;
	s11 =	simm.s32 @!p0 $0x0  }
0x348: {  	[tilespmem:s11], [sflag:$0x7] =	stream.linear.gather @!p0 [hbm4b:s1+s11], $0x7D0, $0x38;
	[tilespmem:$0x1E6E0] =	vst v63  }
0x349: {  	_ =	swait.ge @!p0 [sflag:s17], $0x7D0  }
0x34a: {  	[sflag:s17] =	ssyncset.done @!p0 $0x0  }
0x34b: {  	s28 =	simm.s32 @!p0 $0x7D0;
	s1 =	sadd.s32 @!p0 $0x9C40, s1;
	[sflag:s17] =	ssyncadd.s32 @!p0 $0xFFFFF830  }
0x34c: {  	[tilespmem:s28], [sflag:$0x7] =	stream.linear.gather @!p0 [hbm4b:s1+s11], $0x7D0, $0x38;
	[tilespmem:$0x1E6E0] =	vst v63  }
0x34d: {  	_ =	swait.ge @!p0 [sflag:s17], $0x7D0  }
0x34e: {  	s2 =	smul.u32 $0x50, s2;
	[sflag:s17] =	ssyncset.done @!p0 $0x0  }
0x34f: {  	[sflag:s17] =	ssyncadd.s32 @!p0 $0xFFFFF830  }
0x350: {  	v8 =	vld [tilespmem:s2+$0x0];
	_ =	sdelay $0x4  }
0x351: {  	[tilespmem:$0x87F0] =	vst v8  }
0x352: {  	v8 =	vld [tilespmem:s2+$0x7D0];
	_ =	sdelay $0x4  }
0x353: {  	[tilespmem:$0x88E0] =	vst v8  }
0x354: {  	v8 =	vld [tilespmem:s2+$0x10];
	_ =	sdelay $0x4  }
0x355: {  	[tilespmem:$0x8800] =	vst v8  }
0x356: {  	v8 =	vld [tilespmem:s2+$0x7E0];
	_ =	sdelay $0x4  }
0x357: {  	[tilespmem:$0x88F0] =	vst v8  }
0x358: {  	v8 =	vld [tilespmem:s2+$0x20];
	_ =	sdelay $0x4  }
0x359: {  	[tilespmem:$0x8810] =	vst v8  }
0x35a: {  	v8 =	vld [tilespmem:s2+$0x7F0];
	_ =	sdelay $0x4  }
0x35b: {  	[tilespmem:$0x8900] =	vst v8  }
0x35c: {  	v8 =	vld [tilespmem:s2+$0x30];
	_ =	sdelay $0x4  }
0x35d: {  	[tilespmem:$0x8820] =	vst v8  }
0x35e: {  	v8 =	vld [tilespmem:s2+$0x800];
	_ =	sdelay $0x4  }
0x35f: {  	[tilespmem:$0x8910] =	vst v8  }
0x360: {  	v8 =	vld [tilespmem:s2+$0x40];
	_ =	sdelay $0x4  }
0x361: {  	[tilespmem:$0x8830] =	vst v8  }
0x362: {  	v8 =	vld [tilespmem:s2+$0x810];
	_ =	sdelay $0x4  }
0x363: {  	s11 =	simm.s32 $0x88E0;
	p0 =	seq.s32 s26, $0x28;
	[tilespmem:$0x8920] =	vst v8  }
0x364: {  	[tilespmem:s30], [sflag:$0x2] =	stream.indirect.gather [hbm4b:s14+s13], $0x80, s11, s13, $0xb8;
	[tilespmem:$0x1E6E0] =	vst v63  }
.Ltmp7:
0x365: {  	_ = 	snop;
	(pc) =	sbr.rel @p0 .LBB2_18-.Ltmp7, $4  }
0x366: {  	s17 =	simm.s32 $0x89D0  }
0x367: {  	[tilespmem:s17], [sflag:$0x2] =	stream.indirect.gather [hbm4b:s22+s13], $0x1, s31, s13, $0xb8;
	[tilespmem:$0x1E6E0] =	vst v63  }
0x368: {  	s28 =	simm.s32 $0x8AC0  }
0x369: {  	[tilespmem:s28], [sflag:$0x2] =	stream.indirect.gather [hbm4b:s23+s13], $0x1, s11, s13, $0xb8;
	[tilespmem:$0x1E6E0] =	vst v63  }
0x36a: {  	s0 =	sadd.s32 $0x5, s0  }
0x36b: {  	s1 =	smulhi.u32 $0x51EB851F, s0;
	_ =	sdelay $0x1  }
0x36c: {  	s1 =	sshrl.u32 s1, $0x3  }
0x36d: {  	s1 =	smul.u32 $0x19, s1;
	_ =	sdelay $0x1  }
0x36e: {  	s1 =	ssub.s32 s0, s1  }
0x36f: {  	p0 =	sne.s32 s1, $0x0  }
0x370: {  	s0 =	smulhi.u32 @!p0 $0x51EB851F, s0;
	_ =	sdelay $0x1  }
0x371: {  	s0 =	sshrl.u32 @!p0 s0, $0x3  }
0x372: {  	s0 =	smul.u32 @!p0 $0x7D0, s0;
	_ =	sdelay $0x1  }
0x373: {  	s0 =	sadd.s32 @!p0 s4, s0  }
0x374: {  	s0 =	sshrl.u32 @!p0 s0, $0x3  }
0x375: {  	s2 =	simm.s32 @!p0 $0x0;
	s11 =	simm.s32 @!p0 $0x7;
	s0 =	sadd.s32 @!p0 s24, s0  }
0x376: {  	[tilespmem:s2], [sflag:$0x7] =	stream.linear.gather @!p0 [hbm4b:s0+s2], $0x7D0, $0x38;
	[tilespmem:$0x1E6E0] =	vst v63  }
0x377: {  	_ =	swait.ge @!p0 [sflag:s11], $0x7D0  }
0x378: {  	[sflag:s11] =	ssyncset.done @!p0 $0x0  }
0x379: {  	s17 =	simm.s32 @!p0 $0x7D0;
	s0 =	sadd.s32 @!p0 $0x9C40, s0;
	[sflag:s11] =	ssyncadd.s32 @!p0 $0xFFFFF830  }
0x37a: {  	[tilespmem:s17], [sflag:$0x7] =	stream.linear.gather @!p0 [hbm4b:s0+s2], $0x7D0, $0x38;
	[tilespmem:$0x1E6E0] =	vst v63  }
0x37b: {  	_ =	swait.ge @!p0 [sflag:s11], $0x7D0  }
0x37c: {  	s2 =	smul.u32 $0x50, s1;
	[sflag:s11] =	ssyncset.done @!p0 $0x0  }
0x37d: {  	[sflag:s11] =	ssyncadd.s32 @!p0 $0xFFFFF830  }
0x37e: {  	v8 =	vld [tilespmem:s2+$0x0];
	_ =	sdelay $0x4  }
0x37f: {  	[tilespmem:$0x8840] =	vst v8  }
0x380: {  	v8 =	vld [tilespmem:s2+$0x7D0];
	_ =	sdelay $0x4  }
0x381: {  	[tilespmem:$0x8930] =	vst v8  }
0x382: {  	v8 =	vld [tilespmem:s2+$0x10];
	_ =	sdelay $0x4  }
0x383: {  	[tilespmem:$0x8850] =	vst v8  }
0x384: {  	v8 =	vld [tilespmem:s2+$0x7E0];
	_ =	sdelay $0x4  }
0x385: {  	[tilespmem:$0x8940] =	vst v8  }
0x386: {  	v8 =	vld [tilespmem:s2+$0x20];
	_ =	sdelay $0x4  }
0x387: {  	[tilespmem:$0x8860] =	vst v8  }
0x388: {  	v8 =	vld [tilespmem:s2+$0x7F0];
	_ =	sdelay $0x4  }
0x389: {  	[tilespmem:$0x8950] =	vst v8  }
0x38a: {  	v8 =	vld [tilespmem:s2+$0x30];
	_ =	sdelay $0x4  }
0x38b: {  	[tilespmem:$0x8870] =	vst v8  }
0x38c: {  	v8 =	vld [tilespmem:s2+$0x800];
	_ =	sdelay $0x4  }
0x38d: {  	[tilespmem:$0x8960] =	vst v8  }
0x38e: {  	v8 =	vld [tilespmem:s2+$0x40];
	_ =	sdelay $0x4  }
0x38f: {  	[tilespmem:$0x8880] =	vst v8  }
0x390: {  	v8 =	vld [tilespmem:s2+$0x810];
	_ =	sdelay $0x4  }
0x391: {  	s11 =	simm.s32 $0x8930;
	[tilespmem:$0x8970] =	vst v8  }
0x392: {  	[tilespmem:s29], [sflag:$0x3] =	stream.indirect.gather [hbm4b:s14+s13], $0x80, s11, s13, $0xb8;
	[tilespmem:$0x1E6E0] =	vst v63  }
.Ltmp8:
0x393: {  	_ = 	snop;
	(pc) =	sbr.rel .LBB2_10-.Ltmp8, $4  }
0x394: {  	s17 =	simm.s32 $0x8A20  }
0x395: {  	[tilespmem:s17], [sflag:$0x3] =	stream.indirect.gather [hbm4b:s22+s13], $0x1, s3, s13, $0xb8;
	[tilespmem:$0x1E6E0] =	vst v63  }
0x396: {  	s28 =	simm.s32 $0x8B10;
	s26 =	sadd.s32 $0x1, s26  }
0x397: {  	[tilespmem:s28], [sflag:$0x3] =	stream.indirect.gather [hbm4b:s23+s13], $0x1, s11, s13, $0xb8;
	[tilespmem:$0x1E6E0] =	vst v63  }
.LBB2_18:
0x398: {  	_ =	swait.ge [sflag:s7], $0x2800  }
0x399: {  	[sflag:s7] =	ssyncset.done $0x0  }
0x39a: {  	[sflag:s7] =	ssyncadd.s32 $0xFFFFD800  }
0x39b: {  	_ =	swait.ge [sflag:s7], $0x50  }
0x39c: {  	[sflag:s7] =	ssyncset.done $0x0  }
0x39d: {  	[sflag:s7] =	ssyncadd.s32 $0xFFFFFFB0  }
0x39e: {  	_ =	swait.ge [sflag:s7], $0x50  }
0x39f: {  	[sflag:s7] =	ssyncset.done $0x0  }
0x3a0: {  	[sflag:s7] =	ssyncadd.s32 $0xFFFFFFB0  }
0x3a1: {  	v8 =	vld [tilespmem:$0x8980]  }
0x3a2: {  	v9 =	vld [tilespmem:$0x8A70];
	_ =	sdelay $0x4  }
0x3a3: {  	v8 =	vadd.f32 v9, v8;
	_ =	sdelay $0x1  }
0x3a4: {  	v9 =	vmul.f32 $2.000000030e-01, v8  }
0x3a5: {  	vm0 =	vgt.f32 v8, $0.0e+00  }
0x3a6: {  	v8 =	vsel vm0, v8, v9  }
0x3a7: {  	v8 =	vmul.f32 $1.442695020e+00, v8;
	_ =	sdelay $0x1  }
0x3a8: {  	(erf) = vpow2.f32 v8;
	_ =	sdelay $0x8  }
0x3a9: {  	v8 =	vpop (erf)  }
0x3aa: {  	[tilespmem:v0+s15+$0x0] =	vst.idx.msk $0xffff, v8  }
0x3ab: {  	v8 =	vld [tilespmem:$0x8990]  }
0x3ac: {  	v9 =	vld [tilespmem:$0x8A80];
	_ =	sdelay $0x4  }
0x3ad: {  	v8 =	vadd.f32 v9, v8;
	_ =	sdelay $0x1  }
0x3ae: {  	v9 =	vmul.f32 $2.000000030e-01, v8  }
0x3af: {  	vm12 =	vgt.f32 v8, $0.0e+00  }
0x3b0: {  	v8 =	vsel vm12, v8, v9  }
0x3b1: {  	v8 =	vmul.f32 $1.442695020e+00, v8;
	_ =	sdelay $0x1  }
0x3b2: {  	(erf) = vpow2.f32 v8;
	_ =	sdelay $0x8  }
0x3b3: {  	v8 =	vpop (erf)  }
0x3b4: {  	[tilespmem:v4+s15+$0x0] =	vst.idx.msk $0xffff, v8  }
0x3b5: {  	v8 =	vld [tilespmem:$0x89A0]  }
0x3b6: {  	v9 =	vld [tilespmem:$0x8A90];
	_ =	sdelay $0x4  }
0x3b7: {  	v8 =	vadd.f32 v9, v8;
	_ =	sdelay $0x1  }
0x3b8: {  	v9 =	vmul.f32 $2.000000030e-01, v8  }
0x3b9: {  	vm13 =	vgt.f32 v8, $0.0e+00  }
0x3ba: {  	v8 =	vsel vm13, v8, v9  }
0x3bb: {  	v8 =	vmul.f32 $1.442695020e+00, v8;
	_ =	sdelay $0x1  }
0x3bc: {  	(erf) = vpow2.f32 v8;
	_ =	sdelay $0x8  }
0x3bd: {  	v8 =	vpop (erf)  }
0x3be: {  	[tilespmem:v5+s15+$0x0] =	vst.idx.msk $0xffff, v8  }
0x3bf: {  	v8 =	vld [tilespmem:$0x89B0]  }
0x3c0: {  	v9 =	vld [tilespmem:$0x8AA0];
	_ =	sdelay $0x4  }
0x3c1: {  	v8 =	vadd.f32 v9, v8;
	_ =	sdelay $0x1  }
0x3c2: {  	v9 =	vmul.f32 $2.000000030e-01, v8  }
0x3c3: {  	vm14 =	vgt.f32 v8, $0.0e+00  }
0x3c4: {  	v8 =	vsel vm14, v8, v9  }
0x3c5: {  	v8 =	vmul.f32 $1.442695020e+00, v8;
	_ =	sdelay $0x1  }
0x3c6: {  	(erf) = vpow2.f32 v8;
	_ =	sdelay $0x8  }
0x3c7: {  	v8 =	vpop (erf)  }
0x3c8: {  	[tilespmem:v6+s15+$0x0] =	vst.idx.msk $0xffff, v8  }
0x3c9: {  	v8 =	vld [tilespmem:$0x89C0]  }
0x3ca: {  	v9 =	vld [tilespmem:$0x8AB0];
	_ =	sdelay $0x4  }
0x3cb: {  	v8 =	vadd.f32 v9, v8;
	_ =	sdelay $0x1  }
0x3cc: {  	v9 =	vmul.f32 $2.000000030e-01, v8  }
0x3cd: {  	vm15 =	vgt.f32 v8, $0.0e+00  }
0x3ce: {  	v8 =	vsel vm15, v8, v9  }
0x3cf: {  	v8 =	vmul.f32 $1.442695020e+00, v8;
	_ =	sdelay $0x1  }
0x3d0: {  	(erf) = vpow2.f32 v8;
	_ =	sdelay $0x4  }
0x3d1: {  	s0 =	simm.s32 $0x0  }
0x3d2: {  	s2 =	simm.s32 $0x18;
	v8 =	vmov s0  }
0x3d3: {  	v9 =	vmov s2;
	_ =	sdelay $0x1  }
0x3d4: {  	v10 =	vpop (erf)  }
0x3d5: {  	[tilespmem:v7+s15+$0x0] =	vst.idx.msk $0xffff, v10  }
0x3d6: {  	v10 =	vld.idx.msk [tilespmem:v8+s15+$0x0], $0xffff  }
0x3d7: {  	s26 =	simm.s32 $0x10A0;
	v8 =	vld.idx.msk [tilespmem:v9+s15+$0x0], $0xffff  }
0x3d8: {  	v9 =	vld [tilespmem:s26+$0xF0]  }
0x3d9: {  	v11 =	vld [tilespmem:s26+$0xFFFFFF00]  }
0x3da: {  	s11 =	simm.s32 $0x8;
	v12 =	vld [tilespmem:s26+$0xFFFFFF10]  }
0x3db: {  	v13 =	vmov s11;
	v14 =	vld [tilespmem:s26+$0xFFFFFF20]  }
0x3dc: {  	v15 =	vld [tilespmem:s26+$0xFFFFFF30]  }
0x3dd: {  	v18 =	vld [tilespmem:s26+$0xFFFFFF60]  }
0x3de: {  	v16 =	vld [tilespmem:s26+$0xFFFFFF40]  }
0x3df: {  	v17 =	vld [tilespmem:s26+$0xFFFFFF50];
	v11 =	vmul.f32 v11, v10  }
0x3e0: {  	v19 =	vld.idx.msk [tilespmem:v13+s15+$0x0], $0xffff;
	v9 =	vmul.f32 v9, v8  }
0x3e1: {  	v13 =	vld [tilespmem:s26+$0xFFFFFF80];
	v12 =	vmul.f32 v12, v10;
	[tilespmem:s26+$0xFFFFFF00] =	vst v11  }
0x3e2: {  	v18 =	vmul.f32 v18, v10;
	v11 =	vld [tilespmem:s26+$0xFFFFFF70];
	[tilespmem:s26+$0xF0] =	vst v9  }
0x3e3: {  	v9 =	vmul.f32 v14, v10;
	v14 =	vld [tilespmem:s26+$0xFFFFFF90];
	[tilespmem:s26+$0xFFFFFF10] =	vst v12  }
0x3e4: {  	s17 =	simm.s32 $0x10;
	v12 =	vmul.f32 v15, v10;
	v15 =	vld [tilespmem:s26+$0xFFFFFFA0];
	[tilespmem:s26+$0xFFFFFF60] =	vst v18  }
0x3e5: {  	v20 =	vmov s17;
	[tilespmem:s26+$0xFFFFFF20] =	vst v9;
	v9 =	vmul.f32 v16, v10;
	v16 =	vld [tilespmem:s26+$0xFFFFFFB0]  }
0x3e6: {  	[tilespmem:s26+$0xFFFFFF30] =	vst v12;
	v12 =	vmul.f32 v17, v10;
	v17 =	vld [tilespmem:s26+$0xFFFFFFC0]  }
0x3e7: {  	[tilespmem:s26+$0xFFFFFF40] =	vst v9;
	v9 =	vmul.f32 v13, v19;
	v13 =	vld [tilespmem:s26+$0xFFFFFFD0]  }
0x3e8: {  	[tilespmem:s26+$0xFFFFFF50] =	vst v12;
	v12 =	vld [tilespmem:s26+$0xFFFFFFE0];
	v10 =	vmul.f32 v11, v10  }
0x3e9: {  	v11 =	vmul.f32 v14, v19;
	v14 =	vld [tilespmem:s26+$0xFFFFFFF0];
	[tilespmem:s26+$0xFFFFFF80] =	vst v9  }
0x3ea: {  	v9 =	vld.idx.msk [tilespmem:v20+s15+$0x0], $0xffff;
	[tilespmem:s26+$0xFFFFFF70] =	vst v10;
	v10 =	vmul.f32 v15, v19  }
0x3eb: {  	v15 =	vld [tilespmem:s26+$0x0];
	[tilespmem:s26+$0xFFFFFF90] =	vst v11;
	v11 =	vmul.f32 v16, v19  }
0x3ec: {  	v16 =	vld [tilespmem:s26+$0x10];
	[tilespmem:s26+$0xFFFFFFA0] =	vst v10;
	v10 =	vmul.f32 v17, v19  }
0x3ed: {  	v17 =	vld [tilespmem:s26+$0x20];
	[tilespmem:s26+$0xFFFFFFB0] =	vst v11;
	v11 =	vmul.f32 v13, v19  }
0x3ee: {  	v14 =	vmul.f32 v14, v19;
	[tilespmem:s26+$0xFFFFFFC0] =	vst v10  }
0x3ef: {  	v18 =	vld [tilespmem:s26+$0x30];
	v10 =	vmul.f32 v12, v19;
	[tilespmem:s26+$0xFFFFFFD0] =	vst v11  }
0x3f0: {  	v63 =	vld [tilespmem:s26+$0x40];
	v12 =	vmul.f32 v15, v9;
	[tilespmem:s26+$0xFFFFFFF0] =	vst v14  }
0x3f1: {  	v13 =	vld [tilespmem:s26+$0x50];
	[tilespmem:s26+$0xFFFFFFE0] =	vst v10;
	v10 =	vmul.f32 v16, v9  }
0x3f2: {  	v11 =	vld [tilespmem:s26+$0x60];
	[tilespmem:s26+$0x0] =	vst v12;
	v14 =	vmul.f32 v17, v9  }
0x3f3: {  	v12 =	vld [tilespmem:s26+$0x70];
	[tilespmem:s26+$0x10] =	vst v10  }
0x3f4: {  	s1 =	simm.s32 $0x20;
	v16 =	vmul.f32 v18, v9;
	v10 =	vld [tilespmem:s26+$0x80];
	[tilespmem:s26+$0x20] =	vst v14  }
0x3f5: {  	s17 =	simm.s32 $0x10A0;
	s0 =	simm.s32 $0x8;
	v15 =	vmul.f32 v63, v9;
	v14 =	vld [tilespmem:s26+$0x90];
	s28 =	rddreg [dreg:$0x1f]  }
.LBB2_19:
0x3f6: {  	p0 =	slt.u32 s0, $0x4C;
	v17 =	vmov s1;
	s2 =	sadd.s32 $0x8, s1;
	s11 =	sadd.s32 $0x18, s1;
	[tilespmem:s26+$0x30] =	vst v16;
	v13 =	vmul.f32 v13, v9;
	v16 =	vld [tilespmem:s26+$0xA0]  }
0x3f7: {  	s1 =	sadd.s32 $0x10, s1;
	v18 =	vmov s2;
	v19 =	vmov s11;
	[tilespmem:s26+$0x40] =	vst v15;
	v11 =	vmul.f32 v11, v9;
	v15 =	vld [tilespmem:s26+$0xB0]  }
0x3f8: {  	v20 =	vmov s1;
	[tilespmem:s26+$0x50] =	vst v13;
	v9 =	vmul.f32 v12, v9;
	v12 =	vld [tilespmem:s26+$0xC0]  }
0x3f9: {  	[tilespmem:s26+$0x60] =	vst v11;
	v10 =	vmul.f32 v10, v8;
	v11 =	vld [tilespmem:s26+$0xD0]  }
0x3fa: {  	[tilespmem:s26+$0x70] =	vst v9;
	v9 =	vmul.f32 v14, v8;
	v13 =	vld [tilespmem:s26+$0xE0]  }
0x3fb: {  	v14 =	vld.idx.msk [tilespmem:v17+s15+$0x0], $0xffff;
	[tilespmem:s26+$0x80] =	vst v10;
	v10 =	vmul.f32 v16, v8  }
0x3fc: {  	s26 =	sadd.s32 $0x200, s26;
	v16 =	vld.idx.msk [tilespmem:v19+s15+$0x0], $0xffff;
	[tilespmem:s17+$0x90] =	vst v9;
	v9 =	vmul.f32 v15, v8  }
0x3fd: {  	v15 =	vld [tilespmem:s26+$0xF0];
	[tilespmem:s17+$0xA0] =	vst v10;
	v10 =	vmul.f32 v12, v8  }
0x3fe: {  	v12 =	vld.idx.msk [tilespmem:v18+s15+$0x0], $0xffff;
	[tilespmem:s17+$0xB0] =	vst v9;
	v11 =	vmul.f32 v11, v8  }
0x3ff: {  	v9 =	vld.idx.msk [tilespmem:v20+s15+$0x0], $0xffff;
	[tilespmem:s17+$0xC0] =	vst v10;
	v17 =	vmul.f32 v13, v8  }
0x400: {  	v10 =	vld [tilespmem:s26+$0xFFFFFF00];
	[tilespmem:s17+$0xD0] =	vst v11  }
0x401: {  	v11 =	vld [tilespmem:s26+$0xFFFFFF10];
	[tilespmem:s17+$0xE0] =	vst v17;
	s17 =	smov.u32 s26  }
0x402: {  	v8 =	vmov v16;
	v13 =	vld [tilespmem:s26+$0xFFFFFF20];
	v15 =	vmul.f32 v15, v16  }
0x403: {  	v16 =	vld [tilespmem:s26+$0xFFFFFF30]  }
0x404: {  	v17 =	vld [tilespmem:s26+$0xFFFFFF40];
	[tilespmem:s26+$0xF0] =	vst v15  }
0x405: {  	v10 =	vmul.f32 v10, v14;
	v15 =	vld [tilespmem:s26+$0xFFFFFF50]  }
0x406: {  	v11 =	vmul.f32 v11, v14;
	v18 =	vld [tilespmem:s26+$0xFFFFFF60]  }
0x407: {  	[tilespmem:s26+$0xFFFFFF00] =	vst v10;
	v10 =	vmul.f32 v13, v14;
	v13 =	vld [tilespmem:s26+$0xFFFFFF70]  }
0x408: {  	[tilespmem:s26+$0xFFFFFF10] =	vst v11;
	v11 =	vmul.f32 v16, v14;
	v16 =	vld [tilespmem:s26+$0xFFFFFF80]  }
0x409: {  	[tilespmem:s26+$0xFFFFFF20] =	vst v10;
	v10 =	vmul.f32 v17, v14;
	v17 =	vld [tilespmem:s26+$0xFFFFFF90]  }
0x40a: {  	[tilespmem:s26+$0xFFFFFF30] =	vst v11;
	v11 =	vmul.f32 v15, v14;
	v15 =	vld [tilespmem:s26+$0xFFFFFFA0]  }
0x40b: {  	[tilespmem:s26+$0xFFFFFF40] =	vst v10;
	v10 =	vmul.f32 v18, v14;
	v18 =	vld [tilespmem:s26+$0xFFFFFFB0]  }
0x40c: {  	[tilespmem:s26+$0xFFFFFF50] =	vst v11;
	v11 =	vmul.f32 v13, v14;
	v13 =	vld [tilespmem:s26+$0xFFFFFFC0]  }
0x40d: {  	[tilespmem:s26+$0xFFFFFF60] =	vst v10;
	v10 =	vmul.f32 v16, v12;
	v14 =	vld [tilespmem:s26+$0xFFFFFFD0]  }
0x40e: {  	[tilespmem:s26+$0xFFFFFF70] =	vst v11;
	v11 =	vmul.f32 v17, v12;
	v16 =	vld [tilespmem:s26+$0xFFFFFFE0]  }
0x40f: {  	[tilespmem:s26+$0xFFFFFF80] =	vst v10;
	v10 =	vmul.f32 v15, v12;
	v15 =	vld [tilespmem:s26+$0xFFFFFFF0]  }
0x410: {  	[tilespmem:s26+$0xFFFFFF90] =	vst v11;
	v11 =	vmul.f32 v18, v12;
	v17 =	vld [tilespmem:s26+$0x0]  }
0x411: {  	[tilespmem:s26+$0xFFFFFFA0] =	vst v10;
	v10 =	vmul.f32 v13, v12;
	v18 =	vld [tilespmem:s26+$0x10]  }
0x412: {  	[tilespmem:s26+$0xFFFFFFB0] =	vst v11;
	v11 =	vmul.f32 v14, v12;
	v14 =	vld [tilespmem:s26+$0x20]  }
0x413: {  	[tilespmem:s26+$0xFFFFFFC0] =	vst v10;
	v10 =	vmul.f32 v16, v12;
	v16 =	vld [tilespmem:s26+$0x30]  }
0x414: {  	[tilespmem:s26+$0xFFFFFFD0] =	vst v11;
	v11 =	vmul.f32 v15, v12;
	v15 =	vld [tilespmem:s26+$0x40]  }
.Ltmp9:
0x415: {  	[tilespmem:s26+$0xFFFFFFE0] =	vst v10;
	v10 =	vmul.f32 v17, v9;
	v13 =	vld [tilespmem:s26+$0x50];
	(pc) =	sbr.rel @p0 .LBB2_19-.Ltmp9, $4  }
0x416: {  	[tilespmem:s26+$0xFFFFFFF0] =	vst v11;
	v17 =	vmul.f32 v18, v9;
	v11 =	vld [tilespmem:s26+$0x60]  }
0x417: {  	[tilespmem:s26+$0x0] =	vst v10;
	v14 =	vmul.f32 v14, v9;
	v12 =	vld [tilespmem:s26+$0x70]  }
0x418: {  	[tilespmem:s26+$0x10] =	vst v17;
	v16 =	vmul.f32 v16, v9;
	v10 =	vld [tilespmem:s26+$0x80]  }
0x419: {  	s1 =	sshll.u32 s0, $0x3;
	s0 =	sadd.s32 $0x4, s0;
	[tilespmem:s26+$0x20] =	vst v14;
	v15 =	vmul.f32 v15, v9;
	v14 =	vld [tilespmem:s26+$0x90]  }
0x41a: {  	v18 =	vld [tilespmem:s26+$0xA0]  }
0x41b: {  	v17 =	vmov s1;
	v20 =	vld [tilespmem:s26+$0xB0]  }
0x41c: {  	s0 =	sadd.s32 $0x18, s1;
	v21 =	vld [tilespmem:s26+$0xC0]  }
0x41d: {  	s11 =	sadd.s32 $0x8, s1;
	s2 =	sadd.s32 $0x10, s1;
	v23 =	vld [tilespmem:s26+$0xD0];
	v19 =	vmov s0;
	v11 =	vmul.f32 v11, v9  }
0x41e: {  	[tilespmem:s26+$0x30] =	vst v16;
	v24 =	vld [tilespmem:s26+$0xE0];
	v22 =	vmov s11;
	v16 =	vmov s2;
	s11 =	sadd.s32 $0x200, s26  }
0x41f: {  	v13 =	vmul.f32 v13, v9;
	[tilespmem:s26+$0x60] =	vst v11;
	v11 =	vld [tilespmem:s11+$0xF0]  }
0x420: {  	[tilespmem:s26+$0x40] =	vst v15;
	v9 =	vmul.f32 v12, v9;
	v15 =	vld.idx.msk [tilespmem:v17+s15+$0x0], $0xffff  }
0x421: {  	[tilespmem:s26+$0x50] =	vst v13;
	v10 =	vmul.f32 v10, v8;
	v17 =	vld [tilespmem:s11+$0xFFFFFF10]  }
0x422: {  	[tilespmem:s26+$0x70] =	vst v9;
	v9 =	vmul.f32 v14, v8;
	v12 =	vld.idx.msk [tilespmem:v19+s15+$0x0], $0xffff  }
0x423: {  	[tilespmem:s26+$0x80] =	vst v10;
	v10 =	vmul.f32 v18, v8;
	v14 =	vld.idx.msk [tilespmem:v16+s15+$0x0], $0xffff  }
0x424: {  	[tilespmem:s17+$0x90] =	vst v9;
	v9 =	vmul.f32 v20, v8;
	v16 =	vld [tilespmem:s11+$0xFFFFFF00]  }
0x425: {  	v18 =	vld [tilespmem:s11+$0xFFFFFF20];
	[tilespmem:s17+$0xA0] =	vst v10;
	v10 =	vmul.f32 v21, v8  }
0x426: {  	v13 =	vld.idx.msk [tilespmem:v22+s15+$0x0], $0xffff;
	[tilespmem:s17+$0xB0] =	vst v9;
	v9 =	vmul.f32 v23, v8  }
0x427: {  	v8 =	vmul.f32 v24, v8;
	[tilespmem:s17+$0xC0] =	vst v10;
	v10 =	vld [tilespmem:s11+$0xFFFFFF30]  }
0x428: {  	[tilespmem:s17+$0xD0] =	vst v9;
	v9 =	vmul.f32 v11, v12;
	v11 =	vld [tilespmem:s11+$0xFFFFFF40]  }
0x429: {  	[tilespmem:s17+$0xE0] =	vst v8;
	v8 =	vmul.f32 v16, v15;
	v16 =	vld [tilespmem:s11+$0xFFFFFF50]  }
0x42a: {  	[tilespmem:s11+$0xF0] =	vst v9;
	v9 =	vmul.f32 v17, v15;
	v17 =	vld [tilespmem:s11+$0xFFFFFF60]  }
0x42b: {  	[tilespmem:s11+$0xFFFFFF00] =	vst v8;
	v8 =	vmul.f32 v18, v15;
	v18 =	vld [tilespmem:s11+$0xFFFFFF70]  }
0x42c: {  	[tilespmem:s11+$0xFFFFFF10] =	vst v9;
	v9 =	vmul.f32 v10, v15;
	v10 =	vld [tilespmem:s11+$0xFFFFFF80]  }
0x42d: {  	[tilespmem:s11+$0xFFFFFF20] =	vst v8;
	v8 =	vmul.f32 v11, v15;
	v11 =	vld [tilespmem:s11+$0xFFFFFF90]  }
0x42e: {  	[tilespmem:s11+$0xFFFFFF30] =	vst v9;
	v9 =	vmul.f32 v16, v15;
	v16 =	vld [tilespmem:s11+$0xFFFFFFA0]  }
0x42f: {  	[tilespmem:s11+$0xFFFFFF40] =	vst v8;
	v8 =	vmul.f32 v17, v15;
	v17 =	vld [tilespmem:s11+$0xFFFFFFB0]  }
0x430: {  	[tilespmem:s11+$0xFFFFFF50] =	vst v9;
	v9 =	vmul.f32 v18, v15;
	v15 =	vld [tilespmem:s11+$0xFFFFFFC0]  }
0x431: {  	[tilespmem:s11+$0xFFFFFF60] =	vst v8;
	v8 =	vmul.f32 v10, v13;
	v10 =	vld [tilespmem:s11+$0xFFFFFFD0]  }
0x432: {  	[tilespmem:s11+$0xFFFFFF70] =	vst v9;
	v9 =	vmul.f32 v11, v13;
	v11 =	vld [tilespmem:s11+$0xFFFFFFE0]  }
0x433: {  	[tilespmem:s11+$0xFFFFFF80] =	vst v8;
	v8 =	vmul.f32 v16, v13;
	v16 =	vld [tilespmem:s11+$0xFFFFFFF0]  }
0x434: {  	[tilespmem:s11+$0xFFFFFF90] =	vst v9;
	v9 =	vmul.f32 v17, v13;
	v17 =	vld [tilespmem:s11+$0x0]  }
0x435: {  	[tilespmem:s11+$0xFFFFFFA0] =	vst v8;
	v8 =	vmul.f32 v15, v13;
	v15 =	vld [tilespmem:s11+$0x10]  }
0x436: {  	[tilespmem:s11+$0xFFFFFFB0] =	vst v9;
	v9 =	vmul.f32 v10, v13;
	v10 =	vld [tilespmem:s11+$0x20]  }
0x437: {  	[tilespmem:s11+$0xFFFFFFC0] =	vst v8;
	v8 =	vmul.f32 v11, v13;
	v11 =	vld [tilespmem:s11+$0x30]  }
0x438: {  	[tilespmem:s11+$0xFFFFFFD0] =	vst v9;
	v9 =	vmul.f32 v16, v13;
	v13 =	vld [tilespmem:s11+$0x40]  }
0x439: {  	v16 =	vld [tilespmem:s11+$0x50];
	[tilespmem:s11+$0xFFFFFFE0] =	vst v8;
	v8 =	vmul.f32 v17, v14  }
0x43a: {  	[tilespmem:s11+$0xFFFFFFF0] =	vst v9;
	v9 =	vmul.f32 v15, v14;
	v15 =	vld [tilespmem:s11+$0x60]  }
0x43b: {  	[tilespmem:s11+$0x0] =	vst v8;
	v8 =	vmul.f32 v10, v14;
	v10 =	vld [tilespmem:s11+$0x70]  }
0x43c: {  	[tilespmem:s11+$0x10] =	vst v9;
	v9 =	vmul.f32 v11, v14;
	v11 =	vld [tilespmem:s11+$0x80]  }
0x43d: {  	[tilespmem:s11+$0x20] =	vst v8;
	v8 =	vmul.f32 v13, v14;
	v13 =	vld [tilespmem:s11+$0x90]  }
0x43e: {  	[tilespmem:s11+$0x30] =	vst v9;
	v9 =	vmul.f32 v16, v14;
	v16 =	vld [tilespmem:s11+$0xA0]  }
0x43f: {  	[tilespmem:s11+$0x40] =	vst v8;
	v8 =	vmul.f32 v15, v14;
	v15 =	vld [tilespmem:s11+$0xB0]  }
0x440: {  	[tilespmem:s11+$0x50] =	vst v9;
	v9 =	vmul.f32 v10, v14;
	v10 =	vld [tilespmem:s11+$0xC0]  }
0x441: {  	[tilespmem:s11+$0x60] =	vst v8;
	v8 =	vmul.f32 v11, v12;
	v11 =	vld [tilespmem:s11+$0xD0]  }
0x442: {  	[tilespmem:s11+$0x70] =	vst v9;
	v9 =	vmul.f32 v13, v12;
	v13 =	vld [tilespmem:s11+$0xE0]  }
0x443: {  	[tilespmem:s11+$0x80] =	vst v8;
	v8 =	vmul.f32 v16, v12  }
0x444: {  	[tilespmem:s11+$0x90] =	vst v9;
	v9 =	vmul.f32 v15, v12  }
0x445: {  	[tilespmem:s11+$0xA0] =	vst v8;
	v8 =	vmul.f32 v10, v12  }
0x446: {  	[tilespmem:s11+$0xB0] =	vst v9;
	v9 =	vmul.f32 v11, v12  }
0x447: {  	[tilespmem:s11+$0xC0] =	vst v8;
	v8 =	vmul.f32 v13, v12  }
0x448: {  	[tilespmem:s11+$0xD0] =	vst v9  }
0x449: {  	[tilespmem:s11+$0xE0] =	vst v8  }
0x44a: {  	[spmem:s16] =	stream.indirect.scatter.add.f32 [tilespmem:s21], [sflag:$0x4], $0x80, s25, s13, $0xb8;
	[tilespmem:$0x1E6E0] =	vst v63  }
0x44b: {  	_ = 	snop  }
0x44c: {  	[spmem:s19] =	stream.indirect.scatter.add.f32 [tilespmem:s15], [sflag:$0x4], $0x8, s25, s13, $0xb8;
	[tilespmem:$0x1E6E0] =	vst v63  }
0x44d: {  	_ =	swait.ge [sflag:s9], $0x2800  }
0x44e: {  	[sflag:s9] =	ssyncset.done $0x0  }
0x44f: {  	[sflag:s9] =	ssyncadd.s32 $0xFFFFD800  }
0x450: {  	_ =	swait.ge [sflag:s9], $0x50  }
0x451: {  	[sflag:s9] =	ssyncset.done $0x0  }
0x452: {  	[sflag:s9] =	ssyncadd.s32 $0xFFFFFFB0  }
0x453: {  	_ =	swait.ge [sflag:s9], $0x50  }
0x454: {  	[sflag:s9] =	ssyncset.done $0x0  }
0x455: {  	[sflag:s9] =	ssyncadd.s32 $0xFFFFFFB0  }
0x456: {  	v8 =	vld [tilespmem:$0x89D0]  }
0x457: {  	v9 =	vld [tilespmem:$0x8AC0];
	_ =	sdelay $0x4  }
0x458: {  	v8 =	vadd.f32 v9, v8;
	_ =	sdelay $0x1  }
0x459: {  	v9 =	vmul.f32 $2.000000030e-01, v8  }
0x45a: {  	vm0 =	vgt.f32 v8, $0.0e+00  }
0x45b: {  	v8 =	vsel vm0, v8, v9  }
0x45c: {  	v8 =	vmul.f32 $1.442695020e+00, v8;
	_ =	sdelay $0x1  }
0x45d: {  	(erf) = vpow2.f32 v8;
	_ =	sdelay $0x8  }
0x45e: {  	v8 =	vpop (erf)  }
0x45f: {  	[tilespmem:v0+s18+$0x0] =	vst.idx.msk $0xffff, v8  }
0x460: {  	v8 =	vld [tilespmem:$0x89E0]  }
0x461: {  	v9 =	vld [tilespmem:$0x8AD0];
	_ =	sdelay $0x4  }
0x462: {  	v8 =	vadd.f32 v9, v8;
	_ =	sdelay $0x1  }
0x463: {  	v9 =	vmul.f32 $2.000000030e-01, v8  }
0x464: {  	vm12 =	vgt.f32 v8, $0.0e+00  }
0x465: {  	v8 =	vsel vm12, v8, v9  }
0x466: {  	v8 =	vmul.f32 $1.442695020e+00, v8;
	_ =	sdelay $0x1  }
0x467: {  	(erf) = vpow2.f32 v8;
	_ =	sdelay $0x8  }
0x468: {  	v8 =	vpop (erf)  }
0x469: {  	[tilespmem:v4+s18+$0x0] =	vst.idx.msk $0xffff, v8  }
0x46a: {  	v8 =	vld [tilespmem:$0x89F0]  }
0x46b: {  	v9 =	vld [tilespmem:$0x8AE0];
	_ =	sdelay $0x4  }
0x46c: {  	v8 =	vadd.f32 v9, v8;
	_ =	sdelay $0x1  }
0x46d: {  	v9 =	vmul.f32 $2.000000030e-01, v8  }
0x46e: {  	vm13 =	vgt.f32 v8, $0.0e+00  }
0x46f: {  	v8 =	vsel vm13, v8, v9  }
0x470: {  	v8 =	vmul.f32 $1.442695020e+00, v8;
	_ =	sdelay $0x1  }
0x471: {  	(erf) = vpow2.f32 v8;
	_ =	sdelay $0x8  }
0x472: {  	v8 =	vpop (erf)  }
0x473: {  	[tilespmem:v5+s18+$0x0] =	vst.idx.msk $0xffff, v8  }
0x474: {  	v8 =	vld [tilespmem:$0x8A00]  }
0x475: {  	v9 =	vld [tilespmem:$0x8AF0];
	_ =	sdelay $0x4  }
0x476: {  	v8 =	vadd.f32 v9, v8;
	_ =	sdelay $0x1  }
0x477: {  	v9 =	vmul.f32 $2.000000030e-01, v8  }
0x478: {  	vm14 =	vgt.f32 v8, $0.0e+00  }
0x479: {  	v8 =	vsel vm14, v8, v9  }
0x47a: {  	v8 =	vmul.f32 $1.442695020e+00, v8;
	_ =	sdelay $0x1  }
0x47b: {  	(erf) = vpow2.f32 v8;
	_ =	sdelay $0x8  }
0x47c: {  	v8 =	vpop (erf)  }
0x47d: {  	[tilespmem:v6+s18+$0x0] =	vst.idx.msk $0xffff, v8  }
0x47e: {  	v8 =	vld [tilespmem:$0x8A10]  }
0x47f: {  	v9 =	vld [tilespmem:$0x8B00];
	_ =	sdelay $0x4  }
0x480: {  	v8 =	vadd.f32 v9, v8;
	_ =	sdelay $0x1  }
0x481: {  	v9 =	vmul.f32 $2.000000030e-01, v8  }
0x482: {  	vm15 =	vgt.f32 v8, $0.0e+00  }
0x483: {  	v8 =	vsel vm15, v8, v9  }
0x484: {  	v8 =	vmul.f32 $1.442695020e+00, v8;
	_ =	sdelay $0x1  }
0x485: {  	(erf) = vpow2.f32 v8;
	_ =	sdelay $0x4  }
0x486: {  	s1 =	simm.s32 $0x0  }
0x487: {  	s2 =	simm.s32 $0x18;
	v8 =	vmov s1  }
0x488: {  	v9 =	vmov s2;
	_ =	sdelay $0x1  }
0x489: {  	v10 =	vpop (erf)  }
0x48a: {  	[tilespmem:v7+s18+$0x0] =	vst.idx.msk $0xffff, v10  }
0x48b: {  	s11 =	simm.s32 $0x8;
	v10 =	vld.idx.msk [tilespmem:v8+s18+$0x0], $0xffff  }
0x48c: {  	s26 =	simm.s32 $0x38A0;
	v13 =	vmov s11;
	v8 =	vld.idx.msk [tilespmem:v9+s18+$0x0], $0xffff  }
0x48d: {  	v9 =	vld [tilespmem:s26+$0xF0]  }
0x48e: {  	v11 =	vld [tilespmem:s26+$0xFFFFFF00]  }
0x48f: {  	v12 =	vld [tilespmem:s26+$0xFFFFFF10]  }
0x490: {  	v14 =	vld [tilespmem:s26+$0xFFFFFF20]  }
0x491: {  	v19 =	vld.idx.msk [tilespmem:v13+s18+$0x0], $0xffff  }
0x492: {  	v13 =	vld [tilespmem:s26+$0xFFFFFF80]  }
0x493: {  	v18 =	vld [tilespmem:s26+$0xFFFFFF60]  }
0x494: {  	v15 =	vld [tilespmem:s26+$0xFFFFFF30];
	v11 =	vmul.f32 v11, v10  }
0x495: {  	v16 =	vld [tilespmem:s26+$0xFFFFFF40];
	v9 =	vmul.f32 v9, v8  }
0x496: {  	v17 =	vld [tilespmem:s26+$0xFFFFFF50];
	v12 =	vmul.f32 v12, v10;
	[tilespmem:s26+$0xFFFFFF00] =	vst v11  }
0x497: {  	v63 =	vld [tilespmem:s26+$0xFFFFFFD0];
	v13 =	vmul.f32 v13, v19;
	[tilespmem:s26+$0xF0] =	vst v9  }
0x498: {  	v18 =	vmul.f32 v18, v10;
	v11 =	vld [tilespmem:s26+$0xFFFFFF70];
	[tilespmem:s26+$0xFFFFFF10] =	vst v12  }
0x499: {  	v9 =	vmul.f32 v14, v10;
	v14 =	vld [tilespmem:s26+$0xFFFFFF90];
	[tilespmem:s26+$0xFFFFFF80] =	vst v13  }
0x49a: {  	s17 =	simm.s32 $0x10;
	v12 =	vmul.f32 v15, v10;
	v15 =	vld [tilespmem:s26+$0xFFFFFFA0];
	[tilespmem:s26+$0xFFFFFF60] =	vst v18  }
0x49b: {  	v62 =	vmov s17;
	[tilespmem:s26+$0xFFFFFF20] =	vst v9;
	v9 =	vmul.f32 v16, v10;
	v16 =	vld [tilespmem:s26+$0xFFFFFFB0]  }
0x49c: {  	[tilespmem:s26+$0xFFFFFF30] =	vst v12;
	v12 =	vmul.f32 v17, v10;
	v17 =	vld [tilespmem:s26+$0xFFFFFFC0]  }
0x49d: {  	v13 =	vld [tilespmem:s26+$0x0];
	[tilespmem:s26+$0xFFFFFF40] =	vst v9;
	v10 =	vmul.f32 v11, v10  }
0x49e: {  	[tilespmem:s26+$0xFFFFFF50] =	vst v12;
	v11 =	vmul.f32 v14, v19;
	v14 =	vld [tilespmem:s26+$0xFFFFFFF0]  }
0x49f: {  	v12 =	vld [tilespmem:s26+$0xFFFFFFE0];
	[tilespmem:s26+$0xFFFFFF70] =	vst v10;
	v10 =	vmul.f32 v15, v19  }
0x4a0: {  	v9 =	vld.idx.msk [tilespmem:v62+s18+$0x0], $0xffff;
	[tilespmem:s26+$0xFFFFFF90] =	vst v11;
	v11 =	vmul.f32 v16, v19  }
0x4a1: {  	v15 =	vld [tilespmem:s26+$0x10];
	[tilespmem:s26+$0xFFFFFFA0] =	vst v10;
	v10 =	vmul.f32 v17, v19  }
0x4a2: {  	v16 =	vld [tilespmem:s26+$0x20];
	[tilespmem:s26+$0xFFFFFFB0] =	vst v11;
	v11 =	vmul.f32 v63, v19  }
0x4a3: {  	v17 =	vld [tilespmem:s26+$0x30];
	v14 =	vmul.f32 v14, v19;
	[tilespmem:s26+$0xFFFFFFC0] =	vst v10  }
0x4a4: {  	v18 =	vld [tilespmem:s26+$0x40];
	v10 =	vmul.f32 v12, v19;
	[tilespmem:s26+$0xFFFFFFD0] =	vst v11  }
0x4a5: {  	v12 =	vmul.f32 v13, v9;
	v13 =	vld [tilespmem:s26+$0x50];
	[tilespmem:s26+$0xFFFFFFF0] =	vst v14  }
0x4a6: {  	v11 =	vld [tilespmem:s26+$0x60];
	[tilespmem:s26+$0xFFFFFFE0] =	vst v10;
	v10 =	vmul.f32 v15, v9  }
0x4a7: {  	v14 =	vmul.f32 v16, v9;
	[tilespmem:s26+$0x0] =	vst v12;
	v12 =	vld [tilespmem:s26+$0x70]  }
0x4a8: {  	v16 =	vmul.f32 v17, v9;
	[tilespmem:s26+$0x10] =	vst v10;
	v10 =	vld [tilespmem:s26+$0x80]  }
0x4a9: {  	s0 =	simm.s32 $0x8;
	s17 =	simm.s32 $0x38A0;
	s1 =	simm.s32 $0x20;
	v15 =	vmul.f32 v18, v9;
	[tilespmem:s26+$0x20] =	vst v14;
	v14 =	vld [tilespmem:s26+$0x90]  }
.LBB2_21:
0x4aa: {  	p0 =	slt.u32 s0, $0x4C;
	v17 =	vmov s1;
	s2 =	sadd.s32 $0x8, s1;
	s11 =	sadd.s32 $0x18, s1;
	[tilespmem:s26+$0x30] =	vst v16;
	v13 =	vmul.f32 v13, v9;
	v16 =	vld [tilespmem:s26+$0xA0]  }
0x4ab: {  	s1 =	sadd.s32 $0x10, s1;
	v18 =	vmov s2;
	v19 =	vmov s11;
	[tilespmem:s26+$0x40] =	vst v15;
	v11 =	vmul.f32 v11, v9;
	v15 =	vld [tilespmem:s26+$0xB0]  }
0x4ac: {  	v20 =	vmov s1;
	[tilespmem:s26+$0x50] =	vst v13;
	v9 =	vmul.f32 v12, v9;
	v12 =	vld [tilespmem:s26+$0xC0]  }
0x4ad: {  	[tilespmem:s26+$0x60] =	vst v11;
	v10 =	vmul.f32 v10, v8;
	v11 =	vld [tilespmem:s26+$0xD0]  }
0x4ae: {  	[tilespmem:s26+$0x70] =	vst v9;
	v9 =	vmul.f32 v14, v8;
	v13 =	vld [tilespmem:s26+$0xE0]  }
0x4af: {  	v14 =	vld.idx.msk [tilespmem:v17+s18+$0x0], $0xffff;
	[tilespmem:s26+$0x80] =	vst v10;
	v10 =	vmul.f32 v16, v8  }
0x4b0: {  	s26 =	sadd.s32 $0x200, s26;
	v16 =	vld.idx.msk [tilespmem:v19+s18+$0x0], $0xffff;
	[tilespmem:s17+$0x90] =	vst v9;
	v9 =	vmul.f32 v15, v8  }
0x4b1: {  	v15 =	vld [tilespmem:s26+$0xF0];
	[tilespmem:s17+$0xA0] =	vst v10;
	v10 =	vmul.f32 v12, v8  }
0x4b2: {  	v12 =	vld.idx.msk [tilespmem:v18+s18+$0x0], $0xffff;
	[tilespmem:s17+$0xB0] =	vst v9;
	v11 =	vmul.f32 v11, v8  }
0x4b3: {  	v9 =	vld.idx.msk [tilespmem:v20+s18+$0x0], $0xffff;
	[tilespmem:s17+$0xC0] =	vst v10;
	v17 =	vmul.f32 v13, v8  }
0x4b4: {  	v10 =	vld [tilespmem:s26+$0xFFFFFF00];
	[tilespmem:s17+$0xD0] =	vst v11  }
0x4b5: {  	v11 =	vld [tilespmem:s26+$0xFFFFFF10];
	[tilespmem:s17+$0xE0] =	vst v17;
	s17 =	smov.u32 s26  }
0x4b6: {  	v8 =	vmov v16;
	v13 =	vld [tilespmem:s26+$0xFFFFFF20];
	v15 =	vmul.f32 v15, v16  }
0x4b7: {  	v16 =	vld [tilespmem:s26+$0xFFFFFF30]  }
0x4b8: {  	v17 =	vld [tilespmem:s26+$0xFFFFFF40];
	[tilespmem:s26+$0xF0] =	vst v15  }
0x4b9: {  	v10 =	vmul.f32 v10, v14;
	v15 =	vld [tilespmem:s26+$0xFFFFFF50]  }
0x4ba: {  	v11 =	vmul.f32 v11, v14;
	v18 =	vld [tilespmem:s26+$0xFFFFFF60]  }
0x4bb: {  	[tilespmem:s26+$0xFFFFFF00] =	vst v10;
	v10 =	vmul.f32 v13, v14;
	v13 =	vld [tilespmem:s26+$0xFFFFFF70]  }
0x4bc: {  	[tilespmem:s26+$0xFFFFFF10] =	vst v11;
	v11 =	vmul.f32 v16, v14;
	v16 =	vld [tilespmem:s26+$0xFFFFFF80]  }
0x4bd: {  	[tilespmem:s26+$0xFFFFFF20] =	vst v10;
	v10 =	vmul.f32 v17, v14;
	v17 =	vld [tilespmem:s26+$0xFFFFFF90]  }
0x4be: {  	[tilespmem:s26+$0xFFFFFF30] =	vst v11;
	v11 =	vmul.f32 v15, v14;
	v15 =	vld [tilespmem:s26+$0xFFFFFFA0]  }
0x4bf: {  	[tilespmem:s26+$0xFFFFFF40] =	vst v10;
	v10 =	vmul.f32 v18, v14;
	v18 =	vld [tilespmem:s26+$0xFFFFFFB0]  }
0x4c0: {  	[tilespmem:s26+$0xFFFFFF50] =	vst v11;
	v11 =	vmul.f32 v13, v14;
	v13 =	vld [tilespmem:s26+$0xFFFFFFC0]  }
0x4c1: {  	[tilespmem:s26+$0xFFFFFF60] =	vst v10;
	v10 =	vmul.f32 v16, v12;
	v14 =	vld [tilespmem:s26+$0xFFFFFFD0]  }
0x4c2: {  	[tilespmem:s26+$0xFFFFFF70] =	vst v11;
	v11 =	vmul.f32 v17, v12;
	v16 =	vld [tilespmem:s26+$0xFFFFFFE0]  }
0x4c3: {  	[tilespmem:s26+$0xFFFFFF80] =	vst v10;
	v10 =	vmul.f32 v15, v12;
	v15 =	vld [tilespmem:s26+$0xFFFFFFF0]  }
0x4c4: {  	[tilespmem:s26+$0xFFFFFF90] =	vst v11;
	v11 =	vmul.f32 v18, v12;
	v17 =	vld [tilespmem:s26+$0x0]  }
0x4c5: {  	[tilespmem:s26+$0xFFFFFFA0] =	vst v10;
	v10 =	vmul.f32 v13, v12;
	v18 =	vld [tilespmem:s26+$0x10]  }
0x4c6: {  	[tilespmem:s26+$0xFFFFFFB0] =	vst v11;
	v11 =	vmul.f32 v14, v12;
	v14 =	vld [tilespmem:s26+$0x20]  }
0x4c7: {  	[tilespmem:s26+$0xFFFFFFC0] =	vst v10;
	v10 =	vmul.f32 v16, v12;
	v16 =	vld [tilespmem:s26+$0x30]  }
0x4c8: {  	[tilespmem:s26+$0xFFFFFFD0] =	vst v11;
	v11 =	vmul.f32 v15, v12;
	v15 =	vld [tilespmem:s26+$0x40]  }
.Ltmp10:
0x4c9: {  	[tilespmem:s26+$0xFFFFFFE0] =	vst v10;
	v10 =	vmul.f32 v17, v9;
	v13 =	vld [tilespmem:s26+$0x50];
	(pc) =	sbr.rel @p0 .LBB2_21-.Ltmp10, $4  }
0x4ca: {  	[tilespmem:s26+$0xFFFFFFF0] =	vst v11;
	v17 =	vmul.f32 v18, v9;
	v11 =	vld [tilespmem:s26+$0x60]  }
0x4cb: {  	[tilespmem:s26+$0x0] =	vst v10;
	v14 =	vmul.f32 v14, v9;
	v12 =	vld [tilespmem:s26+$0x70]  }
0x4cc: {  	[tilespmem:s26+$0x10] =	vst v17;
	v16 =	vmul.f32 v16, v9;
	v10 =	vld [tilespmem:s26+$0x80]  }
0x4cd: {  	s1 =	sshll.u32 s0, $0x3;
	s0 =	sadd.s32 $0x4, s0;
	[tilespmem:s26+$0x20] =	vst v14;
	v15 =	vmul.f32 v15, v9;
	v14 =	vld [tilespmem:s26+$0x90]  }
0x4ce: {  	v18 =	vld [tilespmem:s26+$0xA0]  }
0x4cf: {  	v20 =	vld [tilespmem:s26+$0xB0]  }
0x4d0: {  	v21 =	vld [tilespmem:s26+$0xC0]  }
0x4d1: {  	s11 =	sadd.s32 $0x8, s1;
	v23 =	vld [tilespmem:s26+$0xD0]  }
0x4d2: {  	v17 =	vmov s1;
	[tilespmem:s26+$0x30] =	vst v16;
	v13 =	vmul.f32 v13, v9;
	v24 =	vld [tilespmem:s26+$0xE0];
	v22 =	vmov s11;
	s11 =	sadd.s32 $0x200, s26  }
0x4d3: {  	[tilespmem:s26+$0x40] =	vst v15;
	v11 =	vmul.f32 v11, v9;
	v53 =	vld [tilespmem:s11+$0xF0]  }
0x4d4: {  	[tilespmem:s26+$0x50] =	vst v13;
	v52 =	vmul.f32 v12, v9;
	v58 =	vld [tilespmem:s11+$0xFFFFFF00]  }
0x4d5: {  	v60 =	vld [tilespmem:s11+$0xFFFFFF10];
	[tilespmem:s26+$0x60] =	vst v11;
	v10 =	vmul.f32 v10, v8  }
0x4d6: {  	v62 =	vld [tilespmem:s11+$0xFFFFFF20];
	[tilespmem:s26+$0x70] =	vst v52;
	v54 =	vmul.f32 v14, v8  }
0x4d7: {  	v51 =	vld.idx.msk [tilespmem:v17+s18+$0x0], $0xffff;
	[tilespmem:s26+$0x80] =	vst v10;
	v56 =	vmul.f32 v18, v8  }
0x4d8: {  	v63 =	vld [tilespmem:s11+$0xFFFFFF30];
	v57 =	vmul.f32 v20, v8;
	[tilespmem:s17+$0x90] =	vst v54  }
0x4d9: {  	s0 =	sadd.s32 $0x18, s1;
	v25 =	vld [tilespmem:s11+$0xFFFFFF60];
	v59 =	vmul.f32 v21, v8;
	[tilespmem:s17+$0xA0] =	vst v56  }
0x4da: {  	v19 =	vmov s0;
	v61 =	vmul.f32 v23, v8;
	v8 =	vmul.f32 v24, v8;
	v23 =	vld [tilespmem:s11+$0xFFFFFF50];
	[tilespmem:s17+$0xB0] =	vst v57  }
0x4db: {  	v55 =	vld.idx.msk [tilespmem:v22+s18+$0x0], $0xffff;
	[tilespmem:s17+$0xC0] =	vst v59  }
0x4dc: {  	v22 =	vld [tilespmem:s11+$0xFFFFFF40];
	[tilespmem:s17+$0xE0] =	vst v8;
	v8 =	vmul.f32 v58, v51  }
0x4dd: {  	v26 =	vld [tilespmem:s11+$0xFFFFFF70];
	[tilespmem:s17+$0xD0] =	vst v61;
	v24 =	vmul.f32 v60, v51  }
0x4de: {  	v28 =	vld [tilespmem:s11+$0xFFFFFF80];
	v27 =	vmul.f32 v63, v51;
	[tilespmem:s11+$0xFFFFFF00] =	vst v8  }
0x4df: {  	v12 =	vld.idx.msk [tilespmem:v19+s18+$0x0], $0xffff;
	v8 =	vmul.f32 v62, v51;
	[tilespmem:s11+$0xFFFFFF10] =	vst v24  }
0x4e0: {  	v29 =	vld [tilespmem:s11+$0xFFFFFF90];
	v30 =	vmul.f32 v23, v51;
	[tilespmem:s11+$0xFFFFFF30] =	vst v27  }
0x4e1: {  	v31 =	vld [tilespmem:s11+$0xFFFFFFA0];
	[tilespmem:s11+$0xFFFFFF20] =	vst v8;
	v8 =	vmul.f32 v22, v51  }
0x4e2: {  	s2 =	sadd.s32 $0x10, s1;
	v32 =	vld [tilespmem:s11+$0xFFFFFFB0];
	v33 =	vmul.f32 v26, v51;
	[tilespmem:s11+$0xFFFFFF50] =	vst v30  }
0x4e3: {  	v50 =	vmov s2;
	v34 =	vld [tilespmem:s11+$0xFFFFFFC0];
	[tilespmem:s11+$0xFFFFFF40] =	vst v8;
	v8 =	vmul.f32 v25, v51  }
0x4e4: {  	v35 =	vld [tilespmem:s11+$0xFFFFFFD0];
	v21 =	vmul.f32 v53, v12;
	[tilespmem:s11+$0xFFFFFF70] =	vst v33  }
0x4e5: {  	v37 =	vld [tilespmem:s11+$0xFFFFFFE0];
	[tilespmem:s11+$0xFFFFFF60] =	vst v8;
	v8 =	vmul.f32 v28, v55  }
0x4e6: {  	v38 =	vld [tilespmem:s11+$0xFFFFFFF0];
	v36 =	vmul.f32 v29, v55;
	[tilespmem:s11+$0xF0] =	vst v21  }
0x4e7: {  	v40 =	vld [tilespmem:s11+$0x0];
	[tilespmem:s11+$0xFFFFFF80] =	vst v8;
	v8 =	vmul.f32 v31, v55  }
0x4e8: {  	v14 =	vld.idx.msk [tilespmem:v50+s18+$0x0], $0xffff;
	v39 =	vmul.f32 v32, v55;
	[tilespmem:s11+$0xFFFFFF90] =	vst v36  }
0x4e9: {  	v41 =	vld [tilespmem:s11+$0x10];
	[tilespmem:s11+$0xFFFFFFA0] =	vst v8;
	v8 =	vmul.f32 v34, v55  }
0x4ea: {  	v43 =	vld [tilespmem:s11+$0x20];
	v42 =	vmul.f32 v35, v55;
	[tilespmem:s11+$0xFFFFFFB0] =	vst v39  }
0x4eb: {  	v47 =	vld [tilespmem:s11+$0x50];
	[tilespmem:s11+$0xFFFFFFC0] =	vst v8;
	v8 =	vmul.f32 v37, v55  }
0x4ec: {  	v46 =	vld [tilespmem:s11+$0x40];
	v45 =	vmul.f32 v38, v55;
	[tilespmem:s11+$0xFFFFFFD0] =	vst v42  }
0x4ed: {  	v50 =	vld [tilespmem:s11+$0x70];
	[tilespmem:s11+$0xFFFFFFE0] =	vst v8;
	v8 =	vmul.f32 v40, v14  }
0x4ee: {  	v49 =	vld [tilespmem:s11+$0x60];
	v48 =	vmul.f32 v41, v14;
	[tilespmem:s11+$0xFFFFFFF0] =	vst v45  }
0x4ef: {  	v56 =	vld [tilespmem:s11+$0xB0];
	[tilespmem:s11+$0x0] =	vst v8;
	v8 =	vmul.f32 v43, v14  }
0x4f0: {  	v52 =	vld [tilespmem:s11+$0x80];
	v54 =	vmul.f32 v47, v14;
	[tilespmem:s11+$0x10] =	vst v48  }
0x4f1: {  	v59 =	vld [tilespmem:s11+$0xD0];
	[tilespmem:s11+$0x20] =	vst v8;
	v8 =	vmul.f32 v46, v14  }
0x4f2: {  	v57 =	vmul.f32 v50, v14;
	[tilespmem:s11+$0x50] =	vst v54;
	v55 =	vld [tilespmem:s11+$0xA0]  }
0x4f3: {  	v44 =	vld [tilespmem:s11+$0x30];
	[tilespmem:s11+$0x40] =	vst v8;
	v8 =	vmul.f32 v49, v14  }
0x4f4: {  	v58 =	vld [tilespmem:s11+$0xC0];
	v62 =	vmul.f32 v56, v12;
	[tilespmem:s11+$0x70] =	vst v57  }
0x4f5: {  	v53 =	vld [tilespmem:s11+$0x90];
	[tilespmem:s11+$0x60] =	vst v8;
	v8 =	vmul.f32 v52, v12  }
0x4f6: {  	v61 =	vld [tilespmem:s11+$0xE0];
	v63 =	vmul.f32 v59, v12;
	[tilespmem:s11+$0xB0] =	vst v62  }
0x4f7: {  	[tilespmem:s11+$0x80] =	vst v8;
	v8 =	vmul.f32 v55, v12  }
0x4f8: {  	[tilespmem:s11+$0xD0] =	vst v63;
	v51 =	vmul.f32 v44, v14  }
0x4f9: {  	[tilespmem:s11+$0xA0] =	vst v8;
	v8 =	vmul.f32 v58, v12  }
0x4fa: {  	v60 =	vmul.f32 v53, v12;
	[tilespmem:s11+$0x30] =	vst v51  }
0x4fb: {  	[tilespmem:s11+$0xC0] =	vst v8;
	v8 =	vmul.f32 v61, v12  }
0x4fc: {  	[tilespmem:s11+$0x90] =	vst v60  }
0x4fd: {  	[tilespmem:s11+$0xE0] =	vst v8  }
0x4fe: {  	[spmem:s16] =	stream.indirect.scatter.add.f32 [tilespmem:s30], [sflag:$0x5], $0x80, s31, s13, $0xb8;
	[tilespmem:$0x1E6E0] =	vst v63  }
0x4ff: {  	_ = 	snop  }
0x500: {  	[spmem:s19] =	stream.indirect.scatter.add.f32 [tilespmem:s18], [sflag:$0x5], $0x8, s31, s13, $0xb8;
	[tilespmem:$0x1E6E0] =	vst v63  }
0x501: {  	_ =	swait.ge [sflag:s8], $0x2800  }
0x502: {  	[sflag:s8] =	ssyncset.done $0x0  }
0x503: {  	[sflag:s8] =	ssyncadd.s32 $0xFFFFD800  }
0x504: {  	_ =	swait.ge [sflag:s8], $0x280  }
0x505: {  	[sflag:s8] =	ssyncset.done $0x0  }
0x506: {  	[sflag:s8] =	ssyncadd.s32 $0xFFFFFD80  }
0x507: {  	_ =	swait.ge [sflag:s5], $0x2800  }
0x508: {  	[sflag:s5] =	ssyncset.done $0x0  }
0x509: {  	[sflag:s5] =	ssyncadd.s32 $0xFFFFD800  }
0x50a: {  	_ =	swait.ge [sflag:s5], $0x280  }
0x50b: {  	[sflag:s5] =	ssyncset.done $0x0  }
0x50c: {  	[sflag:s5] =	ssyncadd.s32 $0xFFFFFD80  }
0x50d: {  	[bflag:$0x0] =	sbarrier.arrive $0xFFFF  }
0x50e: {  	s11 =	rddreg [dreg:$0x15]  }
0x50f: {  	[tilespmem:s21], [sflag:$0x7] =	stream.linear.gather [spmem:s11], $0x2800, $0x38;
	[tilespmem:$0x1E6E0] =	vst v63  }
0x510: {  	_ =	swait.ge [sflag:s12], $0x2800  }
0x511: {  	[sflag:s12] =	ssyncset.done $0x0  }
0x512: {  	s1 =	simm.s32 $0x0;
	s26 =	rddreg [dreg:$0x5];
	[sflag:s12] =	ssyncadd.s32 $0xFFFFD800  }
0x513: {  	[hbm4b:s26+s1] =	stream.linear.scatter [tilespmem:s21], [sflag:$0x7], $0x2800, $0x38;
	[tilespmem:$0x1E6E0] =	vst v63  }
0x514: {  	_ =	swait.ge [sflag:s12], $0x2800  }
0x515: {  	[sflag:s12] =	ssyncset.done $0x0  }
0x516: {  	s2 =	rddreg [dreg:$0x16];
	[sflag:s12] =	ssyncadd.s32 $0xFFFFD800  }
0x517: {  	[tilespmem:s15], [sflag:$0x7] =	stream.linear.gather [spmem:s2], $0x280, $0x38;
	[tilespmem:$0x1E6E0] =	vst v63  }
0x518: {  	_ =	swait.ge [sflag:s12], $0x280  }
0x519: {  	[sflag:s12] =	ssyncset.done $0x0  }
0x51a: {  	s17 =	rddreg [dreg:$0xd];
	[sflag:s12] =	ssyncadd.s32 $0xFFFFFD80  }
0x51b: {  	[hbm4b:s17+s1] =	stream.linear.scatter [tilespmem:s15], [sflag:$0x7], $0x280, $0x38;
	[tilespmem:$0x1E6E0] =	vst v63  }
0x51c: {  	_ =	swait.ge [sflag:s12], $0x280  }
0x51d: {  	[sflag:s12] =	ssyncset.done $0x0  }
0x51e: {  	s26 =	rddreg [dreg:$0x17];
	[sflag:s12] =	ssyncadd.s32 $0xFFFFFD80  }
0x51f: {  	[tilespmem:s21], [sflag:$0x7] =	stream.linear.gather [spmem:s26], $0x2800, $0x38;
	[tilespmem:$0x1E6E0] =	vst v63  }
0x520: {  	_ =	swait.ge [sflag:s12], $0x2800  }
0x521: {  	[sflag:s12] =	ssyncset.done $0x0  }
0x522: {  	s2 =	rddreg [dreg:$0x6];
	[sflag:s12] =	ssyncadd.s32 $0xFFFFD800  }
0x523: {  	[hbm4b:s2+s1] =	stream.linear.scatter [tilespmem:s21], [sflag:$0x7], $0x2800, $0x38;
	[tilespmem:$0x1E6E0] =	vst v63  }
0x524: {  	_ =	swait.ge [sflag:s12], $0x2800  }
0x525: {  	[sflag:s12] =	ssyncset.done $0x0  }
0x526: {  	s17 =	rddreg [dreg:$0x18];
	[sflag:s12] =	ssyncadd.s32 $0xFFFFD800  }
0x527: {  	[tilespmem:s15], [sflag:$0x7] =	stream.linear.gather [spmem:s17], $0x280, $0x38;
	[tilespmem:$0x1E6E0] =	vst v63  }
0x528: {  	_ =	swait.ge [sflag:s12], $0x280  }
0x529: {  	[sflag:s12] =	ssyncset.done $0x0  }
0x52a: {  	s26 =	rddreg [dreg:$0xe];
	[sflag:s12] =	ssyncadd.s32 $0xFFFFFD80  }
0x52b: {  	[hbm4b:s26+s1] =	stream.linear.scatter [tilespmem:s15], [sflag:$0x7], $0x280, $0x38;
	[tilespmem:$0x1E6E0] =	vst v63  }
0x52c: {  	_ =	swait.ge [sflag:s12], $0x280  }
0x52d: {  	[sflag:s12] =	ssyncset.done $0x0  }
0x52e: {  	s2 =	rddreg [dreg:$0x19];
	[sflag:s12] =	ssyncadd.s32 $0xFFFFFD80  }
0x52f: {  	[tilespmem:s21], [sflag:$0x7] =	stream.linear.gather [spmem:s2], $0x2800, $0x38;
	[tilespmem:$0x1E6E0] =	vst v63  }
0x530: {  	_ =	swait.ge [sflag:s12], $0x2800  }
0x531: {  	[sflag:s12] =	ssyncset.done $0x0  }
0x532: {  	s17 =	rddreg [dreg:$0x7];
	[sflag:s12] =	ssyncadd.s32 $0xFFFFD800  }
0x533: {  	[hbm4b:s17+s1] =	stream.linear.scatter [tilespmem:s21], [sflag:$0x7], $0x2800, $0x38;
	[tilespmem:$0x1E6E0] =	vst v63  }
0x534: {  	_ =	swait.ge [sflag:s12], $0x2800  }
0x535: {  	[sflag:s12] =	ssyncset.done $0x0  }
0x536: {  	s26 =	rddreg [dreg:$0x1a];
	[sflag:s12] =	ssyncadd.s32 $0xFFFFD800  }
0x537: {  	[tilespmem:s15], [sflag:$0x7] =	stream.linear.gather [spmem:s26], $0x280, $0x38;
	[tilespmem:$0x1E6E0] =	vst v63  }
0x538: {  	_ =	swait.ge [sflag:s12], $0x280  }
0x539: {  	[sflag:s12] =	ssyncset.done $0x0  }
0x53a: {  	s2 =	rddreg [dreg:$0xf];
	[sflag:s12] =	ssyncadd.s32 $0xFFFFFD80  }
0x53b: {  	[hbm4b:s2+s1] =	stream.linear.scatter [tilespmem:s15], [sflag:$0x7], $0x280, $0x38;
	[tilespmem:$0x1E6E0] =	vst v63  }
0x53c: {  	_ =	swait.ge [sflag:s12], $0x280  }
0x53d: {  	[sflag:s12] =	ssyncset.done $0x0  }
0x53e: {  	s17 =	rddreg [dreg:$0x1b];
	[sflag:s12] =	ssyncadd.s32 $0xFFFFFD80  }
0x53f: {  	[tilespmem:s21], [sflag:$0x7] =	stream.linear.gather [spmem:s17], $0x2800, $0x38;
	[tilespmem:$0x1E6E0] =	vst v63  }
0x540: {  	_ =	swait.ge [sflag:s12], $0x2800  }
0x541: {  	[sflag:s12] =	ssyncset.done $0x0  }
0x542: {  	s26 =	rddreg [dreg:$0x8];
	[sflag:s12] =	ssyncadd.s32 $0xFFFFD800  }
0x543: {  	[hbm4b:s26+s1] =	stream.linear.scatter [tilespmem:s21], [sflag:$0x7], $0x2800, $0x38;
	[tilespmem:$0x1E6E0] =	vst v63  }
0x544: {  	_ =	swait.ge [sflag:s12], $0x2800  }
0x545: {  	[sflag:s12] =	ssyncset.done $0x0  }
0x546: {  	s2 =	rddreg [dreg:$0x1c];
	[sflag:s12] =	ssyncadd.s32 $0xFFFFD800  }
0x547: {  	[tilespmem:s15], [sflag:$0x7] =	stream.linear.gather [spmem:s2], $0x280, $0x38;
	[tilespmem:$0x1E6E0] =	vst v63  }
0x548: {  	_ =	swait.ge [sflag:s12], $0x280  }
0x549: {  	[sflag:s12] =	ssyncset.done $0x0  }
0x54a: {  	s17 =	rddreg [dreg:$0x10];
	[sflag:s12] =	ssyncadd.s32 $0xFFFFFD80  }
0x54b: {  	[hbm4b:s17+s1] =	stream.linear.scatter [tilespmem:s15], [sflag:$0x7], $0x280, $0x38;
	[tilespmem:$0x1E6E0] =	vst v63  }
0x54c: {  	_ =	swait.ge [sflag:s12], $0x280  }
0x54d: {  	[sflag:s12] =	ssyncset.done $0x0  }
0x54e: {  	s26 =	rddreg [dreg:$0x1d];
	[sflag:s12] =	ssyncadd.s32 $0xFFFFFD80  }
0x54f: {  	[tilespmem:s21], [sflag:$0x7] =	stream.linear.gather [spmem:s26], $0x2800, $0x38;
	[tilespmem:$0x1E6E0] =	vst v63  }
0x550: {  	_ =	swait.ge [sflag:s12], $0x2800  }
0x551: {  	[sflag:s12] =	ssyncset.done $0x0  }
0x552: {  	s2 =	rddreg [dreg:$0x9];
	[sflag:s12] =	ssyncadd.s32 $0xFFFFD800  }
0x553: {  	[hbm4b:s2+s1] =	stream.linear.scatter [tilespmem:s21], [sflag:$0x7], $0x2800, $0x38;
	[tilespmem:$0x1E6E0] =	vst v63  }
0x554: {  	_ =	swait.ge [sflag:s12], $0x2800  }
0x555: {  	[sflag:s12] =	ssyncset.done $0x0  }
0x556: {  	s17 =	rddreg [dreg:$0x1e];
	[sflag:s12] =	ssyncadd.s32 $0xFFFFD800  }
0x557: {  	[tilespmem:s15], [sflag:$0x7] =	stream.linear.gather [spmem:s17], $0x280, $0x38;
	[tilespmem:$0x1E6E0] =	vst v63  }
0x558: {  	_ =	swait.ge [sflag:s12], $0x280  }
0x559: {  	[sflag:s12] =	ssyncset.done $0x0  }
0x55a: {  	s26 =	rddreg [dreg:$0x11];
	[sflag:s12] =	ssyncadd.s32 $0xFFFFFD80  }
0x55b: {  	[hbm4b:s26+s1] =	stream.linear.scatter [tilespmem:s15], [sflag:$0x7], $0x280, $0x38;
	[tilespmem:$0x1E6E0] =	vst v63  }
0x55c: {  	_ =	swait.ge [sflag:s12], $0x280  }
0x55d: {  	[sflag:s12] =	ssyncset.done $0x0  }
0x55e: {  	[sflag:s12] =	ssyncadd.s32 $0xFFFFFD80  }
0x55f: {  	[tilespmem:s21], [sflag:$0x7] =	stream.linear.gather [spmem:s28], $0x2800, $0x38;
	[tilespmem:$0x1E6E0] =	vst v63  }
0x560: {  	_ =	swait.ge [sflag:s12], $0x2800  }
0x561: {  	[sflag:s12] =	ssyncset.done $0x0  }
0x562: {  	s2 =	rddreg [dreg:$0xa];
	[sflag:s12] =	ssyncadd.s32 $0xFFFFD800  }
0x563: {  	[hbm4b:s2+s1] =	stream.linear.scatter [tilespmem:s21], [sflag:$0x7], $0x2800, $0x38;
	[tilespmem:$0x1E6E0] =	vst v63  }
0x564: {  	_ =	swait.ge [sflag:s12], $0x2800  }
0x565: {  	s17 =	sld [smem:$0x7F6]  }
0x566: {  	[sflag:s12] =	ssyncset.done $0x0  }
0x567: {  	[sflag:s12] =	ssyncadd.s32 $0xFFFFD800  }
0x568: {  	[tilespmem:s15], [sflag:$0x7] =	stream.linear.gather [spmem:s17], $0x280, $0x38;
	[tilespmem:$0x1E6E0] =	vst v63  }
0x569: {  	_ =	swait.ge [sflag:s12], $0x280  }
0x56a: {  	[sflag:s12] =	ssyncset.done $0x0  }
0x56b: {  	s26 =	rddreg [dreg:$0x12];
	[sflag:s12] =	ssyncadd.s32 $0xFFFFFD80  }
0x56c: {  	[hbm4b:s26+s1] =	stream.linear.scatter [tilespmem:s15], [sflag:$0x7], $0x280, $0x38;
	[tilespmem:$0x1E6E0] =	vst v63  }
0x56d: {  	_ =	swait.ge [sflag:s12], $0x280  }
0x56e: {  	s2 =	sld [smem:$0x7F7]  }
0x56f: {  	[sflag:s12] =	ssyncset.done $0x0  }
0x570: {  	[sflag:s12] =	ssyncadd.s32 $0xFFFFFD80  }
0x571: {  	[tilespmem:s21], [sflag:$0x7] =	stream.linear.gather [spmem:s2], $0x2800, $0x38;
	[tilespmem:$0x1E6E0] =	vst v63  }
0x572: {  	_ =	swait.ge [sflag:s12], $0x2800  }
0x573: {  	[sflag:s12] =	ssyncset.done $0x0  }
0x574: {  	s17 =	rddreg [dreg:$0xb];
	[sflag:s12] =	ssyncadd.s32 $0xFFFFD800  }
0x575: {  	[hbm4b:s17+s1] =	stream.linear.scatter [tilespmem:s21], [sflag:$0x7], $0x2800, $0x38;
	[tilespmem:$0x1E6E0] =	vst v63  }
0x576: {  	_ =	swait.ge [sflag:s12], $0x2800  }
0x577: {  	s26 =	sld [smem:$0x7F8]  }
0x578: {  	[sflag:s12] =	ssyncset.done $0x0  }
0x579: {  	[sflag:s12] =	ssyncadd.s32 $0xFFFFD800  }
0x57a: {  	[tilespmem:s15], [sflag:$0x7] =	stream.linear.gather [spmem:s26], $0x280, $0x38;
	[tilespmem:$0x1E6E0] =	vst v63  }
0x57b: {  	_ =	swait.ge [sflag:s12], $0x280  }
0x57c: {  	[sflag:s12] =	ssyncset.done $0x0  }
0x57d: {  	s2 =	rddreg [dreg:$0x13];
	[sflag:s12] =	ssyncadd.s32 $0xFFFFFD80  }
0x57e: {  	[hbm4b:s2+s1] =	stream.linear.scatter [tilespmem:s15], [sflag:$0x7], $0x280, $0x38;
	[tilespmem:$0x1E6E0] =	vst v63  }
0x57f: {  	_ =	swait.ge [sflag:s12], $0x280  }
0x580: {  	s26 =	sld [smem:$0x7FD]  }
0x581: {  	[sflag:s12] =	ssyncset.done $0x0  }
0x582: {  	[sflag:s12] =	ssyncadd.s32 $0xFFFFFD80  }
0x583: {  	[tilespmem:s21], [sflag:$0x7] =	stream.linear.gather [spmem:s26], $0x2800, $0x38;
	[tilespmem:$0x1E6E0] =	vst v63  }
0x584: {  	_ =	swait.ge [sflag:s12], $0x2800  }
0x585: {  	[sflag:s12] =	ssyncset.done $0x0  }
0x586: {  	s17 =	rddreg [dreg:$0xc];
	[sflag:s12] =	ssyncadd.s32 $0xFFFFD800  }
0x587: {  	[hbm4b:s17+s1] =	stream.linear.scatter [tilespmem:s21], [sflag:$0x7], $0x2800, $0x38;
	[tilespmem:$0x1E6E0] =	vst v63  }
0x588: {  	_ =	swait.ge [sflag:s12], $0x2800  }
0x589: {  	s2 =	sld [smem:$0x7F9]  }
0x58a: {  	[sflag:s12] =	ssyncset.done $0x0  }
0x58b: {  	[sflag:s12] =	ssyncadd.s32 $0xFFFFD800  }
0x58c: {  	[tilespmem:s15], [sflag:$0x7] =	stream.linear.gather [spmem:s2], $0x280, $0x38;
	[tilespmem:$0x1E6E0] =	vst v63  }
0x58d: {  	_ =	swait.ge [sflag:s12], $0x280  }
0x58e: {  	[sflag:s12] =	ssyncset.done $0x0  }
0x58f: {  	s17 =	rddreg [dreg:$0x14];
	[sflag:s12] =	ssyncadd.s32 $0xFFFFFD80  }
0x590: {  	[hbm4b:s17+s1] =	stream.linear.scatter [tilespmem:s15], [sflag:$0x7], $0x280, $0x38;
	[tilespmem:$0x1E6E0] =	vst v63  }
0x591: {  	_ =	swait.ge [sflag:s12], $0x280  }
0x592: {  	s2 =	sld [smem:$0x7F5]  }
0x593: {  	s17 =	sld [smem:$0x7FA];
	_ =	sdelay $0x1  }
0x594: {  	s1 =	sadd.s32 $0x1, s2  }
0x595: {  	p0 =	sne.s32 s1, s17  }
.Ltmp11:
0x596: {  	_ = 	snop;
	(pc) =	sbr.rel @p0 .LBB2_1-.Ltmp11, $3  }
0x597: {  	_ =	sdelay $0x1  }
0x598: {  	[sflag:s12] =	ssyncset.done $0x0  }
0x599: {  	[sflag:s12] =	ssyncadd.s32 $0xFFFFFD80;
	s2 =	simm.s32 $0x5FA0  }
0x59a: {  	_ =	sfence.sel $0x180000  }
0x59b: {  	[bflag:$0x0] =	sbarrier.arrive $0xFFFF  }
0x59c: {  	_ =	strace $0x90000047  }
0x59d: {  	s0 =	stileid.u32;
	[bflag:$0x2] =	sbarrier.arrive $0xFFFF  }
0x59e: {  	p0 =	sne.s32 s0, $0x0;
	s0 =	rddreg [dreg:$0x4]  }
0x59f: {  	s0 =	sadd.s32 @!p0 $0x100000, s0  }
0x5a0: {  	[sflag:s0] =	ssyncadd.tile.s32 @!p0 $0x1;
	_ =	shalt  }
.Lfunc_end2:
_tile_overlayer_lowered:
.L_overlay_start_2:
0x5a1: {  	(tag) =	ssettag $0x2  }
0x5a2: {  	s0 =	rddreg [dreg:$0x0];
	s2 =	stileid.u32  }
0x5a3: {  	s1 =	rddreg [dreg:$0x1];
	p0 =	sne.s32 s2, $0x0  }
0x5a4: {  	s3 =	rddreg [dreg:$0x2];
	[bflag:$0x3] =	sbarrier.arrive $0xFFFF;
	s2 =	simm.s32 @!p0 $0x1C07  }
0x5a5: {  	[timem:s3], [sflag:s2] =	dma.local @!p0 [hbm:s0], s1  }
0x5a6: {  	s0 =	simm.s32 @!p0 $0x7  }
0x5a7: {  	_ =	swait.ge @!p0 [sflag:s0], s1  }
0x5a8: {  	s1 =	ssub.s32 @!p0 $0x0, s1;
	[sflag:s0] =	ssyncset.done @!p0 $0x0  }
0x5a9: {  	[sflag:s0] =	ssyncadd.s32 @!p0 s1  }
0x5aa: {  	[bflag:$0x3] =	sbarrier.arrive $0xFFFF  }
0x5ab: {  	_ =	shalt  }

</sc_bundles>
